<compile_context>
chip_gen: v7x
topology: tpu7x:2x2x1
jax: 0.10.2.dev20260603
libtpu: 0.0.44.dev20260713+nightly
codegen_flags: <defaults>
</compile_context>

<pallas_src>
import functools

import jax
import jax.numpy as jnp
import numpy as np
from jax import lax
from jax.experimental import pallas as pl
from jax.experimental.pallas import tpu as pltpu
from jax.experimental.pallas import tpu_sc as plsc

E = 256
H = 256
K = 32
HID = 64
OUT = 256
IN = 3
B = 2
N0 = 2562
LEVELS = [2562, 642, 162]
NPAD = [2688, 768, 256]

NC = 2
NS = 16
NW = NC * NS



def _knn_proj_body(nreal, npad, bn, xr_ref, xt_ref, wq_ref, bq_ref,
                   wkv_ref, bkv_ref, idx_ref, q_ref, kv_ref):
    b = pl.program_id(0)
    rows = xr_ref[0]
    xt = xt_ref[0]
    sq = jnp.sum(xt * xt, axis=0, keepdims=True)
    dot = jnp.dot(rows, xt,
                  preferred_element_type=jnp.float32)
    col = lax.broadcasted_iota(jnp.int32, (bn, npad), 1)
    d2 = jnp.where(col < nreal, sq - 2.0 * dot, jnp.inf)
    big = jnp.int32(np.int32(2 ** 30))
    kio = lax.broadcasted_iota(jnp.int32, (bn, K), 1)

    def step(t, carry):
        d2, acc = carry
        m = jnp.min(d2, axis=1, keepdims=True)
        cand = jnp.where(d2 <= m, col, big)
        j = jnp.min(cand, axis=1, keepdims=True)
        acc = acc + jnp.where(kio == t, j, 0)
        d2 = jnp.where(col == j, jnp.inf, d2)
        return d2, acc

    _, idx = lax.fori_loop(0, K, step, (d2, jnp.zeros((bn, K), jnp.int32)))
    idx_ref[0] = idx + b * npad
    q_ref[0] = jnp.dot(rows, wq_ref[...],
                       preferred_element_type=jnp.float32) + bq_ref[...]
    kv_ref[0] = jnp.dot(rows, wkv_ref[...],
                        preferred_element_type=jnp.float32) + bkv_ref[...]


def _knn_proj(x, wqT, bq, wkvT, bkv, nreal, npad):
    bn = 672 if npad % 672 == 0 else (384 if npad % 384 == 0 else 128)
    grid = (B, npad // bn)
    return pl.pallas_call(
        functools.partial(_knn_proj_body, nreal, npad, bn),
        grid=grid,
        in_specs=[
            pl.BlockSpec((1, bn, E), lambda b, i: (b, i, 0)),
            pl.BlockSpec((1, E, npad), lambda b, i: (b, 0, 0)),
            pl.BlockSpec((E, E), lambda b, i: (0, 0)),
            pl.BlockSpec((1, E), lambda b, i: (0, 0)),
            pl.BlockSpec((E, 2 * E), lambda b, i: (0, 0)),
            pl.BlockSpec((1, 2 * E), lambda b, i: (0, 0)),
        ],
        out_specs=[
            pl.BlockSpec((1, bn, K), lambda b, i: (b, i, 0)),
            pl.BlockSpec((1, bn, E), lambda b, i: (b, i, 0)),
            pl.BlockSpec((1, bn, 2 * E), lambda b, i: (b, i, 0)),
        ],
        out_shape=[
            jax.ShapeDtypeStruct((B, npad, K), jnp.int32),
            jax.ShapeDtypeStruct((B, npad, E), jnp.float32),
            jax.ShapeDtypeStruct((B, npad, 2 * E), jnp.float32),
        ],
    )(x, x.transpose(0, 2, 1), wqT, bq, wkvT, bkv)



def _attn_body(nreal, bn, q_ref, kvg_ref, ow_ref, ob_ref, w1_ref, b1_ref,
               w2_ref, b2_ref, x_ref, wavg_ref):
    i = pl.program_id(1)
    qb = q_ref[0]
    kg = kvg_ref[0, :, :, :E]
    vg = kvg_ref[0, :, :, E:]
    s = qb[:, None, :] * kg
    m = jnp.max(s, axis=1, keepdims=True)
    e = jnp.exp(s - m)
    w = e / jnp.sum(e, axis=1, keepdims=True)
    o = jnp.sum(w * vg, axis=1)
    wavg = jnp.mean(w, axis=2)
    rows = i * bn + lax.broadcasted_iota(jnp.int32, (bn, K), 0)
    wavg_ref[0] = jnp.where(rows < nreal, wavg, 0.0)
    xo = jnp.dot(o, ow_ref[...], preferred_element_type=jnp.float32) + ob_ref[...]
    h = jnp.dot(xo, w1_ref[...], preferred_element_type=jnp.float32) + b1_ref[...]
    h = 0.5 * h * (1.0 + lax.erf(h * np.float32(1.0 / np.sqrt(2.0))))
    h = jnp.dot(h, w2_ref[...], preferred_element_type=jnp.float32) + b2_ref[...]
    x_ref[0] = xo + h


def _attn_ff(q, kvg, owT, ob, w1T, b1, w2T, b2, nreal, npad):
    bn = 128
    grid = (B, npad // bn)
    return pl.pallas_call(
        functools.partial(_attn_body, nreal, bn),
        grid=grid,
        in_specs=[
            pl.BlockSpec((1, bn, E), lambda b, i: (b, i, 0)),
            pl.BlockSpec((1, bn, K, 2 * E), lambda b, i: (b, i, 0, 0)),
            pl.BlockSpec((E, E), lambda b, i: (0, 0)),
            pl.BlockSpec((1, E), lambda b, i: (0, 0)),
            pl.BlockSpec((E, HID), lambda b, i: (0, 0)),
            pl.BlockSpec((1, HID), lambda b, i: (0, 0)),
            pl.BlockSpec((HID, E), lambda b, i: (0, 0)),
            pl.BlockSpec((1, E), lambda b, i: (0, 0)),
        ],
        out_specs=[
            pl.BlockSpec((1, bn, E), lambda b, i: (b, i, 0)),
            pl.BlockSpec((1, bn, K), lambda b, i: (b, i, 0)),
        ],
        out_shape=[
            jax.ShapeDtypeStruct((B, npad, E), jnp.float32),
            jax.ShapeDtypeStruct((B, npad, K), jnp.float32),
        ],
    )(q, kvg, owT, ob, w1T, b1, w2T, b2)



def _mm_body(x_ref, w_ref, b_ref, o_ref):
    o_ref[...] = jnp.dot(x_ref[...], w_ref[...],
                         preferred_element_type=jnp.float32) + b_ref[...]


def _matmul_bias(x, wT, b):
    r, din = x.shape
    dout = wT.shape[1]
    bm = 256
    return pl.pallas_call(
        _mm_body,
        grid=(r // bm,),
        in_specs=[
            pl.BlockSpec((bm, din), lambda i: (i, 0)),
            pl.BlockSpec((din, dout), lambda i: (0, 0)),
            pl.BlockSpec((1, dout), lambda i: (0, 0)),
        ],
        out_specs=pl.BlockSpec((bm, dout), lambda i: (i, 0)),
        out_shape=jax.ShapeDtypeStruct((r, dout), jnp.float32),
    )(x, wT, b)



def _sc_gather_rows(table, idx):
    m = idx.shape[0]
    d = table.shape[1]
    per_w = m // NW
    cw = 8
    for c in range(min(128, per_w), 7, -8):
        if per_w % c == 0 and (c * d * 4) <= 200000:
            cw = c
            break
    nch = per_w // cw
    mesh = plsc.VectorSubcoreMesh(core_axis_name="c", subcore_axis_name="s")

    @functools.partial(
        pl.kernel, mesh=mesh,
        out_type=jax.ShapeDtypeStruct((m, d), jnp.float32),
        scratch_types=[
            pltpu.VMEM((per_w,), jnp.int32),
            pltpu.VMEM((2, cw, d), jnp.float32),
            pltpu.SemaphoreType.DMA,
            pltpu.SemaphoreType.DMA,
            pltpu.SemaphoreType.DMA,
            pltpu.SemaphoreType.DMA,
        ],
    )
    def gather_k(table_hbm, idx_hbm, out_hbm, idx_v, rows_v,
                 sg0, sg1, so0, so1):
        wid = lax.axis_index("s") * NC + lax.axis_index("c")
        base = wid * per_w
        sg = (sg0, sg1)
        so = (so0, so1)
        pltpu.sync_copy(idx_hbm.at[pl.ds(base, per_w)], idx_v)

        def wait_gather(q):
            pltpu.make_async_copy(out_hbm.at[pl.ds(base, cw)],
                                  rows_v.at[q], sg[q]).wait()

        def wait_out(q):
            pltpu.make_async_copy(rows_v.at[q],
                                  out_hbm.at[pl.ds(base, cw)], so[q]).wait()

        if nch == 1:
            pltpu.async_copy(table_hbm.at[idx_v], rows_v.at[0], sg0).wait()
            pltpu.sync_copy(rows_v.at[0], out_hbm.at[pl.ds(base, per_w)])
        else:
            def pair(g, carry):
                for p in range(2):
                    c = g * 2 + p

                    @pl.when(c < nch)
                    def _():
                        @pl.when(c >= 2)
                        def _():
                            wait_out(p)

                        pltpu.async_copy(
                            table_hbm.at[idx_v.at[pl.ds(c * cw, cw)]],
                            rows_v.at[p], sg[p])

                        @pl.when(c >= 1)
                        def _():
                            wait_gather(1 - p)
                            pltpu.async_copy(
                                rows_v.at[1 - p],
                                out_hbm.at[pl.ds(base + (c - 1) * cw, cw)],
                                so[1 - p])
                return carry

            lax.fori_loop(0, (nch + 1) // 2, pair, 0)
            lastp = (nch - 1) % 2
            wait_gather(lastp)
            pltpu.async_copy(rows_v.at[lastp],
                             out_hbm.at[pl.ds(base + (nch - 1) * cw, cw)],
                             so[lastp])
            wait_out(0)
            wait_out(1)

    return gather_k(table, idx)



def _sc_scatter_add(gmap, idx, vals, wprev):
    rows = idx.shape[0]
    wl = wprev.shape[0]
    rpw = rows // NS
    mesh = plsc.VectorSubcoreMesh(core_axis_name="c", subcore_axis_name="s")

    @functools.partial(
        pl.kernel, mesh=mesh,
        out_type=jax.ShapeDtypeStruct((wl,), jnp.float32),
        scratch_types=[
            pltpu.VMEM((rpw, 128), jnp.int32),
            pltpu.VMEM((rpw, 128), jnp.float32),
            pltpu.VMEM((rpw, 128), jnp.int32),
            pltpu.VMEM_SHARED((wl,), jnp.float32),
            pltpu.SemaphoreType.DMA,
        ],
    )
    def scatter_k(gmap_hbm, idx_hbm, val_hbm, wprev_hbm, out_hbm,
                  idx_v, val_v, tgt_v, acc, sem):
        cid = lax.axis_index("c")
        sid = lax.axis_index("s")
        on_core0 = cid == 0

        @pl.when(jnp.logical_and(on_core0, sid == 0))
        def _():
            pltpu.sync_copy(wprev_hbm, acc)

        plsc.subcore_barrier()

        @pl.when(on_core0)
        def _():
            base = sid * rpw
            pltpu.sync_copy(idx_hbm.at[pl.ds(base, rpw)], idx_v)
            pltpu.sync_copy(val_hbm.at[pl.ds(base, rpw)], val_v)

            def row(j, carry):
                pltpu.async_copy(gmap_hbm.at[idx_v.at[j]], tgt_v.at[j],
                                 sem).wait()
                pltpu.sync_copy(val_v.at[j], acc.at[tgt_v.at[j]], add=True)
                return carry

            lax.fori_loop(0, rpw, row, 0)

        plsc.subcore_barrier()

        @pl.when(jnp.logical_and(on_core0, sid == 0))
        def _():
            pltpu.sync_copy(acc, out_hbm)

    return scatter_k(gmap, idx, vals, wprev)



def kernel(x, emb_W, emb_b, mha_in_w, mha_in_b, mha_out_w, mha_out_b,
           ff_w1, ff_b1, ff_w2, ff_b2, out_W, out_b):
    f32 = jnp.float32
    n0p = NPAD[0]

    skey = jax.random.key(42)
    ridx1 = jax.random.randint(jax.random.fold_in(skey, 1),
                               (B, LEVELS[1]), 0, LEVELS[0])
    ridx2 = jax.random.randint(jax.random.fold_in(skey, 2),
                               (B, LEVELS[2]), 0, LEVELS[1])
    map1 = ridx1
    map2 = jnp.take_along_axis(ridx1, ridx2, axis=1)
    boff = (jnp.arange(B, dtype=jnp.int32) * jnp.int32(n0p))[:, None]

    def make_gmap(mp, npad_cur):
        mp = jnp.pad(mp.astype(jnp.int32), ((0, 0), (0, npad_cur - mp.shape[1])))
        return (mp + boff).reshape(-1)

    gmaps = [
        make_gmap(jnp.broadcast_to(jnp.arange(N0, dtype=jnp.int32)[None], (B, N0)), NPAD[0]),
        make_gmap(map1, NPAD[1]),
        make_gmap(map2, NPAD[2]),
    ]

    def samp_flat(ridx, npad_cur, npad_prev):
        r = jnp.pad(ridx.astype(jnp.int32), ((0, 0), (0, npad_cur - ridx.shape[1])))
        off = (jnp.arange(B, dtype=jnp.int32) * jnp.int32(npad_prev))[:, None]
        return (r + off).reshape(-1)

    samp = [None,
            samp_flat(ridx1, NPAD[1], NPAD[0]),
            samp_flat(ridx2, NPAD[2], NPAD[1])]

    xp = jnp.zeros((B, n0p, 128), f32).at[:, :N0, :IN].set(x.astype(f32))
    embT = jnp.zeros((128, E), f32).at[:IN, :].set(emb_W.astype(f32).T)
    xe = _matmul_bias(xp.reshape(B * n0p, 128), embT,
                      emb_b.astype(f32)[None]).reshape(B, n0p, E)

    weights_acc = jnp.zeros((B * n0p,), f32)
    x_cur = xe
    for i, nreal in enumerate(LEVELS):
        npad = NPAD[i]
        if i > 0:
            x_cur = _sc_gather_rows(
                x_cur.reshape(B * NPAD[i - 1], E), samp[i]
            ).reshape(B, npad, E)
        in_w = mha_in_w[i].astype(f32)
        in_b = mha_in_b[i].astype(f32)
        wqT = in_w[:E].T
        wkvT = jnp.concatenate([in_w[E:2 * E], in_w[2 * E:]], axis=0).T
        bq = in_b[None, :E]
        bkv = in_b[None, E:]
        idxf, q, kv = _knn_proj(x_cur, wqT, bq, wkvT, bkv, nreal, npad)
        kvg = _sc_gather_rows(kv.reshape(B * npad, 2 * E),
                              idxf.reshape(-1)).reshape(B, npad, K, 2 * E)
        x_cur, wavg = _attn_ff(
            q, kvg, mha_out_w[i].astype(f32).T, mha_out_b[i].astype(f32)[None],
            ff_w1[i].astype(f32).T, ff_b1[i].astype(f32)[None],
            ff_w2[i].astype(f32).T, ff_b2[i].astype(f32)[None],
            nreal, npad)
        m = B * npad * K
        rows = m // 128
        rows_p = ((rows + 127) // 128) * 128
        idx2 = jnp.pad(idxf.reshape(rows, 128), ((0, rows_p - rows), (0, 0)))
        val2 = jnp.pad(wavg.reshape(rows, 128), ((0, rows_p - rows), (0, 0)))
        weights_acc = _sc_scatter_add(gmaps[i], idx2, val2, weights_acc)

    out = _matmul_bias(x_cur.reshape(B * NPAD[2], E), out_W.astype(f32).T,
                       out_b.astype(f32)[None]).reshape(B, NPAD[2], OUT)
    out = out[:, :LEVELS[2]]
    weights = weights_acc.reshape(B, n0p)[:, :N0]
    return (out, weights)

# --- scband reference (transcript-rebuilt; emitter-appended) ---
"""Pipeline reference for scband-mhaencoder-91268055040429 (READ-ONLY COPY).

The authoritative reference and input builder live on the scoring server;
editing this copy changes nothing except your own understanding.
"""

import jax, jax.numpy as jnp
import numpy as np

E = 256
H = 256
K = 32
HID = 64
OUT = 256
IN = 3
B = 2
N0 = 2562
LEVELS = [2562, 642, 162]


def knn_gather(x, idx):
    # x: (B, N, F), idx: (B, Ns, K) -> (B, Ns, K, F)
    Bb, Ns, Kk = idx.shape
    F = x.shape[-1]
    flat = idx.reshape(Bb, Ns * Kk)
    out = jnp.take_along_axis(x, flat[:, :, None], axis=1)
    return out.reshape(Bb, Ns, Kk, F)


def setup_inputs(seed: int = 0):
    key = jax.random.key(seed)
    ks = jax.random.split(key, 16)

    def nrm(k, shp):
        return jax.random.normal(k, shp, dtype=jnp.float32) * 0.05

    L = len(LEVELS)
    x = jax.random.normal(ks[0], (B, N0, IN), dtype=jnp.float32)
    return dict(
        x=x,
        emb_W=nrm(ks[1], (E, IN)), emb_b=nrm(ks[2], (E,)),
        mha_in_w=nrm(ks[3], (L, 3 * E, E)), mha_in_b=nrm(ks[4], (L, 3 * E)),
        mha_out_w=nrm(ks[5], (L, E, E)), mha_out_b=nrm(ks[6], (L, E)),
        ff_w1=nrm(ks[7], (L, HID, E)), ff_b1=nrm(ks[8], (L, HID)),
        ff_w2=nrm(ks[9], (L, E, HID)), ff_b2=nrm(ks[10], (L, E)),
        out_W=nrm(ks[11], (OUT, E)), out_b=nrm(ks[12], (OUT,)),
    )


def mha_knn(x, in_w, in_b, out_w, out_b):
    # brute-force KNN in embedding space + per-point attention over K neighbors
    Bb, N, Ed = x.shape
    sq = jnp.sum(x * x, axis=-1)
    d2 = sq[:, :, None] + sq[:, None, :] - 2.0 * jnp.einsum('bnd,bmd->bnm', x, x)
    _, idx = jax.lax.top_k(-d2, K)  # (B, N, K), sorted ascending distance
    xv = knn_gather(x, idx)  # (B, N, K, E)
    Wq, Wk, Wv = in_w[:Ed], in_w[Ed:2 * Ed], in_w[2 * Ed:]
    bq, bk, bv = in_b[:Ed], in_b[Ed:2 * Ed], in_b[2 * Ed:]
    q = x @ Wq.T + bq
    k = xv @ Wk.T + bk
    v = xv @ Wv.T + bv
    dh = Ed // H
    qh = q.reshape(Bb, N, H, dh)
    kh = k.reshape(Bb, N, K, H, dh)
    vh = v.reshape(Bb, N, K, H, dh)
    scores = jnp.einsum('bnhd,bnkhd->bnhk', qh, kh) / np.sqrt(dh).astype(np.float32)
    w = jax.nn.softmax(scores, axis=-1)  # (B, N, H, K)
    o = jnp.einsum('bnhk,bnkhd->bnhd', w, vh).reshape(Bb, N, Ed)
    o = o @ out_w.T + out_b
    w_avg = jnp.mean(w, axis=2)  # average over heads: (B, N, K)

    def scat(ib, wb):
        return jnp.zeros((N,), dtype=wb.dtype).at[ib.reshape(-1)].add(wb.reshape(-1))

    x_w = jax.vmap(scat)(idx, w_avg)  # (B, N): weight received by each point
    return o, x_w


def reference(x, emb_W, emb_b, mha_in_w, mha_in_b, mha_out_w, mha_out_b,
              ff_w1, ff_b1, ff_w2, ff_b2, out_W, out_b):
    x = x @ emb_W.T + emb_b
    Bb, N = x.shape[0], x.shape[1]
    weights = jnp.zeros((Bb, N), dtype=x.dtype)
    idx = jnp.broadcast_to(jnp.arange(N)[None, :], (Bb, N))
    indices = []
    skey = jax.random.key(42)
    for i, sl in enumerate(LEVELS):
        if i > 0:
            Ncur = x.shape[1]
            ridx = jax.random.randint(jax.random.fold_in(skey, i), (Bb, sl), 0, Ncur)[:, :, None]
            x = knn_gather(x, ridx)[:, :, 0, :]
            cur = ridx
            for idx_prev in reversed(indices):
                cur = knn_gather(idx_prev, cur)[:, :, 0, :]
            idx = cur[:, :, 0]
            indices.append(ridx)
        x, x_w = mha_knn(x, mha_in_w[i], mha_in_b[i], mha_out_w[i], mha_out_b[i])
        h = jax.nn.gelu(x @ ff_w1[i].T + ff_b1[i], approximate=False) @ ff_w2[i].T + ff_b2[i]
        x = x + h  # Residual(FeedForward)

        def scat2(wb, ib, vb):
            return wb.at[ib].add(vb)

        weights = jax.vmap(scat2)(weights, idx, x_w)
    out = x @ out_W.T + out_b
    return (out, weights)

if __name__ == "__main__":
    import jax
    _d = setup_inputs()
    print(jax.jit(kernel)(*tuple(_d.values())))

</pallas_src>

<mosaic_0001>
#map = affine_map<(d0, d1) -> (0, 0)>
#map1 = affine_map<(d0, d1) -> (0)>
module attributes {stable_mosaic.version = 14 : i64} {
  func.func @gather_k(%arg0: i32, %arg1: i32, %arg2: memref<5376x512xf32, #tpu.memory_space<hbm>>, %arg3: memref<172032xi32, #tpu.memory_space<hbm>>, %arg4: memref<172032x512xf32, #tpu.memory_space<hbm>>, %arg5: memref<5376xi32, #tpu.memory_space<vmem>>, %arg6: memref<2x96x512xf32, #tpu.memory_space<vmem>>, %arg7: memref<!tpu.dma_semaphore, #tpu.memory_space<semaphore_mem>>, %arg8: memref<!tpu.dma_semaphore, #tpu.memory_space<semaphore_mem>>, %arg9: memref<!tpu.dma_semaphore, #tpu.memory_space<semaphore_mem>>, %arg10: memref<!tpu.dma_semaphore, #tpu.memory_space<semaphore_mem>>) attributes {dimension_semantics = [#tpu.dimension_semantics<core_parallel>, #tpu.dimension_semantics<subcore_parallel>], iteration_bounds = array<i64: 2, 16>, scalar_prefetch = 0 : i64, scratch_operands = 6 : i64, tpu.core_type = #tpu.core_type<sc_vector_subcore>, window_params = [{transform_indices = #map}, {transform_indices = #map1}, {transform_indices = #map}]} {
    %mul3A = arith.constant 2 : i32
    %mul3A_0 = arith.muli %arg1, %mul3A : i32
    %add3A = arith.addi %mul3A_0, %arg0 : i32
    %mul3A_1 = arith.constant 5376 : i32
    %mul3A_2 = arith.muli %add3A, %mul3A_1 : i32
    "tpu.region"() ({
      %run_scoped3A = tpu.sem_alloc : memref<!tpu.dma_semaphore, #tpu.memory_space<semaphore_mem>>
      %dma_start3A_60 = tpu.memref_slice %arg3[%mul3A_2] : memref<172032xi32, #tpu.memory_space<hbm>> -> memref<5376xi32, #tpu.memory_space<hbm>>
      %dma_start3A_61 = tpu.memref_slice %arg3[%mul3A_2] : memref<172032xi32, #tpu.memory_space<hbm>> -> memref<5376xi32, #tpu.memory_space<hbm>>
      tpu.enqueue_dma source(%dma_start3A_61 : memref<5376xi32, #tpu.memory_space<hbm>>) target(%arg5 : memref<5376xi32, #tpu.memory_space<vmem>>) target_semaphore(%run_scoped3A : memref<!tpu.dma_semaphore, #tpu.memory_space<semaphore_mem>>)
      %dma_wait3A_62 = tpu.memref_slice %arg3[%mul3A_2] : memref<172032xi32, #tpu.memory_space<hbm>> -> memref<5376xi32, #tpu.memory_space<hbm>>
      %dma_wait3A_63 = tpu.memref_slice %arg3[%mul3A_2] : memref<172032xi32, #tpu.memory_space<hbm>> -> memref<5376xi32, #tpu.memory_space<hbm>>
      tpu.wait_dma2 semaphore(%run_scoped3A : memref<!tpu.dma_semaphore, #tpu.memory_space<semaphore_mem>>) src(%dma_wait3A_63 : memref<5376xi32, #tpu.memory_space<hbm>>) dst(%arg5 : memref<5376xi32, #tpu.memory_space<vmem>>)
      tpu.yield
    }) : () -> ()
    %scan3A = arith.constant 0 : i32
    %scan3A_3 = arith.constant 0 : i32
    %scan3A_4 = arith.constant 28 : i32
    %scan3A_5 = arith.addi %scan3A_3, %scan3A_4 : i32
    %scan3A_6 = arith.constant 1 : i32
    scf.for %scan3A_60 = %scan3A_3 to %scan3A_5 step %scan3A_6  : i32 {
      %mul3A_61 = arith.constant 2 : i32
      %mul3A_62 = arith.muli %scan3A_60, %mul3A_61 : i32
      %add3A_63 = arith.constant 0 : i32
      %add3A_64 = arith.addi %mul3A_62, %add3A_63 : i32
      %lt3A = arith.constant 56 : i32
      %lt3A_65 = arith.cmpi slt, %add3A_64, %lt3A : i32
      %convert_element_type3A = arith.extui %lt3A_65 : i1 to i32
      %cond3A = arith.constant 0 : i32
      %cond3A_66 = arith.cmpi ne, %convert_element_type3A, %cond3A : i32
      scf.if %cond3A_66 {
        %ge3A = arith.constant 2 : i32
        %ge3A_76 = arith.cmpi sge, %add3A_64, %ge3A : i32
        %convert_element_type3A_77 = arith.extui %ge3A_76 : i1 to i32
        %cond3A_78 = arith.constant 0 : i32
        %cond3A_79 = arith.cmpi ne, %convert_element_type3A_77, %cond3A_78 : i32
        scf.if %cond3A_79 {
          %dma_wait3A_96 = arith.constant 0 : i32
          %dma_wait3A_97 = arith.constant 0 : i32
          %dma_wait3A_98 = arith.constant 0 : i32
          %dma_wait3A_99 = tpu.memref_slice %arg6[%dma_wait3A_96, %dma_wait3A_97, %dma_wait3A_98] : memref<2x96x512xf32, #tpu.memory_space<vmem>> -> memref<1x96x512xf32, #tpu.memory_space<vmem>>
          %dma_wait3A_100 = tpu.memref_squeeze %dma_wait3A_99 : memref<1x96x512xf32, #tpu.memory_space<vmem>> -> memref<96x512xf32, #tpu.memory_space<vmem>>
          %dma_wait3A_101 = arith.constant 0 : i32
          %dma_wait3A_102 = tpu.memref_slice %arg4[%mul3A_2, %dma_wait3A_101] : memref<172032x512xf32, #tpu.memory_space<hbm>> -> memref<96x512xf32, #tpu.memory_space<hbm>>
          %dma_wait3A_103 = arith.constant 0 : i32
          %dma_wait3A_104 = tpu.memref_slice %arg4[%mul3A_2, %dma_wait3A_103] : memref<172032x512xf32, #tpu.memory_space<hbm>> -> memref<96x512xf32, #tpu.memory_space<hbm>>
          %dma_wait3A_105 = arith.constant 0 : i32
          %dma_wait3A_106 = arith.constant 0 : i32
          %dma_wait3A_107 = tpu.memref_slice %arg6[%dma_wait3A_96, %dma_wait3A_105, %dma_wait3A_106] : memref<2x96x512xf32, #tpu.memory_space<vmem>> -> memref<1x96x512xf32, #tpu.memory_space<vmem>>
          %dma_wait3A_108 = tpu.memref_squeeze %dma_wait3A_107 : memref<1x96x512xf32, #tpu.memory_space<vmem>> -> memref<96x512xf32, #tpu.memory_space<vmem>>
          tpu.wait_dma2 semaphore(%arg9 : memref<!tpu.dma_semaphore, #tpu.memory_space<semaphore_mem>>) src(%dma_wait3A_108 : memref<96x512xf32, #tpu.memory_space<vmem>>) dst(%dma_wait3A_104 : memref<96x512xf32, #tpu.memory_space<hbm>>)
        } else {
        }
        %mul3A_80 = arith.constant 96 : i32
        %mul3A_81 = arith.muli %add3A_64, %mul3A_80 : i32
        %dma_start3A_82 = arith.constant 0 : i32
        %dma_start3A_83 = arith.constant 0 : i32
        %dma_start3A_84 = arith.constant 0 : i32
        %dma_start3A_85 = tpu.memref_slice %arg6[%dma_start3A_82, %dma_start3A_83, %dma_start3A_84] : memref<2x96x512xf32, #tpu.memory_space<vmem>> -> memref<1x96x512xf32, #tpu.memory_space<vmem>>
        %dma_start3A_86 = tpu.memref_squeeze %dma_start3A_85 : memref<1x96x512xf32, #tpu.memory_space<vmem>> -> memref<96x512xf32, #tpu.memory_space<vmem>>
        %dma_start3A_87 = tpu.memref_slice %arg5[%mul3A_81] : memref<5376xi32, #tpu.memory_space<vmem>> -> memref<96xi32, #tpu.memory_space<vmem>>
        %dma_start3A_88 = arith.constant 0 : i32
        %dma_start3A_89 = arith.constant 0 : i32
        %dma_start3A_90 = tpu.memref_slice %arg2[%dma_start3A_88, %dma_start3A_89] : memref<5376x512xf32, #tpu.memory_space<hbm>> -> memref<5376x512xf32, #tpu.memory_space<hbm>>
        tpu.enqueue_indirect_dma source(%dma_start3A_90 : memref<5376x512xf32, #tpu.memory_space<hbm>>) target(%dma_start3A_86 : memref<96x512xf32, #tpu.memory_space<vmem>>) offsets(%dma_start3A_87 : memref<96xi32, #tpu.memory_space<vmem>>) semaphore(%arg7 : memref<!tpu.dma_semaphore, #tpu.memory_space<semaphore_mem>>)
        %ge3A_91 = arith.constant 1 : i32
        %ge3A_92 = arith.cmpi sge, %add3A_64, %ge3A_91 : i32
        %convert_element_type3A_93 = arith.extui %ge3A_92 : i1 to i32
        %cond3A_94 = arith.constant 0 : i32
        %cond3A_95 = arith.cmpi ne, %convert_element_type3A_93, %cond3A_94 : i32
        scf.if %cond3A_95 {
          %dma_wait3A_96 = arith.constant 1 : i32
          %dma_wait3A_97 = arith.constant 0 : i32
          %dma_wait3A_98 = arith.constant 0 : i32
          %dma_wait3A_99 = tpu.memref_slice %arg6[%dma_wait3A_96, %dma_wait3A_97, %dma_wait3A_98] : memref<2x96x512xf32, #tpu.memory_space<vmem>> -> memref<1x96x512xf32, #tpu.memory_space<vmem>>
          %dma_wait3A_100 = tpu.memref_squeeze %dma_wait3A_99 : memref<1x96x512xf32, #tpu.memory_space<vmem>> -> memref<96x512xf32, #tpu.memory_space<vmem>>
          %dma_wait3A_101 = arith.constant 0 : i32
          %dma_wait3A_102 = tpu.memref_slice %arg4[%mul3A_2, %dma_wait3A_101] : memref<172032x512xf32, #tpu.memory_space<hbm>> -> memref<96x512xf32, #tpu.memory_space<hbm>>
          %dma_wait3A_103 = arith.constant 0 : i32
          %dma_wait3A_104 = arith.constant 0 : i32
          %dma_wait3A_105 = tpu.memref_slice %arg6[%dma_wait3A_96, %dma_wait3A_103, %dma_wait3A_104] : memref<2x96x512xf32, #tpu.memory_space<vmem>> -> memref<1x96x512xf32, #tpu.memory_space<vmem>>
          %dma_wait3A_106 = tpu.memref_squeeze %dma_wait3A_105 : memref<1x96x512xf32, #tpu.memory_space<vmem>> -> memref<96x512xf32, #tpu.memory_space<vmem>>
          %dma_wait3A_107 = arith.constant 0 : i32
          %dma_wait3A_108 = tpu.memref_slice %arg4[%mul3A_2, %dma_wait3A_107] : memref<172032x512xf32, #tpu.memory_space<hbm>> -> memref<96x512xf32, #tpu.memory_space<hbm>>
          tpu.wait_dma2 semaphore(%arg8 : memref<!tpu.dma_semaphore, #tpu.memory_space<semaphore_mem>>) src(%dma_wait3A_108 : memref<96x512xf32, #tpu.memory_space<hbm>>) dst(%dma_wait3A_106 : memref<96x512xf32, #tpu.memory_space<vmem>>)
          %sub3A = arith.constant 1 : i32
          %sub3A_109 = arith.subi %add3A_64, %sub3A : i32
          %mul3A_110 = arith.constant 96 : i32
          %mul3A_111 = arith.muli %sub3A_109, %mul3A_110 : i32
          %add3A_112 = arith.addi %mul3A_2, %mul3A_111 : i32
          %dma_start3A_113 = arith.constant 1 : i32
          %dma_start3A_114 = arith.constant 0 : i32
          %dma_start3A_115 = arith.constant 0 : i32
          %dma_start3A_116 = tpu.memref_slice %arg6[%dma_start3A_113, %dma_start3A_114, %dma_start3A_115] : memref<2x96x512xf32, #tpu.memory_space<vmem>> -> memref<1x96x512xf32, #tpu.memory_space<vmem>>
          %dma_start3A_117 = tpu.memref_squeeze %dma_start3A_116 : memref<1x96x512xf32, #tpu.memory_space<vmem>> -> memref<96x512xf32, #tpu.memory_space<vmem>>
          %dma_start3A_118 = arith.constant 0 : i32
          %dma_start3A_119 = tpu.memref_slice %arg4[%add3A_112, %dma_start3A_118] : memref<172032x512xf32, #tpu.memory_space<hbm>> -> memref<96x512xf32, #tpu.memory_space<hbm>>
          %dma_start3A_120 = arith.constant 0 : i32
          %dma_start3A_121 = tpu.memref_slice %arg4[%add3A_112, %dma_start3A_120] : memref<172032x512xf32, #tpu.memory_space<hbm>> -> memref<96x512xf32, #tpu.memory_space<hbm>>
          %dma_start3A_122 = arith.constant 0 : i32
          %dma_start3A_123 = arith.constant 0 : i32
          %dma_start3A_124 = tpu.memref_slice %arg6[%dma_start3A_113, %dma_start3A_122, %dma_start3A_123] : memref<2x96x512xf32, #tpu.memory_space<vmem>> -> memref<1x96x512xf32, #tpu.memory_space<vmem>>
          %dma_start3A_125 = tpu.memref_squeeze %dma_start3A_124 : memref<1x96x512xf32, #tpu.memory_space<vmem>> -> memref<96x512xf32, #tpu.memory_space<vmem>>
          tpu.enqueue_dma source(%dma_start3A_125 : memref<96x512xf32, #tpu.memory_space<vmem>>) target(%dma_start3A_121 : memref<96x512xf32, #tpu.memory_space<hbm>>) target_semaphore(%arg10 : memref<!tpu.dma_semaphore, #tpu.memory_space<semaphore_mem>>)
        } else {
        }
      } else {
      }
      %mul3A_67 = arith.constant 2 : i32
      %mul3A_68 = arith.muli %scan3A_60, %mul3A_67 : i32
      %add3A_69 = arith.constant 1 : i32
      %add3A_70 = arith.addi %mul3A_68, %add3A_69 : i32
      %lt3A_71 = arith.constant 56 : i32
      %lt3A_72 = arith.cmpi slt, %add3A_70, %lt3A_71 : i32
      %convert_element_type3A_73 = arith.extui %lt3A_72 : i1 to i32
      %cond3A_74 = arith.constant 0 : i32
      %cond3A_75 = arith.cmpi ne, %convert_element_type3A_73, %cond3A_74 : i32
      scf.if %cond3A_75 {
        %ge3A = arith.constant 2 : i32
        %ge3A_76 = arith.cmpi sge, %add3A_70, %ge3A : i32
        %convert_element_type3A_77 = arith.extui %ge3A_76 : i1 to i32
        %cond3A_78 = arith.constant 0 : i32
        %cond3A_79 = arith.cmpi ne, %convert_element_type3A_77, %cond3A_78 : i32
        scf.if %cond3A_79 {
          %dma_wait3A_96 = arith.constant 1 : i32
          %dma_wait3A_97 = arith.constant 0 : i32
          %dma_wait3A_98 = arith.constant 0 : i32
          %dma_wait3A_99 = tpu.memref_slice %arg6[%dma_wait3A_96, %dma_wait3A_97, %dma_wait3A_98] : memref<2x96x512xf32, #tpu.memory_space<vmem>> -> memref<1x96x512xf32, #tpu.memory_space<vmem>>
          %dma_wait3A_100 = tpu.memref_squeeze %dma_wait3A_99 : memref<1x96x512xf32, #tpu.memory_space<vmem>> -> memref<96x512xf32, #tpu.memory_space<vmem>>
          %dma_wait3A_101 = arith.constant 0 : i32
          %dma_wait3A_102 = tpu.memref_slice %arg4[%mul3A_2, %dma_wait3A_101] : memref<172032x512xf32, #tpu.memory_space<hbm>> -> memref<96x512xf32, #tpu.memory_space<hbm>>
          %dma_wait3A_103 = arith.constant 0 : i32
          %dma_wait3A_104 = tpu.memref_slice %arg4[%mul3A_2, %dma_wait3A_103] : memref<172032x512xf32, #tpu.memory_space<hbm>> -> memref<96x512xf32, #tpu.memory_space<hbm>>
          %dma_wait3A_105 = arith.constant 0 : i32
          %dma_wait3A_106 = arith.constant 0 : i32
          %dma_wait3A_107 = tpu.memref_slice %arg6[%dma_wait3A_96, %dma_wait3A_105, %dma_wait3A_106] : memref<2x96x512xf32, #tpu.memory_space<vmem>> -> memref<1x96x512xf32, #tpu.memory_space<vmem>>
          %dma_wait3A_108 = tpu.memref_squeeze %dma_wait3A_107 : memref<1x96x512xf32, #tpu.memory_space<vmem>> -> memref<96x512xf32, #tpu.memory_space<vmem>>
          tpu.wait_dma2 semaphore(%arg10 : memref<!tpu.dma_semaphore, #tpu.memory_space<semaphore_mem>>) src(%dma_wait3A_108 : memref<96x512xf32, #tpu.memory_space<vmem>>) dst(%dma_wait3A_104 : memref<96x512xf32, #tpu.memory_space<hbm>>)
        } else {
        }
        %mul3A_80 = arith.constant 96 : i32
        %mul3A_81 = arith.muli %add3A_70, %mul3A_80 : i32
        %dma_start3A_82 = arith.constant 1 : i32
        %dma_start3A_83 = arith.constant 0 : i32
        %dma_start3A_84 = arith.constant 0 : i32
        %dma_start3A_85 = tpu.memref_slice %arg6[%dma_start3A_82, %dma_start3A_83, %dma_start3A_84] : memref<2x96x512xf32, #tpu.memory_space<vmem>> -> memref<1x96x512xf32, #tpu.memory_space<vmem>>
        %dma_start3A_86 = tpu.memref_squeeze %dma_start3A_85 : memref<1x96x512xf32, #tpu.memory_space<vmem>> -> memref<96x512xf32, #tpu.memory_space<vmem>>
        %dma_start3A_87 = tpu.memref_slice %arg5[%mul3A_81] : memref<5376xi32, #tpu.memory_space<vmem>> -> memref<96xi32, #tpu.memory_space<vmem>>
        %dma_start3A_88 = arith.constant 0 : i32
        %dma_start3A_89 = arith.constant 0 : i32
        %dma_start3A_90 = tpu.memref_slice %arg2[%dma_start3A_88, %dma_start3A_89] : memref<5376x512xf32, #tpu.memory_space<hbm>> -> memref<5376x512xf32, #tpu.memory_space<hbm>>
        tpu.enqueue_indirect_dma source(%dma_start3A_90 : memref<5376x512xf32, #tpu.memory_space<hbm>>) target(%dma_start3A_86 : memref<96x512xf32, #tpu.memory_space<vmem>>) offsets(%dma_start3A_87 : memref<96xi32, #tpu.memory_space<vmem>>) semaphore(%arg8 : memref<!tpu.dma_semaphore, #tpu.memory_space<semaphore_mem>>)
        %ge3A_91 = arith.constant 1 : i32
        %ge3A_92 = arith.cmpi sge, %add3A_70, %ge3A_91 : i32
        %convert_element_type3A_93 = arith.extui %ge3A_92 : i1 to i32
        %cond3A_94 = arith.constant 0 : i32
        %cond3A_95 = arith.cmpi ne, %convert_element_type3A_93, %cond3A_94 : i32
        scf.if %cond3A_95 {
          %dma_wait3A_96 = arith.constant 0 : i32
          %dma_wait3A_97 = arith.constant 0 : i32
          %dma_wait3A_98 = arith.constant 0 : i32
          %dma_wait3A_99 = tpu.memref_slice %arg6[%dma_wait3A_96, %dma_wait3A_97, %dma_wait3A_98] : memref<2x96x512xf32, #tpu.memory_space<vmem>> -> memref<1x96x512xf32, #tpu.memory_space<vmem>>
          %dma_wait3A_100 = tpu.memref_squeeze %dma_wait3A_99 : memref<1x96x512xf32, #tpu.memory_space<vmem>> -> memref<96x512xf32, #tpu.memory_space<vmem>>
          %dma_wait3A_101 = arith.constant 0 : i32
          %dma_wait3A_102 = tpu.memref_slice %arg4[%mul3A_2, %dma_wait3A_101] : memref<172032x512xf32, #tpu.memory_space<hbm>> -> memref<96x512xf32, #tpu.memory_space<hbm>>
          %dma_wait3A_103 = arith.constant 0 : i32
          %dma_wait3A_104 = arith.constant 0 : i32
          %dma_wait3A_105 = tpu.memref_slice %arg6[%dma_wait3A_96, %dma_wait3A_103, %dma_wait3A_104] : memref<2x96x512xf32, #tpu.memory_space<vmem>> -> memref<1x96x512xf32, #tpu.memory_space<vmem>>
          %dma_wait3A_106 = tpu.memref_squeeze %dma_wait3A_105 : memref<1x96x512xf32, #tpu.memory_space<vmem>> -> memref<96x512xf32, #tpu.memory_space<vmem>>
          %dma_wait3A_107 = arith.constant 0 : i32
          %dma_wait3A_108 = tpu.memref_slice %arg4[%mul3A_2, %dma_wait3A_107] : memref<172032x512xf32, #tpu.memory_space<hbm>> -> memref<96x512xf32, #tpu.memory_space<hbm>>
          tpu.wait_dma2 semaphore(%arg7 : memref<!tpu.dma_semaphore, #tpu.memory_space<semaphore_mem>>) src(%dma_wait3A_108 : memref<96x512xf32, #tpu.memory_space<hbm>>) dst(%dma_wait3A_106 : memref<96x512xf32, #tpu.memory_space<vmem>>)
          %sub3A = arith.constant 1 : i32
          %sub3A_109 = arith.subi %add3A_70, %sub3A : i32
          %mul3A_110 = arith.constant 96 : i32
          %mul3A_111 = arith.muli %sub3A_109, %mul3A_110 : i32
          %add3A_112 = arith.addi %mul3A_2, %mul3A_111 : i32
          %dma_start3A_113 = arith.constant 0 : i32
          %dma_start3A_114 = arith.constant 0 : i32
          %dma_start3A_115 = arith.constant 0 : i32
          %dma_start3A_116 = tpu.memref_slice %arg6[%dma_start3A_113, %dma_start3A_114, %dma_start3A_115] : memref<2x96x512xf32, #tpu.memory_space<vmem>> -> memref<1x96x512xf32, #tpu.memory_space<vmem>>
          %dma_start3A_117 = tpu.memref_squeeze %dma_start3A_116 : memref<1x96x512xf32, #tpu.memory_space<vmem>> -> memref<96x512xf32, #tpu.memory_space<vmem>>
          %dma_start3A_118 = arith.constant 0 : i32
          %dma_start3A_119 = tpu.memref_slice %arg4[%add3A_112, %dma_start3A_118] : memref<172032x512xf32, #tpu.memory_space<hbm>> -> memref<96x512xf32, #tpu.memory_space<hbm>>
          %dma_start3A_120 = arith.constant 0 : i32
          %dma_start3A_121 = tpu.memref_slice %arg4[%add3A_112, %dma_start3A_120] : memref<172032x512xf32, #tpu.memory_space<hbm>> -> memref<96x512xf32, #tpu.memory_space<hbm>>
          %dma_start3A_122 = arith.constant 0 : i32
          %dma_start3A_123 = arith.constant 0 : i32
          %dma_start3A_124 = tpu.memref_slice %arg6[%dma_start3A_113, %dma_start3A_122, %dma_start3A_123] : memref<2x96x512xf32, #tpu.memory_space<vmem>> -> memref<1x96x512xf32, #tpu.memory_space<vmem>>
          %dma_start3A_125 = tpu.memref_squeeze %dma_start3A_124 : memref<1x96x512xf32, #tpu.memory_space<vmem>> -> memref<96x512xf32, #tpu.memory_space<vmem>>
          tpu.enqueue_dma source(%dma_start3A_125 : memref<96x512xf32, #tpu.memory_space<vmem>>) target(%dma_start3A_121 : memref<96x512xf32, #tpu.memory_space<hbm>>) target_semaphore(%arg9 : memref<!tpu.dma_semaphore, #tpu.memory_space<semaphore_mem>>)
        } else {
        }
      } else {
      }
    }
    %scan3A_7 = arith.constant 28 : i32
    %dma_wait3A = arith.constant 1 : i32
    %dma_wait3A_8 = arith.constant 0 : i32
    %dma_wait3A_9 = arith.constant 0 : i32
    %dma_wait3A_10 = tpu.memref_slice %arg6[%dma_wait3A, %dma_wait3A_8, %dma_wait3A_9] : memref<2x96x512xf32, #tpu.memory_space<vmem>> -> memref<1x96x512xf32, #tpu.memory_space<vmem>>
    %dma_wait3A_11 = tpu.memref_squeeze %dma_wait3A_10 : memref<1x96x512xf32, #tpu.memory_space<vmem>> -> memref<96x512xf32, #tpu.memory_space<vmem>>
    %dma_wait3A_12 = arith.constant 0 : i32
    %dma_wait3A_13 = tpu.memref_slice %arg4[%mul3A_2, %dma_wait3A_12] : memref<172032x512xf32, #tpu.memory_space<hbm>> -> memref<96x512xf32, #tpu.memory_space<hbm>>
    %dma_wait3A_14 = arith.constant 0 : i32
    %dma_wait3A_15 = arith.constant 0 : i32
    %dma_wait3A_16 = tpu.memref_slice %arg6[%dma_wait3A, %dma_wait3A_14, %dma_wait3A_15] : memref<2x96x512xf32, #tpu.memory_space<vmem>> -> memref<1x96x512xf32, #tpu.memory_space<vmem>>
    %dma_wait3A_17 = tpu.memref_squeeze %dma_wait3A_16 : memref<1x96x512xf32, #tpu.memory_space<vmem>> -> memref<96x512xf32, #tpu.memory_space<vmem>>
    %dma_wait3A_18 = arith.constant 0 : i32
    %dma_wait3A_19 = tpu.memref_slice %arg4[%mul3A_2, %dma_wait3A_18] : memref<172032x512xf32, #tpu.memory_space<hbm>> -> memref<96x512xf32, #tpu.memory_space<hbm>>
    tpu.wait_dma2 semaphore(%arg8 : memref<!tpu.dma_semaphore, #tpu.memory_space<semaphore_mem>>) src(%dma_wait3A_19 : memref<96x512xf32, #tpu.memory_space<hbm>>) dst(%dma_wait3A_17 : memref<96x512xf32, #tpu.memory_space<vmem>>)
    %add3A_20 = arith.constant 5280 : i32
    %add3A_21 = arith.addi %mul3A_2, %add3A_20 : i32
    %dma_start3A = arith.constant 1 : i32
    %dma_start3A_22 = arith.constant 0 : i32
    %dma_start3A_23 = arith.constant 0 : i32
    %dma_start3A_24 = tpu.memref_slice %arg6[%dma_start3A, %dma_start3A_22, %dma_start3A_23] : memref<2x96x512xf32, #tpu.memory_space<vmem>> -> memref<1x96x512xf32, #tpu.memory_space<vmem>>
    %dma_start3A_25 = tpu.memref_squeeze %dma_start3A_24 : memref<1x96x512xf32, #tpu.memory_space<vmem>> -> memref<96x512xf32, #tpu.memory_space<vmem>>
    %dma_start3A_26 = arith.constant 0 : i32
    %dma_start3A_27 = tpu.memref_slice %arg4[%add3A_21, %dma_start3A_26] : memref<172032x512xf32, #tpu.memory_space<hbm>> -> memref<96x512xf32, #tpu.memory_space<hbm>>
    %dma_start3A_28 = arith.constant 0 : i32
    %dma_start3A_29 = tpu.memref_slice %arg4[%add3A_21, %dma_start3A_28] : memref<172032x512xf32, #tpu.memory_space<hbm>> -> memref<96x512xf32, #tpu.memory_space<hbm>>
    %dma_start3A_30 = arith.constant 0 : i32
    %dma_start3A_31 = arith.constant 0 : i32
    %dma_start3A_32 = tpu.memref_slice %arg6[%dma_start3A, %dma_start3A_30, %dma_start3A_31] : memref<2x96x512xf32, #tpu.memory_space<vmem>> -> memref<1x96x512xf32, #tpu.memory_space<vmem>>
    %dma_start3A_33 = tpu.memref_squeeze %dma_start3A_32 : memref<1x96x512xf32, #tpu.memory_space<vmem>> -> memref<96x512xf32, #tpu.memory_space<vmem>>
    tpu.enqueue_dma source(%dma_start3A_33 : memref<96x512xf32, #tpu.memory_space<vmem>>) target(%dma_start3A_29 : memref<96x512xf32, #tpu.memory_space<hbm>>) target_semaphore(%arg10 : memref<!tpu.dma_semaphore, #tpu.memory_space<semaphore_mem>>)
    %dma_wait3A_34 = arith.constant 0 : i32
    %dma_wait3A_35 = arith.constant 0 : i32
    %dma_wait3A_36 = arith.constant 0 : i32
    %dma_wait3A_37 = tpu.memref_slice %arg6[%dma_wait3A_34, %dma_wait3A_35, %dma_wait3A_36] : memref<2x96x512xf32, #tpu.memory_space<vmem>> -> memref<1x96x512xf32, #tpu.memory_space<vmem>>
    %dma_wait3A_38 = tpu.memref_squeeze %dma_wait3A_37 : memref<1x96x512xf32, #tpu.memory_space<vmem>> -> memref<96x512xf32, #tpu.memory_space<vmem>>
    %dma_wait3A_39 = arith.constant 0 : i32
    %dma_wait3A_40 = tpu.memref_slice %arg4[%mul3A_2, %dma_wait3A_39] : memref<172032x512xf32, #tpu.memory_space<hbm>> -> memref<96x512xf32, #tpu.memory_space<hbm>>
    %dma_wait3A_41 = arith.constant 0 : i32
    %dma_wait3A_42 = tpu.memref_slice %arg4[%mul3A_2, %dma_wait3A_41] : memref<172032x512xf32, #tpu.memory_space<hbm>> -> memref<96x512xf32, #tpu.memory_space<hbm>>
    %dma_wait3A_43 = arith.constant 0 : i32
    %dma_wait3A_44 = arith.constant 0 : i32
    %dma_wait3A_45 = tpu.memref_slice %arg6[%dma_wait3A_34, %dma_wait3A_43, %dma_wait3A_44] : memref<2x96x512xf32, #tpu.memory_space<vmem>> -> memref<1x96x512xf32, #tpu.memory_space<vmem>>
    %dma_wait3A_46 = tpu.memref_squeeze %dma_wait3A_45 : memref<1x96x512xf32, #tpu.memory_space<vmem>> -> memref<96x512xf32, #tpu.memory_space<vmem>>
    tpu.wait_dma2 semaphore(%arg9 : memref<!tpu.dma_semaphore, #tpu.memory_space<semaphore_mem>>) src(%dma_wait3A_46 : memref<96x512xf32, #tpu.memory_space<vmem>>) dst(%dma_wait3A_42 : memref<96x512xf32, #tpu.memory_space<hbm>>)
    %dma_wait3A_47 = arith.constant 1 : i32
    %dma_wait3A_48 = arith.constant 0 : i32
    %dma_wait3A_49 = arith.constant 0 : i32
    %dma_wait3A_50 = tpu.memref_slice %arg6[%dma_wait3A_47, %dma_wait3A_48, %dma_wait3A_49] : memref<2x96x512xf32, #tpu.memory_space<vmem>> -> memref<1x96x512xf32, #tpu.memory_space<vmem>>
    %dma_wait3A_51 = tpu.memref_squeeze %dma_wait3A_50 : memref<1x96x512xf32, #tpu.memory_space<vmem>> -> memref<96x512xf32, #tpu.memory_space<vmem>>
    %dma_wait3A_52 = arith.constant 0 : i32
    %dma_wait3A_53 = tpu.memref_slice %arg4[%mul3A_2, %dma_wait3A_52] : memref<172032x512xf32, #tpu.memory_space<hbm>> -> memref<96x512xf32, #tpu.memory_space<hbm>>
    %dma_wait3A_54 = arith.constant 0 : i32
    %dma_wait3A_55 = tpu.memref_slice %arg4[%mul3A_2, %dma_wait3A_54] : memref<172032x512xf32, #tpu.memory_space<hbm>> -> memref<96x512xf32, #tpu.memory_space<hbm>>
    %dma_wait3A_56 = arith.constant 0 : i32
    %dma_wait3A_57 = arith.constant 0 : i32
    %dma_wait3A_58 = tpu.memref_slice %arg6[%dma_wait3A_47, %dma_wait3A_56, %dma_wait3A_57] : memref<2x96x512xf32, #tpu.memory_space<vmem>> -> memref<1x96x512xf32, #tpu.memory_space<vmem>>
    %dma_wait3A_59 = tpu.memref_squeeze %dma_wait3A_58 : memref<1x96x512xf32, #tpu.memory_space<vmem>> -> memref<96x512xf32, #tpu.memory_space<vmem>>
    tpu.wait_dma2 semaphore(%arg10 : memref<!tpu.dma_semaphore, #tpu.memory_space<semaphore_mem>>) src(%dma_wait3A_59 : memref<96x512xf32, #tpu.memory_space<vmem>>) dst(%dma_wait3A_55 : memref<96x512xf32, #tpu.memory_space<hbm>>)
    return
  }
}

#map = affine_map<(d0, d1) -> (0, 0)>
#map1 = affine_map<(d0, d1) -> (0)>
module attributes {stable_mosaic.version = 14 : i64} {
  func.func @gather_k(%arg0: i32, %arg1: i32, %arg2: memref<5376x256xf32, #tpu.memory_space<hbm>>, %arg3: memref<1536xi32, #tpu.memory_space<hbm>>, %arg4: memref<1536x256xf32, #tpu.memory_space<hbm>>, %arg5: memref<48xi32, #tpu.memory_space<vmem>>, %arg6: memref<2x48x256xf32, #tpu.memory_space<vmem>>, %arg7: memref<!tpu.dma_semaphore, #tpu.memory_space<semaphore_mem>>, %arg8: memref<!tpu.dma_semaphore, #tpu.memory_space<semaphore_mem>>, %arg9: memref<!tpu.dma_semaphore, #tpu.memory_space<semaphore_mem>>, %arg10: memref<!tpu.dma_semaphore, #tpu.memory_space<semaphore_mem>>) attributes {dimension_semantics = [#tpu.dimension_semantics<core_parallel>, #tpu.dimension_semantics<subcore_parallel>], iteration_bounds = array<i64: 2, 16>, scalar_prefetch = 0 : i64, scratch_operands = 6 : i64, tpu.core_type = #tpu.core_type<sc_vector_subcore>, window_params = [{transform_indices = #map}, {transform_indices = #map1}, {transform_indices = #map}]} {
    %mul3A = arith.constant 2 : i32
    %mul3A_0 = arith.muli %arg1, %mul3A : i32
    %add3A = arith.addi %mul3A_0, %arg0 : i32
    %mul3A_1 = arith.constant 48 : i32
    %mul3A_2 = arith.muli %add3A, %mul3A_1 : i32
    "tpu.region"() ({
      %run_scoped3A_17 = tpu.sem_alloc : memref<!tpu.dma_semaphore, #tpu.memory_space<semaphore_mem>>
      %dma_start3A_18 = tpu.memref_slice %arg3[%mul3A_2] : memref<1536xi32, #tpu.memory_space<hbm>> -> memref<48xi32, #tpu.memory_space<hbm>>
      %dma_start3A_19 = tpu.memref_slice %arg3[%mul3A_2] : memref<1536xi32, #tpu.memory_space<hbm>> -> memref<48xi32, #tpu.memory_space<hbm>>
      tpu.enqueue_dma source(%dma_start3A_19 : memref<48xi32, #tpu.memory_space<hbm>>) target(%arg5 : memref<48xi32, #tpu.memory_space<vmem>>) target_semaphore(%run_scoped3A_17 : memref<!tpu.dma_semaphore, #tpu.memory_space<semaphore_mem>>)
      %dma_wait3A_20 = tpu.memref_slice %arg3[%mul3A_2] : memref<1536xi32, #tpu.memory_space<hbm>> -> memref<48xi32, #tpu.memory_space<hbm>>
      %dma_wait3A_21 = tpu.memref_slice %arg3[%mul3A_2] : memref<1536xi32, #tpu.memory_space<hbm>> -> memref<48xi32, #tpu.memory_space<hbm>>
      tpu.wait_dma2 semaphore(%run_scoped3A_17 : memref<!tpu.dma_semaphore, #tpu.memory_space<semaphore_mem>>) src(%dma_wait3A_21 : memref<48xi32, #tpu.memory_space<hbm>>) dst(%arg5 : memref<48xi32, #tpu.memory_space<vmem>>)
      tpu.yield
    }) : () -> ()
    %dma_start3A = arith.constant 0 : i32
    %dma_start3A_3 = arith.constant 0 : i32
    %dma_start3A_4 = arith.constant 0 : i32
    %dma_start3A_5 = tpu.memref_slice %arg6[%dma_start3A, %dma_start3A_3, %dma_start3A_4] : memref<2x48x256xf32, #tpu.memory_space<vmem>> -> memref<1x48x256xf32, #tpu.memory_space<vmem>>
    %dma_start3A_6 = tpu.memref_squeeze %dma_start3A_5 : memref<1x48x256xf32, #tpu.memory_space<vmem>> -> memref<48x256xf32, #tpu.memory_space<vmem>>
    %dma_start3A_7 = arith.constant 0 : i32
    %dma_start3A_8 = arith.constant 0 : i32
    %dma_start3A_9 = tpu.memref_slice %arg2[%dma_start3A_7, %dma_start3A_8] : memref<5376x256xf32, #tpu.memory_space<hbm>> -> memref<5376x256xf32, #tpu.memory_space<hbm>>
    tpu.enqueue_indirect_dma source(%dma_start3A_9 : memref<5376x256xf32, #tpu.memory_space<hbm>>) target(%dma_start3A_6 : memref<48x256xf32, #tpu.memory_space<vmem>>) offsets(%arg5 : memref<48xi32, #tpu.memory_space<vmem>>) semaphore(%arg7 : memref<!tpu.dma_semaphore, #tpu.memory_space<semaphore_mem>>)
    %dma_wait3A = arith.constant 0 : i32
    %dma_wait3A_10 = arith.constant 0 : i32
    %dma_wait3A_11 = arith.constant 0 : i32
    %dma_wait3A_12 = tpu.memref_slice %arg6[%dma_wait3A, %dma_wait3A_10, %dma_wait3A_11] : memref<2x48x256xf32, #tpu.memory_space<vmem>> -> memref<1x48x256xf32, #tpu.memory_space<vmem>>
    %dma_wait3A_13 = tpu.memref_squeeze %dma_wait3A_12 : memref<1x48x256xf32, #tpu.memory_space<vmem>> -> memref<48x256xf32, #tpu.memory_space<vmem>>
    %dma_wait3A_14 = arith.constant 0 : i32
    %dma_wait3A_15 = arith.constant 0 : i32
    %dma_wait3A_16 = tpu.memref_slice %arg2[%dma_wait3A_14, %dma_wait3A_15] : memref<5376x256xf32, #tpu.memory_space<hbm>> -> memref<5376x256xf32, #tpu.memory_space<hbm>>
    tpu.wait_indirect_dma semaphore(%arg7 : memref<!tpu.dma_semaphore, #tpu.memory_space<semaphore_mem>>) src(%dma_wait3A_16 : memref<5376x256xf32, #tpu.memory_space<hbm>>) dst(%dma_wait3A_13 : memref<48x256xf32, #tpu.memory_space<vmem>>)
    %run_scoped3A = arith.constant 0 : i32
    "tpu.region"() ({
      %run_scoped3A_17 = tpu.sem_alloc : memref<!tpu.dma_semaphore, #tpu.memory_space<semaphore_mem>>
      %dma_start3A_18 = arith.constant 0 : i32
      %dma_start3A_19 = arith.constant 0 : i32
      %dma_start3A_20 = tpu.memref_slice %arg6[%run_scoped3A, %dma_start3A_18, %dma_start3A_19] : memref<2x48x256xf32, #tpu.memory_space<vmem>> -> memref<1x48x256xf32, #tpu.memory_space<vmem>>
      %dma_start3A_21 = tpu.memref_squeeze %dma_start3A_20 : memref<1x48x256xf32, #tpu.memory_space<vmem>> -> memref<48x256xf32, #tpu.memory_space<vmem>>
      %dma_start3A_22 = arith.constant 0 : i32
      %dma_start3A_23 = tpu.memref_slice %arg4[%mul3A_2, %dma_start3A_22] : memref<1536x256xf32, #tpu.memory_space<hbm>> -> memref<48x256xf32, #tpu.memory_space<hbm>>
      %dma_start3A_24 = arith.constant 0 : i32
      %dma_start3A_25 = tpu.memref_slice %arg4[%mul3A_2, %dma_start3A_24] : memref<1536x256xf32, #tpu.memory_space<hbm>> -> memref<48x256xf32, #tpu.memory_space<hbm>>
      %dma_start3A_26 = arith.constant 0 : i32
      %dma_start3A_27 = arith.constant 0 : i32
      %dma_start3A_28 = tpu.memref_slice %arg6[%run_scoped3A, %dma_start3A_26, %dma_start3A_27] : memref<2x48x256xf32, #tpu.memory_space<vmem>> -> memref<1x48x256xf32, #tpu.memory_space<vmem>>
      %dma_start3A_29 = tpu.memref_squeeze %dma_start3A_28 : memref<1x48x256xf32, #tpu.memory_space<vmem>> -> memref<48x256xf32, #tpu.memory_space<vmem>>
      tpu.enqueue_dma source(%dma_start3A_29 : memref<48x256xf32, #tpu.memory_space<vmem>>) target(%dma_start3A_25 : memref<48x256xf32, #tpu.memory_space<hbm>>) target_semaphore(%run_scoped3A_17 : memref<!tpu.dma_semaphore, #tpu.memory_space<semaphore_mem>>)
      %dma_wait3A_30 = arith.constant 0 : i32
      %dma_wait3A_31 = arith.constant 0 : i32
      %dma_wait3A_32 = tpu.memref_slice %arg6[%run_scoped3A, %dma_wait3A_30, %dma_wait3A_31] : memref<2x48x256xf32, #tpu.memory_space<vmem>> -> memref<1x48x256xf32, #tpu.memory_space<vmem>>
      %dma_wait3A_33 = tpu.memref_squeeze %dma_wait3A_32 : memref<1x48x256xf32, #tpu.memory_space<vmem>> -> memref<48x256xf32, #tpu.memory_space<vmem>>
      %dma_wait3A_34 = arith.constant 0 : i32
      %dma_wait3A_35 = tpu.memref_slice %arg4[%mul3A_2, %dma_wait3A_34] : memref<1536x256xf32, #tpu.memory_space<hbm>> -> memref<48x256xf32, #tpu.memory_space<hbm>>
      %dma_wait3A_36 = arith.constant 0 : i32
      %dma_wait3A_37 = tpu.memref_slice %arg4[%mul3A_2, %dma_wait3A_36] : memref<1536x256xf32, #tpu.memory_space<hbm>> -> memref<48x256xf32, #tpu.memory_space<hbm>>
      %dma_wait3A_38 = arith.constant 0 : i32
      %dma_wait3A_39 = arith.constant 0 : i32
      %dma_wait3A_40 = tpu.memref_slice %arg6[%run_scoped3A, %dma_wait3A_38, %dma_wait3A_39] : memref<2x48x256xf32, #tpu.memory_space<vmem>> -> memref<1x48x256xf32, #tpu.memory_space<vmem>>
      %dma_wait3A_41 = tpu.memref_squeeze %dma_wait3A_40 : memref<1x48x256xf32, #tpu.memory_space<vmem>> -> memref<48x256xf32, #tpu.memory_space<vmem>>
      tpu.wait_dma2 semaphore(%run_scoped3A_17 : memref<!tpu.dma_semaphore, #tpu.memory_space<semaphore_mem>>) src(%dma_wait3A_41 : memref<48x256xf32, #tpu.memory_space<vmem>>) dst(%dma_wait3A_37 : memref<48x256xf32, #tpu.memory_space<hbm>>)
      tpu.yield
    }) : () -> ()
    return
  }
}

#map = affine_map<(d0, d1) -> (0, 0)>
#map1 = affine_map<(d0, d1) -> (0)>
module attributes {stable_mosaic.version = 14 : i64} {
  func.func @gather_k(%arg0: i32, %arg1: i32, %arg2: memref<1536x512xf32, #tpu.memory_space<hbm>>, %arg3: memref<49152xi32, #tpu.memory_space<hbm>>, %arg4: memref<49152x512xf32, #tpu.memory_space<hbm>>, %arg5: memref<1536xi32, #tpu.memory_space<vmem>>, %arg6: memref<2x96x512xf32, #tpu.memory_space<vmem>>, %arg7: memref<!tpu.dma_semaphore, #tpu.memory_space<semaphore_mem>>, %arg8: memref<!tpu.dma_semaphore, #tpu.memory_space<semaphore_mem>>, %arg9: memref<!tpu.dma_semaphore, #tpu.memory_space<semaphore_mem>>, %arg10: memref<!tpu.dma_semaphore, #tpu.memory_space<semaphore_mem>>) attributes {dimension_semantics = [#tpu.dimension_semantics<core_parallel>, #tpu.dimension_semantics<subcore_parallel>], iteration_bounds = array<i64: 2, 16>, scalar_prefetch = 0 : i64, scratch_operands = 6 : i64, tpu.core_type = #tpu.core_type<sc_vector_subcore>, window_params = [{transform_indices = #map}, {transform_indices = #map1}, {transform_indices = #map}]} {
    %mul3A = arith.constant 2 : i32
    %mul3A_0 = arith.muli %arg1, %mul3A : i32
    %add3A = arith.addi %mul3A_0, %arg0 : i32
    %mul3A_1 = arith.constant 1536 : i32
    %mul3A_2 = arith.muli %add3A, %mul3A_1 : i32
    "tpu.region"() ({
      %run_scoped3A = tpu.sem_alloc : memref<!tpu.dma_semaphore, #tpu.memory_space<semaphore_mem>>
      %dma_start3A_60 = tpu.memref_slice %arg3[%mul3A_2] : memref<49152xi32, #tpu.memory_space<hbm>> -> memref<1536xi32, #tpu.memory_space<hbm>>
      %dma_start3A_61 = tpu.memref_slice %arg3[%mul3A_2] : memref<49152xi32, #tpu.memory_space<hbm>> -> memref<1536xi32, #tpu.memory_space<hbm>>
      tpu.enqueue_dma source(%dma_start3A_61 : memref<1536xi32, #tpu.memory_space<hbm>>) target(%arg5 : memref<1536xi32, #tpu.memory_space<vmem>>) target_semaphore(%run_scoped3A : memref<!tpu.dma_semaphore, #tpu.memory_space<semaphore_mem>>)
      %dma_wait3A_62 = tpu.memref_slice %arg3[%mul3A_2] : memref<49152xi32, #tpu.memory_space<hbm>> -> memref<1536xi32, #tpu.memory_space<hbm>>
      %dma_wait3A_63 = tpu.memref_slice %arg3[%mul3A_2] : memref<49152xi32, #tpu.memory_space<hbm>> -> memref<1536xi32, #tpu.memory_space<hbm>>
      tpu.wait_dma2 semaphore(%run_scoped3A : memref<!tpu.dma_semaphore, #tpu.memory_space<semaphore_mem>>) src(%dma_wait3A_63 : memref<1536xi32, #tpu.memory_space<hbm>>) dst(%arg5 : memref<1536xi32, #tpu.memory_space<vmem>>)
      tpu.yield
    }) : () -> ()
    %scan3A = arith.constant 0 : i32
    %scan3A_3 = arith.constant 0 : i32
    %scan3A_4 = arith.constant 8 : i32
    %scan3A_5 = arith.addi %scan3A_3, %scan3A_4 : i32
    %scan3A_6 = arith.constant 1 : i32
    scf.for %scan3A_60 = %scan3A_3 to %scan3A_5 step %scan3A_6  : i32 {
      %mul3A_61 = arith.constant 2 : i32
      %mul3A_62 = arith.muli %scan3A_60, %mul3A_61 : i32
      %add3A_63 = arith.constant 0 : i32
      %add3A_64 = arith.addi %mul3A_62, %add3A_63 : i32
      %lt3A = arith.constant 16 : i32
      %lt3A_65 = arith.cmpi slt, %add3A_64, %lt3A : i32
      %convert_element_type3A = arith.extui %lt3A_65 : i1 to i32
      %cond3A = arith.constant 0 : i32
      %cond3A_66 = arith.cmpi ne, %convert_element_type3A, %cond3A : i32
      scf.if %cond3A_66 {
        %ge3A = arith.constant 2 : i32
        %ge3A_76 = arith.cmpi sge, %add3A_64, %ge3A : i32
        %convert_element_type3A_77 = arith.extui %ge3A_76 : i1 to i32
        %cond3A_78 = arith.constant 0 : i32
        %cond3A_79 = arith.cmpi ne, %convert_element_type3A_77, %cond3A_78 : i32
        scf.if %cond3A_79 {
          %dma_wait3A_96 = arith.constant 0 : i32
          %dma_wait3A_97 = arith.constant 0 : i32
          %dma_wait3A_98 = arith.constant 0 : i32
          %dma_wait3A_99 = tpu.memref_slice %arg6[%dma_wait3A_96, %dma_wait3A_97, %dma_wait3A_98] : memref<2x96x512xf32, #tpu.memory_space<vmem>> -> memref<1x96x512xf32, #tpu.memory_space<vmem>>
          %dma_wait3A_100 = tpu.memref_squeeze %dma_wait3A_99 : memref<1x96x512xf32, #tpu.memory_space<vmem>> -> memref<96x512xf32, #tpu.memory_space<vmem>>
          %dma_wait3A_101 = arith.constant 0 : i32
          %dma_wait3A_102 = tpu.memref_slice %arg4[%mul3A_2, %dma_wait3A_101] : memref<49152x512xf32, #tpu.memory_space<hbm>> -> memref<96x512xf32, #tpu.memory_space<hbm>>
          %dma_wait3A_103 = arith.constant 0 : i32
          %dma_wait3A_104 = tpu.memref_slice %arg4[%mul3A_2, %dma_wait3A_103] : memref<49152x512xf32, #tpu.memory_space<hbm>> -> memref<96x512xf32, #tpu.memory_space<hbm>>
          %dma_wait3A_105 = arith.constant 0 : i32
          %dma_wait3A_106 = arith.constant 0 : i32
          %dma_wait3A_107 = tpu.memref_slice %arg6[%dma_wait3A_96, %dma_wait3A_105, %dma_wait3A_106] : memref<2x96x512xf32, #tpu.memory_space<vmem>> -> memref<1x96x512xf32, #tpu.memory_space<vmem>>
          %dma_wait3A_108 = tpu.memref_squeeze %dma_wait3A_107 : memref<1x96x512xf32, #tpu.memory_space<vmem>> -> memref<96x512xf32, #tpu.memory_space<vmem>>
          tpu.wait_dma2 semaphore(%arg9 : memref<!tpu.dma_semaphore, #tpu.memory_space<semaphore_mem>>) src(%dma_wait3A_108 : memref<96x512xf32, #tpu.memory_space<vmem>>) dst(%dma_wait3A_104 : memref<96x512xf32, #tpu.memory_space<hbm>>)
        } else {
        }
        %mul3A_80 = arith.constant 96 : i32
        %mul3A_81 = arith.muli %add3A_64, %mul3A_80 : i32
        %dma_start3A_82 = arith.constant 0 : i32
        %dma_start3A_83 = arith.constant 0 : i32
        %dma_start3A_84 = arith.constant 0 : i32
        %dma_start3A_85 = tpu.memref_slice %arg6[%dma_start3A_82, %dma_start3A_83, %dma_start3A_84] : memref<2x96x512xf32, #tpu.memory_space<vmem>> -> memref<1x96x512xf32, #tpu.memory_space<vmem>>
        %dma_start3A_86 = tpu.memref_squeeze %dma_start3A_85 : memref<1x96x512xf32, #tpu.memory_space<vmem>> -> memref<96x512xf32, #tpu.memory_space<vmem>>
        %dma_start3A_87 = tpu.memref_slice %arg5[%mul3A_81] : memref<1536xi32, #tpu.memory_space<vmem>> -> memref<96xi32, #tpu.memory_space<vmem>>
        %dma_start3A_88 = arith.constant 0 : i32
        %dma_start3A_89 = arith.constant 0 : i32
        %dma_start3A_90 = tpu.memref_slice %arg2[%dma_start3A_88, %dma_start3A_89] : memref<1536x512xf32, #tpu.memory_space<hbm>> -> memref<1536x512xf32, #tpu.memory_space<hbm>>
        tpu.enqueue_indirect_dma source(%dma_start3A_90 : memref<1536x512xf32, #tpu.memory_space<hbm>>) target(%dma_start3A_86 : memref<96x512xf32, #tpu.memory_space<vmem>>) offsets(%dma_start3A_87 : memref<96xi32, #tpu.memory_space<vmem>>) semaphore(%arg7 : memref<!tpu.dma_semaphore, #tpu.memory_space<semaphore_mem>>)
        %ge3A_91 = arith.constant 1 : i32
        %ge3A_92 = arith.cmpi sge, %add3A_64, %ge3A_91 : i32
        %convert_element_type3A_93 = arith.extui %ge3A_92 : i1 to i32
        %cond3A_94 = arith.constant 0 : i32
        %cond3A_95 = arith.cmpi ne, %convert_element_type3A_93, %cond3A_94 : i32
        scf.if %cond3A_95 {
          %dma_wait3A_96 = arith.constant 1 : i32
          %dma_wait3A_97 = arith.constant 0 : i32
          %dma_wait3A_98 = arith.constant 0 : i32
          %dma_wait3A_99 = tpu.memref_slice %arg6[%dma_wait3A_96, %dma_wait3A_97, %dma_wait3A_98] : memref<2x96x512xf32, #tpu.memory_space<vmem>> -> memref<1x96x512xf32, #tpu.memory_space<vmem>>
          %dma_wait3A_100 = tpu.memref_squeeze %dma_wait3A_99 : memref<1x96x512xf32, #tpu.memory_space<vmem>> -> memref<96x512xf32, #tpu.memory_space<vmem>>
          %dma_wait3A_101 = arith.constant 0 : i32
          %dma_wait3A_102 = tpu.memref_slice %arg4[%mul3A_2, %dma_wait3A_101] : memref<49152x512xf32, #tpu.memory_space<hbm>> -> memref<96x512xf32, #tpu.memory_space<hbm>>
          %dma_wait3A_103 = arith.constant 0 : i32
          %dma_wait3A_104 = arith.constant 0 : i32
          %dma_wait3A_105 = tpu.memref_slice %arg6[%dma_wait3A_96, %dma_wait3A_103, %dma_wait3A_104] : memref<2x96x512xf32, #tpu.memory_space<vmem>> -> memref<1x96x512xf32, #tpu.memory_space<vmem>>
          %dma_wait3A_106 = tpu.memref_squeeze %dma_wait3A_105 : memref<1x96x512xf32, #tpu.memory_space<vmem>> -> memref<96x512xf32, #tpu.memory_space<vmem>>
          %dma_wait3A_107 = arith.constant 0 : i32
          %dma_wait3A_108 = tpu.memref_slice %arg4[%mul3A_2, %dma_wait3A_107] : memref<49152x512xf32, #tpu.memory_space<hbm>> -> memref<96x512xf32, #tpu.memory_space<hbm>>
          tpu.wait_dma2 semaphore(%arg8 : memref<!tpu.dma_semaphore, #tpu.memory_space<semaphore_mem>>) src(%dma_wait3A_108 : memref<96x512xf32, #tpu.memory_space<hbm>>) dst(%dma_wait3A_106 : memref<96x512xf32, #tpu.memory_space<vmem>>)
          %sub3A = arith.constant 1 : i32
          %sub3A_109 = arith.subi %add3A_64, %sub3A : i32
          %mul3A_110 = arith.constant 96 : i32
          %mul3A_111 = arith.muli %sub3A_109, %mul3A_110 : i32
          %add3A_112 = arith.addi %mul3A_2, %mul3A_111 : i32
          %dma_start3A_113 = arith.constant 1 : i32
          %dma_start3A_114 = arith.constant 0 : i32
          %dma_start3A_115 = arith.constant 0 : i32
          %dma_start3A_116 = tpu.memref_slice %arg6[%dma_start3A_113, %dma_start3A_114, %dma_start3A_115] : memref<2x96x512xf32, #tpu.memory_space<vmem>> -> memref<1x96x512xf32, #tpu.memory_space<vmem>>
          %dma_start3A_117 = tpu.memref_squeeze %dma_start3A_116 : memref<1x96x512xf32, #tpu.memory_space<vmem>> -> memref<96x512xf32, #tpu.memory_space<vmem>>
          %dma_start3A_118 = arith.constant 0 : i32
          %dma_start3A_119 = tpu.memref_slice %arg4[%add3A_112, %dma_start3A_118] : memref<49152x512xf32, #tpu.memory_space<hbm>> -> memref<96x512xf32, #tpu.memory_space<hbm>>
          %dma_start3A_120 = arith.constant 0 : i32
          %dma_start3A_121 = tpu.memref_slice %arg4[%add3A_112, %dma_start3A_120] : memref<49152x512xf32, #tpu.memory_space<hbm>> -> memref<96x512xf32, #tpu.memory_space<hbm>>
          %dma_start3A_122 = arith.constant 0 : i32
          %dma_start3A_123 = arith.constant 0 : i32
          %dma_start3A_124 = tpu.memref_slice %arg6[%dma_start3A_113, %dma_start3A_122, %dma_start3A_123] : memref<2x96x512xf32, #tpu.memory_space<vmem>> -> memref<1x96x512xf32, #tpu.memory_space<vmem>>
          %dma_start3A_125 = tpu.memref_squeeze %dma_start3A_124 : memref<1x96x512xf32, #tpu.memory_space<vmem>> -> memref<96x512xf32, #tpu.memory_space<vmem>>
          tpu.enqueue_dma source(%dma_start3A_125 : memref<96x512xf32, #tpu.memory_space<vmem>>) target(%dma_start3A_121 : memref<96x512xf32, #tpu.memory_space<hbm>>) target_semaphore(%arg10 : memref<!tpu.dma_semaphore, #tpu.memory_space<semaphore_mem>>)
        } else {
        }
      } else {
      }
      %mul3A_67 = arith.constant 2 : i32
      %mul3A_68 = arith.muli %scan3A_60, %mul3A_67 : i32
      %add3A_69 = arith.constant 1 : i32
      %add3A_70 = arith.addi %mul3A_68, %add3A_69 : i32
      %lt3A_71 = arith.constant 16 : i32
      %lt3A_72 = arith.cmpi slt, %add3A_70, %lt3A_71 : i32
      %convert_element_type3A_73 = arith.extui %lt3A_72 : i1 to i32
      %cond3A_74 = arith.constant 0 : i32
      %cond3A_75 = arith.cmpi ne, %convert_element_type3A_73, %cond3A_74 : i32
      scf.if %cond3A_75 {
        %ge3A = arith.constant 2 : i32
        %ge3A_76 = arith.cmpi sge, %add3A_70, %ge3A : i32
        %convert_element_type3A_77 = arith.extui %ge3A_76 : i1 to i32
        %cond3A_78 = arith.constant 0 : i32
        %cond3A_79 = arith.cmpi ne, %convert_element_type3A_77, %cond3A_78 : i32
        scf.if %cond3A_79 {
          %dma_wait3A_96 = arith.constant 1 : i32
          %dma_wait3A_97 = arith.constant 0 : i32
          %dma_wait3A_98 = arith.constant 0 : i32
          %dma_wait3A_99 = tpu.memref_slice %arg6[%dma_wait3A_96, %dma_wait3A_97, %dma_wait3A_98] : memref<2x96x512xf32, #tpu.memory_space<vmem>> -> memref<1x96x512xf32, #tpu.memory_space<vmem>>
          %dma_wait3A_100 = tpu.memref_squeeze %dma_wait3A_99 : memref<1x96x512xf32, #tpu.memory_space<vmem>> -> memref<96x512xf32, #tpu.memory_space<vmem>>
          %dma_wait3A_101 = arith.constant 0 : i32
          %dma_wait3A_102 = tpu.memref_slice %arg4[%mul3A_2, %dma_wait3A_101] : memref<49152x512xf32, #tpu.memory_space<hbm>> -> memref<96x512xf32, #tpu.memory_space<hbm>>
          %dma_wait3A_103 = arith.constant 0 : i32
          %dma_wait3A_104 = tpu.memref_slice %arg4[%mul3A_2, %dma_wait3A_103] : memref<49152x512xf32, #tpu.memory_space<hbm>> -> memref<96x512xf32, #tpu.memory_space<hbm>>
          %dma_wait3A_105 = arith.constant 0 : i32
          %dma_wait3A_106 = arith.constant 0 : i32
          %dma_wait3A_107 = tpu.memref_slice %arg6[%dma_wait3A_96, %dma_wait3A_105, %dma_wait3A_106] : memref<2x96x512xf32, #tpu.memory_space<vmem>> -> memref<1x96x512xf32, #tpu.memory_space<vmem>>
          %dma_wait3A_108 = tpu.memref_squeeze %dma_wait3A_107 : memref<1x96x512xf32, #tpu.memory_space<vmem>> -> memref<96x512xf32, #tpu.memory_space<vmem>>
          tpu.wait_dma2 semaphore(%arg10 : memref<!tpu.dma_semaphore, #tpu.memory_space<semaphore_mem>>) src(%dma_wait3A_108 : memref<96x512xf32, #tpu.memory_space<vmem>>) dst(%dma_wait3A_104 : memref<96x512xf32, #tpu.memory_space<hbm>>)
        } else {
        }
        %mul3A_80 = arith.constant 96 : i32
        %mul3A_81 = arith.muli %add3A_70, %mul3A_80 : i32
        %dma_start3A_82 = arith.constant 1 : i32
        %dma_start3A_83 = arith.constant 0 : i32
        %dma_start3A_84 = arith.constant 0 : i32
        %dma_start3A_85 = tpu.memref_slice %arg6[%dma_start3A_82, %dma_start3A_83, %dma_start3A_84] : memref<2x96x512xf32, #tpu.memory_space<vmem>> -> memref<1x96x512xf32, #tpu.memory_space<vmem>>
        %dma_start3A_86 = tpu.memref_squeeze %dma_start3A_85 : memref<1x96x512xf32, #tpu.memory_space<vmem>> -> memref<96x512xf32, #tpu.memory_space<vmem>>
        %dma_start3A_87 = tpu.memref_slice %arg5[%mul3A_81] : memref<1536xi32, #tpu.memory_space<vmem>> -> memref<96xi32, #tpu.memory_space<vmem>>
        %dma_start3A_88 = arith.constant 0 : i32
        %dma_start3A_89 = arith.constant 0 : i32
        %dma_start3A_90 = tpu.memref_slice %arg2[%dma_start3A_88, %dma_start3A_89] : memref<1536x512xf32, #tpu.memory_space<hbm>> -> memref<1536x512xf32, #tpu.memory_space<hbm>>
        tpu.enqueue_indirect_dma source(%dma_start3A_90 : memref<1536x512xf32, #tpu.memory_space<hbm>>) target(%dma_start3A_86 : memref<96x512xf32, #tpu.memory_space<vmem>>) offsets(%dma_start3A_87 : memref<96xi32, #tpu.memory_space<vmem>>) semaphore(%arg8 : memref<!tpu.dma_semaphore, #tpu.memory_space<semaphore_mem>>)
        %ge3A_91 = arith.constant 1 : i32
        %ge3A_92 = arith.cmpi sge, %add3A_70, %ge3A_91 : i32
        %convert_element_type3A_93 = arith.extui %ge3A_92 : i1 to i32
        %cond3A_94 = arith.constant 0 : i32
        %cond3A_95 = arith.cmpi ne, %convert_element_type3A_93, %cond3A_94 : i32
        scf.if %cond3A_95 {
          %dma_wait3A_96 = arith.constant 0 : i32
          %dma_wait3A_97 = arith.constant 0 : i32
          %dma_wait3A_98 = arith.constant 0 : i32
          %dma_wait3A_99 = tpu.memref_slice %arg6[%dma_wait3A_96, %dma_wait3A_97, %dma_wait3A_98] : memref<2x96x512xf32, #tpu.memory_space<vmem>> -> memref<1x96x512xf32, #tpu.memory_space<vmem>>
          %dma_wait3A_100 = tpu.memref_squeeze %dma_wait3A_99 : memref<1x96x512xf32, #tpu.memory_space<vmem>> -> memref<96x512xf32, #tpu.memory_space<vmem>>
          %dma_wait3A_101 = arith.constant 0 : i32
          %dma_wait3A_102 = tpu.memref_slice %arg4[%mul3A_2, %dma_wait3A_101] : memref<49152x512xf32, #tpu.memory_space<hbm>> -> memref<96x512xf32, #tpu.memory_space<hbm>>
          %dma_wait3A_103 = arith.constant 0 : i32
          %dma_wait3A_104 = arith.constant 0 : i32
          %dma_wait3A_105 = tpu.memref_slice %arg6[%dma_wait3A_96, %dma_wait3A_103, %dma_wait3A_104] : memref<2x96x512xf32, #tpu.memory_space<vmem>> -> memref<1x96x512xf32, #tpu.memory_space<vmem>>
          %dma_wait3A_106 = tpu.memref_squeeze %dma_wait3A_105 : memref<1x96x512xf32, #tpu.memory_space<vmem>> -> memref<96x512xf32, #tpu.memory_space<vmem>>
          %dma_wait3A_107 = arith.constant 0 : i32
          %dma_wait3A_108 = tpu.memref_slice %arg4[%mul3A_2, %dma_wait3A_107] : memref<49152x512xf32, #tpu.memory_space<hbm>> -> memref<96x512xf32, #tpu.memory_space<hbm>>
          tpu.wait_dma2 semaphore(%arg7 : memref<!tpu.dma_semaphore, #tpu.memory_space<semaphore_mem>>) src(%dma_wait3A_108 : memref<96x512xf32, #tpu.memory_space<hbm>>) dst(%dma_wait3A_106 : memref<96x512xf32, #tpu.memory_space<vmem>>)
          %sub3A = arith.constant 1 : i32
          %sub3A_109 = arith.subi %add3A_70, %sub3A : i32
          %mul3A_110 = arith.constant 96 : i32
          %mul3A_111 = arith.muli %sub3A_109, %mul3A_110 : i32
          %add3A_112 = arith.addi %mul3A_2, %mul3A_111 : i32
          %dma_start3A_113 = arith.constant 0 : i32
          %dma_start3A_114 = arith.constant 0 : i32
          %dma_start3A_115 = arith.constant 0 : i32
          %dma_start3A_116 = tpu.memref_slice %arg6[%dma_start3A_113, %dma_start3A_114, %dma_start3A_115] : memref<2x96x512xf32, #tpu.memory_space<vmem>> -> memref<1x96x512xf32, #tpu.memory_space<vmem>>
          %dma_start3A_117 = tpu.memref_squeeze %dma_start3A_116 : memref<1x96x512xf32, #tpu.memory_space<vmem>> -> memref<96x512xf32, #tpu.memory_space<vmem>>
          %dma_start3A_118 = arith.constant 0 : i32
          %dma_start3A_119 = tpu.memref_slice %arg4[%add3A_112, %dma_start3A_118] : memref<49152x512xf32, #tpu.memory_space<hbm>> -> memref<96x512xf32, #tpu.memory_space<hbm>>
          %dma_start3A_120 = arith.constant 0 : i32
          %dma_start3A_121 = tpu.memref_slice %arg4[%add3A_112, %dma_start3A_120] : memref<49152x512xf32, #tpu.memory_space<hbm>> -> memref<96x512xf32, #tpu.memory_space<hbm>>
          %dma_start3A_122 = arith.constant 0 : i32
          %dma_start3A_123 = arith.constant 0 : i32
          %dma_start3A_124 = tpu.memref_slice %arg6[%dma_start3A_113, %dma_start3A_122, %dma_start3A_123] : memref<2x96x512xf32, #tpu.memory_space<vmem>> -> memref<1x96x512xf32, #tpu.memory_space<vmem>>
          %dma_start3A_125 = tpu.memref_squeeze %dma_start3A_124 : memref<1x96x512xf32, #tpu.memory_space<vmem>> -> memref<96x512xf32, #tpu.memory_space<vmem>>
          tpu.enqueue_dma source(%dma_start3A_125 : memref<96x512xf32, #tpu.memory_space<vmem>>) target(%dma_start3A_121 : memref<96x512xf32, #tpu.memory_space<hbm>>) target_semaphore(%arg9 : memref<!tpu.dma_semaphore, #tpu.memory_space<semaphore_mem>>)
        } else {
        }
      } else {
      }
    }
    %scan3A_7 = arith.constant 8 : i32
    %dma_wait3A = arith.constant 1 : i32
    %dma_wait3A_8 = arith.constant 0 : i32
    %dma_wait3A_9 = arith.constant 0 : i32
    %dma_wait3A_10 = tpu.memref_slice %arg6[%dma_wait3A, %dma_wait3A_8, %dma_wait3A_9] : memref<2x96x512xf32, #tpu.memory_space<vmem>> -> memref<1x96x512xf32, #tpu.memory_space<vmem>>
    %dma_wait3A_11 = tpu.memref_squeeze %dma_wait3A_10 : memref<1x96x512xf32, #tpu.memory_space<vmem>> -> memref<96x512xf32, #tpu.memory_space<vmem>>
    %dma_wait3A_12 = arith.constant 0 : i32
    %dma_wait3A_13 = tpu.memref_slice %arg4[%mul3A_2, %dma_wait3A_12] : memref<49152x512xf32, #tpu.memory_space<hbm>> -> memref<96x512xf32, #tpu.memory_space<hbm>>
    %dma_wait3A_14 = arith.constant 0 : i32
    %dma_wait3A_15 = arith.constant 0 : i32
    %dma_wait3A_16 = tpu.memref_slice %arg6[%dma_wait3A, %dma_wait3A_14, %dma_wait3A_15] : memref<2x96x512xf32, #tpu.memory_space<vmem>> -> memref<1x96x512xf32, #tpu.memory_space<vmem>>
    %dma_wait3A_17 = tpu.memref_squeeze %dma_wait3A_16 : memref<1x96x512xf32, #tpu.memory_space<vmem>> -> memref<96x512xf32, #tpu.memory_space<vmem>>
    %dma_wait3A_18 = arith.constant 0 : i32
    %dma_wait3A_19 = tpu.memref_slice %arg4[%mul3A_2, %dma_wait3A_18] : memref<49152x512xf32, #tpu.memory_space<hbm>> -> memref<96x512xf32, #tpu.memory_space<hbm>>
    tpu.wait_dma2 semaphore(%arg8 : memref<!tpu.dma_semaphore, #tpu.memory_space<semaphore_mem>>) src(%dma_wait3A_19 : memref<96x512xf32, #tpu.memory_space<hbm>>) dst(%dma_wait3A_17 : memref<96x512xf32, #tpu.memory_space<vmem>>)
    %add3A_20 = arith.constant 1440 : i32
    %add3A_21 = arith.addi %mul3A_2, %add3A_20 : i32
    %dma_start3A = arith.constant 1 : i32
    %dma_start3A_22 = arith.constant 0 : i32
    %dma_start3A_23 = arith.constant 0 : i32
    %dma_start3A_24 = tpu.memref_slice %arg6[%dma_start3A, %dma_start3A_22, %dma_start3A_23] : memref<2x96x512xf32, #tpu.memory_space<vmem>> -> memref<1x96x512xf32, #tpu.memory_space<vmem>>
    %dma_start3A_25 = tpu.memref_squeeze %dma_start3A_24 : memref<1x96x512xf32, #tpu.memory_space<vmem>> -> memref<96x512xf32, #tpu.memory_space<vmem>>
    %dma_start3A_26 = arith.constant 0 : i32
    %dma_start3A_27 = tpu.memref_slice %arg4[%add3A_21, %dma_start3A_26] : memref<49152x512xf32, #tpu.memory_space<hbm>> -> memref<96x512xf32, #tpu.memory_space<hbm>>
    %dma_start3A_28 = arith.constant 0 : i32
    %dma_start3A_29 = tpu.memref_slice %arg4[%add3A_21, %dma_start3A_28] : memref<49152x512xf32, #tpu.memory_space<hbm>> -> memref<96x512xf32, #tpu.memory_space<hbm>>
    %dma_start3A_30 = arith.constant 0 : i32
    %dma_start3A_31 = arith.constant 0 : i32
    %dma_start3A_32 = tpu.memref_slice %arg6[%dma_start3A, %dma_start3A_30, %dma_start3A_31] : memref<2x96x512xf32, #tpu.memory_space<vmem>> -> memref<1x96x512xf32, #tpu.memory_space<vmem>>
    %dma_start3A_33 = tpu.memref_squeeze %dma_start3A_32 : memref<1x96x512xf32, #tpu.memory_space<vmem>> -> memref<96x512xf32, #tpu.memory_space<vmem>>
    tpu.enqueue_dma source(%dma_start3A_33 : memref<96x512xf32, #tpu.memory_space<vmem>>) target(%dma_start3A_29 : memref<96x512xf32, #tpu.memory_space<hbm>>) target_semaphore(%arg10 : memref<!tpu.dma_semaphore, #tpu.memory_space<semaphore_mem>>)
    %dma_wait3A_34 = arith.constant 0 : i32
    %dma_wait3A_35 = arith.constant 0 : i32
    %dma_wait3A_36 = arith.constant 0 : i32
    %dma_wait3A_37 = tpu.memref_slice %arg6[%dma_wait3A_34, %dma_wait3A_35, %dma_wait3A_36] : memref<2x96x512xf32, #tpu.memory_space<vmem>> -> memref<1x96x512xf32, #tpu.memory_space<vmem>>
    %dma_wait3A_38 = tpu.memref_squeeze %dma_wait3A_37 : memref<1x96x512xf32, #tpu.memory_space<vmem>> -> memref<96x512xf32, #tpu.memory_space<vmem>>
    %dma_wait3A_39 = arith.constant 0 : i32
    %dma_wait3A_40 = tpu.memref_slice %arg4[%mul3A_2, %dma_wait3A_39] : memref<49152x512xf32, #tpu.memory_space<hbm>> -> memref<96x512xf32, #tpu.memory_space<hbm>>
    %dma_wait3A_41 = arith.constant 0 : i32
    %dma_wait3A_42 = tpu.memref_slice %arg4[%mul3A_2, %dma_wait3A_41] : memref<49152x512xf32, #tpu.memory_space<hbm>> -> memref<96x512xf32, #tpu.memory_space<hbm>>
    %dma_wait3A_43 = arith.constant 0 : i32
    %dma_wait3A_44 = arith.constant 0 : i32
    %dma_wait3A_45 = tpu.memref_slice %arg6[%dma_wait3A_34, %dma_wait3A_43, %dma_wait3A_44] : memref<2x96x512xf32, #tpu.memory_space<vmem>> -> memref<1x96x512xf32, #tpu.memory_space<vmem>>
    %dma_wait3A_46 = tpu.memref_squeeze %dma_wait3A_45 : memref<1x96x512xf32, #tpu.memory_space<vmem>> -> memref<96x512xf32, #tpu.memory_space<vmem>>
    tpu.wait_dma2 semaphore(%arg9 : memref<!tpu.dma_semaphore, #tpu.memory_space<semaphore_mem>>) src(%dma_wait3A_46 : memref<96x512xf32, #tpu.memory_space<vmem>>) dst(%dma_wait3A_42 : memref<96x512xf32, #tpu.memory_space<hbm>>)
    %dma_wait3A_47 = arith.constant 1 : i32
    %dma_wait3A_48 = arith.constant 0 : i32
    %dma_wait3A_49 = arith.constant 0 : i32
    %dma_wait3A_50 = tpu.memref_slice %arg6[%dma_wait3A_47, %dma_wait3A_48, %dma_wait3A_49] : memref<2x96x512xf32, #tpu.memory_space<vmem>> -> memref<1x96x512xf32, #tpu.memory_space<vmem>>
    %dma_wait3A_51 = tpu.memref_squeeze %dma_wait3A_50 : memref<1x96x512xf32, #tpu.memory_space<vmem>> -> memref<96x512xf32, #tpu.memory_space<vmem>>
    %dma_wait3A_52 = arith.constant 0 : i32
    %dma_wait3A_53 = tpu.memref_slice %arg4[%mul3A_2, %dma_wait3A_52] : memref<49152x512xf32, #tpu.memory_space<hbm>> -> memref<96x512xf32, #tpu.memory_space<hbm>>
    %dma_wait3A_54 = arith.constant 0 : i32
    %dma_wait3A_55 = tpu.memref_slice %arg4[%mul3A_2, %dma_wait3A_54] : memref<49152x512xf32, #tpu.memory_space<hbm>> -> memref<96x512xf32, #tpu.memory_space<hbm>>
    %dma_wait3A_56 = arith.constant 0 : i32
    %dma_wait3A_57 = arith.constant 0 : i32
    %dma_wait3A_58 = tpu.memref_slice %arg6[%dma_wait3A_47, %dma_wait3A_56, %dma_wait3A_57] : memref<2x96x512xf32, #tpu.memory_space<vmem>> -> memref<1x96x512xf32, #tpu.memory_space<vmem>>
    %dma_wait3A_59 = tpu.memref_squeeze %dma_wait3A_58 : memref<1x96x512xf32, #tpu.memory_space<vmem>> -> memref<96x512xf32, #tpu.memory_space<vmem>>
    tpu.wait_dma2 semaphore(%arg10 : memref<!tpu.dma_semaphore, #tpu.memory_space<semaphore_mem>>) src(%dma_wait3A_59 : memref<96x512xf32, #tpu.memory_space<vmem>>) dst(%dma_wait3A_55 : memref<96x512xf32, #tpu.memory_space<hbm>>)
    return
  }
}

#map = affine_map<(d0, d1) -> (0, 0)>
#map1 = affine_map<(d0, d1) -> (0)>
module attributes {stable_mosaic.version = 14 : i64} {
  func.func @gather_k(%arg0: i32, %arg1: i32, %arg2: memref<1536x256xf32, #tpu.memory_space<hbm>>, %arg3: memref<512xi32, #tpu.memory_space<hbm>>, %arg4: memref<512x256xf32, #tpu.memory_space<hbm>>, %arg5: memref<16xi32, #tpu.memory_space<vmem>>, %arg6: memref<2x16x256xf32, #tpu.memory_space<vmem>>, %arg7: memref<!tpu.dma_semaphore, #tpu.memory_space<semaphore_mem>>, %arg8: memref<!tpu.dma_semaphore, #tpu.memory_space<semaphore_mem>>, %arg9: memref<!tpu.dma_semaphore, #tpu.memory_space<semaphore_mem>>, %arg10: memref<!tpu.dma_semaphore, #tpu.memory_space<semaphore_mem>>) attributes {dimension_semantics = [#tpu.dimension_semantics<core_parallel>, #tpu.dimension_semantics<subcore_parallel>], iteration_bounds = array<i64: 2, 16>, scalar_prefetch = 0 : i64, scratch_operands = 6 : i64, tpu.core_type = #tpu.core_type<sc_vector_subcore>, window_params = [{transform_indices = #map}, {transform_indices = #map1}, {transform_indices = #map}]} {
    %mul3A = arith.constant 2 : i32
    %mul3A_0 = arith.muli %arg1, %mul3A : i32
    %add3A = arith.addi %mul3A_0, %arg0 : i32
    %mul3A_1 = arith.constant 16 : i32
    %mul3A_2 = arith.muli %add3A, %mul3A_1 : i32
    "tpu.region"() ({
      %run_scoped3A_17 = tpu.sem_alloc : memref<!tpu.dma_semaphore, #tpu.memory_space<semaphore_mem>>
      %dma_start3A_18 = tpu.memref_slice %arg3[%mul3A_2] : memref<512xi32, #tpu.memory_space<hbm>> -> memref<16xi32, #tpu.memory_space<hbm>>
      %dma_start3A_19 = tpu.memref_slice %arg3[%mul3A_2] : memref<512xi32, #tpu.memory_space<hbm>> -> memref<16xi32, #tpu.memory_space<hbm>>
      tpu.enqueue_dma source(%dma_start3A_19 : memref<16xi32, #tpu.memory_space<hbm>>) target(%arg5 : memref<16xi32, #tpu.memory_space<vmem>>) target_semaphore(%run_scoped3A_17 : memref<!tpu.dma_semaphore, #tpu.memory_space<semaphore_mem>>)
      %dma_wait3A_20 = tpu.memref_slice %arg3[%mul3A_2] : memref<512xi32, #tpu.memory_space<hbm>> -> memref<16xi32, #tpu.memory_space<hbm>>
      %dma_wait3A_21 = tpu.memref_slice %arg3[%mul3A_2] : memref<512xi32, #tpu.memory_space<hbm>> -> memref<16xi32, #tpu.memory_space<hbm>>
      tpu.wait_dma2 semaphore(%run_scoped3A_17 : memref<!tpu.dma_semaphore, #tpu.memory_space<semaphore_mem>>) src(%dma_wait3A_21 : memref<16xi32, #tpu.memory_space<hbm>>) dst(%arg5 : memref<16xi32, #tpu.memory_space<vmem>>)
      tpu.yield
    }) : () -> ()
    %dma_start3A = arith.constant 0 : i32
    %dma_start3A_3 = arith.constant 0 : i32
    %dma_start3A_4 = arith.constant 0 : i32
    %dma_start3A_5 = tpu.memref_slice %arg6[%dma_start3A, %dma_start3A_3, %dma_start3A_4] : memref<2x16x256xf32, #tpu.memory_space<vmem>> -> memref<1x16x256xf32, #tpu.memory_space<vmem>>
    %dma_start3A_6 = tpu.memref_squeeze %dma_start3A_5 : memref<1x16x256xf32, #tpu.memory_space<vmem>> -> memref<16x256xf32, #tpu.memory_space<vmem>>
    %dma_start3A_7 = arith.constant 0 : i32
    %dma_start3A_8 = arith.constant 0 : i32
    %dma_start3A_9 = tpu.memref_slice %arg2[%dma_start3A_7, %dma_start3A_8] : memref<1536x256xf32, #tpu.memory_space<hbm>> -> memref<1536x256xf32, #tpu.memory_space<hbm>>
    tpu.enqueue_indirect_dma source(%dma_start3A_9 : memref<1536x256xf32, #tpu.memory_space<hbm>>) target(%dma_start3A_6 : memref<16x256xf32, #tpu.memory_space<vmem>>) offsets(%arg5 : memref<16xi32, #tpu.memory_space<vmem>>) semaphore(%arg7 : memref<!tpu.dma_semaphore, #tpu.memory_space<semaphore_mem>>)
    %dma_wait3A = arith.constant 0 : i32
    %dma_wait3A_10 = arith.constant 0 : i32
    %dma_wait3A_11 = arith.constant 0 : i32
    %dma_wait3A_12 = tpu.memref_slice %arg6[%dma_wait3A, %dma_wait3A_10, %dma_wait3A_11] : memref<2x16x256xf32, #tpu.memory_space<vmem>> -> memref<1x16x256xf32, #tpu.memory_space<vmem>>
    %dma_wait3A_13 = tpu.memref_squeeze %dma_wait3A_12 : memref<1x16x256xf32, #tpu.memory_space<vmem>> -> memref<16x256xf32, #tpu.memory_space<vmem>>
    %dma_wait3A_14 = arith.constant 0 : i32
    %dma_wait3A_15 = arith.constant 0 : i32
    %dma_wait3A_16 = tpu.memref_slice %arg2[%dma_wait3A_14, %dma_wait3A_15] : memref<1536x256xf32, #tpu.memory_space<hbm>> -> memref<1536x256xf32, #tpu.memory_space<hbm>>
    tpu.wait_indirect_dma semaphore(%arg7 : memref<!tpu.dma_semaphore, #tpu.memory_space<semaphore_mem>>) src(%dma_wait3A_16 : memref<1536x256xf32, #tpu.memory_space<hbm>>) dst(%dma_wait3A_13 : memref<16x256xf32, #tpu.memory_space<vmem>>)
    %run_scoped3A = arith.constant 0 : i32
    "tpu.region"() ({
      %run_scoped3A_17 = tpu.sem_alloc : memref<!tpu.dma_semaphore, #tpu.memory_space<semaphore_mem>>
      %dma_start3A_18 = arith.constant 0 : i32
      %dma_start3A_19 = arith.constant 0 : i32
      %dma_start3A_20 = tpu.memref_slice %arg6[%run_scoped3A, %dma_start3A_18, %dma_start3A_19] : memref<2x16x256xf32, #tpu.memory_space<vmem>> -> memref<1x16x256xf32, #tpu.memory_space<vmem>>
      %dma_start3A_21 = tpu.memref_squeeze %dma_start3A_20 : memref<1x16x256xf32, #tpu.memory_space<vmem>> -> memref<16x256xf32, #tpu.memory_space<vmem>>
      %dma_start3A_22 = arith.constant 0 : i32
      %dma_start3A_23 = tpu.memref_slice %arg4[%mul3A_2, %dma_start3A_22] : memref<512x256xf32, #tpu.memory_space<hbm>> -> memref<16x256xf32, #tpu.memory_space<hbm>>
      %dma_start3A_24 = arith.constant 0 : i32
      %dma_start3A_25 = tpu.memref_slice %arg4[%mul3A_2, %dma_start3A_24] : memref<512x256xf32, #tpu.memory_space<hbm>> -> memref<16x256xf32, #tpu.memory_space<hbm>>
      %dma_start3A_26 = arith.constant 0 : i32
      %dma_start3A_27 = arith.constant 0 : i32
      %dma_start3A_28 = tpu.memref_slice %arg6[%run_scoped3A, %dma_start3A_26, %dma_start3A_27] : memref<2x16x256xf32, #tpu.memory_space<vmem>> -> memref<1x16x256xf32, #tpu.memory_space<vmem>>
      %dma_start3A_29 = tpu.memref_squeeze %dma_start3A_28 : memref<1x16x256xf32, #tpu.memory_space<vmem>> -> memref<16x256xf32, #tpu.memory_space<vmem>>
      tpu.enqueue_dma source(%dma_start3A_29 : memref<16x256xf32, #tpu.memory_space<vmem>>) target(%dma_start3A_25 : memref<16x256xf32, #tpu.memory_space<hbm>>) target_semaphore(%run_scoped3A_17 : memref<!tpu.dma_semaphore, #tpu.memory_space<semaphore_mem>>)
      %dma_wait3A_30 = arith.constant 0 : i32
      %dma_wait3A_31 = arith.constant 0 : i32
      %dma_wait3A_32 = tpu.memref_slice %arg6[%run_scoped3A, %dma_wait3A_30, %dma_wait3A_31] : memref<2x16x256xf32, #tpu.memory_space<vmem>> -> memref<1x16x256xf32, #tpu.memory_space<vmem>>
      %dma_wait3A_33 = tpu.memref_squeeze %dma_wait3A_32 : memref<1x16x256xf32, #tpu.memory_space<vmem>> -> memref<16x256xf32, #tpu.memory_space<vmem>>
      %dma_wait3A_34 = arith.constant 0 : i32
      %dma_wait3A_35 = tpu.memref_slice %arg4[%mul3A_2, %dma_wait3A_34] : memref<512x256xf32, #tpu.memory_space<hbm>> -> memref<16x256xf32, #tpu.memory_space<hbm>>
      %dma_wait3A_36 = arith.constant 0 : i32
      %dma_wait3A_37 = tpu.memref_slice %arg4[%mul3A_2, %dma_wait3A_36] : memref<512x256xf32, #tpu.memory_space<hbm>> -> memref<16x256xf32, #tpu.memory_space<hbm>>
      %dma_wait3A_38 = arith.constant 0 : i32
      %dma_wait3A_39 = arith.constant 0 : i32
      %dma_wait3A_40 = tpu.memref_slice %arg6[%run_scoped3A, %dma_wait3A_38, %dma_wait3A_39] : memref<2x16x256xf32, #tpu.memory_space<vmem>> -> memref<1x16x256xf32, #tpu.memory_space<vmem>>
      %dma_wait3A_41 = tpu.memref_squeeze %dma_wait3A_40 : memref<1x16x256xf32, #tpu.memory_space<vmem>> -> memref<16x256xf32, #tpu.memory_space<vmem>>
      tpu.wait_dma2 semaphore(%run_scoped3A_17 : memref<!tpu.dma_semaphore, #tpu.memory_space<semaphore_mem>>) src(%dma_wait3A_41 : memref<16x256xf32, #tpu.memory_space<vmem>>) dst(%dma_wait3A_37 : memref<16x256xf32, #tpu.memory_space<hbm>>)
      tpu.yield
    }) : () -> ()
    return
  }
}

#map = affine_map<(d0, d1) -> (0)>
#map1 = affine_map<(d0, d1) -> (0, 0)>
module attributes {stable_mosaic.version = 14 : i64} {
  func.func @scatter_k(%arg0: i32, %arg1: i32, %arg2: memref<5376xi32, #tpu.memory_space<hbm>>, %arg3: memref<1408x128xi32, #tpu.memory_space<hbm>>, %arg4: memref<1408x128xf32, #tpu.memory_space<hbm>>, %arg5: memref<5376xf32, #tpu.memory_space<hbm>>, %arg6: memref<5376xf32, #tpu.memory_space<hbm>>, %arg7: memref<88x128xi32, #tpu.memory_space<vmem>>, %arg8: memref<88x128xf32, #tpu.memory_space<vmem>>, %arg9: memref<88x128xi32, #tpu.memory_space<vmem>>, %arg10: memref<5376xf32, #tpu.memory_space<vmem_shared>>, %arg11: memref<!tpu.dma_semaphore, #tpu.memory_space<semaphore_mem>>) attributes {dimension_semantics = [#tpu.dimension_semantics<core_parallel>, #tpu.dimension_semantics<subcore_parallel>], iteration_bounds = array<i64: 2, 16>, scalar_prefetch = 0 : i64, scratch_operands = 5 : i64, tpu.core_type = #tpu.core_type<sc_vector_subcore>, window_params = [{transform_indices = #map}, {transform_indices = #map1}, {transform_indices = #map1}, {transform_indices = #map}, {transform_indices = #map}]} {
    %eq3A = arith.constant 0 : i32
    %eq3A_0 = arith.cmpi eq, %arg0, %eq3A : i32
    %eq3A_1 = arith.constant 0 : i32
    %eq3A_2 = arith.cmpi eq, %arg1, %eq3A_1 : i32
    %and3A = arith.andi %eq3A_0, %eq3A_2 : i1
    %convert_element_type3A = arith.extui %and3A : i1 to i32
    %cond3A = arith.constant 0 : i32
    %cond3A_3 = arith.cmpi ne, %convert_element_type3A, %cond3A : i32
    scf.if %cond3A_3 {
      "tpu.region"() ({
        %run_scoped3A = tpu.sem_alloc : memref<!tpu.dma_semaphore, #tpu.memory_space<semaphore_mem>>
        tpu.enqueue_dma source(%arg5 : memref<5376xf32, #tpu.memory_space<hbm>>) target(%arg10 : memref<5376xf32, #tpu.memory_space<vmem_shared>>) target_semaphore(%run_scoped3A : memref<!tpu.dma_semaphore, #tpu.memory_space<semaphore_mem>>)
        tpu.wait_dma2 semaphore(%run_scoped3A : memref<!tpu.dma_semaphore, #tpu.memory_space<semaphore_mem>>) src(%arg5 : memref<5376xf32, #tpu.memory_space<hbm>>) dst(%arg10 : memref<5376xf32, #tpu.memory_space<vmem_shared>>)
        tpu.yield
      }) : () -> ()
    } else {
    }
    %barrier3A = arith.constant 0 : index
    tpu.barrier barrier_id(%barrier3A)
    %convert_element_type3A_4 = arith.extui %eq3A_0 : i1 to i32
    %cond3A_5 = arith.constant 0 : i32
    %cond3A_6 = arith.cmpi ne, %convert_element_type3A_4, %cond3A_5 : i32
    scf.if %cond3A_6 {
      %mul3A = arith.constant 88 : i32
      %mul3A_14 = arith.muli %arg1, %mul3A : i32
      "tpu.region"() ({
        %run_scoped3A = tpu.sem_alloc : memref<!tpu.dma_semaphore, #tpu.memory_space<semaphore_mem>>
        %dma_start3A = arith.constant 0 : i32
        %dma_start3A_20 = tpu.memref_slice %arg3[%mul3A_14, %dma_start3A] : memref<1408x128xi32, #tpu.memory_space<hbm>> -> memref<88x128xi32, #tpu.memory_space<hbm>>
        %dma_start3A_21 = arith.constant 0 : i32
        %dma_start3A_22 = tpu.memref_slice %arg3[%mul3A_14, %dma_start3A_21] : memref<1408x128xi32, #tpu.memory_space<hbm>> -> memref<88x128xi32, #tpu.memory_space<hbm>>
        tpu.enqueue_dma source(%dma_start3A_22 : memref<88x128xi32, #tpu.memory_space<hbm>>) target(%arg7 : memref<88x128xi32, #tpu.memory_space<vmem>>) target_semaphore(%run_scoped3A : memref<!tpu.dma_semaphore, #tpu.memory_space<semaphore_mem>>)
        %dma_wait3A = arith.constant 0 : i32
        %dma_wait3A_23 = tpu.memref_slice %arg3[%mul3A_14, %dma_wait3A] : memref<1408x128xi32, #tpu.memory_space<hbm>> -> memref<88x128xi32, #tpu.memory_space<hbm>>
        %dma_wait3A_24 = arith.constant 0 : i32
        %dma_wait3A_25 = tpu.memref_slice %arg3[%mul3A_14, %dma_wait3A_24] : memref<1408x128xi32, #tpu.memory_space<hbm>> -> memref<88x128xi32, #tpu.memory_space<hbm>>
        tpu.wait_dma2 semaphore(%run_scoped3A : memref<!tpu.dma_semaphore, #tpu.memory_space<semaphore_mem>>) src(%dma_wait3A_25 : memref<88x128xi32, #tpu.memory_space<hbm>>) dst(%arg7 : memref<88x128xi32, #tpu.memory_space<vmem>>)
        tpu.yield
      }) : () -> ()
      "tpu.region"() ({
        %run_scoped3A = tpu.sem_alloc : memref<!tpu.dma_semaphore, #tpu.memory_space<semaphore_mem>>
        %dma_start3A = arith.constant 0 : i32
        %dma_start3A_20 = tpu.memref_slice %arg4[%mul3A_14, %dma_start3A] : memref<1408x128xf32, #tpu.memory_space<hbm>> -> memref<88x128xf32, #tpu.memory_space<hbm>>
        %dma_start3A_21 = arith.constant 0 : i32
        %dma_start3A_22 = tpu.memref_slice %arg4[%mul3A_14, %dma_start3A_21] : memref<1408x128xf32, #tpu.memory_space<hbm>> -> memref<88x128xf32, #tpu.memory_space<hbm>>
        tpu.enqueue_dma source(%dma_start3A_22 : memref<88x128xf32, #tpu.memory_space<hbm>>) target(%arg8 : memref<88x128xf32, #tpu.memory_space<vmem>>) target_semaphore(%run_scoped3A : memref<!tpu.dma_semaphore, #tpu.memory_space<semaphore_mem>>)
        %dma_wait3A = arith.constant 0 : i32
        %dma_wait3A_23 = tpu.memref_slice %arg4[%mul3A_14, %dma_wait3A] : memref<1408x128xf32, #tpu.memory_space<hbm>> -> memref<88x128xf32, #tpu.memory_space<hbm>>
        %dma_wait3A_24 = arith.constant 0 : i32
        %dma_wait3A_25 = tpu.memref_slice %arg4[%mul3A_14, %dma_wait3A_24] : memref<1408x128xf32, #tpu.memory_space<hbm>> -> memref<88x128xf32, #tpu.memory_space<hbm>>
        tpu.wait_dma2 semaphore(%run_scoped3A : memref<!tpu.dma_semaphore, #tpu.memory_space<semaphore_mem>>) src(%dma_wait3A_25 : memref<88x128xf32, #tpu.memory_space<hbm>>) dst(%arg8 : memref<88x128xf32, #tpu.memory_space<vmem>>)
        tpu.yield
      }) : () -> ()
      %scan3A = arith.constant 0 : i32
      %scan3A_15 = arith.constant 0 : i32
      %scan3A_16 = arith.constant 88 : i32
      %scan3A_17 = arith.addi %scan3A_15, %scan3A_16 : i32
      %scan3A_18 = arith.constant 1 : i32
      scf.for %scan3A_20 = %scan3A_15 to %scan3A_17 step %scan3A_18  : i32 {
        %dma_start3A = arith.constant 0 : i32
        %dma_start3A_21 = tpu.memref_slice %arg9[%scan3A_20, %dma_start3A] : memref<88x128xi32, #tpu.memory_space<vmem>> -> memref<1x128xi32, #tpu.memory_space<vmem>>
        %dma_start3A_22 = tpu.memref_squeeze %dma_start3A_21 : memref<1x128xi32, #tpu.memory_space<vmem>> -> memref<128xi32, #tpu.memory_space<vmem>>
        %dma_start3A_23 = arith.constant 0 : i32
        %dma_start3A_24 = tpu.memref_slice %arg7[%scan3A_20, %dma_start3A_23] : memref<88x128xi32, #tpu.memory_space<vmem>> -> memref<1x128xi32, #tpu.memory_space<vmem>>
        %dma_start3A_25 = tpu.memref_squeeze %dma_start3A_24 : memref<1x128xi32, #tpu.memory_space<vmem>> -> memref<128xi32, #tpu.memory_space<vmem>>
        %dma_start3A_26 = arith.constant 0 : i32
        %dma_start3A_27 = tpu.memref_slice %arg2[%dma_start3A_26] : memref<5376xi32, #tpu.memory_space<hbm>> -> memref<5376xi32, #tpu.memory_space<hbm>>
        tpu.enqueue_indirect_dma source(%dma_start3A_27 : memref<5376xi32, #tpu.memory_space<hbm>>) target(%dma_start3A_22 : memref<128xi32, #tpu.memory_space<vmem>>) offsets(%dma_start3A_25 : memref<128xi32, #tpu.memory_space<vmem>>) semaphore(%arg11 : memref<!tpu.dma_semaphore, #tpu.memory_space<semaphore_mem>>)
        %dma_wait3A = arith.constant 0 : i32
        %dma_wait3A_28 = tpu.memref_slice %arg9[%scan3A_20, %dma_wait3A] : memref<88x128xi32, #tpu.memory_space<vmem>> -> memref<1x128xi32, #tpu.memory_space<vmem>>
        %dma_wait3A_29 = tpu.memref_squeeze %dma_wait3A_28 : memref<1x128xi32, #tpu.memory_space<vmem>> -> memref<128xi32, #tpu.memory_space<vmem>>
        %dma_wait3A_30 = arith.constant 0 : i32
        %dma_wait3A_31 = tpu.memref_slice %arg7[%scan3A_20, %dma_wait3A_30] : memref<88x128xi32, #tpu.memory_space<vmem>> -> memref<1x128xi32, #tpu.memory_space<vmem>>
        %dma_wait3A_32 = tpu.memref_squeeze %dma_wait3A_31 : memref<1x128xi32, #tpu.memory_space<vmem>> -> memref<128xi32, #tpu.memory_space<vmem>>
        %dma_wait3A_33 = arith.constant 0 : i32
        %dma_wait3A_34 = tpu.memref_slice %arg2[%dma_wait3A_33] : memref<5376xi32, #tpu.memory_space<hbm>> -> memref<5376xi32, #tpu.memory_space<hbm>>
        tpu.wait_indirect_dma semaphore(%arg11 : memref<!tpu.dma_semaphore, #tpu.memory_space<semaphore_mem>>) src(%dma_wait3A_34 : memref<5376xi32, #tpu.memory_space<hbm>>) dst(%dma_wait3A_29 : memref<128xi32, #tpu.memory_space<vmem>>)
        "tpu.region"() ({
          %run_scoped3A = tpu.sem_alloc : memref<!tpu.dma_semaphore, #tpu.memory_space<semaphore_mem>>
          %dma_start3A_35 = arith.constant 0 : i32
          %dma_start3A_36 = tpu.memref_slice %arg8[%scan3A_20, %dma_start3A_35] : memref<88x128xf32, #tpu.memory_space<vmem>> -> memref<1x128xf32, #tpu.memory_space<vmem>>
          %dma_start3A_37 = tpu.memref_squeeze %dma_start3A_36 : memref<1x128xf32, #tpu.memory_space<vmem>> -> memref<128xf32, #tpu.memory_space<vmem>>
          %dma_start3A_38 = arith.constant 0 : i32
          %dma_start3A_39 = tpu.memref_slice %arg9[%scan3A_20, %dma_start3A_38] : memref<88x128xi32, #tpu.memory_space<vmem>> -> memref<1x128xi32, #tpu.memory_space<vmem>>
          %dma_start3A_40 = tpu.memref_squeeze %dma_start3A_39 : memref<1x128xi32, #tpu.memory_space<vmem>> -> memref<128xi32, #tpu.memory_space<vmem>>
          %dma_start3A_41 = arith.constant 0 : i32
          %dma_start3A_42 = tpu.memref_slice %arg10[%dma_start3A_41] : memref<5376xf32, #tpu.memory_space<vmem_shared>> -> memref<5376xf32, #tpu.memory_space<vmem_shared>>
          tpu.enqueue_indirect_dma source(%dma_start3A_37 : memref<128xf32, #tpu.memory_space<vmem>>) target(%dma_start3A_42 : memref<5376xf32, #tpu.memory_space<vmem_shared>>) offsets(%dma_start3A_40 : memref<128xi32, #tpu.memory_space<vmem>>) semaphore(%run_scoped3A : memref<!tpu.dma_semaphore, #tpu.memory_space<semaphore_mem>>) {add = true}
          %dma_wait3A_43 = arith.constant 0 : i32
          %dma_wait3A_44 = tpu.memref_slice %arg8[%scan3A_20, %dma_wait3A_43] : memref<88x128xf32, #tpu.memory_space<vmem>> -> memref<1x128xf32, #tpu.memory_space<vmem>>
          %dma_wait3A_45 = tpu.memref_squeeze %dma_wait3A_44 : memref<1x128xf32, #tpu.memory_space<vmem>> -> memref<128xf32, #tpu.memory_space<vmem>>
          %dma_wait3A_46 = arith.constant 0 : i32
          %dma_wait3A_47 = tpu.memref_slice %arg9[%scan3A_20, %dma_wait3A_46] : memref<88x128xi32, #tpu.memory_space<vmem>> -> memref<1x128xi32, #tpu.memory_space<vmem>>
          %dma_wait3A_48 = tpu.memref_squeeze %dma_wait3A_47 : memref<1x128xi32, #tpu.memory_space<vmem>> -> memref<128xi32, #tpu.memory_space<vmem>>
          %dma_wait3A_49 = arith.constant 0 : i32
          %dma_wait3A_50 = tpu.memref_slice %arg10[%dma_wait3A_49] : memref<5376xf32, #tpu.memory_space<vmem_shared>> -> memref<5376xf32, #tpu.memory_space<vmem_shared>>
          tpu.wait_indirect_dma semaphore(%run_scoped3A : memref<!tpu.dma_semaphore, #tpu.memory_space<semaphore_mem>>) src(%dma_wait3A_45 : memref<128xf32, #tpu.memory_space<vmem>>) dst(%dma_wait3A_50 : memref<5376xf32, #tpu.memory_space<vmem_shared>>)
          tpu.yield
        }) : () -> ()
      }
      %scan3A_19 = arith.constant 88 : i32
    } else {
    }
    %barrier3A_7 = arith.constant 0 : index
    tpu.barrier barrier_id(%barrier3A_7)
    %eq3A_8 = arith.constant 0 : i32
    %eq3A_9 = arith.cmpi eq, %arg1, %eq3A_8 : i32
    %and3A_10 = arith.andi %eq3A_0, %eq3A_9 : i1
    %convert_element_type3A_11 = arith.extui %and3A_10 : i1 to i32
    %cond3A_12 = arith.constant 0 : i32
    %cond3A_13 = arith.cmpi ne, %convert_element_type3A_11, %cond3A_12 : i32
    scf.if %cond3A_13 {
      "tpu.region"() ({
        %run_scoped3A = tpu.sem_alloc : memref<!tpu.dma_semaphore, #tpu.memory_space<semaphore_mem>>
        tpu.enqueue_dma source(%arg10 : memref<5376xf32, #tpu.memory_space<vmem_shared>>) target(%arg6 : memref<5376xf32, #tpu.memory_space<hbm>>) target_semaphore(%run_scoped3A : memref<!tpu.dma_semaphore, #tpu.memory_space<semaphore_mem>>)
        tpu.wait_dma2 semaphore(%run_scoped3A : memref<!tpu.dma_semaphore, #tpu.memory_space<semaphore_mem>>) src(%arg10 : memref<5376xf32, #tpu.memory_space<vmem_shared>>) dst(%arg6 : memref<5376xf32, #tpu.memory_space<hbm>>)
        tpu.yield
      }) : () -> ()
    } else {
    }
    return
  }
}

#map = affine_map<(d0, d1) -> (0, 0)>
#map1 = affine_map<(d0, d1) -> (0)>
module attributes {stable_mosaic.version = 14 : i64} {
  func.func @gather_k(%arg0: i32, %arg1: i32, %arg2: memref<512x512xf32, #tpu.memory_space<hbm>>, %arg3: memref<16384xi32, #tpu.memory_space<hbm>>, %arg4: memref<16384x512xf32, #tpu.memory_space<hbm>>, %arg5: memref<512xi32, #tpu.memory_space<vmem>>, %arg6: memref<2x64x512xf32, #tpu.memory_space<vmem>>, %arg7: memref<!tpu.dma_semaphore, #tpu.memory_space<semaphore_mem>>, %arg8: memref<!tpu.dma_semaphore, #tpu.memory_space<semaphore_mem>>, %arg9: memref<!tpu.dma_semaphore, #tpu.memory_space<semaphore_mem>>, %arg10: memref<!tpu.dma_semaphore, #tpu.memory_space<semaphore_mem>>) attributes {dimension_semantics = [#tpu.dimension_semantics<core_parallel>, #tpu.dimension_semantics<subcore_parallel>], iteration_bounds = array<i64: 2, 16>, scalar_prefetch = 0 : i64, scratch_operands = 6 : i64, tpu.core_type = #tpu.core_type<sc_vector_subcore>, window_params = [{transform_indices = #map}, {transform_indices = #map1}, {transform_indices = #map}]} {
    %mul3A = arith.constant 2 : i32
    %mul3A_0 = arith.muli %arg1, %mul3A : i32
    %add3A = arith.addi %mul3A_0, %arg0 : i32
    %mul3A_1 = arith.constant 512 : i32
    %mul3A_2 = arith.muli %add3A, %mul3A_1 : i32
    "tpu.region"() ({
      %run_scoped3A = tpu.sem_alloc : memref<!tpu.dma_semaphore, #tpu.memory_space<semaphore_mem>>
      %dma_start3A_60 = tpu.memref_slice %arg3[%mul3A_2] : memref<16384xi32, #tpu.memory_space<hbm>> -> memref<512xi32, #tpu.memory_space<hbm>>
      %dma_start3A_61 = tpu.memref_slice %arg3[%mul3A_2] : memref<16384xi32, #tpu.memory_space<hbm>> -> memref<512xi32, #tpu.memory_space<hbm>>
      tpu.enqueue_dma source(%dma_start3A_61 : memref<512xi32, #tpu.memory_space<hbm>>) target(%arg5 : memref<512xi32, #tpu.memory_space<vmem>>) target_semaphore(%run_scoped3A : memref<!tpu.dma_semaphore, #tpu.memory_space<semaphore_mem>>)
      %dma_wait3A_62 = tpu.memref_slice %arg3[%mul3A_2] : memref<16384xi32, #tpu.memory_space<hbm>> -> memref<512xi32, #tpu.memory_space<hbm>>
      %dma_wait3A_63 = tpu.memref_slice %arg3[%mul3A_2] : memref<16384xi32, #tpu.memory_space<hbm>> -> memref<512xi32, #tpu.memory_space<hbm>>
      tpu.wait_dma2 semaphore(%run_scoped3A : memref<!tpu.dma_semaphore, #tpu.memory_space<semaphore_mem>>) src(%dma_wait3A_63 : memref<512xi32, #tpu.memory_space<hbm>>) dst(%arg5 : memref<512xi32, #tpu.memory_space<vmem>>)
      tpu.yield
    }) : () -> ()
    %scan3A = arith.constant 0 : i32
    %scan3A_3 = arith.constant 0 : i32
    %scan3A_4 = arith.constant 4 : i32
    %scan3A_5 = arith.addi %scan3A_3, %scan3A_4 : i32
    %scan3A_6 = arith.constant 1 : i32
    scf.for %scan3A_60 = %scan3A_3 to %scan3A_5 step %scan3A_6  : i32 {
      %mul3A_61 = arith.constant 2 : i32
      %mul3A_62 = arith.muli %scan3A_60, %mul3A_61 : i32
      %add3A_63 = arith.constant 0 : i32
      %add3A_64 = arith.addi %mul3A_62, %add3A_63 : i32
      %lt3A = arith.constant 8 : i32
      %lt3A_65 = arith.cmpi slt, %add3A_64, %lt3A : i32
      %convert_element_type3A = arith.extui %lt3A_65 : i1 to i32
      %cond3A = arith.constant 0 : i32
      %cond3A_66 = arith.cmpi ne, %convert_element_type3A, %cond3A : i32
      scf.if %cond3A_66 {
        %ge3A = arith.constant 2 : i32
        %ge3A_76 = arith.cmpi sge, %add3A_64, %ge3A : i32
        %convert_element_type3A_77 = arith.extui %ge3A_76 : i1 to i32
        %cond3A_78 = arith.constant 0 : i32
        %cond3A_79 = arith.cmpi ne, %convert_element_type3A_77, %cond3A_78 : i32
        scf.if %cond3A_79 {
          %dma_wait3A_96 = arith.constant 0 : i32
          %dma_wait3A_97 = arith.constant 0 : i32
          %dma_wait3A_98 = arith.constant 0 : i32
          %dma_wait3A_99 = tpu.memref_slice %arg6[%dma_wait3A_96, %dma_wait3A_97, %dma_wait3A_98] : memref<2x64x512xf32, #tpu.memory_space<vmem>> -> memref<1x64x512xf32, #tpu.memory_space<vmem>>
          %dma_wait3A_100 = tpu.memref_squeeze %dma_wait3A_99 : memref<1x64x512xf32, #tpu.memory_space<vmem>> -> memref<64x512xf32, #tpu.memory_space<vmem>>
          %dma_wait3A_101 = arith.constant 0 : i32
          %dma_wait3A_102 = tpu.memref_slice %arg4[%mul3A_2, %dma_wait3A_101] : memref<16384x512xf32, #tpu.memory_space<hbm>> -> memref<64x512xf32, #tpu.memory_space<hbm>>
          %dma_wait3A_103 = arith.constant 0 : i32
          %dma_wait3A_104 = tpu.memref_slice %arg4[%mul3A_2, %dma_wait3A_103] : memref<16384x512xf32, #tpu.memory_space<hbm>> -> memref<64x512xf32, #tpu.memory_space<hbm>>
          %dma_wait3A_105 = arith.constant 0 : i32
          %dma_wait3A_106 = arith.constant 0 : i32
          %dma_wait3A_107 = tpu.memref_slice %arg6[%dma_wait3A_96, %dma_wait3A_105, %dma_wait3A_106] : memref<2x64x512xf32, #tpu.memory_space<vmem>> -> memref<1x64x512xf32, #tpu.memory_space<vmem>>
          %dma_wait3A_108 = tpu.memref_squeeze %dma_wait3A_107 : memref<1x64x512xf32, #tpu.memory_space<vmem>> -> memref<64x512xf32, #tpu.memory_space<vmem>>
          tpu.wait_dma2 semaphore(%arg9 : memref<!tpu.dma_semaphore, #tpu.memory_space<semaphore_mem>>) src(%dma_wait3A_108 : memref<64x512xf32, #tpu.memory_space<vmem>>) dst(%dma_wait3A_104 : memref<64x512xf32, #tpu.memory_space<hbm>>)
        } else {
        }
        %mul3A_80 = arith.constant 64 : i32
        %mul3A_81 = arith.muli %add3A_64, %mul3A_80 : i32
        %dma_start3A_82 = arith.constant 0 : i32
        %dma_start3A_83 = arith.constant 0 : i32
        %dma_start3A_84 = arith.constant 0 : i32
        %dma_start3A_85 = tpu.memref_slice %arg6[%dma_start3A_82, %dma_start3A_83, %dma_start3A_84] : memref<2x64x512xf32, #tpu.memory_space<vmem>> -> memref<1x64x512xf32, #tpu.memory_space<vmem>>
        %dma_start3A_86 = tpu.memref_squeeze %dma_start3A_85 : memref<1x64x512xf32, #tpu.memory_space<vmem>> -> memref<64x512xf32, #tpu.memory_space<vmem>>
        %dma_start3A_87 = tpu.memref_slice %arg5[%mul3A_81] : memref<512xi32, #tpu.memory_space<vmem>> -> memref<64xi32, #tpu.memory_space<vmem>>
        %dma_start3A_88 = arith.constant 0 : i32
        %dma_start3A_89 = arith.constant 0 : i32
        %dma_start3A_90 = tpu.memref_slice %arg2[%dma_start3A_88, %dma_start3A_89] : memref<512x512xf32, #tpu.memory_space<hbm>> -> memref<512x512xf32, #tpu.memory_space<hbm>>
        tpu.enqueue_indirect_dma source(%dma_start3A_90 : memref<512x512xf32, #tpu.memory_space<hbm>>) target(%dma_start3A_86 : memref<64x512xf32, #tpu.memory_space<vmem>>) offsets(%dma_start3A_87 : memref<64xi32, #tpu.memory_space<vmem>>) semaphore(%arg7 : memref<!tpu.dma_semaphore, #tpu.memory_space<semaphore_mem>>)
        %ge3A_91 = arith.constant 1 : i32
        %ge3A_92 = arith.cmpi sge, %add3A_64, %ge3A_91 : i32
        %convert_element_type3A_93 = arith.extui %ge3A_92 : i1 to i32
        %cond3A_94 = arith.constant 0 : i32
        %cond3A_95 = arith.cmpi ne, %convert_element_type3A_93, %cond3A_94 : i32
        scf.if %cond3A_95 {
          %dma_wait3A_96 = arith.constant 1 : i32
          %dma_wait3A_97 = arith.constant 0 : i32
          %dma_wait3A_98 = arith.constant 0 : i32
          %dma_wait3A_99 = tpu.memref_slice %arg6[%dma_wait3A_96, %dma_wait3A_97, %dma_wait3A_98] : memref<2x64x512xf32, #tpu.memory_space<vmem>> -> memref<1x64x512xf32, #tpu.memory_space<vmem>>
          %dma_wait3A_100 = tpu.memref_squeeze %dma_wait3A_99 : memref<1x64x512xf32, #tpu.memory_space<vmem>> -> memref<64x512xf32, #tpu.memory_space<vmem>>
          %dma_wait3A_101 = arith.constant 0 : i32
          %dma_wait3A_102 = tpu.memref_slice %arg4[%mul3A_2, %dma_wait3A_101] : memref<16384x512xf32, #tpu.memory_space<hbm>> -> memref<64x512xf32, #tpu.memory_space<hbm>>
          %dma_wait3A_103 = arith.constant 0 : i32
          %dma_wait3A_104 = arith.constant 0 : i32
          %dma_wait3A_105 = tpu.memref_slice %arg6[%dma_wait3A_96, %dma_wait3A_103, %dma_wait3A_104] : memref<2x64x512xf32, #tpu.memory_space<vmem>> -> memref<1x64x512xf32, #tpu.memory_space<vmem>>
          %dma_wait3A_106 = tpu.memref_squeeze %dma_wait3A_105 : memref<1x64x512xf32, #tpu.memory_space<vmem>> -> memref<64x512xf32, #tpu.memory_space<vmem>>
          %dma_wait3A_107 = arith.constant 0 : i32
          %dma_wait3A_108 = tpu.memref_slice %arg4[%mul3A_2, %dma_wait3A_107] : memref<16384x512xf32, #tpu.memory_space<hbm>> -> memref<64x512xf32, #tpu.memory_space<hbm>>
          tpu.wait_dma2 semaphore(%arg8 : memref<!tpu.dma_semaphore, #tpu.memory_space<semaphore_mem>>) src(%dma_wait3A_108 : memref<64x512xf32, #tpu.memory_space<hbm>>) dst(%dma_wait3A_106 : memref<64x512xf32, #tpu.memory_space<vmem>>)
          %sub3A = arith.constant 1 : i32
          %sub3A_109 = arith.subi %add3A_64, %sub3A : i32
          %mul3A_110 = arith.constant 64 : i32
          %mul3A_111 = arith.muli %sub3A_109, %mul3A_110 : i32
          %add3A_112 = arith.addi %mul3A_2, %mul3A_111 : i32
          %dma_start3A_113 = arith.constant 1 : i32
          %dma_start3A_114 = arith.constant 0 : i32
          %dma_start3A_115 = arith.constant 0 : i32
          %dma_start3A_116 = tpu.memref_slice %arg6[%dma_start3A_113, %dma_start3A_114, %dma_start3A_115] : memref<2x64x512xf32, #tpu.memory_space<vmem>> -> memref<1x64x512xf32, #tpu.memory_space<vmem>>
          %dma_start3A_117 = tpu.memref_squeeze %dma_start3A_116 : memref<1x64x512xf32, #tpu.memory_space<vmem>> -> memref<64x512xf32, #tpu.memory_space<vmem>>
          %dma_start3A_118 = arith.constant 0 : i32
          %dma_start3A_119 = tpu.memref_slice %arg4[%add3A_112, %dma_start3A_118] : memref<16384x512xf32, #tpu.memory_space<hbm>> -> memref<64x512xf32, #tpu.memory_space<hbm>>
          %dma_start3A_120 = arith.constant 0 : i32
          %dma_start3A_121 = tpu.memref_slice %arg4[%add3A_112, %dma_start3A_120] : memref<16384x512xf32, #tpu.memory_space<hbm>> -> memref<64x512xf32, #tpu.memory_space<hbm>>
          %dma_start3A_122 = arith.constant 0 : i32
          %dma_start3A_123 = arith.constant 0 : i32
          %dma_start3A_124 = tpu.memref_slice %arg6[%dma_start3A_113, %dma_start3A_122, %dma_start3A_123] : memref<2x64x512xf32, #tpu.memory_space<vmem>> -> memref<1x64x512xf32, #tpu.memory_space<vmem>>
          %dma_start3A_125 = tpu.memref_squeeze %dma_start3A_124 : memref<1x64x512xf32, #tpu.memory_space<vmem>> -> memref<64x512xf32, #tpu.memory_space<vmem>>
          tpu.enqueue_dma source(%dma_start3A_125 : memref<64x512xf32, #tpu.memory_space<vmem>>) target(%dma_start3A_121 : memref<64x512xf32, #tpu.memory_space<hbm>>) target_semaphore(%arg10 : memref<!tpu.dma_semaphore, #tpu.memory_space<semaphore_mem>>)
        } else {
        }
      } else {
      }
      %mul3A_67 = arith.constant 2 : i32
      %mul3A_68 = arith.muli %scan3A_60, %mul3A_67 : i32
      %add3A_69 = arith.constant 1 : i32
      %add3A_70 = arith.addi %mul3A_68, %add3A_69 : i32
      %lt3A_71 = arith.constant 8 : i32
      %lt3A_72 = arith.cmpi slt, %add3A_70, %lt3A_71 : i32
      %convert_element_type3A_73 = arith.extui %lt3A_72 : i1 to i32
      %cond3A_74 = arith.constant 0 : i32
      %cond3A_75 = arith.cmpi ne, %convert_element_type3A_73, %cond3A_74 : i32
      scf.if %cond3A_75 {
        %ge3A = arith.constant 2 : i32
        %ge3A_76 = arith.cmpi sge, %add3A_70, %ge3A : i32
        %convert_element_type3A_77 = arith.extui %ge3A_76 : i1 to i32
        %cond3A_78 = arith.constant 0 : i32
        %cond3A_79 = arith.cmpi ne, %convert_element_type3A_77, %cond3A_78 : i32
        scf.if %cond3A_79 {
          %dma_wait3A_96 = arith.constant 1 : i32
          %dma_wait3A_97 = arith.constant 0 : i32
          %dma_wait3A_98 = arith.constant 0 : i32
          %dma_wait3A_99 = tpu.memref_slice %arg6[%dma_wait3A_96, %dma_wait3A_97, %dma_wait3A_98] : memref<2x64x512xf32, #tpu.memory_space<vmem>> -> memref<1x64x512xf32, #tpu.memory_space<vmem>>
          %dma_wait3A_100 = tpu.memref_squeeze %dma_wait3A_99 : memref<1x64x512xf32, #tpu.memory_space<vmem>> -> memref<64x512xf32, #tpu.memory_space<vmem>>
          %dma_wait3A_101 = arith.constant 0 : i32
          %dma_wait3A_102 = tpu.memref_slice %arg4[%mul3A_2, %dma_wait3A_101] : memref<16384x512xf32, #tpu.memory_space<hbm>> -> memref<64x512xf32, #tpu.memory_space<hbm>>
          %dma_wait3A_103 = arith.constant 0 : i32
          %dma_wait3A_104 = tpu.memref_slice %arg4[%mul3A_2, %dma_wait3A_103] : memref<16384x512xf32, #tpu.memory_space<hbm>> -> memref<64x512xf32, #tpu.memory_space<hbm>>
          %dma_wait3A_105 = arith.constant 0 : i32
          %dma_wait3A_106 = arith.constant 0 : i32
          %dma_wait3A_107 = tpu.memref_slice %arg6[%dma_wait3A_96, %dma_wait3A_105, %dma_wait3A_106] : memref<2x64x512xf32, #tpu.memory_space<vmem>> -> memref<1x64x512xf32, #tpu.memory_space<vmem>>
          %dma_wait3A_108 = tpu.memref_squeeze %dma_wait3A_107 : memref<1x64x512xf32, #tpu.memory_space<vmem>> -> memref<64x512xf32, #tpu.memory_space<vmem>>
          tpu.wait_dma2 semaphore(%arg10 : memref<!tpu.dma_semaphore, #tpu.memory_space<semaphore_mem>>) src(%dma_wait3A_108 : memref<64x512xf32, #tpu.memory_space<vmem>>) dst(%dma_wait3A_104 : memref<64x512xf32, #tpu.memory_space<hbm>>)
        } else {
        }
        %mul3A_80 = arith.constant 64 : i32
        %mul3A_81 = arith.muli %add3A_70, %mul3A_80 : i32
        %dma_start3A_82 = arith.constant 1 : i32
        %dma_start3A_83 = arith.constant 0 : i32
        %dma_start3A_84 = arith.constant 0 : i32
        %dma_start3A_85 = tpu.memref_slice %arg6[%dma_start3A_82, %dma_start3A_83, %dma_start3A_84] : memref<2x64x512xf32, #tpu.memory_space<vmem>> -> memref<1x64x512xf32, #tpu.memory_space<vmem>>
        %dma_start3A_86 = tpu.memref_squeeze %dma_start3A_85 : memref<1x64x512xf32, #tpu.memory_space<vmem>> -> memref<64x512xf32, #tpu.memory_space<vmem>>
        %dma_start3A_87 = tpu.memref_slice %arg5[%mul3A_81] : memref<512xi32, #tpu.memory_space<vmem>> -> memref<64xi32, #tpu.memory_space<vmem>>
        %dma_start3A_88 = arith.constant 0 : i32
        %dma_start3A_89 = arith.constant 0 : i32
        %dma_start3A_90 = tpu.memref_slice %arg2[%dma_start3A_88, %dma_start3A_89] : memref<512x512xf32, #tpu.memory_space<hbm>> -> memref<512x512xf32, #tpu.memory_space<hbm>>
        tpu.enqueue_indirect_dma source(%dma_start3A_90 : memref<512x512xf32, #tpu.memory_space<hbm>>) target(%dma_start3A_86 : memref<64x512xf32, #tpu.memory_space<vmem>>) offsets(%dma_start3A_87 : memref<64xi32, #tpu.memory_space<vmem>>) semaphore(%arg8 : memref<!tpu.dma_semaphore, #tpu.memory_space<semaphore_mem>>)
        %ge3A_91 = arith.constant 1 : i32
        %ge3A_92 = arith.cmpi sge, %add3A_70, %ge3A_91 : i32
        %convert_element_type3A_93 = arith.extui %ge3A_92 : i1 to i32
        %cond3A_94 = arith.constant 0 : i32
        %cond3A_95 = arith.cmpi ne, %convert_element_type3A_93, %cond3A_94 : i32
        scf.if %cond3A_95 {
          %dma_wait3A_96 = arith.constant 0 : i32
          %dma_wait3A_97 = arith.constant 0 : i32
          %dma_wait3A_98 = arith.constant 0 : i32
          %dma_wait3A_99 = tpu.memref_slice %arg6[%dma_wait3A_96, %dma_wait3A_97, %dma_wait3A_98] : memref<2x64x512xf32, #tpu.memory_space<vmem>> -> memref<1x64x512xf32, #tpu.memory_space<vmem>>
          %dma_wait3A_100 = tpu.memref_squeeze %dma_wait3A_99 : memref<1x64x512xf32, #tpu.memory_space<vmem>> -> memref<64x512xf32, #tpu.memory_space<vmem>>
          %dma_wait3A_101 = arith.constant 0 : i32
          %dma_wait3A_102 = tpu.memref_slice %arg4[%mul3A_2, %dma_wait3A_101] : memref<16384x512xf32, #tpu.memory_space<hbm>> -> memref<64x512xf32, #tpu.memory_space<hbm>>
          %dma_wait3A_103 = arith.constant 0 : i32
          %dma_wait3A_104 = arith.constant 0 : i32
          %dma_wait3A_105 = tpu.memref_slice %arg6[%dma_wait3A_96, %dma_wait3A_103, %dma_wait3A_104] : memref<2x64x512xf32, #tpu.memory_space<vmem>> -> memref<1x64x512xf32, #tpu.memory_space<vmem>>
          %dma_wait3A_106 = tpu.memref_squeeze %dma_wait3A_105 : memref<1x64x512xf32, #tpu.memory_space<vmem>> -> memref<64x512xf32, #tpu.memory_space<vmem>>
          %dma_wait3A_107 = arith.constant 0 : i32
          %dma_wait3A_108 = tpu.memref_slice %arg4[%mul3A_2, %dma_wait3A_107] : memref<16384x512xf32, #tpu.memory_space<hbm>> -> memref<64x512xf32, #tpu.memory_space<hbm>>
          tpu.wait_dma2 semaphore(%arg7 : memref<!tpu.dma_semaphore, #tpu.memory_space<semaphore_mem>>) src(%dma_wait3A_108 : memref<64x512xf32, #tpu.memory_space<hbm>>) dst(%dma_wait3A_106 : memref<64x512xf32, #tpu.memory_space<vmem>>)
          %sub3A = arith.constant 1 : i32
          %sub3A_109 = arith.subi %add3A_70, %sub3A : i32
          %mul3A_110 = arith.constant 64 : i32
          %mul3A_111 = arith.muli %sub3A_109, %mul3A_110 : i32
          %add3A_112 = arith.addi %mul3A_2, %mul3A_111 : i32
          %dma_start3A_113 = arith.constant 0 : i32
          %dma_start3A_114 = arith.constant 0 : i32
          %dma_start3A_115 = arith.constant 0 : i32
          %dma_start3A_116 = tpu.memref_slice %arg6[%dma_start3A_113, %dma_start3A_114, %dma_start3A_115] : memref<2x64x512xf32, #tpu.memory_space<vmem>> -> memref<1x64x512xf32, #tpu.memory_space<vmem>>
          %dma_start3A_117 = tpu.memref_squeeze %dma_start3A_116 : memref<1x64x512xf32, #tpu.memory_space<vmem>> -> memref<64x512xf32, #tpu.memory_space<vmem>>
          %dma_start3A_118 = arith.constant 0 : i32
          %dma_start3A_119 = tpu.memref_slice %arg4[%add3A_112, %dma_start3A_118] : memref<16384x512xf32, #tpu.memory_space<hbm>> -> memref<64x512xf32, #tpu.memory_space<hbm>>
          %dma_start3A_120 = arith.constant 0 : i32
          %dma_start3A_121 = tpu.memref_slice %arg4[%add3A_112, %dma_start3A_120] : memref<16384x512xf32, #tpu.memory_space<hbm>> -> memref<64x512xf32, #tpu.memory_space<hbm>>
          %dma_start3A_122 = arith.constant 0 : i32
          %dma_start3A_123 = arith.constant 0 : i32
          %dma_start3A_124 = tpu.memref_slice %arg6[%dma_start3A_113, %dma_start3A_122, %dma_start3A_123] : memref<2x64x512xf32, #tpu.memory_space<vmem>> -> memref<1x64x512xf32, #tpu.memory_space<vmem>>
          %dma_start3A_125 = tpu.memref_squeeze %dma_start3A_124 : memref<1x64x512xf32, #tpu.memory_space<vmem>> -> memref<64x512xf32, #tpu.memory_space<vmem>>
          tpu.enqueue_dma source(%dma_start3A_125 : memref<64x512xf32, #tpu.memory_space<vmem>>) target(%dma_start3A_121 : memref<64x512xf32, #tpu.memory_space<hbm>>) target_semaphore(%arg9 : memref<!tpu.dma_semaphore, #tpu.memory_space<semaphore_mem>>)
        } else {
        }
      } else {
      }
    }
    %scan3A_7 = arith.constant 4 : i32
    %dma_wait3A = arith.constant 1 : i32
    %dma_wait3A_8 = arith.constant 0 : i32
    %dma_wait3A_9 = arith.constant 0 : i32
    %dma_wait3A_10 = tpu.memref_slice %arg6[%dma_wait3A, %dma_wait3A_8, %dma_wait3A_9] : memref<2x64x512xf32, #tpu.memory_space<vmem>> -> memref<1x64x512xf32, #tpu.memory_space<vmem>>
    %dma_wait3A_11 = tpu.memref_squeeze %dma_wait3A_10 : memref<1x64x512xf32, #tpu.memory_space<vmem>> -> memref<64x512xf32, #tpu.memory_space<vmem>>
    %dma_wait3A_12 = arith.constant 0 : i32
    %dma_wait3A_13 = tpu.memref_slice %arg4[%mul3A_2, %dma_wait3A_12] : memref<16384x512xf32, #tpu.memory_space<hbm>> -> memref<64x512xf32, #tpu.memory_space<hbm>>
    %dma_wait3A_14 = arith.constant 0 : i32
    %dma_wait3A_15 = arith.constant 0 : i32
    %dma_wait3A_16 = tpu.memref_slice %arg6[%dma_wait3A, %dma_wait3A_14, %dma_wait3A_15] : memref<2x64x512xf32, #tpu.memory_space<vmem>> -> memref<1x64x512xf32, #tpu.memory_space<vmem>>
    %dma_wait3A_17 = tpu.memref_squeeze %dma_wait3A_16 : memref<1x64x512xf32, #tpu.memory_space<vmem>> -> memref<64x512xf32, #tpu.memory_space<vmem>>
    %dma_wait3A_18 = arith.constant 0 : i32
    %dma_wait3A_19 = tpu.memref_slice %arg4[%mul3A_2, %dma_wait3A_18] : memref<16384x512xf32, #tpu.memory_space<hbm>> -> memref<64x512xf32, #tpu.memory_space<hbm>>
    tpu.wait_dma2 semaphore(%arg8 : memref<!tpu.dma_semaphore, #tpu.memory_space<semaphore_mem>>) src(%dma_wait3A_19 : memref<64x512xf32, #tpu.memory_space<hbm>>) dst(%dma_wait3A_17 : memref<64x512xf32, #tpu.memory_space<vmem>>)
    %add3A_20 = arith.constant 448 : i32
    %add3A_21 = arith.addi %mul3A_2, %add3A_20 : i32
    %dma_start3A = arith.constant 1 : i32
    %dma_start3A_22 = arith.constant 0 : i32
    %dma_start3A_23 = arith.constant 0 : i32
    %dma_start3A_24 = tpu.memref_slice %arg6[%dma_start3A, %dma_start3A_22, %dma_start3A_23] : memref<2x64x512xf32, #tpu.memory_space<vmem>> -> memref<1x64x512xf32, #tpu.memory_space<vmem>>
    %dma_start3A_25 = tpu.memref_squeeze %dma_start3A_24 : memref<1x64x512xf32, #tpu.memory_space<vmem>> -> memref<64x512xf32, #tpu.memory_space<vmem>>
    %dma_start3A_26 = arith.constant 0 : i32
    %dma_start3A_27 = tpu.memref_slice %arg4[%add3A_21, %dma_start3A_26] : memref<16384x512xf32, #tpu.memory_space<hbm>> -> memref<64x512xf32, #tpu.memory_space<hbm>>
    %dma_start3A_28 = arith.constant 0 : i32
    %dma_start3A_29 = tpu.memref_slice %arg4[%add3A_21, %dma_start3A_28] : memref<16384x512xf32, #tpu.memory_space<hbm>> -> memref<64x512xf32, #tpu.memory_space<hbm>>
    %dma_start3A_30 = arith.constant 0 : i32
    %dma_start3A_31 = arith.constant 0 : i32
    %dma_start3A_32 = tpu.memref_slice %arg6[%dma_start3A, %dma_start3A_30, %dma_start3A_31] : memref<2x64x512xf32, #tpu.memory_space<vmem>> -> memref<1x64x512xf32, #tpu.memory_space<vmem>>
    %dma_start3A_33 = tpu.memref_squeeze %dma_start3A_32 : memref<1x64x512xf32, #tpu.memory_space<vmem>> -> memref<64x512xf32, #tpu.memory_space<vmem>>
    tpu.enqueue_dma source(%dma_start3A_33 : memref<64x512xf32, #tpu.memory_space<vmem>>) target(%dma_start3A_29 : memref<64x512xf32, #tpu.memory_space<hbm>>) target_semaphore(%arg10 : memref<!tpu.dma_semaphore, #tpu.memory_space<semaphore_mem>>)
    %dma_wait3A_34 = arith.constant 0 : i32
    %dma_wait3A_35 = arith.constant 0 : i32
    %dma_wait3A_36 = arith.constant 0 : i32
    %dma_wait3A_37 = tpu.memref_slice %arg6[%dma_wait3A_34, %dma_wait3A_35, %dma_wait3A_36] : memref<2x64x512xf32, #tpu.memory_space<vmem>> -> memref<1x64x512xf32, #tpu.memory_space<vmem>>
    %dma_wait3A_38 = tpu.memref_squeeze %dma_wait3A_37 : memref<1x64x512xf32, #tpu.memory_space<vmem>> -> memref<64x512xf32, #tpu.memory_space<vmem>>
    %dma_wait3A_39 = arith.constant 0 : i32
    %dma_wait3A_40 = tpu.memref_slice %arg4[%mul3A_2, %dma_wait3A_39] : memref<16384x512xf32, #tpu.memory_space<hbm>> -> memref<64x512xf32, #tpu.memory_space<hbm>>
    %dma_wait3A_41 = arith.constant 0 : i32
    %dma_wait3A_42 = tpu.memref_slice %arg4[%mul3A_2, %dma_wait3A_41] : memref<16384x512xf32, #tpu.memory_space<hbm>> -> memref<64x512xf32, #tpu.memory_space<hbm>>
    %dma_wait3A_43 = arith.constant 0 : i32
    %dma_wait3A_44 = arith.constant 0 : i32
    %dma_wait3A_45 = tpu.memref_slice %arg6[%dma_wait3A_34, %dma_wait3A_43, %dma_wait3A_44] : memref<2x64x512xf32, #tpu.memory_space<vmem>> -> memref<1x64x512xf32, #tpu.memory_space<vmem>>
    %dma_wait3A_46 = tpu.memref_squeeze %dma_wait3A_45 : memref<1x64x512xf32, #tpu.memory_space<vmem>> -> memref<64x512xf32, #tpu.memory_space<vmem>>
    tpu.wait_dma2 semaphore(%arg9 : memref<!tpu.dma_semaphore, #tpu.memory_space<semaphore_mem>>) src(%dma_wait3A_46 : memref<64x512xf32, #tpu.memory_space<vmem>>) dst(%dma_wait3A_42 : memref<64x512xf32, #tpu.memory_space<hbm>>)
    %dma_wait3A_47 = arith.constant 1 : i32
    %dma_wait3A_48 = arith.constant 0 : i32
    %dma_wait3A_49 = arith.constant 0 : i32
    %dma_wait3A_50 = tpu.memref_slice %arg6[%dma_wait3A_47, %dma_wait3A_48, %dma_wait3A_49] : memref<2x64x512xf32, #tpu.memory_space<vmem>> -> memref<1x64x512xf32, #tpu.memory_space<vmem>>
    %dma_wait3A_51 = tpu.memref_squeeze %dma_wait3A_50 : memref<1x64x512xf32, #tpu.memory_space<vmem>> -> memref<64x512xf32, #tpu.memory_space<vmem>>
    %dma_wait3A_52 = arith.constant 0 : i32
    %dma_wait3A_53 = tpu.memref_slice %arg4[%mul3A_2, %dma_wait3A_52] : memref<16384x512xf32, #tpu.memory_space<hbm>> -> memref<64x512xf32, #tpu.memory_space<hbm>>
    %dma_wait3A_54 = arith.constant 0 : i32
    %dma_wait3A_55 = tpu.memref_slice %arg4[%mul3A_2, %dma_wait3A_54] : memref<16384x512xf32, #tpu.memory_space<hbm>> -> memref<64x512xf32, #tpu.memory_space<hbm>>
    %dma_wait3A_56 = arith.constant 0 : i32
    %dma_wait3A_57 = arith.constant 0 : i32
    %dma_wait3A_58 = tpu.memref_slice %arg6[%dma_wait3A_47, %dma_wait3A_56, %dma_wait3A_57] : memref<2x64x512xf32, #tpu.memory_space<vmem>> -> memref<1x64x512xf32, #tpu.memory_space<vmem>>
    %dma_wait3A_59 = tpu.memref_squeeze %dma_wait3A_58 : memref<1x64x512xf32, #tpu.memory_space<vmem>> -> memref<64x512xf32, #tpu.memory_space<vmem>>
    tpu.wait_dma2 semaphore(%arg10 : memref<!tpu.dma_semaphore, #tpu.memory_space<semaphore_mem>>) src(%dma_wait3A_59 : memref<64x512xf32, #tpu.memory_space<vmem>>) dst(%dma_wait3A_55 : memref<64x512xf32, #tpu.memory_space<hbm>>)
    return
  }
}

#map = affine_map<(d0, d1) -> (0)>
#map1 = affine_map<(d0, d1) -> (0, 0)>
module attributes {stable_mosaic.version = 14 : i64} {
  func.func @scatter_k(%arg0: i32, %arg1: i32, %arg2: memref<1536xi32, #tpu.memory_space<hbm>>, %arg3: memref<384x128xi32, #tpu.memory_space<hbm>>, %arg4: memref<384x128xf32, #tpu.memory_space<hbm>>, %arg5: memref<5376xf32, #tpu.memory_space<hbm>>, %arg6: memref<5376xf32, #tpu.memory_space<hbm>>, %arg7: memref<24x128xi32, #tpu.memory_space<vmem>>, %arg8: memref<24x128xf32, #tpu.memory_space<vmem>>, %arg9: memref<24x128xi32, #tpu.memory_space<vmem>>, %arg10: memref<5376xf32, #tpu.memory_space<vmem_shared>>, %arg11: memref<!tpu.dma_semaphore, #tpu.memory_space<semaphore_mem>>) attributes {dimension_semantics = [#tpu.dimension_semantics<core_parallel>, #tpu.dimension_semantics<subcore_parallel>], iteration_bounds = array<i64: 2, 16>, scalar_prefetch = 0 : i64, scratch_operands = 5 : i64, tpu.core_type = #tpu.core_type<sc_vector_subcore>, window_params = [{transform_indices = #map}, {transform_indices = #map1}, {transform_indices = #map1}, {transform_indices = #map}, {transform_indices = #map}]} {
    %eq3A = arith.constant 0 : i32
    %eq3A_0 = arith.cmpi eq, %arg0, %eq3A : i32
    %eq3A_1 = arith.constant 0 : i32
    %eq3A_2 = arith.cmpi eq, %arg1, %eq3A_1 : i32
    %and3A = arith.andi %eq3A_0, %eq3A_2 : i1
    %convert_element_type3A = arith.extui %and3A : i1 to i32
    %cond3A = arith.constant 0 : i32
    %cond3A_3 = arith.cmpi ne, %convert_element_type3A, %cond3A : i32
    scf.if %cond3A_3 {
      "tpu.region"() ({
        %run_scoped3A = tpu.sem_alloc : memref<!tpu.dma_semaphore, #tpu.memory_space<semaphore_mem>>
        tpu.enqueue_dma source(%arg5 : memref<5376xf32, #tpu.memory_space<hbm>>) target(%arg10 : memref<5376xf32, #tpu.memory_space<vmem_shared>>) target_semaphore(%run_scoped3A : memref<!tpu.dma_semaphore, #tpu.memory_space<semaphore_mem>>)
        tpu.wait_dma2 semaphore(%run_scoped3A : memref<!tpu.dma_semaphore, #tpu.memory_space<semaphore_mem>>) src(%arg5 : memref<5376xf32, #tpu.memory_space<hbm>>) dst(%arg10 : memref<5376xf32, #tpu.memory_space<vmem_shared>>)
        tpu.yield
      }) : () -> ()
    } else {
    }
    %barrier3A = arith.constant 0 : index
    tpu.barrier barrier_id(%barrier3A)
    %convert_element_type3A_4 = arith.extui %eq3A_0 : i1 to i32
    %cond3A_5 = arith.constant 0 : i32
    %cond3A_6 = arith.cmpi ne, %convert_element_type3A_4, %cond3A_5 : i32
    scf.if %cond3A_6 {
      %mul3A = arith.constant 24 : i32
      %mul3A_14 = arith.muli %arg1, %mul3A : i32
      "tpu.region"() ({
        %run_scoped3A = tpu.sem_alloc : memref<!tpu.dma_semaphore, #tpu.memory_space<semaphore_mem>>
        %dma_start3A = arith.constant 0 : i32
        %dma_start3A_20 = tpu.memref_slice %arg3[%mul3A_14, %dma_start3A] : memref<384x128xi32, #tpu.memory_space<hbm>> -> memref<24x128xi32, #tpu.memory_space<hbm>>
        %dma_start3A_21 = arith.constant 0 : i32
        %dma_start3A_22 = tpu.memref_slice %arg3[%mul3A_14, %dma_start3A_21] : memref<384x128xi32, #tpu.memory_space<hbm>> -> memref<24x128xi32, #tpu.memory_space<hbm>>
        tpu.enqueue_dma source(%dma_start3A_22 : memref<24x128xi32, #tpu.memory_space<hbm>>) target(%arg7 : memref<24x128xi32, #tpu.memory_space<vmem>>) target_semaphore(%run_scoped3A : memref<!tpu.dma_semaphore, #tpu.memory_space<semaphore_mem>>)
        %dma_wait3A = arith.constant 0 : i32
        %dma_wait3A_23 = tpu.memref_slice %arg3[%mul3A_14, %dma_wait3A] : memref<384x128xi32, #tpu.memory_space<hbm>> -> memref<24x128xi32, #tpu.memory_space<hbm>>
        %dma_wait3A_24 = arith.constant 0 : i32
        %dma_wait3A_25 = tpu.memref_slice %arg3[%mul3A_14, %dma_wait3A_24] : memref<384x128xi32, #tpu.memory_space<hbm>> -> memref<24x128xi32, #tpu.memory_space<hbm>>
        tpu.wait_dma2 semaphore(%run_scoped3A : memref<!tpu.dma_semaphore, #tpu.memory_space<semaphore_mem>>) src(%dma_wait3A_25 : memref<24x128xi32, #tpu.memory_space<hbm>>) dst(%arg7 : memref<24x128xi32, #tpu.memory_space<vmem>>)
        tpu.yield
      }) : () -> ()
      "tpu.region"() ({
        %run_scoped3A = tpu.sem_alloc : memref<!tpu.dma_semaphore, #tpu.memory_space<semaphore_mem>>
        %dma_start3A = arith.constant 0 : i32
        %dma_start3A_20 = tpu.memref_slice %arg4[%mul3A_14, %dma_start3A] : memref<384x128xf32, #tpu.memory_space<hbm>> -> memref<24x128xf32, #tpu.memory_space<hbm>>
        %dma_start3A_21 = arith.constant 0 : i32
        %dma_start3A_22 = tpu.memref_slice %arg4[%mul3A_14, %dma_start3A_21] : memref<384x128xf32, #tpu.memory_space<hbm>> -> memref<24x128xf32, #tpu.memory_space<hbm>>
        tpu.enqueue_dma source(%dma_start3A_22 : memref<24x128xf32, #tpu.memory_space<hbm>>) target(%arg8 : memref<24x128xf32, #tpu.memory_space<vmem>>) target_semaphore(%run_scoped3A : memref<!tpu.dma_semaphore, #tpu.memory_space<semaphore_mem>>)
        %dma_wait3A = arith.constant 0 : i32
        %dma_wait3A_23 = tpu.memref_slice %arg4[%mul3A_14, %dma_wait3A] : memref<384x128xf32, #tpu.memory_space<hbm>> -> memref<24x128xf32, #tpu.memory_space<hbm>>
        %dma_wait3A_24 = arith.constant 0 : i32
        %dma_wait3A_25 = tpu.memref_slice %arg4[%mul3A_14, %dma_wait3A_24] : memref<384x128xf32, #tpu.memory_space<hbm>> -> memref<24x128xf32, #tpu.memory_space<hbm>>
        tpu.wait_dma2 semaphore(%run_scoped3A : memref<!tpu.dma_semaphore, #tpu.memory_space<semaphore_mem>>) src(%dma_wait3A_25 : memref<24x128xf32, #tpu.memory_space<hbm>>) dst(%arg8 : memref<24x128xf32, #tpu.memory_space<vmem>>)
        tpu.yield
      }) : () -> ()
      %scan3A = arith.constant 0 : i32
      %scan3A_15 = arith.constant 0 : i32
      %scan3A_16 = arith.constant 24 : i32
      %scan3A_17 = arith.addi %scan3A_15, %scan3A_16 : i32
      %scan3A_18 = arith.constant 1 : i32
      scf.for %scan3A_20 = %scan3A_15 to %scan3A_17 step %scan3A_18  : i32 {
        %dma_start3A = arith.constant 0 : i32
        %dma_start3A_21 = tpu.memref_slice %arg9[%scan3A_20, %dma_start3A] : memref<24x128xi32, #tpu.memory_space<vmem>> -> memref<1x128xi32, #tpu.memory_space<vmem>>
        %dma_start3A_22 = tpu.memref_squeeze %dma_start3A_21 : memref<1x128xi32, #tpu.memory_space<vmem>> -> memref<128xi32, #tpu.memory_space<vmem>>
        %dma_start3A_23 = arith.constant 0 : i32
        %dma_start3A_24 = tpu.memref_slice %arg7[%scan3A_20, %dma_start3A_23] : memref<24x128xi32, #tpu.memory_space<vmem>> -> memref<1x128xi32, #tpu.memory_space<vmem>>
        %dma_start3A_25 = tpu.memref_squeeze %dma_start3A_24 : memref<1x128xi32, #tpu.memory_space<vmem>> -> memref<128xi32, #tpu.memory_space<vmem>>
        %dma_start3A_26 = arith.constant 0 : i32
        %dma_start3A_27 = tpu.memref_slice %arg2[%dma_start3A_26] : memref<1536xi32, #tpu.memory_space<hbm>> -> memref<1536xi32, #tpu.memory_space<hbm>>
        tpu.enqueue_indirect_dma source(%dma_start3A_27 : memref<1536xi32, #tpu.memory_space<hbm>>) target(%dma_start3A_22 : memref<128xi32, #tpu.memory_space<vmem>>) offsets(%dma_start3A_25 : memref<128xi32, #tpu.memory_space<vmem>>) semaphore(%arg11 : memref<!tpu.dma_semaphore, #tpu.memory_space<semaphore_mem>>)
        %dma_wait3A = arith.constant 0 : i32
        %dma_wait3A_28 = tpu.memref_slice %arg9[%scan3A_20, %dma_wait3A] : memref<24x128xi32, #tpu.memory_space<vmem>> -> memref<1x128xi32, #tpu.memory_space<vmem>>
        %dma_wait3A_29 = tpu.memref_squeeze %dma_wait3A_28 : memref<1x128xi32, #tpu.memory_space<vmem>> -> memref<128xi32, #tpu.memory_space<vmem>>
        %dma_wait3A_30 = arith.constant 0 : i32
        %dma_wait3A_31 = tpu.memref_slice %arg7[%scan3A_20, %dma_wait3A_30] : memref<24x128xi32, #tpu.memory_space<vmem>> -> memref<1x128xi32, #tpu.memory_space<vmem>>
        %dma_wait3A_32 = tpu.memref_squeeze %dma_wait3A_31 : memref<1x128xi32, #tpu.memory_space<vmem>> -> memref<128xi32, #tpu.memory_space<vmem>>
        %dma_wait3A_33 = arith.constant 0 : i32
        %dma_wait3A_34 = tpu.memref_slice %arg2[%dma_wait3A_33] : memref<1536xi32, #tpu.memory_space<hbm>> -> memref<1536xi32, #tpu.memory_space<hbm>>
        tpu.wait_indirect_dma semaphore(%arg11 : memref<!tpu.dma_semaphore, #tpu.memory_space<semaphore_mem>>) src(%dma_wait3A_34 : memref<1536xi32, #tpu.memory_space<hbm>>) dst(%dma_wait3A_29 : memref<128xi32, #tpu.memory_space<vmem>>)
        "tpu.region"() ({
          %run_scoped3A = tpu.sem_alloc : memref<!tpu.dma_semaphore, #tpu.memory_space<semaphore_mem>>
          %dma_start3A_35 = arith.constant 0 : i32
          %dma_start3A_36 = tpu.memref_slice %arg8[%scan3A_20, %dma_start3A_35] : memref<24x128xf32, #tpu.memory_space<vmem>> -> memref<1x128xf32, #tpu.memory_space<vmem>>
          %dma_start3A_37 = tpu.memref_squeeze %dma_start3A_36 : memref<1x128xf32, #tpu.memory_space<vmem>> -> memref<128xf32, #tpu.memory_space<vmem>>
          %dma_start3A_38 = arith.constant 0 : i32
          %dma_start3A_39 = tpu.memref_slice %arg9[%scan3A_20, %dma_start3A_38] : memref<24x128xi32, #tpu.memory_space<vmem>> -> memref<1x128xi32, #tpu.memory_space<vmem>>
          %dma_start3A_40 = tpu.memref_squeeze %dma_start3A_39 : memref<1x128xi32, #tpu.memory_space<vmem>> -> memref<128xi32, #tpu.memory_space<vmem>>
          %dma_start3A_41 = arith.constant 0 : i32
          %dma_start3A_42 = tpu.memref_slice %arg10[%dma_start3A_41] : memref<5376xf32, #tpu.memory_space<vmem_shared>> -> memref<5376xf32, #tpu.memory_space<vmem_shared>>
          tpu.enqueue_indirect_dma source(%dma_start3A_37 : memref<128xf32, #tpu.memory_space<vmem>>) target(%dma_start3A_42 : memref<5376xf32, #tpu.memory_space<vmem_shared>>) offsets(%dma_start3A_40 : memref<128xi32, #tpu.memory_space<vmem>>) semaphore(%run_scoped3A : memref<!tpu.dma_semaphore, #tpu.memory_space<semaphore_mem>>) {add = true}
          %dma_wait3A_43 = arith.constant 0 : i32
          %dma_wait3A_44 = tpu.memref_slice %arg8[%scan3A_20, %dma_wait3A_43] : memref<24x128xf32, #tpu.memory_space<vmem>> -> memref<1x128xf32, #tpu.memory_space<vmem>>
          %dma_wait3A_45 = tpu.memref_squeeze %dma_wait3A_44 : memref<1x128xf32, #tpu.memory_space<vmem>> -> memref<128xf32, #tpu.memory_space<vmem>>
          %dma_wait3A_46 = arith.constant 0 : i32
          %dma_wait3A_47 = tpu.memref_slice %arg9[%scan3A_20, %dma_wait3A_46] : memref<24x128xi32, #tpu.memory_space<vmem>> -> memref<1x128xi32, #tpu.memory_space<vmem>>
          %dma_wait3A_48 = tpu.memref_squeeze %dma_wait3A_47 : memref<1x128xi32, #tpu.memory_space<vmem>> -> memref<128xi32, #tpu.memory_space<vmem>>
          %dma_wait3A_49 = arith.constant 0 : i32
          %dma_wait3A_50 = tpu.memref_slice %arg10[%dma_wait3A_49] : memref<5376xf32, #tpu.memory_space<vmem_shared>> -> memref<5376xf32, #tpu.memory_space<vmem_shared>>
          tpu.wait_indirect_dma semaphore(%run_scoped3A : memref<!tpu.dma_semaphore, #tpu.memory_space<semaphore_mem>>) src(%dma_wait3A_45 : memref<128xf32, #tpu.memory_space<vmem>>) dst(%dma_wait3A_50 : memref<5376xf32, #tpu.memory_space<vmem_shared>>)
          tpu.yield
        }) : () -> ()
      }
      %scan3A_19 = arith.constant 24 : i32
    } else {
    }
    %barrier3A_7 = arith.constant 0 : index
    tpu.barrier barrier_id(%barrier3A_7)
    %eq3A_8 = arith.constant 0 : i32
    %eq3A_9 = arith.cmpi eq, %arg1, %eq3A_8 : i32
    %and3A_10 = arith.andi %eq3A_0, %eq3A_9 : i1
    %convert_element_type3A_11 = arith.extui %and3A_10 : i1 to i32
    %cond3A_12 = arith.constant 0 : i32
    %cond3A_13 = arith.cmpi ne, %convert_element_type3A_11, %cond3A_12 : i32
    scf.if %cond3A_13 {
      "tpu.region"() ({
        %run_scoped3A = tpu.sem_alloc : memref<!tpu.dma_semaphore, #tpu.memory_space<semaphore_mem>>
        tpu.enqueue_dma source(%arg10 : memref<5376xf32, #tpu.memory_space<vmem_shared>>) target(%arg6 : memref<5376xf32, #tpu.memory_space<hbm>>) target_semaphore(%run_scoped3A : memref<!tpu.dma_semaphore, #tpu.memory_space<semaphore_mem>>)
        tpu.wait_dma2 semaphore(%run_scoped3A : memref<!tpu.dma_semaphore, #tpu.memory_space<semaphore_mem>>) src(%arg10 : memref<5376xf32, #tpu.memory_space<vmem_shared>>) dst(%arg6 : memref<5376xf32, #tpu.memory_space<hbm>>)
        tpu.yield
      }) : () -> ()
    } else {
    }
    return
  }
}

#map = affine_map<(d0, d1) -> (0)>
#map1 = affine_map<(d0, d1) -> (0, 0)>
module attributes {stable_mosaic.version = 14 : i64} {
  func.func @scatter_k(%arg0: i32, %arg1: i32, %arg2: memref<512xi32, #tpu.memory_space<hbm>>, %arg3: memref<128x128xi32, #tpu.memory_space<hbm>>, %arg4: memref<128x128xf32, #tpu.memory_space<hbm>>, %arg5: memref<5376xf32, #tpu.memory_space<hbm>>, %arg6: memref<5376xf32, #tpu.memory_space<hbm>>, %arg7: memref<8x128xi32, #tpu.memory_space<vmem>>, %arg8: memref<8x128xf32, #tpu.memory_space<vmem>>, %arg9: memref<8x128xi32, #tpu.memory_space<vmem>>, %arg10: memref<5376xf32, #tpu.memory_space<vmem_shared>>, %arg11: memref<!tpu.dma_semaphore, #tpu.memory_space<semaphore_mem>>) attributes {dimension_semantics = [#tpu.dimension_semantics<core_parallel>, #tpu.dimension_semantics<subcore_parallel>], iteration_bounds = array<i64: 2, 16>, scalar_prefetch = 0 : i64, scratch_operands = 5 : i64, tpu.core_type = #tpu.core_type<sc_vector_subcore>, window_params = [{transform_indices = #map}, {transform_indices = #map1}, {transform_indices = #map1}, {transform_indices = #map}, {transform_indices = #map}]} {
    %eq3A = arith.constant 0 : i32
    %eq3A_0 = arith.cmpi eq, %arg0, %eq3A : i32
    %eq3A_1 = arith.constant 0 : i32
    %eq3A_2 = arith.cmpi eq, %arg1, %eq3A_1 : i32
    %and3A = arith.andi %eq3A_0, %eq3A_2 : i1
    %convert_element_type3A = arith.extui %and3A : i1 to i32
    %cond3A = arith.constant 0 : i32
    %cond3A_3 = arith.cmpi ne, %convert_element_type3A, %cond3A : i32
    scf.if %cond3A_3 {
      "tpu.region"() ({
        %run_scoped3A = tpu.sem_alloc : memref<!tpu.dma_semaphore, #tpu.memory_space<semaphore_mem>>
        tpu.enqueue_dma source(%arg5 : memref<5376xf32, #tpu.memory_space<hbm>>) target(%arg10 : memref<5376xf32, #tpu.memory_space<vmem_shared>>) target_semaphore(%run_scoped3A : memref<!tpu.dma_semaphore, #tpu.memory_space<semaphore_mem>>)
        tpu.wait_dma2 semaphore(%run_scoped3A : memref<!tpu.dma_semaphore, #tpu.memory_space<semaphore_mem>>) src(%arg5 : memref<5376xf32, #tpu.memory_space<hbm>>) dst(%arg10 : memref<5376xf32, #tpu.memory_space<vmem_shared>>)
        tpu.yield
      }) : () -> ()
    } else {
    }
    %barrier3A = arith.constant 0 : index
    tpu.barrier barrier_id(%barrier3A)
    %convert_element_type3A_4 = arith.extui %eq3A_0 : i1 to i32
    %cond3A_5 = arith.constant 0 : i32
    %cond3A_6 = arith.cmpi ne, %convert_element_type3A_4, %cond3A_5 : i32
    scf.if %cond3A_6 {
      %mul3A = arith.constant 8 : i32
      %mul3A_14 = arith.muli %arg1, %mul3A : i32
      "tpu.region"() ({
        %run_scoped3A = tpu.sem_alloc : memref<!tpu.dma_semaphore, #tpu.memory_space<semaphore_mem>>
        %dma_start3A = arith.constant 0 : i32
        %dma_start3A_20 = tpu.memref_slice %arg3[%mul3A_14, %dma_start3A] : memref<128x128xi32, #tpu.memory_space<hbm>> -> memref<8x128xi32, #tpu.memory_space<hbm>>
        %dma_start3A_21 = arith.constant 0 : i32
        %dma_start3A_22 = tpu.memref_slice %arg3[%mul3A_14, %dma_start3A_21] : memref<128x128xi32, #tpu.memory_space<hbm>> -> memref<8x128xi32, #tpu.memory_space<hbm>>
        tpu.enqueue_dma source(%dma_start3A_22 : memref<8x128xi32, #tpu.memory_space<hbm>>) target(%arg7 : memref<8x128xi32, #tpu.memory_space<vmem>>) target_semaphore(%run_scoped3A : memref<!tpu.dma_semaphore, #tpu.memory_space<semaphore_mem>>)
        %dma_wait3A = arith.constant 0 : i32
        %dma_wait3A_23 = tpu.memref_slice %arg3[%mul3A_14, %dma_wait3A] : memref<128x128xi32, #tpu.memory_space<hbm>> -> memref<8x128xi32, #tpu.memory_space<hbm>>
        %dma_wait3A_24 = arith.constant 0 : i32
        %dma_wait3A_25 = tpu.memref_slice %arg3[%mul3A_14, %dma_wait3A_24] : memref<128x128xi32, #tpu.memory_space<hbm>> -> memref<8x128xi32, #tpu.memory_space<hbm>>
        tpu.wait_dma2 semaphore(%run_scoped3A : memref<!tpu.dma_semaphore, #tpu.memory_space<semaphore_mem>>) src(%dma_wait3A_25 : memref<8x128xi32, #tpu.memory_space<hbm>>) dst(%arg7 : memref<8x128xi32, #tpu.memory_space<vmem>>)
        tpu.yield
      }) : () -> ()
      "tpu.region"() ({
        %run_scoped3A = tpu.sem_alloc : memref<!tpu.dma_semaphore, #tpu.memory_space<semaphore_mem>>
        %dma_start3A = arith.constant 0 : i32
        %dma_start3A_20 = tpu.memref_slice %arg4[%mul3A_14, %dma_start3A] : memref<128x128xf32, #tpu.memory_space<hbm>> -> memref<8x128xf32, #tpu.memory_space<hbm>>
        %dma_start3A_21 = arith.constant 0 : i32
        %dma_start3A_22 = tpu.memref_slice %arg4[%mul3A_14, %dma_start3A_21] : memref<128x128xf32, #tpu.memory_space<hbm>> -> memref<8x128xf32, #tpu.memory_space<hbm>>
        tpu.enqueue_dma source(%dma_start3A_22 : memref<8x128xf32, #tpu.memory_space<hbm>>) target(%arg8 : memref<8x128xf32, #tpu.memory_space<vmem>>) target_semaphore(%run_scoped3A : memref<!tpu.dma_semaphore, #tpu.memory_space<semaphore_mem>>)
        %dma_wait3A = arith.constant 0 : i32
        %dma_wait3A_23 = tpu.memref_slice %arg4[%mul3A_14, %dma_wait3A] : memref<128x128xf32, #tpu.memory_space<hbm>> -> memref<8x128xf32, #tpu.memory_space<hbm>>
        %dma_wait3A_24 = arith.constant 0 : i32
        %dma_wait3A_25 = tpu.memref_slice %arg4[%mul3A_14, %dma_wait3A_24] : memref<128x128xf32, #tpu.memory_space<hbm>> -> memref<8x128xf32, #tpu.memory_space<hbm>>
        tpu.wait_dma2 semaphore(%run_scoped3A : memref<!tpu.dma_semaphore, #tpu.memory_space<semaphore_mem>>) src(%dma_wait3A_25 : memref<8x128xf32, #tpu.memory_space<hbm>>) dst(%arg8 : memref<8x128xf32, #tpu.memory_space<vmem>>)
        tpu.yield
      }) : () -> ()
      %scan3A = arith.constant 0 : i32
      %scan3A_15 = arith.constant 0 : i32
      %scan3A_16 = arith.constant 8 : i32
      %scan3A_17 = arith.addi %scan3A_15, %scan3A_16 : i32
      %scan3A_18 = arith.constant 1 : i32
      scf.for %scan3A_20 = %scan3A_15 to %scan3A_17 step %scan3A_18  : i32 {
        %dma_start3A = arith.constant 0 : i32
        %dma_start3A_21 = tpu.memref_slice %arg9[%scan3A_20, %dma_start3A] : memref<8x128xi32, #tpu.memory_space<vmem>> -> memref<1x128xi32, #tpu.memory_space<vmem>>
        %dma_start3A_22 = tpu.memref_squeeze %dma_start3A_21 : memref<1x128xi32, #tpu.memory_space<vmem>> -> memref<128xi32, #tpu.memory_space<vmem>>
        %dma_start3A_23 = arith.constant 0 : i32
        %dma_start3A_24 = tpu.memref_slice %arg7[%scan3A_20, %dma_start3A_23] : memref<8x128xi32, #tpu.memory_space<vmem>> -> memref<1x128xi32, #tpu.memory_space<vmem>>
        %dma_start3A_25 = tpu.memref_squeeze %dma_start3A_24 : memref<1x128xi32, #tpu.memory_space<vmem>> -> memref<128xi32, #tpu.memory_space<vmem>>
        %dma_start3A_26 = arith.constant 0 : i32
        %dma_start3A_27 = tpu.memref_slice %arg2[%dma_start3A_26] : memref<512xi32, #tpu.memory_space<hbm>> -> memref<512xi32, #tpu.memory_space<hbm>>
        tpu.enqueue_indirect_dma source(%dma_start3A_27 : memref<512xi32, #tpu.memory_space<hbm>>) target(%dma_start3A_22 : memref<128xi32, #tpu.memory_space<vmem>>) offsets(%dma_start3A_25 : memref<128xi32, #tpu.memory_space<vmem>>) semaphore(%arg11 : memref<!tpu.dma_semaphore, #tpu.memory_space<semaphore_mem>>)
        %dma_wait3A = arith.constant 0 : i32
        %dma_wait3A_28 = tpu.memref_slice %arg9[%scan3A_20, %dma_wait3A] : memref<8x128xi32, #tpu.memory_space<vmem>> -> memref<1x128xi32, #tpu.memory_space<vmem>>
        %dma_wait3A_29 = tpu.memref_squeeze %dma_wait3A_28 : memref<1x128xi32, #tpu.memory_space<vmem>> -> memref<128xi32, #tpu.memory_space<vmem>>
        %dma_wait3A_30 = arith.constant 0 : i32
        %dma_wait3A_31 = tpu.memref_slice %arg7[%scan3A_20, %dma_wait3A_30] : memref<8x128xi32, #tpu.memory_space<vmem>> -> memref<1x128xi32, #tpu.memory_space<vmem>>
        %dma_wait3A_32 = tpu.memref_squeeze %dma_wait3A_31 : memref<1x128xi32, #tpu.memory_space<vmem>> -> memref<128xi32, #tpu.memory_space<vmem>>
        %dma_wait3A_33 = arith.constant 0 : i32
        %dma_wait3A_34 = tpu.memref_slice %arg2[%dma_wait3A_33] : memref<512xi32, #tpu.memory_space<hbm>> -> memref<512xi32, #tpu.memory_space<hbm>>
        tpu.wait_indirect_dma semaphore(%arg11 : memref<!tpu.dma_semaphore, #tpu.memory_space<semaphore_mem>>) src(%dma_wait3A_34 : memref<512xi32, #tpu.memory_space<hbm>>) dst(%dma_wait3A_29 : memref<128xi32, #tpu.memory_space<vmem>>)
        "tpu.region"() ({
          %run_scoped3A = tpu.sem_alloc : memref<!tpu.dma_semaphore, #tpu.memory_space<semaphore_mem>>
          %dma_start3A_35 = arith.constant 0 : i32
          %dma_start3A_36 = tpu.memref_slice %arg8[%scan3A_20, %dma_start3A_35] : memref<8x128xf32, #tpu.memory_space<vmem>> -> memref<1x128xf32, #tpu.memory_space<vmem>>
          %dma_start3A_37 = tpu.memref_squeeze %dma_start3A_36 : memref<1x128xf32, #tpu.memory_space<vmem>> -> memref<128xf32, #tpu.memory_space<vmem>>
          %dma_start3A_38 = arith.constant 0 : i32
          %dma_start3A_39 = tpu.memref_slice %arg9[%scan3A_20, %dma_start3A_38] : memref<8x128xi32, #tpu.memory_space<vmem>> -> memref<1x128xi32, #tpu.memory_space<vmem>>
          %dma_start3A_40 = tpu.memref_squeeze %dma_start3A_39 : memref<1x128xi32, #tpu.memory_space<vmem>> -> memref<128xi32, #tpu.memory_space<vmem>>
          %dma_start3A_41 = arith.constant 0 : i32
          %dma_start3A_42 = tpu.memref_slice %arg10[%dma_start3A_41] : memref<5376xf32, #tpu.memory_space<vmem_shared>> -> memref<5376xf32, #tpu.memory_space<vmem_shared>>
          tpu.enqueue_indirect_dma source(%dma_start3A_37 : memref<128xf32, #tpu.memory_space<vmem>>) target(%dma_start3A_42 : memref<5376xf32, #tpu.memory_space<vmem_shared>>) offsets(%dma_start3A_40 : memref<128xi32, #tpu.memory_space<vmem>>) semaphore(%run_scoped3A : memref<!tpu.dma_semaphore, #tpu.memory_space<semaphore_mem>>) {add = true}
          %dma_wait3A_43 = arith.constant 0 : i32
          %dma_wait3A_44 = tpu.memref_slice %arg8[%scan3A_20, %dma_wait3A_43] : memref<8x128xf32, #tpu.memory_space<vmem>> -> memref<1x128xf32, #tpu.memory_space<vmem>>
          %dma_wait3A_45 = tpu.memref_squeeze %dma_wait3A_44 : memref<1x128xf32, #tpu.memory_space<vmem>> -> memref<128xf32, #tpu.memory_space<vmem>>
          %dma_wait3A_46 = arith.constant 0 : i32
          %dma_wait3A_47 = tpu.memref_slice %arg9[%scan3A_20, %dma_wait3A_46] : memref<8x128xi32, #tpu.memory_space<vmem>> -> memref<1x128xi32, #tpu.memory_space<vmem>>
          %dma_wait3A_48 = tpu.memref_squeeze %dma_wait3A_47 : memref<1x128xi32, #tpu.memory_space<vmem>> -> memref<128xi32, #tpu.memory_space<vmem>>
          %dma_wait3A_49 = arith.constant 0 : i32
          %dma_wait3A_50 = tpu.memref_slice %arg10[%dma_wait3A_49] : memref<5376xf32, #tpu.memory_space<vmem_shared>> -> memref<5376xf32, #tpu.memory_space<vmem_shared>>
          tpu.wait_indirect_dma semaphore(%run_scoped3A : memref<!tpu.dma_semaphore, #tpu.memory_space<semaphore_mem>>) src(%dma_wait3A_45 : memref<128xf32, #tpu.memory_space<vmem>>) dst(%dma_wait3A_50 : memref<5376xf32, #tpu.memory_space<vmem_shared>>)
          tpu.yield
        }) : () -> ()
      }
      %scan3A_19 = arith.constant 8 : i32
    } else {
    }
    %barrier3A_7 = arith.constant 0 : index
    tpu.barrier barrier_id(%barrier3A_7)
    %eq3A_8 = arith.constant 0 : i32
    %eq3A_9 = arith.cmpi eq, %arg1, %eq3A_8 : i32
    %and3A_10 = arith.andi %eq3A_0, %eq3A_9 : i1
    %convert_element_type3A_11 = arith.extui %and3A_10 : i1 to i32
    %cond3A_12 = arith.constant 0 : i32
    %cond3A_13 = arith.cmpi ne, %convert_element_type3A_11, %cond3A_12 : i32
    scf.if %cond3A_13 {
      "tpu.region"() ({
        %run_scoped3A = tpu.sem_alloc : memref<!tpu.dma_semaphore, #tpu.memory_space<semaphore_mem>>
        tpu.enqueue_dma source(%arg10 : memref<5376xf32, #tpu.memory_space<vmem_shared>>) target(%arg6 : memref<5376xf32, #tpu.memory_space<hbm>>) target_semaphore(%run_scoped3A : memref<!tpu.dma_semaphore, #tpu.memory_space<semaphore_mem>>)
        tpu.wait_dma2 semaphore(%run_scoped3A : memref<!tpu.dma_semaphore, #tpu.memory_space<semaphore_mem>>) src(%arg10 : memref<5376xf32, #tpu.memory_space<vmem_shared>>) dst(%arg6 : memref<5376xf32, #tpu.memory_space<hbm>>)
        tpu.yield
      }) : () -> ()
    } else {
    }
    return
  }
}

module attributes {stable_mosaic.version = 14 : i64} {
  func.func @_mm_body(%arg0: i32, %arg1: memref<256x128xf32, #tpu.memory_space<vmem>>, %arg2: memref<128x256xf32, #tpu.memory_space<vmem>>, %arg3: memref<1x256xf32, #tpu.memory_space<vmem>>, %arg4: memref<256x256xf32, #tpu.memory_space<vmem>>) attributes {dimension_semantics = [#tpu.dimension_semantics<arbitrary>], iteration_bounds = array<i64: 21>, scalar_prefetch = 0 : i64, scratch_operands = 0 : i64, tpu.core_type = #tpu.core_type<tc>, window_params = [{transform_indices = @transform_0, window_bounds = array<i64: 256, 128>}, {pipeline_mode = #tpu.pipeline_mode<synchronous>, transform_indices = @transform_1, window_bounds = array<i64: 128, 256>}, {pipeline_mode = #tpu.pipeline_mode<synchronous>, transform_indices = @transform_2, window_bounds = array<i64: 1, 256>}, {transform_indices = @transform_3, window_bounds = array<i64: 256, 256>}]} {
    %get3A = arith.constant 0 : index
    %get3A_0 = arith.constant 0 : index
    %get3A_1 = vector.load %arg1[%get3A, %get3A_0] : memref<256x128xf32, #tpu.memory_space<vmem>>, vector<256x128xf32>
    %get3A_2 = arith.constant 0 : index
    %get3A_3 = arith.constant 0 : index
    %get3A_4 = vector.load %arg2[%get3A_2, %get3A_3] : memref<128x256xf32, #tpu.memory_space<vmem>>, vector<128x256xf32>
    %dot_general3A = arith.constant dense<0.000000e+00> : vector<256x256xf32>
    %dot_general3A_5 = tpu.matmul %get3A_1, %get3A_4, %dot_general3A {dimension_numbers = #tpu.dot_dimension_numbers<[1], [0], [0], [1], [0, 0, 1, 1], [], []>, transpose_lhs_hint = false} : vector<256x128xf32>, vector<128x256xf32>, vector<256x256xf32> -> vector<256x256xf32>
    %get3A_6 = arith.constant 0 : index
    %get3A_7 = arith.constant 0 : index
    %get3A_8 = vector.load %arg3[%get3A_6, %get3A_7] : memref<1x256xf32, #tpu.memory_space<vmem>>, vector<1x256xf32>
    %add3A = vector.broadcast %get3A_8 : vector<1x256xf32> to vector<256x256xf32>
    %add3A_9 = arith.addf %dot_general3A_5, %add3A : vector<256x256xf32>
    %swap3A = arith.constant 0 : index
    %swap3A_10 = arith.constant 0 : index
    %swap3A_11 = vector.load %arg4[%swap3A, %swap3A_10] : memref<256x256xf32, #tpu.memory_space<vmem>>, vector<256x256xf32>
    tpu.vector_store %arg4[%swap3A, %swap3A_10], %add3A_9 {strides = array<i32>} : memref<256x256xf32, #tpu.memory_space<vmem>>, vector<256x256xf32>,
    return
  }
  func.func @transform_0(%arg0: i32) -> (i32, i32) {
    %c0_i32 = arith.constant 0 : i32
    %c0_i32_0 = arith.constant 0 : i32
    return %arg0, %c0_i32 : i32, i32
  }
  func.func @transform_1(%arg0: i32) -> (i32, i32) {
    %c0_i32 = arith.constant 0 : i32
    %c0_i32_0 = arith.constant 0 : i32
    %c0_i32_1 = arith.constant 0 : i32
    return %c0_i32, %c0_i32_0 : i32, i32
  }
  func.func @transform_2(%arg0: i32) -> (i32, i32) {
    %c0_i32 = arith.constant 0 : i32
    %c0_i32_0 = arith.constant 0 : i32
    %c0_i32_1 = arith.constant 0 : i32
    return %c0_i32, %c0_i32_0 : i32, i32
  }
  func.func @transform_3(%arg0: i32) -> (i32, i32) {
    %c0_i32 = arith.constant 0 : i32
    %c0_i32_0 = arith.constant 0 : i32
    return %arg0, %c0_i32 : i32, i32
  }
}

module attributes {stable_mosaic.version = 14 : i64} {
  func.func @_knn_proj_body(%arg0: i32, %arg1: i32, %arg2: memref<1x672x256xf32, #tpu.memory_space<vmem>>, %arg3: memref<1x256x2688xf32, #tpu.memory_space<vmem>>, %arg4: memref<256x256xf32, #tpu.memory_space<vmem>>, %arg5: memref<1x256xf32, #tpu.memory_space<vmem>>, %arg6: memref<256x512xf32, #tpu.memory_space<vmem>>, %arg7: memref<1x512xf32, #tpu.memory_space<vmem>>, %arg8: memref<1x672x32xi32, #tpu.memory_space<vmem>>, %arg9: memref<1x672x256xf32, #tpu.memory_space<vmem>>, %arg10: memref<1x672x512xf32, #tpu.memory_space<vmem>>) attributes {dimension_semantics = [#tpu.dimension_semantics<arbitrary>, #tpu.dimension_semantics<arbitrary>], iteration_bounds = array<i64: 2, 4>, scalar_prefetch = 0 : i64, scratch_operands = 0 : i64, tpu.core_type = #tpu.core_type<tc>, window_params = [{transform_indices = @transform_0, window_bounds = array<i64: 1, 672, 256>}, {transform_indices = @transform_1, window_bounds = array<i64: 1, 256, 2688>}, {pipeline_mode = #tpu.pipeline_mode<synchronous>, transform_indices = @transform_2, window_bounds = array<i64: 256, 256>}, {pipeline_mode = #tpu.pipeline_mode<synchronous>, transform_indices = @transform_3, window_bounds = array<i64: 1, 256>}, {pipeline_mode = #tpu.pipeline_mode<synchronous>, transform_indices = @transform_4, window_bounds = array<i64: 256, 512>}, {pipeline_mode = #tpu.pipeline_mode<synchronous>, transform_indices = @transform_5, window_bounds = array<i64: 1, 512>}, {transform_indices = @transform_6, window_bounds = array<i64: 1, 672, 32>}, {transform_indices = @transform_7, window_bounds = array<i64: 1, 672, 256>}, {transform_indices = @transform_8, window_bounds = array<i64: 1, 672, 512>}]} {
    %get3A = arith.constant 0 : index
    %get3A_0 = arith.constant 0 : index
    %get3A_1 = arith.constant 0 : index
    %get3A_2 = vector.load %arg2[%get3A, %get3A_0, %get3A_1] : memref<1x672x256xf32, #tpu.memory_space<vmem>>, vector<1x672x256xf32>
    %get3A_3 = vector.shape_cast %get3A_2 : vector<1x672x256xf32> to vector<672x256xf32>
    %get3A_4 = arith.constant 0 : index
    %get3A_5 = arith.constant 0 : index
    %get3A_6 = arith.constant 0 : index
    %get3A_7 = vector.load %arg3[%get3A_4, %get3A_5, %get3A_6] : memref<1x256x2688xf32, #tpu.memory_space<vmem>>, vector<1x256x2688xf32>
    %get3A_8 = vector.shape_cast %get3A_7 : vector<1x256x2688xf32> to vector<256x2688xf32>
    %mul3A = arith.mulf %get3A_8, %get3A_8 : vector<256x2688xf32>
    %reduce_sum3A = arith.constant dense<0.000000e+00> : vector<2688xf32>
    %reduce_sum3A_9 = vector.multi_reduction <add>, %mul3A, %reduce_sum3A [0] : vector<256x2688xf32> to vector<2688xf32>
    %broadcast_in_dim3A = vector.shape_cast %reduce_sum3A_9 : vector<2688xf32> to vector<1x2688xf32>
    %dot_general3A = arith.constant dense<0.000000e+00> : vector<672x2688xf32>
    %dot_general3A_10 = tpu.matmul %get3A_3, %get3A_8, %dot_general3A {dimension_numbers = #tpu.dot_dimension_numbers<[1], [0], [0], [1], [0, 0, 1, 1], [], []>, transpose_lhs_hint = false} : vector<672x256xf32>, vector<256x2688xf32>, vector<672x2688xf32> -> vector<672x2688xf32>
    %iota3A = tpu.iota {dimensions = array<i32: 1>} : vector<672x2688xi32>
    %lt3A = arith.constant 2562 : i32
    %lt3A_11 = vector.broadcast %lt3A : i32 to vector<672x2688xi32>
    %lt3A_12 = arith.cmpi slt, %iota3A, %lt3A_11 : vector<672x2688xi32>
    %mul3A_13 = arith.constant 2.000000e+00 : f32
    %mul3A_14 = vector.broadcast %mul3A_13 : f32 to vector<672x2688xf32>
    %mul3A_15 = arith.mulf %mul3A_14, %dot_general3A_10 : vector<672x2688xf32>
    %sub3A = vector.broadcast %broadcast_in_dim3A : vector<1x2688xf32> to vector<672x2688xf32>
    %sub3A_16 = arith.subf %sub3A, %mul3A_15 : vector<672x2688xf32>
    %jit3A = arith.constant 0x7F800000 : f32
    %broadcast_in_dim3A_17 = vector.broadcast %jit3A : f32 to vector<672x2688xf32>
    %select_n3A = arith.select %lt3A_12, %sub3A_16, %broadcast_in_dim3A_17 : vector<672x2688xi1>, vector<672x2688xf32>
    %iota3A_18 = tpu.iota {dimensions = array<i32: 1>} : vector<672x32xi32>
    %broadcast_in_dim3A_19 = arith.constant 0 : i32
    %broadcast_in_dim3A_20 = vector.broadcast %broadcast_in_dim3A_19 : i32 to vector<672x32xi32>
    %scan3A = arith.constant 1073741824 : i32
    %scan3A_21 = arith.constant 0 : i32
    %scan3A_22 = arith.constant 32 : i32
    %scan3A_23 = arith.addi %scan3A_21, %scan3A_22 : i32
    %scan3A_24 = arith.constant 1 : i32
    %scan3A_25:2 = scf.for %scan3A_67 = %scan3A_21 to %scan3A_23 step %scan3A_24 iter_args(%scan3A_68 = %select_n3A, %scan3A_69 = %broadcast_in_dim3A_20) -> (vector<672x2688xf32>, vector<672x32xi32>)  : i32 {
      %reduce_min3A = arith.constant dense<0x7F800000> : vector<672xf32>
      %reduce_min3A_70 = vector.multi_reduction <minimumf>, %scan3A_68, %reduce_min3A [1] : vector<672x2688xf32> to vector<672xf32>
      %broadcast_in_dim3A_71 = vector.shape_cast %reduce_min3A_70 : vector<672xf32> to vector<672x1xf32>
      %le3A = vector.broadcast %broadcast_in_dim3A_71 : vector<672x1xf32> to vector<672x2688xf32>
      %le3A_72 = arith.cmpf ole, %scan3A_68, %le3A : vector<672x2688xf32>
      %broadcast_in_dim3A_73 = vector.broadcast %scan3A : i32 to vector<672x2688xi32>
      %select_n3A_74 = arith.select %le3A_72, %iota3A, %broadcast_in_dim3A_73 : vector<672x2688xi1>, vector<672x2688xi32>
      %reduce_min3A_75 = arith.constant dense<2147483647> : vector<672xi32>
      %reduce_min3A_76 = vector.multi_reduction <minsi>, %select_n3A_74, %reduce_min3A_75 [1] : vector<672x2688xi32> to vector<672xi32>
      %broadcast_in_dim3A_77 = vector.shape_cast %reduce_min3A_76 : vector<672xi32> to vector<672x1xi32>
      %eq3A = vector.broadcast %scan3A_67 : i32 to vector<672x32xi32>
      %eq3A_78 = arith.cmpi eq, %iota3A_18, %eq3A : vector<672x32xi32>
      %jit3A_79 = arith.constant 0 : i32
      %broadcast_in_dim3A_80 = vector.shape_cast %broadcast_in_dim3A_77 : vector<672x1xi32> to vector<672x1xi32>
      %broadcast_in_dim3A_81 = vector.broadcast %broadcast_in_dim3A_80 : vector<672x1xi32> to vector<672x32xi32>
      %broadcast_in_dim3A_82 = vector.broadcast %jit3A_79 : i32 to vector<672x32xi32>
      %select_n3A_83 = arith.select %eq3A_78, %broadcast_in_dim3A_81, %broadcast_in_dim3A_82 : vector<672x32xi1>, vector<672x32xi32>
      %add3A_84 = arith.addi %scan3A_69, %select_n3A_83 : vector<672x32xi32>
      %eq3A_85 = vector.broadcast %broadcast_in_dim3A_77 : vector<672x1xi32> to vector<672x2688xi32>
      %eq3A_86 = arith.cmpi eq, %iota3A, %eq3A_85 : vector<672x2688xi32>
      %jit3A_87 = arith.constant 0x7F800000 : f32
      %broadcast_in_dim3A_88 = vector.broadcast %jit3A_87 : f32 to vector<672x2688xf32>
      %select_n3A_89 = arith.select %eq3A_86, %broadcast_in_dim3A_88, %scan3A_68 : vector<672x2688xi1>, vector<672x2688xf32>
      scf.yield %select_n3A_89, %add3A_84 : vector<672x2688xf32>, vector<672x32xi32>
    }
    %scan3A_26 = arith.constant 32 : i32
    %mul3A_27 = arith.constant 2688 : i32
    %mul3A_28 = arith.muli %arg0, %mul3A_27 : i32
    %add3A = vector.broadcast %mul3A_28 : i32 to vector<672x32xi32>
    %add3A_29 = arith.addi %scan3A_25#1, %add3A : vector<672x32xi32>
    %swap3A = arith.constant 0 : index
    %swap3A_30 = arith.constant 0 : index
    %swap3A_31 = arith.constant 0 : index
    %swap3A_32 = vector.load %arg8[%swap3A, %swap3A_30, %swap3A_31] : memref<1x672x32xi32, #tpu.memory_space<vmem>>, vector<1x672x32xi32>
    %swap3A_33 = vector.shape_cast %swap3A_32 : vector<1x672x32xi32> to vector<672x32xi32>
    %swap3A_34 = vector.shape_cast %add3A_29 : vector<672x32xi32> to vector<1x672x32xi32>
    tpu.vector_store %arg8[%swap3A, %swap3A_30, %swap3A_31], %swap3A_34 {strides = array<i32>} : memref<1x672x32xi32, #tpu.memory_space<vmem>>, vector<1x672x32xi32>,
    %get3A_35 = arith.constant 0 : index
    %get3A_36 = arith.constant 0 : index
    %get3A_37 = vector.load %arg4[%get3A_35, %get3A_36] : memref<256x256xf32, #tpu.memory_space<vmem>>, vector<256x256xf32>
    %dot_general3A_38 = arith.constant dense<0.000000e+00> : vector<672x256xf32>
    %dot_general3A_39 = tpu.matmul %get3A_3, %get3A_37, %dot_general3A_38 {dimension_numbers = #tpu.dot_dimension_numbers<[1], [0], [0], [1], [0, 0, 1, 1], [], []>, transpose_lhs_hint = false} : vector<672x256xf32>, vector<256x256xf32>, vector<672x256xf32> -> vector<672x256xf32>
    %get3A_40 = arith.constant 0 : index
    %get3A_41 = arith.constant 0 : index
    %get3A_42 = vector.load %arg5[%get3A_40, %get3A_41] : memref<1x256xf32, #tpu.memory_space<vmem>>, vector<1x256xf32>
    %add3A_43 = vector.broadcast %get3A_42 : vector<1x256xf32> to vector<672x256xf32>
    %add3A_44 = arith.addf %dot_general3A_39, %add3A_43 : vector<672x256xf32>
    %swap3A_45 = arith.constant 0 : index
    %swap3A_46 = arith.constant 0 : index
    %swap3A_47 = arith.constant 0 : index
    %swap3A_48 = vector.load %arg9[%swap3A_45, %swap3A_46, %swap3A_47] : memref<1x672x256xf32, #tpu.memory_space<vmem>>, vector<1x672x256xf32>
    %swap3A_49 = vector.shape_cast %swap3A_48 : vector<1x672x256xf32> to vector<672x256xf32>
    %swap3A_50 = vector.shape_cast %add3A_44 : vector<672x256xf32> to vector<1x672x256xf32>
    tpu.vector_store %arg9[%swap3A_45, %swap3A_46, %swap3A_47], %swap3A_50 {strides = array<i32>} : memref<1x672x256xf32, #tpu.memory_space<vmem>>, vector<1x672x256xf32>,
    %get3A_51 = arith.constant 0 : index
    %get3A_52 = arith.constant 0 : index
    %get3A_53 = vector.load %arg6[%get3A_51, %get3A_52] : memref<256x512xf32, #tpu.memory_space<vmem>>, vector<256x512xf32>
    %dot_general3A_54 = arith.constant dense<0.000000e+00> : vector<672x512xf32>
    %dot_general3A_55 = tpu.matmul %get3A_3, %get3A_53, %dot_general3A_54 {dimension_numbers = #tpu.dot_dimension_numbers<[1], [0], [0], [1], [0, 0, 1, 1], [], []>, transpose_lhs_hint = false} : vector<672x256xf32>, vector<256x512xf32>, vector<672x512xf32> -> vector<672x512xf32>
    %get3A_56 = arith.constant 0 : index
    %get3A_57 = arith.constant 0 : index
    %get3A_58 = vector.load %arg7[%get3A_56, %get3A_57] : memref<1x512xf32, #tpu.memory_space<vmem>>, vector<1x512xf32>
    %add3A_59 = vector.broadcast %get3A_58 : vector<1x512xf32> to vector<672x512xf32>
    %add3A_60 = arith.addf %dot_general3A_55, %add3A_59 : vector<672x512xf32>
    %swap3A_61 = arith.constant 0 : index
    %swap3A_62 = arith.constant 0 : index
    %swap3A_63 = arith.constant 0 : index
    %swap3A_64 = vector.load %arg10[%swap3A_61, %swap3A_62, %swap3A_63] : memref<1x672x512xf32, #tpu.memory_space<vmem>>, vector<1x672x512xf32>
    %swap3A_65 = vector.shape_cast %swap3A_64 : vector<1x672x512xf32> to vector<672x512xf32>
    %swap3A_66 = vector.shape_cast %add3A_60 : vector<672x512xf32> to vector<1x672x512xf32>
    tpu.vector_store %arg10[%swap3A_61, %swap3A_62, %swap3A_63], %swap3A_66 {strides = array<i32>} : memref<1x672x512xf32, #tpu.memory_space<vmem>>, vector<1x672x512xf32>,
    return
  }
  func.func @transform_0(%arg0: i32, %arg1: i32) -> (i32, i32, i32) {
    %c0_i32 = arith.constant 0 : i32
    %c0_i32_0 = arith.constant 0 : i32
    return %arg0, %arg1, %c0_i32 : i32, i32, i32
  }
  func.func @transform_1(%arg0: i32, %arg1: i32) -> (i32, i32, i32) {
    %c0_i32 = arith.constant 0 : i32
    %c0_i32_0 = arith.constant 0 : i32
    %c0_i32_1 = arith.constant 0 : i32
    return %arg0, %c0_i32, %c0_i32_0 : i32, i32, i32
  }
  func.func @transform_2(%arg0: i32, %arg1: i32) -> (i32, i32) {
    %c0_i32 = arith.constant 0 : i32
    %c0_i32_0 = arith.constant 0 : i32
    %c0_i32_1 = arith.constant 0 : i32
    return %c0_i32, %c0_i32_0 : i32, i32
  }
  func.func @transform_3(%arg0: i32, %arg1: i32) -> (i32, i32) {
    %c0_i32 = arith.constant 0 : i32
    %c0_i32_0 = arith.constant 0 : i32
    %c0_i32_1 = arith.constant 0 : i32
    return %c0_i32, %c0_i32_0 : i32, i32
  }
  func.func @transform_4(%arg0: i32, %arg1: i32) -> (i32, i32) {
    %c0_i32 = arith.constant 0 : i32
    %c0_i32_0 = arith.constant 0 : i32
    %c0_i32_1 = arith.constant 0 : i32
    return %c0_i32, %c0_i32_0 : i32, i32
  }
  func.func @transform_5(%arg0: i32, %arg1: i32) -> (i32, i32) {
    %c0_i32 = arith.constant 0 : i32
    %c0_i32_0 = arith.constant 0 : i32
    %c0_i32_1 = arith.constant 0 : i32
    return %c0_i32, %c0_i32_0 : i32, i32
  }
  func.func @transform_6(%arg0: i32, %arg1: i32) -> (i32, i32, i32) {
    %c0_i32 = arith.constant 0 : i32
    %c0_i32_0 = arith.constant 0 : i32
    return %arg0, %arg1, %c0_i32 : i32, i32, i32
  }
  func.func @transform_7(%arg0: i32, %arg1: i32) -> (i32, i32, i32) {
    %c0_i32 = arith.constant 0 : i32
    %c0_i32_0 = arith.constant 0 : i32
    return %arg0, %arg1, %c0_i32 : i32, i32, i32
  }
  func.func @transform_8(%arg0: i32, %arg1: i32) -> (i32, i32, i32) {
    %c0_i32 = arith.constant 0 : i32
    %c0_i32_0 = arith.constant 0 : i32
    return %arg0, %arg1, %c0_i32 : i32, i32, i32
  }
}

module attributes {stable_mosaic.version = 14 : i64} {
  func.func @_attn_body(%arg0: i32, %arg1: i32, %arg2: memref<1x128x256xf32, #tpu.memory_space<vmem>>, %arg3: memref<1x128x32x512xf32, #tpu.memory_space<vmem>>, %arg4: memref<256x256xf32, #tpu.memory_space<vmem>>, %arg5: memref<1x256xf32, #tpu.memory_space<vmem>>, %arg6: memref<256x64xf32, #tpu.memory_space<vmem>>, %arg7: memref<1x64xf32, #tpu.memory_space<vmem>>, %arg8: memref<64x256xf32, #tpu.memory_space<vmem>>, %arg9: memref<1x256xf32, #tpu.memory_space<vmem>>, %arg10: memref<1x128x256xf32, #tpu.memory_space<vmem>>, %arg11: memref<1x128x32xf32, #tpu.memory_space<vmem>>) attributes {dimension_semantics = [#tpu.dimension_semantics<arbitrary>, #tpu.dimension_semantics<arbitrary>], iteration_bounds = array<i64: 2, 21>, scalar_prefetch = 0 : i64, scratch_operands = 0 : i64, tpu.core_type = #tpu.core_type<tc>, window_params = [{transform_indices = @transform_0, window_bounds = array<i64: 1, 128, 256>}, {transform_indices = @transform_1, window_bounds = array<i64: 1, 128, 32, 512>}, {pipeline_mode = #tpu.pipeline_mode<synchronous>, transform_indices = @transform_2, window_bounds = array<i64: 256, 256>}, {pipeline_mode = #tpu.pipeline_mode<synchronous>, transform_indices = @transform_3, window_bounds = array<i64: 1, 256>}, {pipeline_mode = #tpu.pipeline_mode<synchronous>, transform_indices = @transform_4, window_bounds = array<i64: 256, 64>}, {pipeline_mode = #tpu.pipeline_mode<synchronous>, transform_indices = @transform_5, window_bounds = array<i64: 1, 64>}, {pipeline_mode = #tpu.pipeline_mode<synchronous>, transform_indices = @transform_6, window_bounds = array<i64: 64, 256>}, {pipeline_mode = #tpu.pipeline_mode<synchronous>, transform_indices = @transform_7, window_bounds = array<i64: 1, 256>}, {transform_indices = @transform_8, window_bounds = array<i64: 1, 128, 256>}, {transform_indices = @transform_9, window_bounds = array<i64: 1, 128, 32>}]} {
    %get3A = arith.constant 0 : index
    %get3A_0 = arith.constant 0 : index
    %get3A_1 = arith.constant 0 : index
    %get3A_2 = vector.load %arg2[%get3A, %get3A_0, %get3A_1] : memref<1x128x256xf32, #tpu.memory_space<vmem>>, vector<1x128x256xf32>
    %get3A_3 = vector.shape_cast %get3A_2 : vector<1x128x256xf32> to vector<128x256xf32>
    %get3A_4 = arith.constant 0 : index
    %get3A_5 = arith.constant 0 : index
    %get3A_6 = arith.constant 0 : index
    %get3A_7 = arith.constant 0 : index
    %get3A_8 = vector.load %arg3[%get3A_4, %get3A_5, %get3A_6, %get3A_7] : memref<1x128x32x512xf32, #tpu.memory_space<vmem>>, vector<1x128x32x256xf32>
    %get3A_9 = vector.shape_cast %get3A_8 : vector<1x128x32x256xf32> to vector<128x32x256xf32>
    %get3A_10 = arith.constant 0 : index
    %get3A_11 = arith.constant 0 : index
    %get3A_12 = arith.constant 0 : index
    %get3A_13 = arith.constant 256 : index
    %get3A_14 = vector.load %arg3[%get3A_10, %get3A_11, %get3A_12, %get3A_13] : memref<1x128x32x512xf32, #tpu.memory_space<vmem>>, vector<1x128x32x256xf32>
    %get3A_15 = vector.shape_cast %get3A_14 : vector<1x128x32x256xf32> to vector<128x32x256xf32>
    %broadcast_in_dim3A = vector.shape_cast %get3A_3 : vector<128x256xf32> to vector<128x1x256xf32>
    %mul3A = vector.broadcast %broadcast_in_dim3A : vector<128x1x256xf32> to vector<128x32x256xf32>
    %mul3A_16 = arith.mulf %mul3A, %get3A_9 : vector<128x32x256xf32>
    %reduce_max3A = arith.constant dense<0xFF800000> : vector<128x256xf32>
    %reduce_max3A_17 = vector.multi_reduction <maximumf>, %mul3A_16, %reduce_max3A [1] : vector<128x32x256xf32> to vector<128x256xf32>
    %broadcast_in_dim3A_18 = vector.shape_cast %reduce_max3A_17 : vector<128x256xf32> to vector<128x1x256xf32>
    %sub3A = vector.broadcast %broadcast_in_dim3A_18 : vector<128x1x256xf32> to vector<128x32x256xf32>
    %sub3A_19 = arith.subf %mul3A_16, %sub3A : vector<128x32x256xf32>
    %exp3A = math.exp %sub3A_19 : vector<128x32x256xf32>
    %reduce_sum3A = arith.constant dense<0.000000e+00> : vector<128x256xf32>
    %reduce_sum3A_20 = vector.multi_reduction <add>, %exp3A, %reduce_sum3A [1] : vector<128x32x256xf32> to vector<128x256xf32>
    %broadcast_in_dim3A_21 = vector.shape_cast %reduce_sum3A_20 : vector<128x256xf32> to vector<128x1x256xf32>
    %div3A = vector.broadcast %broadcast_in_dim3A_21 : vector<128x1x256xf32> to vector<128x32x256xf32>
    %div3A_22 = arith.divf %exp3A, %div3A : vector<128x32x256xf32>
    %mul3A_23 = arith.mulf %div3A_22, %get3A_15 : vector<128x32x256xf32>
    %reduce_sum3A_24 = arith.constant dense<0.000000e+00> : vector<128x256xf32>
    %reduce_sum3A_25 = vector.multi_reduction <add>, %mul3A_23, %reduce_sum3A_24 [1] : vector<128x32x256xf32> to vector<128x256xf32>
    %reduce_sum3A_26 = arith.constant dense<0.000000e+00> : vector<128x32xf32>
    %reduce_sum3A_27 = vector.multi_reduction <add>, %div3A_22, %reduce_sum3A_26 [2] : vector<128x32x256xf32> to vector<128x32xf32>
    %div3A_28 = arith.constant 2.560000e+02 : f32
    %div3A_29 = vector.broadcast %div3A_28 : f32 to vector<128x32xf32>
    %div3A_30 = arith.divf %reduce_sum3A_27, %div3A_29 : vector<128x32xf32>
    %mul3A_31 = arith.constant 128 : i32
    %mul3A_32 = arith.muli %arg1, %mul3A_31 : i32
    %iota3A = tpu.iota {dimensions = array<i32: 0>} : vector<128x32xi32>
    %add3A = vector.broadcast %mul3A_32 : i32 to vector<128x32xi32>
    %add3A_33 = arith.addi %add3A, %iota3A : vector<128x32xi32>
    %lt3A = arith.constant 2562 : i32
    %lt3A_34 = vector.broadcast %lt3A : i32 to vector<128x32xi32>
    %lt3A_35 = arith.cmpi slt, %add3A_33, %lt3A_34 : vector<128x32xi32>
    %jit3A = arith.constant 0.000000e+00 : f32
    %broadcast_in_dim3A_36 = vector.broadcast %jit3A : f32 to vector<128x32xf32>
    %select_n3A = arith.select %lt3A_35, %div3A_30, %broadcast_in_dim3A_36 : vector<128x32xi1>, vector<128x32xf32>
    %swap3A = arith.constant 0 : index
    %swap3A_37 = arith.constant 0 : index
    %swap3A_38 = arith.constant 0 : index
    %swap3A_39 = vector.load %arg11[%swap3A, %swap3A_37, %swap3A_38] : memref<1x128x32xf32, #tpu.memory_space<vmem>>, vector<1x128x32xf32>
    %swap3A_40 = vector.shape_cast %swap3A_39 : vector<1x128x32xf32> to vector<128x32xf32>
    %swap3A_41 = vector.shape_cast %select_n3A : vector<128x32xf32> to vector<1x128x32xf32>
    tpu.vector_store %arg11[%swap3A, %swap3A_37, %swap3A_38], %swap3A_41 {strides = array<i32>} : memref<1x128x32xf32, #tpu.memory_space<vmem>>, vector<1x128x32xf32>,
    %get3A_42 = arith.constant 0 : index
    %get3A_43 = arith.constant 0 : index
    %get3A_44 = vector.load %arg4[%get3A_42, %get3A_43] : memref<256x256xf32, #tpu.memory_space<vmem>>, vector<256x256xf32>
    %dot_general3A = arith.constant dense<0.000000e+00> : vector<128x256xf32>
    %dot_general3A_45 = tpu.matmul %reduce_sum3A_25, %get3A_44, %dot_general3A {dimension_numbers = #tpu.dot_dimension_numbers<[1], [0], [0], [1], [0, 0, 1, 1], [], []>, transpose_lhs_hint = false} : vector<128x256xf32>, vector<256x256xf32>, vector<128x256xf32> -> vector<128x256xf32>
    %get3A_46 = arith.constant 0 : index
    %get3A_47 = arith.constant 0 : index
    %get3A_48 = vector.load %arg5[%get3A_46, %get3A_47] : memref<1x256xf32, #tpu.memory_space<vmem>>, vector<1x256xf32>
    %add3A_49 = vector.broadcast %get3A_48 : vector<1x256xf32> to vector<128x256xf32>
    %add3A_50 = arith.addf %dot_general3A_45, %add3A_49 : vector<128x256xf32>
    %get3A_51 = arith.constant 0 : index
    %get3A_52 = arith.constant 0 : index
    %get3A_53 = vector.load %arg6[%get3A_51, %get3A_52] : memref<256x64xf32, #tpu.memory_space<vmem>>, vector<256x64xf32>
    %dot_general3A_54 = arith.constant dense<0.000000e+00> : vector<128x64xf32>
    %dot_general3A_55 = tpu.matmul %add3A_50, %get3A_53, %dot_general3A_54 {dimension_numbers = #tpu.dot_dimension_numbers<[1], [0], [0], [1], [0, 0, 1, 1], [], []>, transpose_lhs_hint = false} : vector<128x256xf32>, vector<256x64xf32>, vector<128x64xf32> -> vector<128x64xf32>
    %get3A_56 = arith.constant 0 : index
    %get3A_57 = arith.constant 0 : index
    %get3A_58 = vector.load %arg7[%get3A_56, %get3A_57] : memref<1x64xf32, #tpu.memory_space<vmem>>, vector<1x64xf32>
    %add3A_59 = vector.broadcast %get3A_58 : vector<1x64xf32> to vector<128x64xf32>
    %add3A_60 = arith.addf %dot_general3A_55, %add3A_59 : vector<128x64xf32>
    %mul3A_61 = arith.constant 5.000000e-01 : f32
    %mul3A_62 = vector.broadcast %mul3A_61 : f32 to vector<128x64xf32>
    %mul3A_63 = arith.mulf %mul3A_62, %add3A_60 : vector<128x64xf32>
    %mul3A_64 = arith.constant 0.707106769 : f32
    %mul3A_65 = vector.broadcast %mul3A_64 : f32 to vector<128x64xf32>
    %mul3A_66 = arith.mulf %add3A_60, %mul3A_65 : vector<128x64xf32>
    %erf3A = math.erf %mul3A_66 : vector<128x64xf32>
    %add3A_67 = arith.constant 1.000000e+00 : f32
    %add3A_68 = vector.broadcast %add3A_67 : f32 to vector<128x64xf32>
    %add3A_69 = arith.addf %add3A_68, %erf3A : vector<128x64xf32>
    %mul3A_70 = arith.mulf %mul3A_63, %add3A_69 : vector<128x64xf32>
    %get3A_71 = arith.constant 0 : index
    %get3A_72 = arith.constant 0 : index
    %get3A_73 = vector.load %arg8[%get3A_71, %get3A_72] : memref<64x256xf32, #tpu.memory_space<vmem>>, vector<64x256xf32>
    %dot_general3A_74 = arith.constant dense<0.000000e+00> : vector<128x256xf32>
    %dot_general3A_75 = tpu.matmul %mul3A_70, %get3A_73, %dot_general3A_74 {dimension_numbers = #tpu.dot_dimension_numbers<[1], [0], [0], [1], [0, 0, 1, 1], [], []>, transpose_lhs_hint = false} : vector<128x64xf32>, vector<64x256xf32>, vector<128x256xf32> -> vector<128x256xf32>
    %get3A_76 = arith.constant 0 : index
    %get3A_77 = arith.constant 0 : index
    %get3A_78 = vector.load %arg9[%get3A_76, %get3A_77] : memref<1x256xf32, #tpu.memory_space<vmem>>, vector<1x256xf32>
    %add3A_79 = vector.broadcast %get3A_78 : vector<1x256xf32> to vector<128x256xf32>
    %add3A_80 = arith.addf %dot_general3A_75, %add3A_79 : vector<128x256xf32>
    %add3A_81 = arith.addf %add3A_50, %add3A_80 : vector<128x256xf32>
    %swap3A_82 = arith.constant 0 : index
    %swap3A_83 = arith.constant 0 : index
    %swap3A_84 = arith.constant 0 : index
    %swap3A_85 = vector.load %arg10[%swap3A_82, %swap3A_83, %swap3A_84] : memref<1x128x256xf32, #tpu.memory_space<vmem>>, vector<1x128x256xf32>
    %swap3A_86 = vector.shape_cast %swap3A_85 : vector<1x128x256xf32> to vector<128x256xf32>
    %swap3A_87 = vector.shape_cast %add3A_81 : vector<128x256xf32> to vector<1x128x256xf32>
    tpu.vector_store %arg10[%swap3A_82, %swap3A_83, %swap3A_84], %swap3A_87 {strides = array<i32>} : memref<1x128x256xf32, #tpu.memory_space<vmem>>, vector<1x128x256xf32>,
    return
  }
  func.func @transform_0(%arg0: i32, %arg1: i32) -> (i32, i32, i32) {
    %c0_i32 = arith.constant 0 : i32
    %c0_i32_0 = arith.constant 0 : i32
    return %arg0, %arg1, %c0_i32 : i32, i32, i32
  }
  func.func @transform_1(%arg0: i32, %arg1: i32) -> (i32, i32, i32, i32) {
    %c0_i32 = arith.constant 0 : i32
    %c0_i32_0 = arith.constant 0 : i32
    %c0_i32_1 = arith.constant 0 : i32
    return %arg0, %arg1, %c0_i32, %c0_i32_0 : i32, i32, i32, i32
  }
  func.func @transform_2(%arg0: i32, %arg1: i32) -> (i32, i32) {
    %c0_i32 = arith.constant 0 : i32
    %c0_i32_0 = arith.constant 0 : i32
    %c0_i32_1 = arith.constant 0 : i32
    return %c0_i32, %c0_i32_0 : i32, i32
  }
  func.func @transform_3(%arg0: i32, %arg1: i32) -> (i32, i32) {
    %c0_i32 = arith.constant 0 : i32
    %c0_i32_0 = arith.constant 0 : i32
    %c0_i32_1 = arith.constant 0 : i32
    return %c0_i32, %c0_i32_0 : i32, i32
  }
  func.func @transform_4(%arg0: i32, %arg1: i32) -> (i32, i32) {
    %c0_i32 = arith.constant 0 : i32
    %c0_i32_0 = arith.constant 0 : i32
    %c0_i32_1 = arith.constant 0 : i32
    return %c0_i32, %c0_i32_0 : i32, i32
  }
  func.func @transform_5(%arg0: i32, %arg1: i32) -> (i32, i32) {
    %c0_i32 = arith.constant 0 : i32
    %c0_i32_0 = arith.constant 0 : i32
    %c0_i32_1 = arith.constant 0 : i32
    return %c0_i32, %c0_i32_0 : i32, i32
  }
  func.func @transform_6(%arg0: i32, %arg1: i32) -> (i32, i32) {
    %c0_i32 = arith.constant 0 : i32
    %c0_i32_0 = arith.constant 0 : i32
    %c0_i32_1 = arith.constant 0 : i32
    return %c0_i32, %c0_i32_0 : i32, i32
  }
  func.func @transform_7(%arg0: i32, %arg1: i32) -> (i32, i32) {
    %c0_i32 = arith.constant 0 : i32
    %c0_i32_0 = arith.constant 0 : i32
    %c0_i32_1 = arith.constant 0 : i32
    return %c0_i32, %c0_i32_0 : i32, i32
  }
  func.func @transform_8(%arg0: i32, %arg1: i32) -> (i32, i32, i32) {
    %c0_i32 = arith.constant 0 : i32
    %c0_i32_0 = arith.constant 0 : i32
    return %arg0, %arg1, %c0_i32 : i32, i32, i32
  }
  func.func @transform_9(%arg0: i32, %arg1: i32) -> (i32, i32, i32) {
    %c0_i32 = arith.constant 0 : i32
    %c0_i32_0 = arith.constant 0 : i32
    return %arg0, %arg1, %c0_i32 : i32, i32, i32
  }
}

module attributes {stable_mosaic.version = 14 : i64} {
  func.func @_knn_proj_body(%arg0: i32, %arg1: i32, %arg2: memref<1x384x256xf32, #tpu.memory_space<vmem>>, %arg3: memref<1x256x768xf32, #tpu.memory_space<vmem>>, %arg4: memref<256x256xf32, #tpu.memory_space<vmem>>, %arg5: memref<1x256xf32, #tpu.memory_space<vmem>>, %arg6: memref<256x512xf32, #tpu.memory_space<vmem>>, %arg7: memref<1x512xf32, #tpu.memory_space<vmem>>, %arg8: memref<1x384x32xi32, #tpu.memory_space<vmem>>, %arg9: memref<1x384x256xf32, #tpu.memory_space<vmem>>, %arg10: memref<1x384x512xf32, #tpu.memory_space<vmem>>) attributes {dimension_semantics = [#tpu.dimension_semantics<arbitrary>, #tpu.dimension_semantics<arbitrary>], iteration_bounds = array<i64: 2, 2>, scalar_prefetch = 0 : i64, scratch_operands = 0 : i64, tpu.core_type = #tpu.core_type<tc>, window_params = [{transform_indices = @transform_0, window_bounds = array<i64: 1, 384, 256>}, {transform_indices = @transform_1, window_bounds = array<i64: 1, 256, 768>}, {pipeline_mode = #tpu.pipeline_mode<synchronous>, transform_indices = @transform_2, window_bounds = array<i64: 256, 256>}, {pipeline_mode = #tpu.pipeline_mode<synchronous>, transform_indices = @transform_3, window_bounds = array<i64: 1, 256>}, {pipeline_mode = #tpu.pipeline_mode<synchronous>, transform_indices = @transform_4, window_bounds = array<i64: 256, 512>}, {pipeline_mode = #tpu.pipeline_mode<synchronous>, transform_indices = @transform_5, window_bounds = array<i64: 1, 512>}, {transform_indices = @transform_6, window_bounds = array<i64: 1, 384, 32>}, {transform_indices = @transform_7, window_bounds = array<i64: 1, 384, 256>}, {transform_indices = @transform_8, window_bounds = array<i64: 1, 384, 512>}]} {
    %get3A = arith.constant 0 : index
    %get3A_0 = arith.constant 0 : index
    %get3A_1 = arith.constant 0 : index
    %get3A_2 = vector.load %arg2[%get3A, %get3A_0, %get3A_1] : memref<1x384x256xf32, #tpu.memory_space<vmem>>, vector<1x384x256xf32>
    %get3A_3 = vector.shape_cast %get3A_2 : vector<1x384x256xf32> to vector<384x256xf32>
    %get3A_4 = arith.constant 0 : index
    %get3A_5 = arith.constant 0 : index
    %get3A_6 = arith.constant 0 : index
    %get3A_7 = vector.load %arg3[%get3A_4, %get3A_5, %get3A_6] : memref<1x256x768xf32, #tpu.memory_space<vmem>>, vector<1x256x768xf32>
    %get3A_8 = vector.shape_cast %get3A_7 : vector<1x256x768xf32> to vector<256x768xf32>
    %mul3A = arith.mulf %get3A_8, %get3A_8 : vector<256x768xf32>
    %reduce_sum3A = arith.constant dense<0.000000e+00> : vector<768xf32>
    %reduce_sum3A_9 = vector.multi_reduction <add>, %mul3A, %reduce_sum3A [0] : vector<256x768xf32> to vector<768xf32>
    %broadcast_in_dim3A = vector.shape_cast %reduce_sum3A_9 : vector<768xf32> to vector<1x768xf32>
    %dot_general3A = arith.constant dense<0.000000e+00> : vector<384x768xf32>
    %dot_general3A_10 = tpu.matmul %get3A_3, %get3A_8, %dot_general3A {dimension_numbers = #tpu.dot_dimension_numbers<[1], [0], [0], [1], [0, 0, 1, 1], [], []>, transpose_lhs_hint = false} : vector<384x256xf32>, vector<256x768xf32>, vector<384x768xf32> -> vector<384x768xf32>
    %iota3A = tpu.iota {dimensions = array<i32: 1>} : vector<384x768xi32>
    %lt3A = arith.constant 642 : i32
    %lt3A_11 = vector.broadcast %lt3A : i32 to vector<384x768xi32>
    %lt3A_12 = arith.cmpi slt, %iota3A, %lt3A_11 : vector<384x768xi32>
    %mul3A_13 = arith.constant 2.000000e+00 : f32
    %mul3A_14 = vector.broadcast %mul3A_13 : f32 to vector<384x768xf32>
    %mul3A_15 = arith.mulf %mul3A_14, %dot_general3A_10 : vector<384x768xf32>
    %sub3A = vector.broadcast %broadcast_in_dim3A : vector<1x768xf32> to vector<384x768xf32>
    %sub3A_16 = arith.subf %sub3A, %mul3A_15 : vector<384x768xf32>
    %jit3A = arith.constant 0x7F800000 : f32
    %broadcast_in_dim3A_17 = vector.broadcast %jit3A : f32 to vector<384x768xf32>
    %select_n3A = arith.select %lt3A_12, %sub3A_16, %broadcast_in_dim3A_17 : vector<384x768xi1>, vector<384x768xf32>
    %iota3A_18 = tpu.iota {dimensions = array<i32: 1>} : vector<384x32xi32>
    %broadcast_in_dim3A_19 = arith.constant 0 : i32
    %broadcast_in_dim3A_20 = vector.broadcast %broadcast_in_dim3A_19 : i32 to vector<384x32xi32>
    %scan3A = arith.constant 1073741824 : i32
    %scan3A_21 = arith.constant 0 : i32
    %scan3A_22 = arith.constant 32 : i32
    %scan3A_23 = arith.addi %scan3A_21, %scan3A_22 : i32
    %scan3A_24 = arith.constant 1 : i32
    %scan3A_25:2 = scf.for %scan3A_67 = %scan3A_21 to %scan3A_23 step %scan3A_24 iter_args(%scan3A_68 = %select_n3A, %scan3A_69 = %broadcast_in_dim3A_20) -> (vector<384x768xf32>, vector<384x32xi32>)  : i32 {
      %reduce_min3A = arith.constant dense<0x7F800000> : vector<384xf32>
      %reduce_min3A_70 = vector.multi_reduction <minimumf>, %scan3A_68, %reduce_min3A [1] : vector<384x768xf32> to vector<384xf32>
      %broadcast_in_dim3A_71 = vector.shape_cast %reduce_min3A_70 : vector<384xf32> to vector<384x1xf32>
      %le3A = vector.broadcast %broadcast_in_dim3A_71 : vector<384x1xf32> to vector<384x768xf32>
      %le3A_72 = arith.cmpf ole, %scan3A_68, %le3A : vector<384x768xf32>
      %broadcast_in_dim3A_73 = vector.broadcast %scan3A : i32 to vector<384x768xi32>
      %select_n3A_74 = arith.select %le3A_72, %iota3A, %broadcast_in_dim3A_73 : vector<384x768xi1>, vector<384x768xi32>
      %reduce_min3A_75 = arith.constant dense<2147483647> : vector<384xi32>
      %reduce_min3A_76 = vector.multi_reduction <minsi>, %select_n3A_74, %reduce_min3A_75 [1] : vector<384x768xi32> to vector<384xi32>
      %broadcast_in_dim3A_77 = vector.shape_cast %reduce_min3A_76 : vector<384xi32> to vector<384x1xi32>
      %eq3A = vector.broadcast %scan3A_67 : i32 to vector<384x32xi32>
      %eq3A_78 = arith.cmpi eq, %iota3A_18, %eq3A : vector<384x32xi32>
      %jit3A_79 = arith.constant 0 : i32
      %broadcast_in_dim3A_80 = vector.shape_cast %broadcast_in_dim3A_77 : vector<384x1xi32> to vector<384x1xi32>
      %broadcast_in_dim3A_81 = vector.broadcast %broadcast_in_dim3A_80 : vector<384x1xi32> to vector<384x32xi32>
      %broadcast_in_dim3A_82 = vector.broadcast %jit3A_79 : i32 to vector<384x32xi32>
      %select_n3A_83 = arith.select %eq3A_78, %broadcast_in_dim3A_81, %broadcast_in_dim3A_82 : vector<384x32xi1>, vector<384x32xi32>
      %add3A_84 = arith.addi %scan3A_69, %select_n3A_83 : vector<384x32xi32>
      %eq3A_85 = vector.broadcast %broadcast_in_dim3A_77 : vector<384x1xi32> to vector<384x768xi32>
      %eq3A_86 = arith.cmpi eq, %iota3A, %eq3A_85 : vector<384x768xi32>
      %jit3A_87 = arith.constant 0x7F800000 : f32
      %broadcast_in_dim3A_88 = vector.broadcast %jit3A_87 : f32 to vector<384x768xf32>
      %select_n3A_89 = arith.select %eq3A_86, %broadcast_in_dim3A_88, %scan3A_68 : vector<384x768xi1>, vector<384x768xf32>
      scf.yield %select_n3A_89, %add3A_84 : vector<384x768xf32>, vector<384x32xi32>
    }
    %scan3A_26 = arith.constant 32 : i32
    %mul3A_27 = arith.constant 768 : i32
    %mul3A_28 = arith.muli %arg0, %mul3A_27 : i32
    %add3A = vector.broadcast %mul3A_28 : i32 to vector<384x32xi32>
    %add3A_29 = arith.addi %scan3A_25#1, %add3A : vector<384x32xi32>
    %swap3A = arith.constant 0 : index
    %swap3A_30 = arith.constant 0 : index
    %swap3A_31 = arith.constant 0 : index
    %swap3A_32 = vector.load %arg8[%swap3A, %swap3A_30, %swap3A_31] : memref<1x384x32xi32, #tpu.memory_space<vmem>>, vector<1x384x32xi32>
    %swap3A_33 = vector.shape_cast %swap3A_32 : vector<1x384x32xi32> to vector<384x32xi32>
    %swap3A_34 = vector.shape_cast %add3A_29 : vector<384x32xi32> to vector<1x384x32xi32>
    tpu.vector_store %arg8[%swap3A, %swap3A_30, %swap3A_31], %swap3A_34 {strides = array<i32>} : memref<1x384x32xi32, #tpu.memory_space<vmem>>, vector<1x384x32xi32>,
    %get3A_35 = arith.constant 0 : index
    %get3A_36 = arith.constant 0 : index
    %get3A_37 = vector.load %arg4[%get3A_35, %get3A_36] : memref<256x256xf32, #tpu.memory_space<vmem>>, vector<256x256xf32>
    %dot_general3A_38 = arith.constant dense<0.000000e+00> : vector<384x256xf32>
    %dot_general3A_39 = tpu.matmul %get3A_3, %get3A_37, %dot_general3A_38 {dimension_numbers = #tpu.dot_dimension_numbers<[1], [0], [0], [1], [0, 0, 1, 1], [], []>, transpose_lhs_hint = false} : vector<384x256xf32>, vector<256x256xf32>, vector<384x256xf32> -> vector<384x256xf32>
    %get3A_40 = arith.constant 0 : index
    %get3A_41 = arith.constant 0 : index
    %get3A_42 = vector.load %arg5[%get3A_40, %get3A_41] : memref<1x256xf32, #tpu.memory_space<vmem>>, vector<1x256xf32>
    %add3A_43 = vector.broadcast %get3A_42 : vector<1x256xf32> to vector<384x256xf32>
    %add3A_44 = arith.addf %dot_general3A_39, %add3A_43 : vector<384x256xf32>
    %swap3A_45 = arith.constant 0 : index
    %swap3A_46 = arith.constant 0 : index
    %swap3A_47 = arith.constant 0 : index
    %swap3A_48 = vector.load %arg9[%swap3A_45, %swap3A_46, %swap3A_47] : memref<1x384x256xf32, #tpu.memory_space<vmem>>, vector<1x384x256xf32>
    %swap3A_49 = vector.shape_cast %swap3A_48 : vector<1x384x256xf32> to vector<384x256xf32>
    %swap3A_50 = vector.shape_cast %add3A_44 : vector<384x256xf32> to vector<1x384x256xf32>
    tpu.vector_store %arg9[%swap3A_45, %swap3A_46, %swap3A_47], %swap3A_50 {strides = array<i32>} : memref<1x384x256xf32, #tpu.memory_space<vmem>>, vector<1x384x256xf32>,
    %get3A_51 = arith.constant 0 : index
    %get3A_52 = arith.constant 0 : index
    %get3A_53 = vector.load %arg6[%get3A_51, %get3A_52] : memref<256x512xf32, #tpu.memory_space<vmem>>, vector<256x512xf32>
    %dot_general3A_54 = arith.constant dense<0.000000e+00> : vector<384x512xf32>
    %dot_general3A_55 = tpu.matmul %get3A_3, %get3A_53, %dot_general3A_54 {dimension_numbers = #tpu.dot_dimension_numbers<[1], [0], [0], [1], [0, 0, 1, 1], [], []>, transpose_lhs_hint = false} : vector<384x256xf32>, vector<256x512xf32>, vector<384x512xf32> -> vector<384x512xf32>
    %get3A_56 = arith.constant 0 : index
    %get3A_57 = arith.constant 0 : index
    %get3A_58 = vector.load %arg7[%get3A_56, %get3A_57] : memref<1x512xf32, #tpu.memory_space<vmem>>, vector<1x512xf32>
    %add3A_59 = vector.broadcast %get3A_58 : vector<1x512xf32> to vector<384x512xf32>
    %add3A_60 = arith.addf %dot_general3A_55, %add3A_59 : vector<384x512xf32>
    %swap3A_61 = arith.constant 0 : index
    %swap3A_62 = arith.constant 0 : index
    %swap3A_63 = arith.constant 0 : index
    %swap3A_64 = vector.load %arg10[%swap3A_61, %swap3A_62, %swap3A_63] : memref<1x384x512xf32, #tpu.memory_space<vmem>>, vector<1x384x512xf32>
    %swap3A_65 = vector.shape_cast %swap3A_64 : vector<1x384x512xf32> to vector<384x512xf32>
    %swap3A_66 = vector.shape_cast %add3A_60 : vector<384x512xf32> to vector<1x384x512xf32>
    tpu.vector_store %arg10[%swap3A_61, %swap3A_62, %swap3A_63], %swap3A_66 {strides = array<i32>} : memref<1x384x512xf32, #tpu.memory_space<vmem>>, vector<1x384x512xf32>,
    return
  }
  func.func @transform_0(%arg0: i32, %arg1: i32) -> (i32, i32, i32) {
    %c0_i32 = arith.constant 0 : i32
    %c0_i32_0 = arith.constant 0 : i32
    return %arg0, %arg1, %c0_i32 : i32, i32, i32
  }
  func.func @transform_1(%arg0: i32, %arg1: i32) -> (i32, i32, i32) {
    %c0_i32 = arith.constant 0 : i32
    %c0_i32_0 = arith.constant 0 : i32
    %c0_i32_1 = arith.constant 0 : i32
    return %arg0, %c0_i32, %c0_i32_0 : i32, i32, i32
  }
  func.func @transform_2(%arg0: i32, %arg1: i32) -> (i32, i32) {
    %c0_i32 = arith.constant 0 : i32
    %c0_i32_0 = arith.constant 0 : i32
    %c0_i32_1 = arith.constant 0 : i32
    return %c0_i32, %c0_i32_0 : i32, i32
  }
  func.func @transform_3(%arg0: i32, %arg1: i32) -> (i32, i32) {
    %c0_i32 = arith.constant 0 : i32
    %c0_i32_0 = arith.constant 0 : i32
    %c0_i32_1 = arith.constant 0 : i32
    return %c0_i32, %c0_i32_0 : i32, i32
  }
  func.func @transform_4(%arg0: i32, %arg1: i32) -> (i32, i32) {
    %c0_i32 = arith.constant 0 : i32
    %c0_i32_0 = arith.constant 0 : i32
    %c0_i32_1 = arith.constant 0 : i32
    return %c0_i32, %c0_i32_0 : i32, i32
  }
  func.func @transform_5(%arg0: i32, %arg1: i32) -> (i32, i32) {
    %c0_i32 = arith.constant 0 : i32
    %c0_i32_0 = arith.constant 0 : i32
    %c0_i32_1 = arith.constant 0 : i32
    return %c0_i32, %c0_i32_0 : i32, i32
  }
  func.func @transform_6(%arg0: i32, %arg1: i32) -> (i32, i32, i32) {
    %c0_i32 = arith.constant 0 : i32
    %c0_i32_0 = arith.constant 0 : i32
    return %arg0, %arg1, %c0_i32 : i32, i32, i32
  }
  func.func @transform_7(%arg0: i32, %arg1: i32) -> (i32, i32, i32) {
    %c0_i32 = arith.constant 0 : i32
    %c0_i32_0 = arith.constant 0 : i32
    return %arg0, %arg1, %c0_i32 : i32, i32, i32
  }
  func.func @transform_8(%arg0: i32, %arg1: i32) -> (i32, i32, i32) {
    %c0_i32 = arith.constant 0 : i32
    %c0_i32_0 = arith.constant 0 : i32
    return %arg0, %arg1, %c0_i32 : i32, i32, i32
  }
}

module attributes {stable_mosaic.version = 14 : i64} {
  func.func @_attn_body(%arg0: i32, %arg1: i32, %arg2: memref<1x128x256xf32, #tpu.memory_space<vmem>>, %arg3: memref<1x128x32x512xf32, #tpu.memory_space<vmem>>, %arg4: memref<256x256xf32, #tpu.memory_space<vmem>>, %arg5: memref<1x256xf32, #tpu.memory_space<vmem>>, %arg6: memref<256x64xf32, #tpu.memory_space<vmem>>, %arg7: memref<1x64xf32, #tpu.memory_space<vmem>>, %arg8: memref<64x256xf32, #tpu.memory_space<vmem>>, %arg9: memref<1x256xf32, #tpu.memory_space<vmem>>, %arg10: memref<1x128x256xf32, #tpu.memory_space<vmem>>, %arg11: memref<1x128x32xf32, #tpu.memory_space<vmem>>) attributes {dimension_semantics = [#tpu.dimension_semantics<arbitrary>, #tpu.dimension_semantics<arbitrary>], iteration_bounds = array<i64: 2, 6>, scalar_prefetch = 0 : i64, scratch_operands = 0 : i64, tpu.core_type = #tpu.core_type<tc>, window_params = [{transform_indices = @transform_0, window_bounds = array<i64: 1, 128, 256>}, {transform_indices = @transform_1, window_bounds = array<i64: 1, 128, 32, 512>}, {pipeline_mode = #tpu.pipeline_mode<synchronous>, transform_indices = @transform_2, window_bounds = array<i64: 256, 256>}, {pipeline_mode = #tpu.pipeline_mode<synchronous>, transform_indices = @transform_3, window_bounds = array<i64: 1, 256>}, {pipeline_mode = #tpu.pipeline_mode<synchronous>, transform_indices = @transform_4, window_bounds = array<i64: 256, 64>}, {pipeline_mode = #tpu.pipeline_mode<synchronous>, transform_indices = @transform_5, window_bounds = array<i64: 1, 64>}, {pipeline_mode = #tpu.pipeline_mode<synchronous>, transform_indices = @transform_6, window_bounds = array<i64: 64, 256>}, {pipeline_mode = #tpu.pipeline_mode<synchronous>, transform_indices = @transform_7, window_bounds = array<i64: 1, 256>}, {transform_indices = @transform_8, window_bounds = array<i64: 1, 128, 256>}, {transform_indices = @transform_9, window_bounds = array<i64: 1, 128, 32>}]} {
    %get3A = arith.constant 0 : index
    %get3A_0 = arith.constant 0 : index
    %get3A_1 = arith.constant 0 : index
    %get3A_2 = vector.load %arg2[%get3A, %get3A_0, %get3A_1] : memref<1x128x256xf32, #tpu.memory_space<vmem>>, vector<1x128x256xf32>
    %get3A_3 = vector.shape_cast %get3A_2 : vector<1x128x256xf32> to vector<128x256xf32>
    %get3A_4 = arith.constant 0 : index
    %get3A_5 = arith.constant 0 : index
    %get3A_6 = arith.constant 0 : index
    %get3A_7 = arith.constant 0 : index
    %get3A_8 = vector.load %arg3[%get3A_4, %get3A_5, %get3A_6, %get3A_7] : memref<1x128x32x512xf32, #tpu.memory_space<vmem>>, vector<1x128x32x256xf32>
    %get3A_9 = vector.shape_cast %get3A_8 : vector<1x128x32x256xf32> to vector<128x32x256xf32>
    %get3A_10 = arith.constant 0 : index
    %get3A_11 = arith.constant 0 : index
    %get3A_12 = arith.constant 0 : index
    %get3A_13 = arith.constant 256 : index
    %get3A_14 = vector.load %arg3[%get3A_10, %get3A_11, %get3A_12, %get3A_13] : memref<1x128x32x512xf32, #tpu.memory_space<vmem>>, vector<1x128x32x256xf32>
    %get3A_15 = vector.shape_cast %get3A_14 : vector<1x128x32x256xf32> to vector<128x32x256xf32>
    %broadcast_in_dim3A = vector.shape_cast %get3A_3 : vector<128x256xf32> to vector<128x1x256xf32>
    %mul3A = vector.broadcast %broadcast_in_dim3A : vector<128x1x256xf32> to vector<128x32x256xf32>
    %mul3A_16 = arith.mulf %mul3A, %get3A_9 : vector<128x32x256xf32>
    %reduce_max3A = arith.constant dense<0xFF800000> : vector<128x256xf32>
    %reduce_max3A_17 = vector.multi_reduction <maximumf>, %mul3A_16, %reduce_max3A [1] : vector<128x32x256xf32> to vector<128x256xf32>
    %broadcast_in_dim3A_18 = vector.shape_cast %reduce_max3A_17 : vector<128x256xf32> to vector<128x1x256xf32>
    %sub3A = vector.broadcast %broadcast_in_dim3A_18 : vector<128x1x256xf32> to vector<128x32x256xf32>
    %sub3A_19 = arith.subf %mul3A_16, %sub3A : vector<128x32x256xf32>
    %exp3A = math.exp %sub3A_19 : vector<128x32x256xf32>
    %reduce_sum3A = arith.constant dense<0.000000e+00> : vector<128x256xf32>
    %reduce_sum3A_20 = vector.multi_reduction <add>, %exp3A, %reduce_sum3A [1] : vector<128x32x256xf32> to vector<128x256xf32>
    %broadcast_in_dim3A_21 = vector.shape_cast %reduce_sum3A_20 : vector<128x256xf32> to vector<128x1x256xf32>
    %div3A = vector.broadcast %broadcast_in_dim3A_21 : vector<128x1x256xf32> to vector<128x32x256xf32>
    %div3A_22 = arith.divf %exp3A, %div3A : vector<128x32x256xf32>
    %mul3A_23 = arith.mulf %div3A_22, %get3A_15 : vector<128x32x256xf32>
    %reduce_sum3A_24 = arith.constant dense<0.000000e+00> : vector<128x256xf32>
    %reduce_sum3A_25 = vector.multi_reduction <add>, %mul3A_23, %reduce_sum3A_24 [1] : vector<128x32x256xf32> to vector<128x256xf32>
    %reduce_sum3A_26 = arith.constant dense<0.000000e+00> : vector<128x32xf32>
    %reduce_sum3A_27 = vector.multi_reduction <add>, %div3A_22, %reduce_sum3A_26 [2] : vector<128x32x256xf32> to vector<128x32xf32>
    %div3A_28 = arith.constant 2.560000e+02 : f32
    %div3A_29 = vector.broadcast %div3A_28 : f32 to vector<128x32xf32>
    %div3A_30 = arith.divf %reduce_sum3A_27, %div3A_29 : vector<128x32xf32>
    %mul3A_31 = arith.constant 128 : i32
    %mul3A_32 = arith.muli %arg1, %mul3A_31 : i32
    %iota3A = tpu.iota {dimensions = array<i32: 0>} : vector<128x32xi32>
    %add3A = vector.broadcast %mul3A_32 : i32 to vector<128x32xi32>
    %add3A_33 = arith.addi %add3A, %iota3A : vector<128x32xi32>
    %lt3A = arith.constant 642 : i32
    %lt3A_34 = vector.broadcast %lt3A : i32 to vector<128x32xi32>
    %lt3A_35 = arith.cmpi slt, %add3A_33, %lt3A_34 : vector<128x32xi32>
    %jit3A = arith.constant 0.000000e+00 : f32
    %broadcast_in_dim3A_36 = vector.broadcast %jit3A : f32 to vector<128x32xf32>
    %select_n3A = arith.select %lt3A_35, %div3A_30, %broadcast_in_dim3A_36 : vector<128x32xi1>, vector<128x32xf32>
    %swap3A = arith.constant 0 : index
    %swap3A_37 = arith.constant 0 : index
    %swap3A_38 = arith.constant 0 : index
    %swap3A_39 = vector.load %arg11[%swap3A, %swap3A_37, %swap3A_38] : memref<1x128x32xf32, #tpu.memory_space<vmem>>, vector<1x128x32xf32>
    %swap3A_40 = vector.shape_cast %swap3A_39 : vector<1x128x32xf32> to vector<128x32xf32>
    %swap3A_41 = vector.shape_cast %select_n3A : vector<128x32xf32> to vector<1x128x32xf32>
    tpu.vector_store %arg11[%swap3A, %swap3A_37, %swap3A_38], %swap3A_41 {strides = array<i32>} : memref<1x128x32xf32, #tpu.memory_space<vmem>>, vector<1x128x32xf32>,
    %get3A_42 = arith.constant 0 : index
    %get3A_43 = arith.constant 0 : index
    %get3A_44 = vector.load %arg4[%get3A_42, %get3A_43] : memref<256x256xf32, #tpu.memory_space<vmem>>, vector<256x256xf32>
    %dot_general3A = arith.constant dense<0.000000e+00> : vector<128x256xf32>
    %dot_general3A_45 = tpu.matmul %reduce_sum3A_25, %get3A_44, %dot_general3A {dimension_numbers = #tpu.dot_dimension_numbers<[1], [0], [0], [1], [0, 0, 1, 1], [], []>, transpose_lhs_hint = false} : vector<128x256xf32>, vector<256x256xf32>, vector<128x256xf32> -> vector<128x256xf32>
    %get3A_46 = arith.constant 0 : index
    %get3A_47 = arith.constant 0 : index
    %get3A_48 = vector.load %arg5[%get3A_46, %get3A_47] : memref<1x256xf32, #tpu.memory_space<vmem>>, vector<1x256xf32>
    %add3A_49 = vector.broadcast %get3A_48 : vector<1x256xf32> to vector<128x256xf32>
    %add3A_50 = arith.addf %dot_general3A_45, %add3A_49 : vector<128x256xf32>
    %get3A_51 = arith.constant 0 : index
    %get3A_52 = arith.constant 0 : index
    %get3A_53 = vector.load %arg6[%get3A_51, %get3A_52] : memref<256x64xf32, #tpu.memory_space<vmem>>, vector<256x64xf32>
    %dot_general3A_54 = arith.constant dense<0.000000e+00> : vector<128x64xf32>
    %dot_general3A_55 = tpu.matmul %add3A_50, %get3A_53, %dot_general3A_54 {dimension_numbers = #tpu.dot_dimension_numbers<[1], [0], [0], [1], [0, 0, 1, 1], [], []>, transpose_lhs_hint = false} : vector<128x256xf32>, vector<256x64xf32>, vector<128x64xf32> -> vector<128x64xf32>
    %get3A_56 = arith.constant 0 : index
    %get3A_57 = arith.constant 0 : index
    %get3A_58 = vector.load %arg7[%get3A_56, %get3A_57] : memref<1x64xf32, #tpu.memory_space<vmem>>, vector<1x64xf32>
    %add3A_59 = vector.broadcast %get3A_58 : vector<1x64xf32> to vector<128x64xf32>
    %add3A_60 = arith.addf %dot_general3A_55, %add3A_59 : vector<128x64xf32>
    %mul3A_61 = arith.constant 5.000000e-01 : f32
    %mul3A_62 = vector.broadcast %mul3A_61 : f32 to vector<128x64xf32>
    %mul3A_63 = arith.mulf %mul3A_62, %add3A_60 : vector<128x64xf32>
    %mul3A_64 = arith.constant 0.707106769 : f32
    %mul3A_65 = vector.broadcast %mul3A_64 : f32 to vector<128x64xf32>
    %mul3A_66 = arith.mulf %add3A_60, %mul3A_65 : vector<128x64xf32>
    %erf3A = math.erf %mul3A_66 : vector<128x64xf32>
    %add3A_67 = arith.constant 1.000000e+00 : f32
    %add3A_68 = vector.broadcast %add3A_67 : f32 to vector<128x64xf32>
    %add3A_69 = arith.addf %add3A_68, %erf3A : vector<128x64xf32>
    %mul3A_70 = arith.mulf %mul3A_63, %add3A_69 : vector<128x64xf32>
    %get3A_71 = arith.constant 0 : index
    %get3A_72 = arith.constant 0 : index
    %get3A_73 = vector.load %arg8[%get3A_71, %get3A_72] : memref<64x256xf32, #tpu.memory_space<vmem>>, vector<64x256xf32>
    %dot_general3A_74 = arith.constant dense<0.000000e+00> : vector<128x256xf32>
    %dot_general3A_75 = tpu.matmul %mul3A_70, %get3A_73, %dot_general3A_74 {dimension_numbers = #tpu.dot_dimension_numbers<[1], [0], [0], [1], [0, 0, 1, 1], [], []>, transpose_lhs_hint = false} : vector<128x64xf32>, vector<64x256xf32>, vector<128x256xf32> -> vector<128x256xf32>
    %get3A_76 = arith.constant 0 : index
    %get3A_77 = arith.constant 0 : index
    %get3A_78 = vector.load %arg9[%get3A_76, %get3A_77] : memref<1x256xf32, #tpu.memory_space<vmem>>, vector<1x256xf32>
    %add3A_79 = vector.broadcast %get3A_78 : vector<1x256xf32> to vector<128x256xf32>
    %add3A_80 = arith.addf %dot_general3A_75, %add3A_79 : vector<128x256xf32>
    %add3A_81 = arith.addf %add3A_50, %add3A_80 : vector<128x256xf32>
    %swap3A_82 = arith.constant 0 : index
    %swap3A_83 = arith.constant 0 : index
    %swap3A_84 = arith.constant 0 : index
    %swap3A_85 = vector.load %arg10[%swap3A_82, %swap3A_83, %swap3A_84] : memref<1x128x256xf32, #tpu.memory_space<vmem>>, vector<1x128x256xf32>
    %swap3A_86 = vector.shape_cast %swap3A_85 : vector<1x128x256xf32> to vector<128x256xf32>
    %swap3A_87 = vector.shape_cast %add3A_81 : vector<128x256xf32> to vector<1x128x256xf32>
    tpu.vector_store %arg10[%swap3A_82, %swap3A_83, %swap3A_84], %swap3A_87 {strides = array<i32>} : memref<1x128x256xf32, #tpu.memory_space<vmem>>, vector<1x128x256xf32>,
    return
  }
  func.func @transform_0(%arg0: i32, %arg1: i32) -> (i32, i32, i32) {
    %c0_i32 = arith.constant 0 : i32
    %c0_i32_0 = arith.constant 0 : i32
    return %arg0, %arg1, %c0_i32 : i32, i32, i32
  }
  func.func @transform_1(%arg0: i32, %arg1: i32) -> (i32, i32, i32, i32) {
    %c0_i32 = arith.constant 0 : i32
    %c0_i32_0 = arith.constant 0 : i32
    %c0_i32_1 = arith.constant 0 : i32
    return %arg0, %arg1, %c0_i32, %c0_i32_0 : i32, i32, i32, i32
  }
  func.func @transform_2(%arg0: i32, %arg1: i32) -> (i32, i32) {
    %c0_i32 = arith.constant 0 : i32
    %c0_i32_0 = arith.constant 0 : i32
    %c0_i32_1 = arith.constant 0 : i32
    return %c0_i32, %c0_i32_0 : i32, i32
  }
  func.func @transform_3(%arg0: i32, %arg1: i32) -> (i32, i32) {
    %c0_i32 = arith.constant 0 : i32
    %c0_i32_0 = arith.constant 0 : i32
    %c0_i32_1 = arith.constant 0 : i32
    return %c0_i32, %c0_i32_0 : i32, i32
  }
  func.func @transform_4(%arg0: i32, %arg1: i32) -> (i32, i32) {
    %c0_i32 = arith.constant 0 : i32
    %c0_i32_0 = arith.constant 0 : i32
    %c0_i32_1 = arith.constant 0 : i32
    return %c0_i32, %c0_i32_0 : i32, i32
  }
  func.func @transform_5(%arg0: i32, %arg1: i32) -> (i32, i32) {
    %c0_i32 = arith.constant 0 : i32
    %c0_i32_0 = arith.constant 0 : i32
    %c0_i32_1 = arith.constant 0 : i32
    return %c0_i32, %c0_i32_0 : i32, i32
  }
  func.func @transform_6(%arg0: i32, %arg1: i32) -> (i32, i32) {
    %c0_i32 = arith.constant 0 : i32
    %c0_i32_0 = arith.constant 0 : i32
    %c0_i32_1 = arith.constant 0 : i32
    return %c0_i32, %c0_i32_0 : i32, i32
  }
  func.func @transform_7(%arg0: i32, %arg1: i32) -> (i32, i32) {
    %c0_i32 = arith.constant 0 : i32
    %c0_i32_0 = arith.constant 0 : i32
    %c0_i32_1 = arith.constant 0 : i32
    return %c0_i32, %c0_i32_0 : i32, i32
  }
  func.func @transform_8(%arg0: i32, %arg1: i32) -> (i32, i32, i32) {
    %c0_i32 = arith.constant 0 : i32
    %c0_i32_0 = arith.constant 0 : i32
    return %arg0, %arg1, %c0_i32 : i32, i32, i32
  }
  func.func @transform_9(%arg0: i32, %arg1: i32) -> (i32, i32, i32) {
    %c0_i32 = arith.constant 0 : i32
    %c0_i32_0 = arith.constant 0 : i32
    return %arg0, %arg1, %c0_i32 : i32, i32, i32
  }
}

module attributes {stable_mosaic.version = 14 : i64} {
  func.func @_knn_proj_body(%arg0: i32, %arg1: i32, %arg2: memref<1x128x256xf32, #tpu.memory_space<vmem>>, %arg3: memref<1x256x256xf32, #tpu.memory_space<vmem>>, %arg4: memref<256x256xf32, #tpu.memory_space<vmem>>, %arg5: memref<1x256xf32, #tpu.memory_space<vmem>>, %arg6: memref<256x512xf32, #tpu.memory_space<vmem>>, %arg7: memref<1x512xf32, #tpu.memory_space<vmem>>, %arg8: memref<1x128x32xi32, #tpu.memory_space<vmem>>, %arg9: memref<1x128x256xf32, #tpu.memory_space<vmem>>, %arg10: memref<1x128x512xf32, #tpu.memory_space<vmem>>) attributes {dimension_semantics = [#tpu.dimension_semantics<arbitrary>, #tpu.dimension_semantics<arbitrary>], iteration_bounds = array<i64: 2, 2>, scalar_prefetch = 0 : i64, scratch_operands = 0 : i64, tpu.core_type = #tpu.core_type<tc>, window_params = [{transform_indices = @transform_0, window_bounds = array<i64: 1, 128, 256>}, {transform_indices = @transform_1, window_bounds = array<i64: 1, 256, 256>}, {pipeline_mode = #tpu.pipeline_mode<synchronous>, transform_indices = @transform_2, window_bounds = array<i64: 256, 256>}, {pipeline_mode = #tpu.pipeline_mode<synchronous>, transform_indices = @transform_3, window_bounds = array<i64: 1, 256>}, {pipeline_mode = #tpu.pipeline_mode<synchronous>, transform_indices = @transform_4, window_bounds = array<i64: 256, 512>}, {pipeline_mode = #tpu.pipeline_mode<synchronous>, transform_indices = @transform_5, window_bounds = array<i64: 1, 512>}, {transform_indices = @transform_6, window_bounds = array<i64: 1, 128, 32>}, {transform_indices = @transform_7, window_bounds = array<i64: 1, 128, 256>}, {transform_indices = @transform_8, window_bounds = array<i64: 1, 128, 512>}]} {
    %get3A = arith.constant 0 : index
    %get3A_0 = arith.constant 0 : index
    %get3A_1 = arith.constant 0 : index
    %get3A_2 = vector.load %arg2[%get3A, %get3A_0, %get3A_1] : memref<1x128x256xf32, #tpu.memory_space<vmem>>, vector<1x128x256xf32>
    %get3A_3 = vector.shape_cast %get3A_2 : vector<1x128x256xf32> to vector<128x256xf32>
    %get3A_4 = arith.constant 0 : index
    %get3A_5 = arith.constant 0 : index
    %get3A_6 = arith.constant 0 : index
    %get3A_7 = vector.load %arg3[%get3A_4, %get3A_5, %get3A_6] : memref<1x256x256xf32, #tpu.memory_space<vmem>>, vector<1x256x256xf32>
    %get3A_8 = vector.shape_cast %get3A_7 : vector<1x256x256xf32> to vector<256x256xf32>
    %mul3A = arith.mulf %get3A_8, %get3A_8 : vector<256x256xf32>
    %reduce_sum3A = arith.constant dense<0.000000e+00> : vector<256xf32>
    %reduce_sum3A_9 = vector.multi_reduction <add>, %mul3A, %reduce_sum3A [0] : vector<256x256xf32> to vector<256xf32>
    %broadcast_in_dim3A = vector.shape_cast %reduce_sum3A_9 : vector<256xf32> to vector<1x256xf32>
    %dot_general3A = arith.constant dense<0.000000e+00> : vector<128x256xf32>
    %dot_general3A_10 = tpu.matmul %get3A_3, %get3A_8, %dot_general3A {dimension_numbers = #tpu.dot_dimension_numbers<[1], [0], [0], [1], [0, 0, 1, 1], [], []>, transpose_lhs_hint = false} : vector<128x256xf32>, vector<256x256xf32>, vector<128x256xf32> -> vector<128x256xf32>
    %iota3A = tpu.iota {dimensions = array<i32: 1>} : vector<128x256xi32>
    %lt3A = arith.constant 162 : i32
    %lt3A_11 = vector.broadcast %lt3A : i32 to vector<128x256xi32>
    %lt3A_12 = arith.cmpi slt, %iota3A, %lt3A_11 : vector<128x256xi32>
    %mul3A_13 = arith.constant 2.000000e+00 : f32
    %mul3A_14 = vector.broadcast %mul3A_13 : f32 to vector<128x256xf32>
    %mul3A_15 = arith.mulf %mul3A_14, %dot_general3A_10 : vector<128x256xf32>
    %sub3A = vector.broadcast %broadcast_in_dim3A : vector<1x256xf32> to vector<128x256xf32>
    %sub3A_16 = arith.subf %sub3A, %mul3A_15 : vector<128x256xf32>
    %jit3A = arith.constant 0x7F800000 : f32
    %broadcast_in_dim3A_17 = vector.broadcast %jit3A : f32 to vector<128x256xf32>
    %select_n3A = arith.select %lt3A_12, %sub3A_16, %broadcast_in_dim3A_17 : vector<128x256xi1>, vector<128x256xf32>
    %iota3A_18 = tpu.iota {dimensions = array<i32: 1>} : vector<128x32xi32>
    %broadcast_in_dim3A_19 = arith.constant 0 : i32
    %broadcast_in_dim3A_20 = vector.broadcast %broadcast_in_dim3A_19 : i32 to vector<128x32xi32>
    %scan3A = arith.constant 1073741824 : i32
    %scan3A_21 = arith.constant 0 : i32
    %scan3A_22 = arith.constant 32 : i32
    %scan3A_23 = arith.addi %scan3A_21, %scan3A_22 : i32
    %scan3A_24 = arith.constant 1 : i32
    %scan3A_25:2 = scf.for %scan3A_67 = %scan3A_21 to %scan3A_23 step %scan3A_24 iter_args(%scan3A_68 = %select_n3A, %scan3A_69 = %broadcast_in_dim3A_20) -> (vector<128x256xf32>, vector<128x32xi32>)  : i32 {
      %reduce_min3A = arith.constant dense<0x7F800000> : vector<128xf32>
      %reduce_min3A_70 = vector.multi_reduction <minimumf>, %scan3A_68, %reduce_min3A [1] : vector<128x256xf32> to vector<128xf32>
      %broadcast_in_dim3A_71 = vector.shape_cast %reduce_min3A_70 : vector<128xf32> to vector<128x1xf32>
      %le3A = vector.broadcast %broadcast_in_dim3A_71 : vector<128x1xf32> to vector<128x256xf32>
      %le3A_72 = arith.cmpf ole, %scan3A_68, %le3A : vector<128x256xf32>
      %broadcast_in_dim3A_73 = vector.broadcast %scan3A : i32 to vector<128x256xi32>
      %select_n3A_74 = arith.select %le3A_72, %iota3A, %broadcast_in_dim3A_73 : vector<128x256xi1>, vector<128x256xi32>
      %reduce_min3A_75 = arith.constant dense<2147483647> : vector<128xi32>
      %reduce_min3A_76 = vector.multi_reduction <minsi>, %select_n3A_74, %reduce_min3A_75 [1] : vector<128x256xi32> to vector<128xi32>
      %broadcast_in_dim3A_77 = vector.shape_cast %reduce_min3A_76 : vector<128xi32> to vector<128x1xi32>
      %eq3A = vector.broadcast %scan3A_67 : i32 to vector<128x32xi32>
      %eq3A_78 = arith.cmpi eq, %iota3A_18, %eq3A : vector<128x32xi32>
      %jit3A_79 = arith.constant 0 : i32
      %broadcast_in_dim3A_80 = vector.shape_cast %broadcast_in_dim3A_77 : vector<128x1xi32> to vector<128x1xi32>
      %broadcast_in_dim3A_81 = vector.broadcast %broadcast_in_dim3A_80 : vector<128x1xi32> to vector<128x32xi32>
      %broadcast_in_dim3A_82 = vector.broadcast %jit3A_79 : i32 to vector<128x32xi32>
      %select_n3A_83 = arith.select %eq3A_78, %broadcast_in_dim3A_81, %broadcast_in_dim3A_82 : vector<128x32xi1>, vector<128x32xi32>
      %add3A_84 = arith.addi %scan3A_69, %select_n3A_83 : vector<128x32xi32>
      %eq3A_85 = vector.broadcast %broadcast_in_dim3A_77 : vector<128x1xi32> to vector<128x256xi32>
      %eq3A_86 = arith.cmpi eq, %iota3A, %eq3A_85 : vector<128x256xi32>
      %jit3A_87 = arith.constant 0x7F800000 : f32
      %broadcast_in_dim3A_88 = vector.broadcast %jit3A_87 : f32 to vector<128x256xf32>
      %select_n3A_89 = arith.select %eq3A_86, %broadcast_in_dim3A_88, %scan3A_68 : vector<128x256xi1>, vector<128x256xf32>
      scf.yield %select_n3A_89, %add3A_84 : vector<128x256xf32>, vector<128x32xi32>
    }
    %scan3A_26 = arith.constant 32 : i32
    %mul3A_27 = arith.constant 256 : i32
    %mul3A_28 = arith.muli %arg0, %mul3A_27 : i32
    %add3A = vector.broadcast %mul3A_28 : i32 to vector<128x32xi32>
    %add3A_29 = arith.addi %scan3A_25#1, %add3A : vector<128x32xi32>
    %swap3A = arith.constant 0 : index
    %swap3A_30 = arith.constant 0 : index
    %swap3A_31 = arith.constant 0 : index
    %swap3A_32 = vector.load %arg8[%swap3A, %swap3A_30, %swap3A_31] : memref<1x128x32xi32, #tpu.memory_space<vmem>>, vector<1x128x32xi32>
    %swap3A_33 = vector.shape_cast %swap3A_32 : vector<1x128x32xi32> to vector<128x32xi32>
    %swap3A_34 = vector.shape_cast %add3A_29 : vector<128x32xi32> to vector<1x128x32xi32>
    tpu.vector_store %arg8[%swap3A, %swap3A_30, %swap3A_31], %swap3A_34 {strides = array<i32>} : memref<1x128x32xi32, #tpu.memory_space<vmem>>, vector<1x128x32xi32>,
    %get3A_35 = arith.constant 0 : index
    %get3A_36 = arith.constant 0 : index
    %get3A_37 = vector.load %arg4[%get3A_35, %get3A_36] : memref<256x256xf32, #tpu.memory_space<vmem>>, vector<256x256xf32>
    %dot_general3A_38 = arith.constant dense<0.000000e+00> : vector<128x256xf32>
    %dot_general3A_39 = tpu.matmul %get3A_3, %get3A_37, %dot_general3A_38 {dimension_numbers = #tpu.dot_dimension_numbers<[1], [0], [0], [1], [0, 0, 1, 1], [], []>, transpose_lhs_hint = false} : vector<128x256xf32>, vector<256x256xf32>, vector<128x256xf32> -> vector<128x256xf32>
    %get3A_40 = arith.constant 0 : index
    %get3A_41 = arith.constant 0 : index
    %get3A_42 = vector.load %arg5[%get3A_40, %get3A_41] : memref<1x256xf32, #tpu.memory_space<vmem>>, vector<1x256xf32>
    %add3A_43 = vector.broadcast %get3A_42 : vector<1x256xf32> to vector<128x256xf32>
    %add3A_44 = arith.addf %dot_general3A_39, %add3A_43 : vector<128x256xf32>
    %swap3A_45 = arith.constant 0 : index
    %swap3A_46 = arith.constant 0 : index
    %swap3A_47 = arith.constant 0 : index
    %swap3A_48 = vector.load %arg9[%swap3A_45, %swap3A_46, %swap3A_47] : memref<1x128x256xf32, #tpu.memory_space<vmem>>, vector<1x128x256xf32>
    %swap3A_49 = vector.shape_cast %swap3A_48 : vector<1x128x256xf32> to vector<128x256xf32>
    %swap3A_50 = vector.shape_cast %add3A_44 : vector<128x256xf32> to vector<1x128x256xf32>
    tpu.vector_store %arg9[%swap3A_45, %swap3A_46, %swap3A_47], %swap3A_50 {strides = array<i32>} : memref<1x128x256xf32, #tpu.memory_space<vmem>>, vector<1x128x256xf32>,
    %get3A_51 = arith.constant 0 : index
    %get3A_52 = arith.constant 0 : index
    %get3A_53 = vector.load %arg6[%get3A_51, %get3A_52] : memref<256x512xf32, #tpu.memory_space<vmem>>, vector<256x512xf32>
    %dot_general3A_54 = arith.constant dense<0.000000e+00> : vector<128x512xf32>
    %dot_general3A_55 = tpu.matmul %get3A_3, %get3A_53, %dot_general3A_54 {dimension_numbers = #tpu.dot_dimension_numbers<[1], [0], [0], [1], [0, 0, 1, 1], [], []>, transpose_lhs_hint = false} : vector<128x256xf32>, vector<256x512xf32>, vector<128x512xf32> -> vector<128x512xf32>
    %get3A_56 = arith.constant 0 : index
    %get3A_57 = arith.constant 0 : index
    %get3A_58 = vector.load %arg7[%get3A_56, %get3A_57] : memref<1x512xf32, #tpu.memory_space<vmem>>, vector<1x512xf32>
    %add3A_59 = vector.broadcast %get3A_58 : vector<1x512xf32> to vector<128x512xf32>
    %add3A_60 = arith.addf %dot_general3A_55, %add3A_59 : vector<128x512xf32>
    %swap3A_61 = arith.constant 0 : index
    %swap3A_62 = arith.constant 0 : index
    %swap3A_63 = arith.constant 0 : index
    %swap3A_64 = vector.load %arg10[%swap3A_61, %swap3A_62, %swap3A_63] : memref<1x128x512xf32, #tpu.memory_space<vmem>>, vector<1x128x512xf32>
    %swap3A_65 = vector.shape_cast %swap3A_64 : vector<1x128x512xf32> to vector<128x512xf32>
    %swap3A_66 = vector.shape_cast %add3A_60 : vector<128x512xf32> to vector<1x128x512xf32>
    tpu.vector_store %arg10[%swap3A_61, %swap3A_62, %swap3A_63], %swap3A_66 {strides = array<i32>} : memref<1x128x512xf32, #tpu.memory_space<vmem>>, vector<1x128x512xf32>,
    return
  }
  func.func @transform_0(%arg0: i32, %arg1: i32) -> (i32, i32, i32) {
    %c0_i32 = arith.constant 0 : i32
    %c0_i32_0 = arith.constant 0 : i32
    return %arg0, %arg1, %c0_i32 : i32, i32, i32
  }
  func.func @transform_1(%arg0: i32, %arg1: i32) -> (i32, i32, i32) {
    %c0_i32 = arith.constant 0 : i32
    %c0_i32_0 = arith.constant 0 : i32
    %c0_i32_1 = arith.constant 0 : i32
    return %arg0, %c0_i32, %c0_i32_0 : i32, i32, i32
  }
  func.func @transform_2(%arg0: i32, %arg1: i32) -> (i32, i32) {
    %c0_i32 = arith.constant 0 : i32
    %c0_i32_0 = arith.constant 0 : i32
    %c0_i32_1 = arith.constant 0 : i32
    return %c0_i32, %c0_i32_0 : i32, i32
  }
  func.func @transform_3(%arg0: i32, %arg1: i32) -> (i32, i32) {
    %c0_i32 = arith.constant 0 : i32
    %c0_i32_0 = arith.constant 0 : i32
    %c0_i32_1 = arith.constant 0 : i32
    return %c0_i32, %c0_i32_0 : i32, i32
  }
  func.func @transform_4(%arg0: i32, %arg1: i32) -> (i32, i32) {
    %c0_i32 = arith.constant 0 : i32
    %c0_i32_0 = arith.constant 0 : i32
    %c0_i32_1 = arith.constant 0 : i32
    return %c0_i32, %c0_i32_0 : i32, i32
  }
  func.func @transform_5(%arg0: i32, %arg1: i32) -> (i32, i32) {
    %c0_i32 = arith.constant 0 : i32
    %c0_i32_0 = arith.constant 0 : i32
    %c0_i32_1 = arith.constant 0 : i32
    return %c0_i32, %c0_i32_0 : i32, i32
  }
  func.func @transform_6(%arg0: i32, %arg1: i32) -> (i32, i32, i32) {
    %c0_i32 = arith.constant 0 : i32
    %c0_i32_0 = arith.constant 0 : i32
    return %arg0, %arg1, %c0_i32 : i32, i32, i32
  }
  func.func @transform_7(%arg0: i32, %arg1: i32) -> (i32, i32, i32) {
    %c0_i32 = arith.constant 0 : i32
    %c0_i32_0 = arith.constant 0 : i32
    return %arg0, %arg1, %c0_i32 : i32, i32, i32
  }
  func.func @transform_8(%arg0: i32, %arg1: i32) -> (i32, i32, i32) {
    %c0_i32 = arith.constant 0 : i32
    %c0_i32_0 = arith.constant 0 : i32
    return %arg0, %arg1, %c0_i32 : i32, i32, i32
  }
}

module attributes {stable_mosaic.version = 14 : i64} {
  func.func @_attn_body(%arg0: i32, %arg1: i32, %arg2: memref<1x128x256xf32, #tpu.memory_space<vmem>>, %arg3: memref<1x128x32x512xf32, #tpu.memory_space<vmem>>, %arg4: memref<256x256xf32, #tpu.memory_space<vmem>>, %arg5: memref<1x256xf32, #tpu.memory_space<vmem>>, %arg6: memref<256x64xf32, #tpu.memory_space<vmem>>, %arg7: memref<1x64xf32, #tpu.memory_space<vmem>>, %arg8: memref<64x256xf32, #tpu.memory_space<vmem>>, %arg9: memref<1x256xf32, #tpu.memory_space<vmem>>, %arg10: memref<1x128x256xf32, #tpu.memory_space<vmem>>, %arg11: memref<1x128x32xf32, #tpu.memory_space<vmem>>) attributes {dimension_semantics = [#tpu.dimension_semantics<arbitrary>, #tpu.dimension_semantics<arbitrary>], iteration_bounds = array<i64: 2, 2>, scalar_prefetch = 0 : i64, scratch_operands = 0 : i64, tpu.core_type = #tpu.core_type<tc>, window_params = [{transform_indices = @transform_0, window_bounds = array<i64: 1, 128, 256>}, {transform_indices = @transform_1, window_bounds = array<i64: 1, 128, 32, 512>}, {pipeline_mode = #tpu.pipeline_mode<synchronous>, transform_indices = @transform_2, window_bounds = array<i64: 256, 256>}, {pipeline_mode = #tpu.pipeline_mode<synchronous>, transform_indices = @transform_3, window_bounds = array<i64: 1, 256>}, {pipeline_mode = #tpu.pipeline_mode<synchronous>, transform_indices = @transform_4, window_bounds = array<i64: 256, 64>}, {pipeline_mode = #tpu.pipeline_mode<synchronous>, transform_indices = @transform_5, window_bounds = array<i64: 1, 64>}, {pipeline_mode = #tpu.pipeline_mode<synchronous>, transform_indices = @transform_6, window_bounds = array<i64: 64, 256>}, {pipeline_mode = #tpu.pipeline_mode<synchronous>, transform_indices = @transform_7, window_bounds = array<i64: 1, 256>}, {transform_indices = @transform_8, window_bounds = array<i64: 1, 128, 256>}, {transform_indices = @transform_9, window_bounds = array<i64: 1, 128, 32>}]} {
    %get3A = arith.constant 0 : index
    %get3A_0 = arith.constant 0 : index
    %get3A_1 = arith.constant 0 : index
    %get3A_2 = vector.load %arg2[%get3A, %get3A_0, %get3A_1] : memref<1x128x256xf32, #tpu.memory_space<vmem>>, vector<1x128x256xf32>
    %get3A_3 = vector.shape_cast %get3A_2 : vector<1x128x256xf32> to vector<128x256xf32>
    %get3A_4 = arith.constant 0 : index
    %get3A_5 = arith.constant 0 : index
    %get3A_6 = arith.constant 0 : index
    %get3A_7 = arith.constant 0 : index
    %get3A_8 = vector.load %arg3[%get3A_4, %get3A_5, %get3A_6, %get3A_7] : memref<1x128x32x512xf32, #tpu.memory_space<vmem>>, vector<1x128x32x256xf32>
    %get3A_9 = vector.shape_cast %get3A_8 : vector<1x128x32x256xf32> to vector<128x32x256xf32>
    %get3A_10 = arith.constant 0 : index
    %get3A_11 = arith.constant 0 : index
    %get3A_12 = arith.constant 0 : index
    %get3A_13 = arith.constant 256 : index
    %get3A_14 = vector.load %arg3[%get3A_10, %get3A_11, %get3A_12, %get3A_13] : memref<1x128x32x512xf32, #tpu.memory_space<vmem>>, vector<1x128x32x256xf32>
    %get3A_15 = vector.shape_cast %get3A_14 : vector<1x128x32x256xf32> to vector<128x32x256xf32>
    %broadcast_in_dim3A = vector.shape_cast %get3A_3 : vector<128x256xf32> to vector<128x1x256xf32>
    %mul3A = vector.broadcast %broadcast_in_dim3A : vector<128x1x256xf32> to vector<128x32x256xf32>
    %mul3A_16 = arith.mulf %mul3A, %get3A_9 : vector<128x32x256xf32>
    %reduce_max3A = arith.constant dense<0xFF800000> : vector<128x256xf32>
    %reduce_max3A_17 = vector.multi_reduction <maximumf>, %mul3A_16, %reduce_max3A [1] : vector<128x32x256xf32> to vector<128x256xf32>
    %broadcast_in_dim3A_18 = vector.shape_cast %reduce_max3A_17 : vector<128x256xf32> to vector<128x1x256xf32>
    %sub3A = vector.broadcast %broadcast_in_dim3A_18 : vector<128x1x256xf32> to vector<128x32x256xf32>
    %sub3A_19 = arith.subf %mul3A_16, %sub3A : vector<128x32x256xf32>
    %exp3A = math.exp %sub3A_19 : vector<128x32x256xf32>
    %reduce_sum3A = arith.constant dense<0.000000e+00> : vector<128x256xf32>
    %reduce_sum3A_20 = vector.multi_reduction <add>, %exp3A, %reduce_sum3A [1] : vector<128x32x256xf32> to vector<128x256xf32>
    %broadcast_in_dim3A_21 = vector.shape_cast %reduce_sum3A_20 : vector<128x256xf32> to vector<128x1x256xf32>
    %div3A = vector.broadcast %broadcast_in_dim3A_21 : vector<128x1x256xf32> to vector<128x32x256xf32>
    %div3A_22 = arith.divf %exp3A, %div3A : vector<128x32x256xf32>
    %mul3A_23 = arith.mulf %div3A_22, %get3A_15 : vector<128x32x256xf32>
    %reduce_sum3A_24 = arith.constant dense<0.000000e+00> : vector<128x256xf32>
    %reduce_sum3A_25 = vector.multi_reduction <add>, %mul3A_23, %reduce_sum3A_24 [1] : vector<128x32x256xf32> to vector<128x256xf32>
    %reduce_sum3A_26 = arith.constant dense<0.000000e+00> : vector<128x32xf32>
    %reduce_sum3A_27 = vector.multi_reduction <add>, %div3A_22, %reduce_sum3A_26 [2] : vector<128x32x256xf32> to vector<128x32xf32>
    %div3A_28 = arith.constant 2.560000e+02 : f32
    %div3A_29 = vector.broadcast %div3A_28 : f32 to vector<128x32xf32>
    %div3A_30 = arith.divf %reduce_sum3A_27, %div3A_29 : vector<128x32xf32>
    %mul3A_31 = arith.constant 128 : i32
    %mul3A_32 = arith.muli %arg1, %mul3A_31 : i32
    %iota3A = tpu.iota {dimensions = array<i32: 0>} : vector<128x32xi32>
    %add3A = vector.broadcast %mul3A_32 : i32 to vector<128x32xi32>
    %add3A_33 = arith.addi %add3A, %iota3A : vector<128x32xi32>
    %lt3A = arith.constant 162 : i32
    %lt3A_34 = vector.broadcast %lt3A : i32 to vector<128x32xi32>
    %lt3A_35 = arith.cmpi slt, %add3A_33, %lt3A_34 : vector<128x32xi32>
    %jit3A = arith.constant 0.000000e+00 : f32
    %broadcast_in_dim3A_36 = vector.broadcast %jit3A : f32 to vector<128x32xf32>
    %select_n3A = arith.select %lt3A_35, %div3A_30, %broadcast_in_dim3A_36 : vector<128x32xi1>, vector<128x32xf32>
    %swap3A = arith.constant 0 : index
    %swap3A_37 = arith.constant 0 : index
    %swap3A_38 = arith.constant 0 : index
    %swap3A_39 = vector.load %arg11[%swap3A, %swap3A_37, %swap3A_38] : memref<1x128x32xf32, #tpu.memory_space<vmem>>, vector<1x128x32xf32>
    %swap3A_40 = vector.shape_cast %swap3A_39 : vector<1x128x32xf32> to vector<128x32xf32>
    %swap3A_41 = vector.shape_cast %select_n3A : vector<128x32xf32> to vector<1x128x32xf32>
    tpu.vector_store %arg11[%swap3A, %swap3A_37, %swap3A_38], %swap3A_41 {strides = array<i32>} : memref<1x128x32xf32, #tpu.memory_space<vmem>>, vector<1x128x32xf32>,
    %get3A_42 = arith.constant 0 : index
    %get3A_43 = arith.constant 0 : index
    %get3A_44 = vector.load %arg4[%get3A_42, %get3A_43] : memref<256x256xf32, #tpu.memory_space<vmem>>, vector<256x256xf32>
    %dot_general3A = arith.constant dense<0.000000e+00> : vector<128x256xf32>
    %dot_general3A_45 = tpu.matmul %reduce_sum3A_25, %get3A_44, %dot_general3A {dimension_numbers = #tpu.dot_dimension_numbers<[1], [0], [0], [1], [0, 0, 1, 1], [], []>, transpose_lhs_hint = false} : vector<128x256xf32>, vector<256x256xf32>, vector<128x256xf32> -> vector<128x256xf32>
    %get3A_46 = arith.constant 0 : index
    %get3A_47 = arith.constant 0 : index
    %get3A_48 = vector.load %arg5[%get3A_46, %get3A_47] : memref<1x256xf32, #tpu.memory_space<vmem>>, vector<1x256xf32>
    %add3A_49 = vector.broadcast %get3A_48 : vector<1x256xf32> to vector<128x256xf32>
    %add3A_50 = arith.addf %dot_general3A_45, %add3A_49 : vector<128x256xf32>
    %get3A_51 = arith.constant 0 : index
    %get3A_52 = arith.constant 0 : index
    %get3A_53 = vector.load %arg6[%get3A_51, %get3A_52] : memref<256x64xf32, #tpu.memory_space<vmem>>, vector<256x64xf32>
    %dot_general3A_54 = arith.constant dense<0.000000e+00> : vector<128x64xf32>
    %dot_general3A_55 = tpu.matmul %add3A_50, %get3A_53, %dot_general3A_54 {dimension_numbers = #tpu.dot_dimension_numbers<[1], [0], [0], [1], [0, 0, 1, 1], [], []>, transpose_lhs_hint = false} : vector<128x256xf32>, vector<256x64xf32>, vector<128x64xf32> -> vector<128x64xf32>
    %get3A_56 = arith.constant 0 : index
    %get3A_57 = arith.constant 0 : index
    %get3A_58 = vector.load %arg7[%get3A_56, %get3A_57] : memref<1x64xf32, #tpu.memory_space<vmem>>, vector<1x64xf32>
    %add3A_59 = vector.broadcast %get3A_58 : vector<1x64xf32> to vector<128x64xf32>
    %add3A_60 = arith.addf %dot_general3A_55, %add3A_59 : vector<128x64xf32>
    %mul3A_61 = arith.constant 5.000000e-01 : f32
    %mul3A_62 = vector.broadcast %mul3A_61 : f32 to vector<128x64xf32>
    %mul3A_63 = arith.mulf %mul3A_62, %add3A_60 : vector<128x64xf32>
    %mul3A_64 = arith.constant 0.707106769 : f32
    %mul3A_65 = vector.broadcast %mul3A_64 : f32 to vector<128x64xf32>
    %mul3A_66 = arith.mulf %add3A_60, %mul3A_65 : vector<128x64xf32>
    %erf3A = math.erf %mul3A_66 : vector<128x64xf32>
    %add3A_67 = arith.constant 1.000000e+00 : f32
    %add3A_68 = vector.broadcast %add3A_67 : f32 to vector<128x64xf32>
    %add3A_69 = arith.addf %add3A_68, %erf3A : vector<128x64xf32>
    %mul3A_70 = arith.mulf %mul3A_63, %add3A_69 : vector<128x64xf32>
    %get3A_71 = arith.constant 0 : index
    %get3A_72 = arith.constant 0 : index
    %get3A_73 = vector.load %arg8[%get3A_71, %get3A_72] : memref<64x256xf32, #tpu.memory_space<vmem>>, vector<64x256xf32>
    %dot_general3A_74 = arith.constant dense<0.000000e+00> : vector<128x256xf32>
    %dot_general3A_75 = tpu.matmul %mul3A_70, %get3A_73, %dot_general3A_74 {dimension_numbers = #tpu.dot_dimension_numbers<[1], [0], [0], [1], [0, 0, 1, 1], [], []>, transpose_lhs_hint = false} : vector<128x64xf32>, vector<64x256xf32>, vector<128x256xf32> -> vector<128x256xf32>
    %get3A_76 = arith.constant 0 : index
    %get3A_77 = arith.constant 0 : index
    %get3A_78 = vector.load %arg9[%get3A_76, %get3A_77] : memref<1x256xf32, #tpu.memory_space<vmem>>, vector<1x256xf32>
    %add3A_79 = vector.broadcast %get3A_78 : vector<1x256xf32> to vector<128x256xf32>
    %add3A_80 = arith.addf %dot_general3A_75, %add3A_79 : vector<128x256xf32>
    %add3A_81 = arith.addf %add3A_50, %add3A_80 : vector<128x256xf32>
    %swap3A_82 = arith.constant 0 : index
    %swap3A_83 = arith.constant 0 : index
    %swap3A_84 = arith.constant 0 : index
    %swap3A_85 = vector.load %arg10[%swap3A_82, %swap3A_83, %swap3A_84] : memref<1x128x256xf32, #tpu.memory_space<vmem>>, vector<1x128x256xf32>
    %swap3A_86 = vector.shape_cast %swap3A_85 : vector<1x128x256xf32> to vector<128x256xf32>
    %swap3A_87 = vector.shape_cast %add3A_81 : vector<128x256xf32> to vector<1x128x256xf32>
    tpu.vector_store %arg10[%swap3A_82, %swap3A_83, %swap3A_84], %swap3A_87 {strides = array<i32>} : memref<1x128x256xf32, #tpu.memory_space<vmem>>, vector<1x128x256xf32>,
    return
  }
  func.func @transform_0(%arg0: i32, %arg1: i32) -> (i32, i32, i32) {
    %c0_i32 = arith.constant 0 : i32
    %c0_i32_0 = arith.constant 0 : i32
    return %arg0, %arg1, %c0_i32 : i32, i32, i32
  }
  func.func @transform_1(%arg0: i32, %arg1: i32) -> (i32, i32, i32, i32) {
    %c0_i32 = arith.constant 0 : i32
    %c0_i32_0 = arith.constant 0 : i32
    %c0_i32_1 = arith.constant 0 : i32
    return %arg0, %arg1, %c0_i32, %c0_i32_0 : i32, i32, i32, i32
  }
  func.func @transform_2(%arg0: i32, %arg1: i32) -> (i32, i32) {
    %c0_i32 = arith.constant 0 : i32
    %c0_i32_0 = arith.constant 0 : i32
    %c0_i32_1 = arith.constant 0 : i32
    return %c0_i32, %c0_i32_0 : i32, i32
  }
  func.func @transform_3(%arg0: i32, %arg1: i32) -> (i32, i32) {
    %c0_i32 = arith.constant 0 : i32
    %c0_i32_0 = arith.constant 0 : i32
    %c0_i32_1 = arith.constant 0 : i32
    return %c0_i32, %c0_i32_0 : i32, i32
  }
  func.func @transform_4(%arg0: i32, %arg1: i32) -> (i32, i32) {
    %c0_i32 = arith.constant 0 : i32
    %c0_i32_0 = arith.constant 0 : i32
    %c0_i32_1 = arith.constant 0 : i32
    return %c0_i32, %c0_i32_0 : i32, i32
  }
  func.func @transform_5(%arg0: i32, %arg1: i32) -> (i32, i32) {
    %c0_i32 = arith.constant 0 : i32
    %c0_i32_0 = arith.constant 0 : i32
    %c0_i32_1 = arith.constant 0 : i32
    return %c0_i32, %c0_i32_0 : i32, i32
  }
  func.func @transform_6(%arg0: i32, %arg1: i32) -> (i32, i32) {
    %c0_i32 = arith.constant 0 : i32
    %c0_i32_0 = arith.constant 0 : i32
    %c0_i32_1 = arith.constant 0 : i32
    return %c0_i32, %c0_i32_0 : i32, i32
  }
  func.func @transform_7(%arg0: i32, %arg1: i32) -> (i32, i32) {
    %c0_i32 = arith.constant 0 : i32
    %c0_i32_0 = arith.constant 0 : i32
    %c0_i32_1 = arith.constant 0 : i32
    return %c0_i32, %c0_i32_0 : i32, i32
  }
  func.func @transform_8(%arg0: i32, %arg1: i32) -> (i32, i32, i32) {
    %c0_i32 = arith.constant 0 : i32
    %c0_i32_0 = arith.constant 0 : i32
    return %arg0, %arg1, %c0_i32 : i32, i32, i32
  }
  func.func @transform_9(%arg0: i32, %arg1: i32) -> (i32, i32, i32) {
    %c0_i32 = arith.constant 0 : i32
    %c0_i32_0 = arith.constant 0 : i32
    return %arg0, %arg1, %c0_i32 : i32, i32, i32
  }
}

module attributes {stable_mosaic.version = 14 : i64} {
  func.func @_mm_body(%arg0: i32, %arg1: memref<256x256xf32, #tpu.memory_space<vmem>>, %arg2: memref<256x256xf32, #tpu.memory_space<vmem>>, %arg3: memref<1x256xf32, #tpu.memory_space<vmem>>, %arg4: memref<256x256xf32, #tpu.memory_space<vmem>>) attributes {dimension_semantics = [#tpu.dimension_semantics<arbitrary>], iteration_bounds = array<i64: 2>, scalar_prefetch = 0 : i64, scratch_operands = 0 : i64, tpu.core_type = #tpu.core_type<tc>, window_params = [{transform_indices = @transform_0, window_bounds = array<i64: 256, 256>}, {pipeline_mode = #tpu.pipeline_mode<synchronous>, transform_indices = @transform_1, window_bounds = array<i64: 256, 256>}, {pipeline_mode = #tpu.pipeline_mode<synchronous>, transform_indices = @transform_2, window_bounds = array<i64: 1, 256>}, {transform_indices = @transform_3, window_bounds = array<i64: 256, 256>}]} {
    %get3A = arith.constant 0 : index
    %get3A_0 = arith.constant 0 : index
    %get3A_1 = vector.load %arg1[%get3A, %get3A_0] : memref<256x256xf32, #tpu.memory_space<vmem>>, vector<256x256xf32>
    %get3A_2 = arith.constant 0 : index
    %get3A_3 = arith.constant 0 : index
    %get3A_4 = vector.load %arg2[%get3A_2, %get3A_3] : memref<256x256xf32, #tpu.memory_space<vmem>>, vector<256x256xf32>
    %dot_general3A = arith.constant dense<0.000000e+00> : vector<256x256xf32>
    %dot_general3A_5 = tpu.matmul %get3A_1, %get3A_4, %dot_general3A {dimension_numbers = #tpu.dot_dimension_numbers<[1], [0], [0], [1], [0, 0, 1, 1], [], []>, transpose_lhs_hint = false} : vector<256x256xf32>, vector<256x256xf32>, vector<256x256xf32> -> vector<256x256xf32>
    %get3A_6 = arith.constant 0 : index
    %get3A_7 = arith.constant 0 : index
    %get3A_8 = vector.load %arg3[%get3A_6, %get3A_7] : memref<1x256xf32, #tpu.memory_space<vmem>>, vector<1x256xf32>
    %add3A = vector.broadcast %get3A_8 : vector<1x256xf32> to vector<256x256xf32>
    %add3A_9 = arith.addf %dot_general3A_5, %add3A : vector<256x256xf32>
    %swap3A = arith.constant 0 : index
    %swap3A_10 = arith.constant 0 : index
    %swap3A_11 = vector.load %arg4[%swap3A, %swap3A_10] : memref<256x256xf32, #tpu.memory_space<vmem>>, vector<256x256xf32>
    tpu.vector_store %arg4[%swap3A, %swap3A_10], %add3A_9 {strides = array<i32>} : memref<256x256xf32, #tpu.memory_space<vmem>>, vector<256x256xf32>,
    return
  }
  func.func @transform_0(%arg0: i32) -> (i32, i32) {
    %c0_i32 = arith.constant 0 : i32
    %c0_i32_0 = arith.constant 0 : i32
    return %arg0, %c0_i32 : i32, i32
  }
  func.func @transform_1(%arg0: i32) -> (i32, i32) {
    %c0_i32 = arith.constant 0 : i32
    %c0_i32_0 = arith.constant 0 : i32
    %c0_i32_1 = arith.constant 0 : i32
    return %c0_i32, %c0_i32_0 : i32, i32
  }
  func.func @transform_2(%arg0: i32) -> (i32, i32) {
    %c0_i32 = arith.constant 0 : i32
    %c0_i32_0 = arith.constant 0 : i32
    %c0_i32_1 = arith.constant 0 : i32
    return %c0_i32, %c0_i32_0 : i32, i32
  }
  func.func @transform_3(%arg0: i32) -> (i32, i32) {
    %c0_i32 = arith.constant 0 : i32
    %c0_i32_0 = arith.constant 0 : i32
    return %arg0, %c0_i32 : i32, i32
  }
}

</mosaic_0001>

<sc_bundles>
// kernel: kernel.20.cloned.1.call-start
scs
__scs_entry_jumppad:
0x0: {  	(pc) =	sbr.rel $0x88, $3  }
0x1: {  	(tag) =	ssettag $0x0;
	lr =	simm.s32 $0x1  }
0x2: {  	[smem:$0x3F94] =	sst lr;
	_ =	strace $0xD0000000  }
0x3: {  	_ = 	snop  }
0x4: {  	_ = 	snop  }
0x5: {  	_ = 	snop  }
0x6: {  	_ = 	snop  }
0x7: {  	_ = 	snop  }
__scs_overlays_trampoline_lowered:
0x8: {  	[smem:$0x3FA3] =	sst s0  }
0x9: {  	[smem:$0x3FA4] =	sst s1  }
0xa: {  	[smem:$0x3FA5] =	sst s2  }
0xb: {  	[smem:$0x3FA6] =	sst s3  }
0xc: {  	[smem:$0x3FA7] =	sst s4  }
0xd: {  	[smem:$0x3FA8] =	sst s5  }
0xe: {  	[smem:$0x3FA9] =	sst s6  }
0xf: {  	[smem:$0x3FAA] =	sst s7  }
0x10: {  	[smem:$0x3FAB] =	sst s8  }
0x11: {  	[smem:$0x3FAC] =	sst s9;
	s0 =	simm.s32 @!p0 $0x0  }
0x12: {  	s1 =	sld [smem:$0x3F92];
	s0 =	simm.s32 @p0 $0x1  }
0x13: {  	[smem:$0x3FAD] =	sst s0;
	s0 =	simm.s32 @!p1 $0x0  }
0x14: {  	s2 =	sld [smem:$0x3F91];
	s0 =	simm.s32 @p1 $0x1  }
0x15: {  	[smem:$0x3FAE] =	sst s0;
	s0 =	simm.s32 @!p2 $0x0  }
0x16: {  	s3 =	sld [smem:$0x3FDB];
	s0 =	simm.s32 @p2 $0x1  }
0x17: {  	s4 =	simm.s32 $0x1BF5;
	[smem:$0x3FB0] =	sst s0  }
0x18: {  	s0 =	sld [smem:$0x3F93];
	_ =	swait.ge [sflag:s4], $0x0  }
0x19: {  	s7 =	sld [smem:$0x3F94]  }
0x1a: {  	s8 =	sadd.s32 $0xFFFFE003, lr  }
0x1b: {  	s9 =	sadd.s32 $0xFFFFFEF7, lr;
	s5 =	simm.s32 $0xFFFFFFFF;
	p2 =	slt.u32 s8, $0xFFFFF086  }
0x1c: {  	p1 =	slt.u32 s9, $0xF7A;
	s5 =	simm.s32 @!p2 $0x0  }
0x1d: {  	s5 =	simm.s32 @p1 $0x1;
	p0 =	seq.s32 s7, s2  }
0x1e: {  	s7 =	smul.u32 @!p0 $0xF7A, s2;
	p2 =	seq.s32 @!p0 s5, $0x0  }
0x1f: {  	s9 =	smul.u32 $0xF7A, s1;
	s8 =	simm.s32 @!p0 $0x1BF5;
	p2 =	por !p2, p0  }
0x20: {  	[sflag:s8] =	ssyncset.s32 @!p0 $0xFFFFF086;
	s6 =	sadd.s32 @!p0 s3, s7;
	s7 =	simm.s32 @!p0 $0x108  }
0x21: {  	s3 =	sadd.s32 s3, s9;
	s6 =	sadd.s32 @!p0 $0x88, s6;
	s7 =	simm.s32 @p2 $0x1082  }
0x22: {  	[simem:s7], [sflag:s8] =	dma.local @!p0 [hbm:s6], $0xF7A  }
0x23: {  	s9 =	sor.u32 $0xD0000000, s2;
	s6 =	simm.s32 $0x108;
	_ =	swait.ge @!p0 [sflag:s8], $0x0  }
0x24: {  	s3 =	sadd.s32 $0x88, s3;
	s6 =	simm.s32 @!p1 $0x1082;
	[sflag:s4] =	ssyncset.s32 $0xFFFFF086  }
0x25: {  	[simem:s6], [sflag:s4] =	dma.local [hbm:s3], $0xF7A  }
0x26: {  	[smem:$0x3F94] =	sst s1;
	(tag) =	ssettag s2;
	_ =	strace s9  }
0x27: {  	s1 =	sld [smem:$0x3FA4]  }
0x28: {  	s2 =	sld [smem:$0x3FA5]  }
0x29: {  	s4 =	sld [smem:$0x3FA7]  }
0x2a: {  	p0 =	seq.s32 s5, $0x0;
	s5 =	sld [smem:$0x3FA8]  }
0x2b: {  	s6 =	sld [smem:$0x3FA9]  }
0x2c: {  	s7 =	sld [smem:$0x3FAA]  }
0x2d: {  	s3 =	simm.s32 $0x108;
	s8 =	sld [smem:$0x3FAB]  }
0x2e: {  	s3 =	simm.s32 @!p0 $0x1082;
	s9 =	sld [smem:$0x3FAC]  }
0x2f: {  	lr =	sadd.s32 s0, s3;
	s0 =	sld [smem:$0x3FA3]  }
0x30: {  	s3 =	sld [smem:$0x3FA6]  }
0x31: {  	[smem:$0x3FAF] =	sst s10  }
0x32: {  	s10 =	sld [smem:$0x3FAD];
	_ =	sdelay $0x3  }
0x33: {  	p0 =	seq.s32 s10, $0x1;
	s10 =	sld [smem:$0x3FAF];
	_ =	sdelay $0x3  }
0x34: {  	[smem:$0x3FAF] =	sst s10  }
0x35: {  	s10 =	sld [smem:$0x3FAE];
	_ =	sdelay $0x3  }
0x36: {  	p1 =	seq.s32 s10, $0x1;
	s10 =	sld [smem:$0x3FAF];
	_ =	sdelay $0x3  }
0x37: {  	[smem:$0x3FAF] =	sst s10  }
0x38: {  	s10 =	sld [smem:$0x3FB0]  }
0x39: {  	_ = 	snop;
	(pc) =	sbr.ind lr, $3  }
0x3a: {  	_ = 	snop  }
0x3b: {  	_ = 	snop  }
0x3c: {  	p2 =	seq.s32 s10, $0x1;
	s10 =	sld [smem:$0x3FAF]  }
0x3d: {  	_ =	shalt  }
0x3e: {  	_ =	shalt  }
0x3f: {  	_ =	shalt  }
0x40: {  	_ =	shalt  }
0x41: {  	_ =	shalt  }
0x42: {  	_ =	shalt  }
0x43: {  	_ =	shalt  }
0x44: {  	_ =	shalt  }
0x45: {  	_ =	shalt  }
0x46: {  	_ =	shalt  }
0x47: {  	_ =	shalt  }
0x48: {  	_ =	shalt  }
0x49: {  	_ =	shalt  }
0x4a: {  	_ =	shalt  }
0x4b: {  	_ =	shalt  }
0x4c: {  	_ =	shalt  }
0x4d: {  	_ =	shalt  }
0x4e: {  	_ =	shalt  }
0x4f: {  	_ =	shalt  }
0x50: {  	_ =	shalt  }
0x51: {  	_ =	shalt  }
0x52: {  	_ =	shalt  }
0x53: {  	_ =	shalt  }
0x54: {  	_ =	shalt  }
0x55: {  	_ =	shalt  }
0x56: {  	_ =	shalt  }
0x57: {  	_ =	shalt  }
0x58: {  	_ =	shalt  }
0x59: {  	_ =	shalt  }
0x5a: {  	_ =	shalt  }
0x5b: {  	_ =	shalt  }
0x5c: {  	_ =	shalt  }
0x5d: {  	_ =	shalt  }
0x5e: {  	_ =	shalt  }
0x5f: {  	_ =	shalt  }
0x60: {  	_ =	shalt  }
0x61: {  	_ =	shalt  }
0x62: {  	_ =	shalt  }
0x63: {  	_ =	shalt  }
0x64: {  	_ =	shalt  }
0x65: {  	_ =	shalt  }
0x66: {  	_ =	shalt  }
0x67: {  	_ =	shalt  }
0x68: {  	_ =	shalt  }
0x69: {  	_ =	shalt  }
0x6a: {  	_ =	shalt  }
0x6b: {  	_ =	shalt  }
0x6c: {  	_ =	shalt  }
0x6d: {  	_ =	shalt  }
0x6e: {  	_ =	shalt  }
0x6f: {  	_ =	shalt  }
0x70: {  	_ =	shalt  }
0x71: {  	_ =	shalt  }
0x72: {  	_ =	shalt  }
0x73: {  	_ =	shalt  }
0x74: {  	_ =	shalt  }
0x75: {  	_ =	shalt  }
0x76: {  	_ =	shalt  }
0x77: {  	_ =	shalt  }
0x78: {  	_ =	shalt  }
0x79: {  	_ =	shalt  }
0x7a: {  	_ =	shalt  }
0x7b: {  	_ =	shalt  }
0x7c: {  	_ =	shalt  }
0x7d: {  	_ =	shalt  }
0x7e: {  	_ =	shalt  }
0x7f: {  	_ =	shalt  }
0x80: {  	_ =	shalt  }
0x81: {  	_ =	shalt  }
0x82: {  	_ =	shalt  }
0x83: {  	_ =	shalt  }
0x84: {  	_ =	shalt  }
0x85: {  	_ =	shalt  }
0x86: {  	_ =	shalt  }
0x87: {  	_ =	shalt  }
.Lfunc_end0:
.L_simem_size_0:
called_computation_lowered:
.L_overlay_start_0:
0x88: {  	s2 =	sld [smem:$0x3FD9]  }
0x89: {  	s3 =	sld [smem:$0x3FFE];
	_ =	sdelay $0x1  }
0x8a: {  	s1 =	srdreg.scid  }
0x8b: {  	s0 =	sand.u32 $0x1, s1  }
0x8c: {  	s16 =	sshll.u32 s0, $0xA;
	s2 =	sadd.s32 s3, s2  }
0x8d: {  	s2 =	sadd.s32 s2, s16  }
0x8e: {  	[smem:$0x3FBB] =	sst s2  }
0x8f: {  	_ = 	snop  }
0x90: {  	(tm) =	ssettm $0x1  }
0x91: {  	s17 =	sld [smem:$0x3FFB];
	_ =	sdelay $0x3  }
0x92: {  	_ =	strace s17  }
0x93: {  	s2 =	sld [smem:$0x3FFC];
	_ =	sdelay $0x3  }
0x94: {  	_ =	strace s2  }
0x95: {  	s2 =	sld [smem:$0x3FFD];
	_ =	sdelay $0x3  }
0x96: {  	_ =	strace s2  }
0x97: {  	_ =	strace $0x8FFFFFFF  }
0x98: {  	s18 =	sld [smem:$0x3FDB];
	_ =	sdelay $0x1  }
0x99: {  	s19 =	simm.s32 $_scs_section_size  }
0x9a: {  	s4 =	simm.s32 $_size__tile_overlayer_lowered;
	s5 =	simm.s32 $_tile_overlayer_lowered  }
0x9b: {  	s22 =	simm.s32 $0x1BFF;
	s21 =	sshll.u32 s5, $0x1;
	s2 =	sadd.s32 s19, s18  }
0x9c: {  	s6 =	simm.s32 $0x0;
	s20 =	sshll.u32 s4, $0x1;
	s4 =	sadd.s32 s21, s2  }
0x9d: {  	[timem:s6], [sflag:s22] =	dma.local [hbm:s4], s20  }
0x9e: {  	_ =	swait.ge [sflag:s22], s20  }
0x9f: {  	s3 =	ssub.s32 $0x0, s20;
	[sflag:s22] =	ssyncset.done $0x0  }
0xa0: {  	[sflag:s22] =	ssyncadd.s32 s3;
	_ =	sdelay $0x1  }
0xa1: {  	s23 =	simm.s32 $0x1B8B  }
0xa2: {  	_ =	swait.ge [sflag:s23], $0x1  }
0xa3: {  	[sflag:s23] =	ssyncset.done $0x0  }
0xa4: {  	s25 =	simm.s32 $0x1B8E;
	s24 =	sld [smem:$0x3FFE];
	[sflag:s23] =	ssyncadd.s32 $0xFFFFFFFF  }
0xa5: {  	s26 =	simm.s32 $execute0_lowered;
	[smem:$0x3FD2] =	sst s25  }
0xa6: {  	s4 =	sshll.u32 s26, $0x1;
	_ =	strace $0x80000046;
	[dreg:$0x1] =	wrdreg $0xFFFFFFFF  }
0xa7: {  	s28 =	simm.s32 $_size_execute0_lowered;
	s2 =	sadd.s32 s2, s4;
	[dreg:$0x0] =	wrdreg $0x0  }
0xa8: {  	s4 =	sshll.u32 s28, $0x1;
	[dreg:$0x2] =	wrdreg s2  }
0xa9: {  	[dreg:$0x3] =	wrdreg s4  }
0xaa: {  	[dreg:$0x4] =	wrdreg $0xC0  }
0xab: {  	_ =	task [dreg:s6], $0x5FFFF  }
0xac: {  	[dreg:$0x1] =	wrdreg $0xFFFFFFFF  }
0xad: {  	[dreg:$0x0] =	wrdreg $0x60  }
0xae: {  	[dreg:$0x2] =	wrdreg s24  }
0xaf: {  	[dreg:$0x3] =	wrdreg $0x9  }
0xb0: {  	_ =	task.clear_ibuf [dreg:s6], $0x4FFFF;
	_ =	strace $0x90000046  }
0xb1: {  	s29 =	simm.s32 $0x9;
	_ =	strace $0x80000048  }
0xb2: {  	_ =	swait.ge [sflag:s29], $0x1  }
0xb3: {  	[sflag:s29] =	ssyncadd.s32 $0xFFFFFFFF  }
0xb4: {  	_ =	strace $0x90000048  }
0xb5: {  	_ =	sfence  }
0xb6: {  	s30 =	sld [smem:$0x0];
	_ =	sdelay $0x2  }
0xb7: {  	s31 =	sshll.u32 s1, $0xD;
	s1 =	sshrl.u32 s1, $0x2  }
0xb8: {  	s3 =	sand.u32 $0x4000, s31;
	s1 =	sadd.s32 s1, s30  }
0xb9: {  	s0 =	sor.u32 s3, s0;
	s1 =	sshll.u32 s1, $0x11  }
0xba: {  	s0 =	sor.u32 s1, s0  }
0xbb: {  	s0 =	sadd.s32 $0x8F2B, s0  }
0xbc: {  	[sflag:s0] =	ssyncadd.remote.s32 $0x1  }
0xbd: {  	_ =	sfence.sel $0xFFFF  }
0xbe: {  	[dreg:$0x0] =	wrdreg $0xFFFFFFFF;
	(pc) =	sbr.abs _section_cstart, $3  }
0xbf: {  	[dreg:$0x1] =	wrdreg $0xFFFFFFFF  }
0xc0: {  	_ =	task.clear_ibuf [dreg:s6], $0x2FFFF;
	_ =	strace $0x9FFFFFFF  }
0xc1: {  	(tm) =	ssettm $0x7FFFFFFF  }
tec
execute0_lowered:
.L_overlay_start_1:
0x0: {  	(tag) =	ssettag $0x1  }
0x1: {  	s0 =	rddreg [dreg:$0x0];
	s1 =	simm.s32 $0x0  }
0x2: {  	s2 =	simm.s32 $0x1D00;
	[smem:$0x7FF] =	sst s1  }
0x3: {  	s10 =	simm.s32 $0x2500;
	_ =	strace $0x80000047;
	[dreg:$0x2] =	wrdreg s2  }
0x4: {  	s11 =	simm.s32 $0x2D00;
	[dreg:$0x3] =	wrdreg s10  }
0x5: {  	s12 =	simm.s32 $0x3500;
	[dreg:$0x4] =	wrdreg s11  }
0x6: {  	s13 =	simm.s32 $0x3D00;
	[dreg:$0x5] =	wrdreg s12  }
0x7: {  	s14 =	simm.s32 $0x4500;
	[dreg:$0x6] =	wrdreg s13  }
0x8: {  	s15 =	simm.s32 $0x4D00;
	[dreg:$0x7] =	wrdreg s14  }
0x9: {  	s16 =	simm.s32 $0x5500;
	[dreg:$0x8] =	wrdreg s15  }
0xa: {  	s17 =	simm.s32 $0x5D00;
	[dreg:$0x9] =	wrdreg s16  }
0xb: {  	s18 =	simm.s32 $0x6500;
	[dreg:$0xa] =	wrdreg s17  }
0xc: {  	s4 =	simm.s32 $0x6D00;
	[dreg:$0xb] =	wrdreg s18  }
0xd: {  	s19 =	simm.s32 $0x7500;
	[dreg:$0xc] =	wrdreg s4  }
0xe: {  	s20 =	simm.s32 $0x7D00;
	[dreg:$0xd] =	wrdreg s19  }
0xf: {  	s22 =	simm.s32 $0x8500;
	[dreg:$0xe] =	wrdreg s20  }
0x10: {  	s23 =	simm.s32 $0x8D00;
	[dreg:$0xf] =	wrdreg s22  }
0x11: {  	s5 =	simm.s32 $0x9500;
	[dreg:$0x10] =	wrdreg s23  }
0x12: {  	s24 =	simm.s32 $0x9D00;
	[dreg:$0x11] =	wrdreg s5  }
0x13: {  	s25 =	simm.s32 $0xA500;
	[dreg:$0x12] =	wrdreg s24  }
0x14: {  	s8 =	simm.s32 $0xAD00;
	[dreg:$0x13] =	wrdreg s25  }
0x15: {  	s26 =	simm.s32 $0xB500;
	[dreg:$0x14] =	wrdreg s8  }
0x16: {  	s30 =	simm.s32 $0xBD00;
	[dreg:$0x15] =	wrdreg s26  }
0x17: {  	s31 =	simm.s32 $0xC500;
	[dreg:$0x16] =	wrdreg s30  }
0x18: {  	[dreg:$0x17] =	wrdreg s31;
	s12 =	simm.s32 $0xCD00  }
0x19: {  	s13 =	simm.s32 $0xDD00;
	[dreg:$0x18] =	wrdreg s12  }
0x1a: {  	s3 =	srdreg.scid;
	s15 =	simm.s32 $0xE500;
	[dreg:$0x19] =	wrdreg s13  }
0x1b: {  	s28 =	simm.s32 $0x4;
	s16 =	simm.s32 $0xED00;
	[dreg:$0x1a] =	wrdreg s15  }
0x1c: {  	s29 =	simm.s32 $0x0;
	s18 =	simm.s32 $0xF500;
	[dreg:$0x1b] =	wrdreg s16  }
0x1d: {  	s2 =	stileid.u32;
	s19 =	simm.s32 $0xFD00;
	[dreg:$0x1c] =	wrdreg s18  }
0x1e: {  	s10 =	sand.u32 $0x1, s3;
	s20 =	simm.s32 $0x10500;
	[dreg:$0x1d] =	wrdreg s19  }
0x1f: {  	s4 =	sadd.s32 $0x19400, s0;
	s23 =	simm.s32 $0x11500;
	[dreg:$0x1e] =	wrdreg s20  }
0x20: {  	s5 =	sadd.s32 $0xB1800, s0;
	s24 =	simm.s32 $0x11D00;
	[smem:$0x7F8] =	sst s23  }
0x21: {  	s25 =	simm.s32 $0x12500;
	s26 =	simm.s32 $0x12D00;
	[smem:$0x7F9] =	sst s24  }
0x22: {  	s30 =	simm.s32 $0x13500;
	s31 =	simm.s32 $0x13D00;
	[smem:$0x7FA] =	sst s25  }
0x23: {  	s21 =	sshll.u32 s2, $0x1;
	s9 =	ssub.s32 $0x2, s10;
	[smem:$0x7FB] =	sst s26  }
0x24: {  	s22 =	smul.u32 $0xA8000, s2;
	[smem:$0x7FC] =	sst s30;
	s12 =	simm.s32 $0x1500  }
0x25: {  	s13 =	simm.s32 $0xD500;
	[smem:$0x7FD] =	sst s31;
	s15 =	simm.s32 $0x14D00  }
0x26: {  	s16 =	simm.s32 $0x15500;
	s18 =	simm.s32 $0x16500;
	s19 =	simm.s32 $0x16D00  }
0x27: {  	s20 =	simm.s32 $0x17500;
	s23 =	simm.s32 $0x18D00;
	s24 =	simm.s32 $0x1  }
0x28: {  	s25 =	simm.s32 $0x2;
	s7 =	sor.u32 s10, s21;
	s10 =	smul.u32 $0x54000, s10  }
0x29: {  	s26 =	simm.s32 $0x3;
	s11 =	sshrl.u32 s9, $0x1;
	s3 =	smul.u32 $0x1500, s7  }
0x2a: {  	s21 =	simm.s32 $0x10D00;
	s9 =	ssub.s32 s9, s11;
	s14 =	smul.u32 $0x2A0000, s7  }
0x2b: {  	s7 =	sadd.s32 $0x19500, s0;
	[dreg:$0x1f] =	wrdreg s21;
	s11 =	sadd.s32 s22, s5  }
0x2c: {  	s21 =	simm.s32 $0x17D00;
	s22 =	simm.s32 $0x18500;
	s9 =	smax.u32 s9, $0x1  }
0x2d: {  	s10 =	sadd.s32 s10, s11;
	s11 =	simm.s32 $0x5;
	s6 =	sshrl.u32 s3, $0x3  }
0x2e: {  	v2 =	vlaneseq.u32;
	s17 =	sshrl.u32 s14, $0x3;
	s10 =	sadd.s32 $0xFFFFE800, s10;
	s6 =	sadd.s32 s6, s0  }
0x2f: {  	vm0 =	vmmov $0xffff;
	v1 =	vshrl.u32 v2, $0x3;
	s14 =	simm.s32 $0x14500;
	s8 =	sadd.s32 s5, s17;
	s6 =	sadd.s32 $0xAC400, s6  }
0x30: {  	v0 =	vand.u32 $0x7, v2;
	v2 =	vor.u32 $0x8, v2;
	v1 =	vmul.u32 $0x8, v1;
	s17 =	simm.s32 $0x15D00;
	s8 =	sadd.s32 $0x52800, s8;
	[smem:$0x7F7] =	sst s6  }
.LBB2_1:
0x31: {  	s0 =	sld [smem:$0x7F7];
	_ =	sdelay $0x2  }
0x32: {  	[tilespmem:s1], [sflag:$0x5] =	stream.linear.gather [hbm4b:s0+s1], $0x1500, $0x38;
	[tilespmem:$0x19500] =	vst v63  }
0x33: {  	_ =	swait.ge [sflag:s11], $0x1500  }
0x34: {  	s30 =	simm.s32 $0x60;
	[sflag:s11] =	ssyncset.done $0x0  }
0x35: {  	s31 =	smov.u32 s10;
	s0 =	simm.s32 $0x0;
	[sflag:s11] =	ssyncadd.s32 $0xFFFFEB00  }
.LBB2_2:
0x36: {  	p0 =	seq.s32 s0, $0x0  }
0x37: {  	s2 =	simm.s32 @!p0 $0x3  }
0x38: {  	_ =	swait.ge @!p0 [sflag:s2], $0xC000  }
0x39: {  	[sflag:s2] =	ssyncset.done @!p0 $0x0  }
0x3a: {  	[sflag:s2] =	ssyncadd.s32 @!p0 $0xFFFF4000  }
0x3b: {  	v3 =	vld [tilespmem:s30+$0xFFFFFFA0];
	_ =	sdelay $0x4  }
0x3c: {  	v4 =	vshll.u32 v3, $0x2  }
0x3d: {  	v3 =	vand.u32 $0x7, v3;
	v4 =	vand.u32 $0xFFFFFFE0, v4  }
0x3e: {  	v3 =	vor.u32 v3, v4  }
0x3f: {  	v4 =	vperm.xlane v3, v0;
	_ =	sdelay $0x1  }
0x40: {  	v4 =	vadd.s32 v1, v4;
	_ =	sdelay $0x1  }
0x41: {  	v3 =	vperm.xlane v3, v2;
	_ =	sdelay $0x1  }
0x42: {  	v3 =	vadd.s32 v1, v3  }
0x43: {  	[tilespmem:s12], [sflag:$0x1] =	stream.indirect_vreg.gather [hbm4b:s4+s1], $0x80, v4, vm0, $0xb8;
	[tilespmem:$0x19500] =	vst v63  }
0x44: {  	s2 =	rddreg [dreg:$0x2]  }
0x45: {  	[tilespmem:s2], [sflag:$0x1] =	stream.indirect_vreg.gather [hbm4b:s7+s1], $0x80, v4, vm0, $0xb8;
	[tilespmem:$0x19500] =	vst v63  }
0x46: {  	s6 =	rddreg [dreg:$0x3]  }
0x47: {  	[tilespmem:s6], [sflag:$0x1] =	stream.indirect_vreg.gather [hbm4b:s4+s1], $0x80, v3, vm0, $0xb8;
	[tilespmem:$0x19500] =	vst v63  }
0x48: {  	s2 =	rddreg [dreg:$0x4]  }
0x49: {  	[tilespmem:s2], [sflag:$0x1] =	stream.indirect_vreg.gather [hbm4b:s7+s1], $0x80, v3, vm0, $0xb8;
	[tilespmem:$0x19500] =	vst v63  }
0x4a: {  	v3 =	vld [tilespmem:s30+$0xFFFFFFB0];
	_ =	sdelay $0x4  }
0x4b: {  	v53 =	vshll.u32 v3, $0x2  }
0x4c: {  	v3 =	vand.u32 $0x7, v3;
	v4 =	vand.u32 $0xFFFFFFE0, v53  }
0x4d: {  	v3 =	vor.u32 v3, v4  }
0x4e: {  	v4 =	vperm.xlane v3, v0;
	_ =	sdelay $0x1  }
0x4f: {  	v4 =	vadd.s32 v1, v4;
	_ =	sdelay $0x1  }
0x50: {  	v3 =	vperm.xlane v3, v2;
	_ =	sdelay $0x1  }
0x51: {  	s2 =	rddreg [dreg:$0x5];
	v3 =	vadd.s32 v1, v3  }
0x52: {  	[tilespmem:s2], [sflag:$0x1] =	stream.indirect_vreg.gather [hbm4b:s4+s1], $0x80, v4, vm0, $0xb8;
	[tilespmem:$0x19500] =	vst v63  }
0x53: {  	s6 =	rddreg [dreg:$0x6]  }
0x54: {  	[tilespmem:s6], [sflag:$0x1] =	stream.indirect_vreg.gather [hbm4b:s7+s1], $0x80, v4, vm0, $0xb8;
	[tilespmem:$0x19500] =	vst v63  }
0x55: {  	s2 =	rddreg [dreg:$0x7]  }
0x56: {  	[tilespmem:s2], [sflag:$0x1] =	stream.indirect_vreg.gather [hbm4b:s4+s1], $0x80, v3, vm0, $0xb8;
	[tilespmem:$0x19500] =	vst v63  }
0x57: {  	s6 =	rddreg [dreg:$0x8]  }
0x58: {  	[tilespmem:s6], [sflag:$0x1] =	stream.indirect_vreg.gather [hbm4b:s7+s1], $0x80, v3, vm0, $0xb8;
	[tilespmem:$0x19500] =	vst v63  }
0x59: {  	v3 =	vld [tilespmem:s30+$0xFFFFFFC0];
	_ =	sdelay $0x4  }
0x5a: {  	v54 =	vshll.u32 v3, $0x2  }
0x5b: {  	v3 =	vand.u32 $0x7, v3;
	v4 =	vand.u32 $0xFFFFFFE0, v54  }
0x5c: {  	v3 =	vor.u32 v3, v4  }
0x5d: {  	v4 =	vperm.xlane v3, v0;
	_ =	sdelay $0x1  }
0x5e: {  	v4 =	vadd.s32 v1, v4;
	_ =	sdelay $0x1  }
0x5f: {  	v3 =	vperm.xlane v3, v2;
	_ =	sdelay $0x1  }
0x60: {  	s2 =	rddreg [dreg:$0x9];
	v3 =	vadd.s32 v1, v3  }
0x61: {  	[tilespmem:s2], [sflag:$0x1] =	stream.indirect_vreg.gather [hbm4b:s4+s1], $0x80, v4, vm0, $0xb8;
	[tilespmem:$0x19500] =	vst v63  }
0x62: {  	s6 =	rddreg [dreg:$0xa]  }
0x63: {  	[tilespmem:s6], [sflag:$0x1] =	stream.indirect_vreg.gather [hbm4b:s7+s1], $0x80, v4, vm0, $0xb8;
	[tilespmem:$0x19500] =	vst v63  }
0x64: {  	s2 =	rddreg [dreg:$0xb]  }
0x65: {  	[tilespmem:s2], [sflag:$0x1] =	stream.indirect_vreg.gather [hbm4b:s4+s1], $0x80, v3, vm0, $0xb8;
	[tilespmem:$0x19500] =	vst v63  }
0x66: {  	s6 =	rddreg [dreg:$0xc]  }
0x67: {  	[tilespmem:s6], [sflag:$0x1] =	stream.indirect_vreg.gather [hbm4b:s7+s1], $0x80, v3, vm0, $0xb8;
	[tilespmem:$0x19500] =	vst v63  }
0x68: {  	v3 =	vld [tilespmem:s30+$0xFFFFFFD0];
	_ =	sdelay $0x4  }
0x69: {  	v55 =	vshll.u32 v3, $0x2  }
0x6a: {  	v3 =	vand.u32 $0x7, v3;
	v4 =	vand.u32 $0xFFFFFFE0, v55  }
0x6b: {  	v3 =	vor.u32 v3, v4  }
0x6c: {  	v4 =	vperm.xlane v3, v0;
	_ =	sdelay $0x1  }
0x6d: {  	v4 =	vadd.s32 v1, v4;
	_ =	sdelay $0x1  }
0x6e: {  	v3 =	vperm.xlane v3, v2;
	_ =	sdelay $0x1  }
0x6f: {  	s2 =	rddreg [dreg:$0xd];
	v3 =	vadd.s32 v1, v3  }
0x70: {  	[tilespmem:s2], [sflag:$0x1] =	stream.indirect_vreg.gather [hbm4b:s4+s1], $0x80, v4, vm0, $0xb8;
	[tilespmem:$0x19500] =	vst v63  }
0x71: {  	s6 =	rddreg [dreg:$0xe]  }
0x72: {  	[tilespmem:s6], [sflag:$0x1] =	stream.indirect_vreg.gather [hbm4b:s7+s1], $0x80, v4, vm0, $0xb8;
	[tilespmem:$0x19500] =	vst v63  }
0x73: {  	s2 =	rddreg [dreg:$0xf]  }
0x74: {  	[tilespmem:s2], [sflag:$0x1] =	stream.indirect_vreg.gather [hbm4b:s4+s1], $0x80, v3, vm0, $0xb8;
	[tilespmem:$0x19500] =	vst v63  }
0x75: {  	s6 =	rddreg [dreg:$0x10]  }
0x76: {  	[tilespmem:s6], [sflag:$0x1] =	stream.indirect_vreg.gather [hbm4b:s7+s1], $0x80, v3, vm0, $0xb8;
	[tilespmem:$0x19500] =	vst v63  }
0x77: {  	v3 =	vld [tilespmem:s30+$0xFFFFFFE0];
	_ =	sdelay $0x4  }
0x78: {  	v56 =	vshll.u32 v3, $0x2  }
0x79: {  	v3 =	vand.u32 $0x7, v3;
	v4 =	vand.u32 $0xFFFFFFE0, v56  }
0x7a: {  	v3 =	vor.u32 v3, v4  }
0x7b: {  	v4 =	vperm.xlane v3, v0;
	_ =	sdelay $0x1  }
0x7c: {  	v4 =	vadd.s32 v1, v4;
	_ =	sdelay $0x1  }
0x7d: {  	v3 =	vperm.xlane v3, v2;
	_ =	sdelay $0x1  }
0x7e: {  	s2 =	rddreg [dreg:$0x11];
	v3 =	vadd.s32 v1, v3  }
0x7f: {  	[tilespmem:s2], [sflag:$0x1] =	stream.indirect_vreg.gather [hbm4b:s4+s1], $0x80, v4, vm0, $0xb8;
	[tilespmem:$0x19500] =	vst v63  }
0x80: {  	s6 =	rddreg [dreg:$0x12]  }
0x81: {  	[tilespmem:s6], [sflag:$0x1] =	stream.indirect_vreg.gather [hbm4b:s7+s1], $0x80, v4, vm0, $0xb8;
	[tilespmem:$0x19500] =	vst v63  }
0x82: {  	s2 =	rddreg [dreg:$0x13]  }
0x83: {  	[tilespmem:s2], [sflag:$0x1] =	stream.indirect_vreg.gather [hbm4b:s4+s1], $0x80, v3, vm0, $0xb8;
	[tilespmem:$0x19500] =	vst v63  }
0x84: {  	s6 =	rddreg [dreg:$0x14]  }
0x85: {  	[tilespmem:s6], [sflag:$0x1] =	stream.indirect_vreg.gather [hbm4b:s7+s1], $0x80, v3, vm0, $0xb8;
	[tilespmem:$0x19500] =	vst v63  }
0x86: {  	v3 =	vld [tilespmem:s30+$0xFFFFFFF0];
	_ =	sdelay $0x4  }
0x87: {  	v57 =	vshll.u32 v3, $0x2  }
0x88: {  	v3 =	vand.u32 $0x7, v3;
	v4 =	vand.u32 $0xFFFFFFE0, v57  }
0x89: {  	v3 =	vor.u32 v3, v4  }
0x8a: {  	v4 =	vperm.xlane v3, v0;
	_ =	sdelay $0x1  }
0x8b: {  	v4 =	vadd.s32 v1, v4;
	_ =	sdelay $0x1  }
0x8c: {  	v3 =	vperm.xlane v3, v2;
	_ =	sdelay $0x1  }
0x8d: {  	s2 =	rddreg [dreg:$0x15];
	v3 =	vadd.s32 v1, v3  }
0x8e: {  	[tilespmem:s2], [sflag:$0x1] =	stream.indirect_vreg.gather [hbm4b:s4+s1], $0x80, v4, vm0, $0xb8;
	[tilespmem:$0x19500] =	vst v63  }
0x8f: {  	s6 =	rddreg [dreg:$0x16]  }
0x90: {  	[tilespmem:s6], [sflag:$0x1] =	stream.indirect_vreg.gather [hbm4b:s7+s1], $0x80, v4, vm0, $0xb8;
	[tilespmem:$0x19500] =	vst v63  }
0x91: {  	s2 =	rddreg [dreg:$0x17]  }
0x92: {  	[tilespmem:s2], [sflag:$0x1] =	stream.indirect_vreg.gather [hbm4b:s4+s1], $0x80, v3, vm0, $0xb8;
	[tilespmem:$0x19500] =	vst v63  }
0x93: {  	s6 =	rddreg [dreg:$0x18];
	s2 =	simm.s32 @!p0 $0x2  }
0x94: {  	[tilespmem:s6], [sflag:$0x1] =	stream.indirect_vreg.gather [hbm4b:s7+s1], $0x80, v3, vm0, $0xb8;
	[tilespmem:$0x19500] =	vst v63  }
0x95: {  	_ =	swait.ge @!p0 [sflag:s2], $0xC000  }
0x96: {  	[sflag:s2] =	ssyncset.done @!p0 $0x0  }
0x97: {  	s6 =	simm.s32 @!p0 $0xD500;
	[sflag:s2] =	ssyncadd.s32 @!p0 $0xFFFF4000;
	s2 =	simm.s32 @!p0 $0x0  }
0x98: {  	[hbm4b:s31+s2] =	stream.linear.scatter @!p0 [tilespmem:s6], [sflag:$0x4], $0xC000, $0x38;
	[tilespmem:$0x19500] =	vst v63  }
0x99: {  	s2 =	simm.s32 @!p0 $0x4  }
0x9a: {  	_ =	swait.ge @!p0 [sflag:s2], $0xC000  }
0x9b: {  	[sflag:s2] =	ssyncset.done @!p0 $0x0  }
0x9c: {  	[sflag:s2] =	ssyncadd.s32 @!p0 $0xFFFF4000  }
0x9d: {  	v3 =	vld [tilespmem:s30+$0x0];
	_ =	sdelay $0x4  }
0x9e: {  	v58 =	vshll.u32 v3, $0x2  }
0x9f: {  	v3 =	vand.u32 $0x7, v3;
	v4 =	vand.u32 $0xFFFFFFE0, v58  }
0xa0: {  	v3 =	vor.u32 v3, v4  }
0xa1: {  	v4 =	vperm.xlane v3, v0;
	_ =	sdelay $0x1  }
0xa2: {  	v4 =	vadd.s32 v1, v4;
	_ =	sdelay $0x1  }
0xa3: {  	v3 =	vperm.xlane v3, v2;
	_ =	sdelay $0x1  }
0xa4: {  	v3 =	vadd.s32 v1, v3  }
0xa5: {  	[tilespmem:s13], [sflag:$0x2] =	stream.indirect_vreg.gather [hbm4b:s4+s1], $0x80, v4, vm0, $0xb8;
	[tilespmem:$0x19500] =	vst v63  }
0xa6: {  	s2 =	rddreg [dreg:$0x19]  }
0xa7: {  	[tilespmem:s2], [sflag:$0x2] =	stream.indirect_vreg.gather [hbm4b:s7+s1], $0x80, v4, vm0, $0xb8;
	[tilespmem:$0x19500] =	vst v63  }
0xa8: {  	s6 =	rddreg [dreg:$0x1a]  }
0xa9: {  	[tilespmem:s6], [sflag:$0x2] =	stream.indirect_vreg.gather [hbm4b:s4+s1], $0x80, v3, vm0, $0xb8;
	[tilespmem:$0x19500] =	vst v63  }
0xaa: {  	s2 =	rddreg [dreg:$0x1b]  }
0xab: {  	[tilespmem:s2], [sflag:$0x2] =	stream.indirect_vreg.gather [hbm4b:s7+s1], $0x80, v3, vm0, $0xb8;
	[tilespmem:$0x19500] =	vst v63  }
0xac: {  	v3 =	vld [tilespmem:s30+$0x10];
	_ =	sdelay $0x4  }
0xad: {  	v59 =	vshll.u32 v3, $0x2  }
0xae: {  	v3 =	vand.u32 $0x7, v3;
	v4 =	vand.u32 $0xFFFFFFE0, v59  }
0xaf: {  	v3 =	vor.u32 v3, v4  }
0xb0: {  	v4 =	vperm.xlane v3, v0;
	_ =	sdelay $0x1  }
0xb1: {  	v4 =	vadd.s32 v1, v4;
	_ =	sdelay $0x1  }
0xb2: {  	v3 =	vperm.xlane v3, v2;
	_ =	sdelay $0x1  }
0xb3: {  	s2 =	rddreg [dreg:$0x1c];
	v3 =	vadd.s32 v1, v3  }
0xb4: {  	[tilespmem:s2], [sflag:$0x2] =	stream.indirect_vreg.gather [hbm4b:s4+s1], $0x80, v4, vm0, $0xb8;
	[tilespmem:$0x19500] =	vst v63  }
0xb5: {  	s6 =	rddreg [dreg:$0x1d]  }
0xb6: {  	[tilespmem:s6], [sflag:$0x2] =	stream.indirect_vreg.gather [hbm4b:s7+s1], $0x80, v4, vm0, $0xb8;
	[tilespmem:$0x19500] =	vst v63  }
0xb7: {  	s2 =	rddreg [dreg:$0x1e]  }
0xb8: {  	[tilespmem:s2], [sflag:$0x2] =	stream.indirect_vreg.gather [hbm4b:s4+s1], $0x80, v3, vm0, $0xb8;
	[tilespmem:$0x19500] =	vst v63  }
0xb9: {  	s6 =	rddreg [dreg:$0x1f]  }
0xba: {  	[tilespmem:s6], [sflag:$0x2] =	stream.indirect_vreg.gather [hbm4b:s7+s1], $0x80, v3, vm0, $0xb8;
	[tilespmem:$0x19500] =	vst v63  }
0xbb: {  	v3 =	vld [tilespmem:s30+$0x20];
	_ =	sdelay $0x4  }
0xbc: {  	v60 =	vshll.u32 v3, $0x2  }
0xbd: {  	v3 =	vand.u32 $0x7, v3;
	v4 =	vand.u32 $0xFFFFFFE0, v60  }
0xbe: {  	v3 =	vor.u32 v3, v4  }
0xbf: {  	v4 =	vperm.xlane v3, v0;
	_ =	sdelay $0x1  }
0xc0: {  	v4 =	vadd.s32 v1, v4;
	_ =	sdelay $0x1  }
0xc1: {  	s2 =	sld [smem:$0x7F8];
	v3 =	vperm.xlane v3, v2;
	_ =	sdelay $0x1  }
0xc2: {  	s6 =	sld [smem:$0x7F9];
	v3 =	vadd.s32 v1, v3  }
0xc3: {  	[tilespmem:s2], [sflag:$0x2] =	stream.indirect_vreg.gather [hbm4b:s4+s1], $0x80, v4, vm0, $0xb8;
	[tilespmem:$0x19500] =	vst v63  }
0xc4: {  	s2 =	sld [smem:$0x7FA]  }
0xc5: {  	[tilespmem:s6], [sflag:$0x2] =	stream.indirect_vreg.gather [hbm4b:s7+s1], $0x80, v4, vm0, $0xb8;
	[tilespmem:$0x19500] =	vst v63  }
0xc6: {  	s6 =	sld [smem:$0x7FB]  }
0xc7: {  	[tilespmem:s2], [sflag:$0x2] =	stream.indirect_vreg.gather [hbm4b:s4+s1], $0x80, v3, vm0, $0xb8;
	[tilespmem:$0x19500] =	vst v63  }
0xc8: {  	_ = 	snop  }
0xc9: {  	[tilespmem:s6], [sflag:$0x2] =	stream.indirect_vreg.gather [hbm4b:s7+s1], $0x80, v3, vm0, $0xb8;
	[tilespmem:$0x19500] =	vst v63  }
0xca: {  	v3 =	vld [tilespmem:s30+$0x30];
	_ =	sdelay $0x4  }
0xcb: {  	v61 =	vshll.u32 v3, $0x2  }
0xcc: {  	v3 =	vand.u32 $0x7, v3;
	v4 =	vand.u32 $0xFFFFFFE0, v61  }
0xcd: {  	v3 =	vor.u32 v3, v4  }
0xce: {  	v4 =	vperm.xlane v3, v0;
	_ =	sdelay $0x1  }
0xcf: {  	v4 =	vadd.s32 v1, v4;
	_ =	sdelay $0x1  }
0xd0: {  	s2 =	sld [smem:$0x7FC];
	v3 =	vperm.xlane v3, v2;
	_ =	sdelay $0x1  }
0xd1: {  	s6 =	sld [smem:$0x7FD];
	v3 =	vadd.s32 v1, v3  }
0xd2: {  	[tilespmem:s2], [sflag:$0x2] =	stream.indirect_vreg.gather [hbm4b:s4+s1], $0x80, v4, vm0, $0xb8;
	[tilespmem:$0x19500] =	vst v63  }
0xd3: {  	_ = 	snop  }
0xd4: {  	[tilespmem:s6], [sflag:$0x2] =	stream.indirect_vreg.gather [hbm4b:s7+s1], $0x80, v4, vm0, $0xb8;
	[tilespmem:$0x19500] =	vst v63  }
0xd5: {  	_ = 	snop  }
0xd6: {  	[tilespmem:s14], [sflag:$0x2] =	stream.indirect_vreg.gather [hbm4b:s4+s1], $0x80, v3, vm0, $0xb8;
	[tilespmem:$0x19500] =	vst v63  }
0xd7: {  	_ = 	snop  }
0xd8: {  	[tilespmem:s15], [sflag:$0x2] =	stream.indirect_vreg.gather [hbm4b:s7+s1], $0x80, v3, vm0, $0xb8;
	[tilespmem:$0x19500] =	vst v63  }
0xd9: {  	v3 =	vld [tilespmem:s30+$0x40];
	_ =	sdelay $0x4  }
0xda: {  	v62 =	vshll.u32 v3, $0x2  }
0xdb: {  	v3 =	vand.u32 $0x7, v3;
	v4 =	vand.u32 $0xFFFFFFE0, v62  }
0xdc: {  	v3 =	vor.u32 v3, v4  }
0xdd: {  	v4 =	vperm.xlane v3, v0;
	_ =	sdelay $0x1  }
0xde: {  	v4 =	vadd.s32 v1, v4;
	_ =	sdelay $0x1  }
0xdf: {  	v3 =	vperm.xlane v3, v2;
	_ =	sdelay $0x1  }
0xe0: {  	v3 =	vadd.s32 v1, v3  }
0xe1: {  	[tilespmem:s16], [sflag:$0x2] =	stream.indirect_vreg.gather [hbm4b:s4+s1], $0x80, v4, vm0, $0xb8;
	[tilespmem:$0x19500] =	vst v63  }
0xe2: {  	_ = 	snop  }
0xe3: {  	[tilespmem:s17], [sflag:$0x2] =	stream.indirect_vreg.gather [hbm4b:s7+s1], $0x80, v4, vm0, $0xb8;
	[tilespmem:$0x19500] =	vst v63  }
0xe4: {  	_ = 	snop  }
0xe5: {  	[tilespmem:s18], [sflag:$0x2] =	stream.indirect_vreg.gather [hbm4b:s4+s1], $0x80, v3, vm0, $0xb8;
	[tilespmem:$0x19500] =	vst v63  }
0xe6: {  	_ = 	snop  }
0xe7: {  	[tilespmem:s19], [sflag:$0x2] =	stream.indirect_vreg.gather [hbm4b:s7+s1], $0x80, v3, vm0, $0xb8;
	[tilespmem:$0x19500] =	vst v63  }
0xe8: {  	v3 =	vld [tilespmem:s30+$0x50];
	_ =	sdelay $0x4  }
0xe9: {  	v63 =	vshll.u32 v3, $0x2  }
0xea: {  	v3 =	vand.u32 $0x7, v3;
	v4 =	vand.u32 $0xFFFFFFE0, v63  }
0xeb: {  	v3 =	vor.u32 v3, v4  }
0xec: {  	v4 =	vperm.xlane v3, v0;
	_ =	sdelay $0x1  }
0xed: {  	v4 =	vadd.s32 v1, v4;
	_ =	sdelay $0x1  }
0xee: {  	v3 =	vperm.xlane v3, v2;
	_ =	sdelay $0x1  }
0xef: {  	v3 =	vadd.s32 v1, v3  }
0xf0: {  	[tilespmem:s20], [sflag:$0x2] =	stream.indirect_vreg.gather [hbm4b:s4+s1], $0x80, v4, vm0, $0xb8;
	[tilespmem:$0x19500] =	vst v63  }
0xf1: {  	_ = 	snop  }
0xf2: {  	[tilespmem:s21], [sflag:$0x2] =	stream.indirect_vreg.gather [hbm4b:s7+s1], $0x80, v4, vm0, $0xb8;
	[tilespmem:$0x19500] =	vst v63  }
0xf3: {  	s2 =	smov.u32 s0;
	s0 =	sadd.s32 $0xC0, s0  }
0xf4: {  	[tilespmem:s22], [sflag:$0x2] =	stream.indirect_vreg.gather [hbm4b:s4+s1], $0x80, v3, vm0, $0xb8;
	[tilespmem:$0x19500] =	vst v63  }
0xf5: {  	s2 =	simm.s32 @p0 $0x0;
	p0 =	sne.s32 s0, $0x1500  }
0xf6: {  	[tilespmem:s23], [sflag:$0x2] =	stream.indirect_vreg.gather [hbm4b:s7+s1], $0x80, v3, vm0, $0xb8;
	[tilespmem:$0x19500] =	vst v63  }
.Ltmp0:
0xf7: {  	_ = 	snop;
	(pc) =	sbr.rel @p0 .LBB2_2-.Ltmp0, $4  }
0xf8: {  	s2 =	sadd.s32 s3, s2;
	_ =	swait.ge [sflag:s24], $0xC000  }
0xf9: {  	s31 =	sadd.s32 $0x3000, s31;
	s2 =	sshll.u32 s2, $0x6;
	[sflag:s24] =	ssyncset.done $0x0  }
0xfa: {  	s2 =	sadd.s32 s5, s2;
	s30 =	sadd.s32 $0xC0, s30;
	[sflag:s24] =	ssyncadd.s32 $0xFFFF4000  }
0xfb: {  	[hbm4b:s2+s1] =	stream.linear.scatter [tilespmem:s12], [sflag:$0x3], $0xC000, $0x38;
	[tilespmem:$0x19500] =	vst v63  }
0xfc: {  	_ =	swait.ge [sflag:s25], $0xC000  }
0xfd: {  	[sflag:s25] =	ssyncset.done $0x0  }
0xfe: {  	s29 =	sadd.s32 $0x1, s29;
	[sflag:s25] =	ssyncadd.s32 $0xFFFF4000  }
0xff: {  	[hbm4b:s8+s1] =	stream.linear.scatter [tilespmem:s13], [sflag:$0x4], $0xC000, $0x38;
	[tilespmem:$0x19500] =	vst v63  }
0x100: {  	p0 =	sne.s32 s29, s9;
	_ =	swait.ge [sflag:s26], $0xC000  }
.Ltmp1:
0x101: {  	[sflag:s26] =	ssyncset.done $0x0;
	(pc) =	sbr.rel @p0 .LBB2_1-.Ltmp1, $4  }
0x102: {  	[sflag:s26] =	ssyncadd.s32 $0xFFFF4000  }
0x103: {  	_ =	swait.ge [sflag:s28], $0xC000  }
0x104: {  	[sflag:s28] =	ssyncset.done $0x0  }
0x105: {  	[sflag:s28] =	ssyncadd.s32 $0xFFFF4000  }
0x106: {  	_ =	sfence.sel $0x180000  }
0x107: {  	[bflag:$0x0] =	sbarrier.arrive $0xFFFF  }
0x108: {  	_ =	strace $0x90000047  }
0x109: {  	s0 =	stileid.u32;
	[bflag:$0x2] =	sbarrier.arrive $0xFFFF  }
0x10a: {  	p0 =	sne.s32 s0, $0x0;
	s0 =	rddreg [dreg:$0x1]  }
0x10b: {  	s0 =	sadd.s32 @!p0 $0x100000, s0  }
0x10c: {  	[sflag:s0] =	ssyncadd.tile.s32 @!p0 $0x1;
	_ =	shalt  }
.Lfunc_end2:
_tile_overlayer_lowered:
.L_overlay_start_2:
0x10d: {  	(tag) =	ssettag $0x2  }
0x10e: {  	s0 =	rddreg [dreg:$0x0];
	s2 =	stileid.u32  }
0x10f: {  	s1 =	rddreg [dreg:$0x1];
	p0 =	sne.s32 s2, $0x0  }
0x110: {  	s3 =	rddreg [dreg:$0x2];
	[bflag:$0x3] =	sbarrier.arrive $0xFFFF;
	s2 =	simm.s32 @!p0 $0x1C05  }
0x111: {  	[timem:s3], [sflag:s2] =	dma.local @!p0 [hbm:s0], s1  }
0x112: {  	s0 =	simm.s32 @!p0 $0x5  }
0x113: {  	_ =	swait.ge @!p0 [sflag:s0], s1  }
0x114: {  	s1 =	ssub.s32 @!p0 $0x0, s1;
	[sflag:s0] =	ssyncset.done @!p0 $0x0  }
0x115: {  	[sflag:s0] =	ssyncadd.s32 @!p0 s1  }
0x116: {  	[bflag:$0x3] =	sbarrier.arrive $0xFFFF  }
0x117: {  	_ =	shalt  }

// kernel: kernel.23.cloned.1.call-start
scs
__scs_entry_jumppad:
0x0: {  	(pc) =	sbr.rel $0x88, $3  }
0x1: {  	(tag) =	ssettag $0x0;
	lr =	simm.s32 $0x1  }
0x2: {  	[smem:$0x3F94] =	sst lr;
	_ =	strace $0xD0000000  }
0x3: {  	_ = 	snop  }
0x4: {  	_ = 	snop  }
0x5: {  	_ = 	snop  }
0x6: {  	_ = 	snop  }
0x7: {  	_ = 	snop  }
__scs_overlays_trampoline_lowered:
0x8: {  	[smem:$0x3FA3] =	sst s0  }
0x9: {  	[smem:$0x3FA4] =	sst s1  }
0xa: {  	[smem:$0x3FA5] =	sst s2  }
0xb: {  	[smem:$0x3FA6] =	sst s3  }
0xc: {  	[smem:$0x3FA7] =	sst s4  }
0xd: {  	[smem:$0x3FA8] =	sst s5  }
0xe: {  	[smem:$0x3FA9] =	sst s6  }
0xf: {  	[smem:$0x3FAA] =	sst s7  }
0x10: {  	[smem:$0x3FAB] =	sst s8  }
0x11: {  	[smem:$0x3FAC] =	sst s9;
	s0 =	simm.s32 @!p0 $0x0  }
0x12: {  	s1 =	sld [smem:$0x3F92];
	s0 =	simm.s32 @p0 $0x1  }
0x13: {  	[smem:$0x3FAD] =	sst s0;
	s0 =	simm.s32 @!p1 $0x0  }
0x14: {  	s2 =	sld [smem:$0x3F91];
	s0 =	simm.s32 @p1 $0x1  }
0x15: {  	[smem:$0x3FAE] =	sst s0;
	s0 =	simm.s32 @!p2 $0x0  }
0x16: {  	s3 =	sld [smem:$0x3FDB];
	s0 =	simm.s32 @p2 $0x1  }
0x17: {  	s4 =	simm.s32 $0x1BF5;
	[smem:$0x3FB0] =	sst s0  }
0x18: {  	s0 =	sld [smem:$0x3F93];
	_ =	swait.ge [sflag:s4], $0x0  }
0x19: {  	s7 =	sld [smem:$0x3F94]  }
0x1a: {  	s8 =	sadd.s32 $0xFFFFE003, lr  }
0x1b: {  	s9 =	sadd.s32 $0xFFFFFEF7, lr;
	s5 =	simm.s32 $0xFFFFFFFF;
	p2 =	slt.u32 s8, $0xFFFFF086  }
0x1c: {  	p1 =	slt.u32 s9, $0xF7A;
	s5 =	simm.s32 @!p2 $0x0  }
0x1d: {  	s5 =	simm.s32 @p1 $0x1;
	p0 =	seq.s32 s7, s2  }
0x1e: {  	s7 =	smul.u32 @!p0 $0xF7A, s2;
	p2 =	seq.s32 @!p0 s5, $0x0  }
0x1f: {  	s9 =	smul.u32 $0xF7A, s1;
	s8 =	simm.s32 @!p0 $0x1BF5;
	p2 =	por !p2, p0  }
0x20: {  	[sflag:s8] =	ssyncset.s32 @!p0 $0xFFFFF086;
	s6 =	sadd.s32 @!p0 s3, s7;
	s7 =	simm.s32 @!p0 $0x108  }
0x21: {  	s3 =	sadd.s32 s3, s9;
	s6 =	sadd.s32 @!p0 $0x88, s6;
	s7 =	simm.s32 @p2 $0x1082  }
0x22: {  	[simem:s7], [sflag:s8] =	dma.local @!p0 [hbm:s6], $0xF7A  }
0x23: {  	s9 =	sor.u32 $0xD0000000, s2;
	s6 =	simm.s32 $0x108;
	_ =	swait.ge @!p0 [sflag:s8], $0x0  }
0x24: {  	s3 =	sadd.s32 $0x88, s3;
	s6 =	simm.s32 @!p1 $0x1082;
	[sflag:s4] =	ssyncset.s32 $0xFFFFF086  }
0x25: {  	[simem:s6], [sflag:s4] =	dma.local [hbm:s3], $0xF7A  }
0x26: {  	[smem:$0x3F94] =	sst s1;
	(tag) =	ssettag s2;
	_ =	strace s9  }
0x27: {  	s1 =	sld [smem:$0x3FA4]  }
0x28: {  	s2 =	sld [smem:$0x3FA5]  }
0x29: {  	s4 =	sld [smem:$0x3FA7]  }
0x2a: {  	p0 =	seq.s32 s5, $0x0;
	s5 =	sld [smem:$0x3FA8]  }
0x2b: {  	s6 =	sld [smem:$0x3FA9]  }
0x2c: {  	s7 =	sld [smem:$0x3FAA]  }
0x2d: {  	s3 =	simm.s32 $0x108;
	s8 =	sld [smem:$0x3FAB]  }
0x2e: {  	s3 =	simm.s32 @!p0 $0x1082;
	s9 =	sld [smem:$0x3FAC]  }
0x2f: {  	lr =	sadd.s32 s0, s3;
	s0 =	sld [smem:$0x3FA3]  }
0x30: {  	s3 =	sld [smem:$0x3FA6]  }
0x31: {  	[smem:$0x3FAF] =	sst s10  }
0x32: {  	s10 =	sld [smem:$0x3FAD];
	_ =	sdelay $0x3  }
0x33: {  	p0 =	seq.s32 s10, $0x1;
	s10 =	sld [smem:$0x3FAF];
	_ =	sdelay $0x3  }
0x34: {  	[smem:$0x3FAF] =	sst s10  }
0x35: {  	s10 =	sld [smem:$0x3FAE];
	_ =	sdelay $0x3  }
0x36: {  	p1 =	seq.s32 s10, $0x1;
	s10 =	sld [smem:$0x3FAF];
	_ =	sdelay $0x3  }
0x37: {  	[smem:$0x3FAF] =	sst s10  }
0x38: {  	s10 =	sld [smem:$0x3FB0]  }
0x39: {  	_ = 	snop;
	(pc) =	sbr.ind lr, $3  }
0x3a: {  	_ = 	snop  }
0x3b: {  	_ = 	snop  }
0x3c: {  	p2 =	seq.s32 s10, $0x1;
	s10 =	sld [smem:$0x3FAF]  }
0x3d: {  	_ =	shalt  }
0x3e: {  	_ =	shalt  }
0x3f: {  	_ =	shalt  }
0x40: {  	_ =	shalt  }
0x41: {  	_ =	shalt  }
0x42: {  	_ =	shalt  }
0x43: {  	_ =	shalt  }
0x44: {  	_ =	shalt  }
0x45: {  	_ =	shalt  }
0x46: {  	_ =	shalt  }
0x47: {  	_ =	shalt  }
0x48: {  	_ =	shalt  }
0x49: {  	_ =	shalt  }
0x4a: {  	_ =	shalt  }
0x4b: {  	_ =	shalt  }
0x4c: {  	_ =	shalt  }
0x4d: {  	_ =	shalt  }
0x4e: {  	_ =	shalt  }
0x4f: {  	_ =	shalt  }
0x50: {  	_ =	shalt  }
0x51: {  	_ =	shalt  }
0x52: {  	_ =	shalt  }
0x53: {  	_ =	shalt  }
0x54: {  	_ =	shalt  }
0x55: {  	_ =	shalt  }
0x56: {  	_ =	shalt  }
0x57: {  	_ =	shalt  }
0x58: {  	_ =	shalt  }
0x59: {  	_ =	shalt  }
0x5a: {  	_ =	shalt  }
0x5b: {  	_ =	shalt  }
0x5c: {  	_ =	shalt  }
0x5d: {  	_ =	shalt  }
0x5e: {  	_ =	shalt  }
0x5f: {  	_ =	shalt  }
0x60: {  	_ =	shalt  }
0x61: {  	_ =	shalt  }
0x62: {  	_ =	shalt  }
0x63: {  	_ =	shalt  }
0x64: {  	_ =	shalt  }
0x65: {  	_ =	shalt  }
0x66: {  	_ =	shalt  }
0x67: {  	_ =	shalt  }
0x68: {  	_ =	shalt  }
0x69: {  	_ =	shalt  }
0x6a: {  	_ =	shalt  }
0x6b: {  	_ =	shalt  }
0x6c: {  	_ =	shalt  }
0x6d: {  	_ =	shalt  }
0x6e: {  	_ =	shalt  }
0x6f: {  	_ =	shalt  }
0x70: {  	_ =	shalt  }
0x71: {  	_ =	shalt  }
0x72: {  	_ =	shalt  }
0x73: {  	_ =	shalt  }
0x74: {  	_ =	shalt  }
0x75: {  	_ =	shalt  }
0x76: {  	_ =	shalt  }
0x77: {  	_ =	shalt  }
0x78: {  	_ =	shalt  }
0x79: {  	_ =	shalt  }
0x7a: {  	_ =	shalt  }
0x7b: {  	_ =	shalt  }
0x7c: {  	_ =	shalt  }
0x7d: {  	_ =	shalt  }
0x7e: {  	_ =	shalt  }
0x7f: {  	_ =	shalt  }
0x80: {  	_ =	shalt  }
0x81: {  	_ =	shalt  }
0x82: {  	_ =	shalt  }
0x83: {  	_ =	shalt  }
0x84: {  	_ =	shalt  }
0x85: {  	_ =	shalt  }
0x86: {  	_ =	shalt  }
0x87: {  	_ =	shalt  }
.Lfunc_end0:
.L_simem_size_0:
called_computation.1_lowered:
.L_overlay_start_0:
0x88: {  	s2 =	sld [smem:$0x3FD9]  }
0x89: {  	s3 =	sld [smem:$0x3FFE];
	_ =	sdelay $0x1  }
0x8a: {  	s1 =	srdreg.scid  }
0x8b: {  	s0 =	sand.u32 $0x1, s1  }
0x8c: {  	s14 =	sshll.u32 s0, $0xA;
	s2 =	sadd.s32 s3, s2  }
0x8d: {  	s2 =	sadd.s32 s2, s14  }
0x8e: {  	[smem:$0x3FBB] =	sst s2  }
0x8f: {  	_ = 	snop  }
0x90: {  	s2 =	sld [smem:$0x3FD0];
	_ =	sdelay $0x2  }
0x91: {  	s15 =	simm.s32 $0xB;
	s4 =	simm.s32 $0x10  }
0x92: {  	[smem:s4], [sflag:s15] =	dma.local [hbm:s2], $0x1  }
0x93: {  	_ =	swait.eq [sflag:s15], $0x1  }
0x94: {  	[sflag:s15] =	ssyncset.done $0x0  }
0x95: {  	[sflag:s15] =	ssyncadd.s32 $0xFFFFFFFF  }
0x96: {  	s16 =	sld [smem:$0x11];
	(tm) =	ssettm $0x1  }
0x97: {  	s17 =	sld [smem:$0x3FFB];
	_ =	sdelay $0x3  }
0x98: {  	_ =	strace s17  }
0x99: {  	s3 =	sld [smem:$0x3FFC];
	_ =	sdelay $0x3  }
0x9a: {  	_ =	strace s3  }
0x9b: {  	s3 =	sld [smem:$0x3FFD];
	_ =	sdelay $0x3  }
0x9c: {  	_ =	strace s3  }
0x9d: {  	_ =	strace $0x8FFFFFFF  }
0x9e: {  	s18 =	sld [smem:$0x3FDB];
	_ =	sdelay $0x1  }
0x9f: {  	s19 =	simm.s32 $_scs_section_size  }
0xa0: {  	s5 =	simm.s32 $_size__tile_overlayer_lowered;
	s6 =	simm.s32 $_tile_overlayer_lowered  }
0xa1: {  	s22 =	simm.s32 $0x1BFF;
	s21 =	sshll.u32 s6, $0x1;
	s3 =	sadd.s32 s19, s18  }
0xa2: {  	s7 =	simm.s32 $0x0;
	s20 =	sshll.u32 s5, $0x1;
	s5 =	sadd.s32 s21, s3  }
0xa3: {  	[timem:s7], [sflag:s22] =	dma.local [hbm:s5], s20  }
0xa4: {  	_ =	swait.ge [sflag:s22], s20  }
0xa5: {  	s4 =	ssub.s32 $0x0, s20;
	[sflag:s22] =	ssyncset.done $0x0  }
0xa6: {  	[sflag:s22] =	ssyncadd.s32 s4;
	_ =	sdelay $0x1  }
0xa7: {  	s23 =	simm.s32 $0x1B8B  }
0xa8: {  	_ =	swait.ge [sflag:s23], $0x1  }
0xa9: {  	[sflag:s23] =	ssyncset.done $0x0  }
0xaa: {  	s25 =	simm.s32 $0x1B8E;
	s24 =	sld [smem:$0x3FFE];
	[sflag:s23] =	ssyncadd.s32 $0xFFFFFFFF  }
0xab: {  	s26 =	simm.s32 $execute0_lowered;
	[smem:$0x3FD2] =	sst s25  }
0xac: {  	s5 =	sshll.u32 s26, $0x1;
	_ =	strace $0x80000049;
	[dreg:$0x1] =	wrdreg $0xFFFFFFFF  }
0xad: {  	s28 =	simm.s32 $_size_execute0_lowered;
	s3 =	sadd.s32 s3, s5;
	[dreg:$0x0] =	wrdreg $0x0  }
0xae: {  	s5 =	sshll.u32 s28, $0x1;
	[dreg:$0x2] =	wrdreg s3  }
0xaf: {  	[dreg:$0x3] =	wrdreg s5  }
0xb0: {  	[dreg:$0x4] =	wrdreg $0xC0  }
0xb1: {  	_ =	task [dreg:s7], $0x5FFFF  }
0xb2: {  	[dreg:$0x1] =	wrdreg $0xFFFFFFFF  }
0xb3: {  	[dreg:$0x0] =	wrdreg $0x60  }
0xb4: {  	[dreg:$0x2] =	wrdreg s24  }
0xb5: {  	[dreg:$0x3] =	wrdreg s16  }
0xb6: {  	[dreg:$0x4] =	wrdreg $0x9  }
0xb7: {  	_ =	task.clear_ibuf [dreg:s7], $0x5FFFF;
	_ =	strace $0x90000049  }
0xb8: {  	s29 =	simm.s32 $0x9;
	_ =	strace $0x8000004B  }
0xb9: {  	_ =	swait.ge [sflag:s29], $0x1  }
0xba: {  	[sflag:s29] =	ssyncadd.s32 $0xFFFFFFFF  }
0xbb: {  	_ =	strace $0x9000004B  }
0xbc: {  	_ =	sfence  }
0xbd: {  	s30 =	sld [smem:$0x0];
	_ =	sdelay $0x2  }
0xbe: {  	s31 =	sshll.u32 s1, $0xD;
	s1 =	sshrl.u32 s1, $0x2  }
0xbf: {  	s3 =	sand.u32 $0x4000, s31;
	s1 =	sadd.s32 s1, s30  }
0xc0: {  	s0 =	sor.u32 s3, s0;
	s1 =	sshll.u32 s1, $0x11  }
0xc1: {  	s0 =	sor.u32 s1, s0  }
0xc2: {  	s0 =	sadd.s32 $0x8F2B, s0  }
0xc3: {  	[sflag:s0] =	ssyncadd.remote.s32 $0x1  }
0xc4: {  	_ =	sfence.sel $0xFFFF  }
0xc5: {  	[dreg:$0x0] =	wrdreg $0xFFFFFFFF;
	(pc) =	sbr.abs _section_cstart, $3  }
0xc6: {  	[dreg:$0x1] =	wrdreg $0xFFFFFFFF  }
0xc7: {  	_ =	task.clear_ibuf [dreg:s7], $0x2FFFF;
	_ =	strace $0x9FFFFFFF  }
0xc8: {  	(tm) =	ssettm $0x7FFFFFFF  }
0xc9: {  	_ =	shalt  }
tec
execute0_lowered:
.L_overlay_start_1:
0x0: {  	(tag) =	ssettag $0x1  }
0x1: {  	s4 =	rddreg [dreg:$0x0];
	s1 =	srdreg.scid  }
0x2: {  	s0 =	stileid.u32;
	s5 =	rddreg [dreg:$0x1];
	s2 =	simm.s32 $0x0  }
0x3: {  	s9 =	simm.s32 $0x880;
	s10 =	simm.s32 $0x1080;
	s11 =	simm.s32 $0x1880  }
0x4: {  	s12 =	simm.s32 $0x2080;
	s3 =	sand.u32 $0x1, s1;
	s6 =	sshll.u32 s0, $0x1  }
0x5: {  	s13 =	simm.s32 $0x2880;
	s14 =	simm.s32 $0x1;
	s6 =	sor.u32 s3, s6  }
0x6: {  	s1 =	rddreg [dreg:$0x2];
	s8 =	ssub.s32 $0x2, s3;
	s7 =	smul.u32 $0x600, s6  }
0x7: {  	[smem:$0x7FF] =	sst s2;
	s6 =	smul.u32 $0x6, s6;
	s31 =	sshrl.u32 s8, $0x1  }
0x8: {  	v2 =	vlaneseq.u32;
	_ =	strace $0x8000004A;
	s3 =	sadd.s32 $0x19400, s4;
	s8 =	ssub.s32 s8, s31  }
0x9: {  	vm0 =	vmmov $0xffff;
	v1 =	vshrl.u32 v2, $0x3;
	s7 =	sadd.s32 s7, s4;
	s4 =	sadd.s32 s5, s6;
	s6 =	smax.u32 s8, $0x1  }
0xa: {  	v0 =	vand.u32 $0x7, v2;
	v2 =	vor.u32 $0x8, v2;
	v1 =	vmul.u32 $0x8, v1;
	s8 =	simm.s32 $0x80;
	s5 =	sadd.s32 $0x58400, s7;
	s7 =	simm.s32 $0x2  }
.LBB2_1:
0xb: {  	[tilespmem:s2], [sflag:$0x2] =	stream.linear.gather [hbm4b:s4+s2], $0x30, $0x38;
	[tilespmem:$0x6080] =	vst v63  }
0xc: {  	_ =	swait.ge [sflag:s7], $0x30  }
0xd: {  	[sflag:s7] =	ssyncset.done $0x0  }
0xe: {  	[sflag:s7] =	ssyncadd.s32 $0xFFFFFFD0  }
0xf: {  	v3 =	vld [tilespmem:$0x0];
	_ =	sdelay $0x4  }
0x10: {  	v4 =	vshll.u32 v3, $0x1  }
0x11: {  	v3 =	vand.u32 $0x7, v3;
	v4 =	vand.u32 $0xFFFFFFF0, v4  }
0x12: {  	v3 =	vor.u32 v3, v4  }
0x13: {  	v4 =	vperm.xlane v3, v0;
	_ =	sdelay $0x1  }
0x14: {  	v3 =	vperm.xlane v3, v2;
	v4 =	vadd.s32 v1, v4;
	_ =	sdelay $0x1  }
0x15: {  	v3 =	vadd.s32 v1, v3;
	_ =	sdelay $0x2  }
0x16: {  	[tilespmem:s8], [sflag:$0x1] =	stream.indirect_vreg.gather [hbm4b:s3+s2], $0x80, v4, vm0, $0xb8;
	[tilespmem:$0x6080] =	vst v63  }
0x17: {  	_ = 	snop  }
0x18: {  	[tilespmem:s9], [sflag:$0x1] =	stream.indirect_vreg.gather [hbm4b:s3+s2], $0x80, v3, vm0, $0xb8;
	[tilespmem:$0x6080] =	vst v63  }
0x19: {  	v3 =	vld [tilespmem:$0x10];
	_ =	sdelay $0x4  }
0x1a: {  	v62 =	vshll.u32 v3, $0x1  }
0x1b: {  	v3 =	vand.u32 $0x7, v3;
	v4 =	vand.u32 $0xFFFFFFF0, v62  }
0x1c: {  	v3 =	vor.u32 v3, v4  }
0x1d: {  	v4 =	vperm.xlane v3, v0;
	_ =	sdelay $0x1  }
0x1e: {  	v3 =	vperm.xlane v3, v2;
	v4 =	vadd.s32 v1, v4;
	_ =	sdelay $0x1  }
0x1f: {  	v3 =	vadd.s32 v1, v3;
	_ =	sdelay $0x2  }
0x20: {  	[tilespmem:s10], [sflag:$0x1] =	stream.indirect_vreg.gather [hbm4b:s3+s2], $0x80, v4, vm0, $0xb8;
	[tilespmem:$0x6080] =	vst v63  }
0x21: {  	_ = 	snop  }
0x22: {  	[tilespmem:s11], [sflag:$0x1] =	stream.indirect_vreg.gather [hbm4b:s3+s2], $0x80, v3, vm0, $0xb8;
	[tilespmem:$0x6080] =	vst v63  }
0x23: {  	v3 =	vld [tilespmem:$0x20];
	_ =	sdelay $0x4  }
0x24: {  	v63 =	vshll.u32 v3, $0x1  }
0x25: {  	v3 =	vand.u32 $0x7, v3;
	v4 =	vand.u32 $0xFFFFFFF0, v63  }
0x26: {  	v3 =	vor.u32 v3, v4  }
0x27: {  	v4 =	vperm.xlane v3, v0;
	_ =	sdelay $0x1  }
0x28: {  	v3 =	vperm.xlane v3, v2;
	v4 =	vadd.s32 v1, v4;
	_ =	sdelay $0x1  }
0x29: {  	v3 =	vadd.s32 v1, v3;
	_ =	sdelay $0x2  }
0x2a: {  	[tilespmem:s12], [sflag:$0x1] =	stream.indirect_vreg.gather [hbm4b:s3+s2], $0x80, v4, vm0, $0xb8;
	[tilespmem:$0x6080] =	vst v63  }
0x2b: {  	_ = 	snop  }
0x2c: {  	[tilespmem:s13], [sflag:$0x1] =	stream.indirect_vreg.gather [hbm4b:s3+s2], $0x80, v3, vm0, $0xb8;
	[tilespmem:$0x6080] =	vst v63  }
0x2d: {  	_ =	swait.ge [sflag:s14], $0x3000  }
0x2e: {  	p0 =	sne.s32 s6, $0x1;
	[sflag:s14] =	ssyncset.done $0x0  }
.Ltmp0:
0x2f: {  	[sflag:s14] =	ssyncadd.s32 $0xFFFFD000;
	(pc) =	sbr.rel @p0 .LBB2_1-.Ltmp0, $4  }
0x30: {  	[hbm4b:s5+s2] =	stream.linear.scatter [tilespmem:s8], [sflag:$0x2], $0x3000, $0x38;
	[tilespmem:$0x6080] =	vst v63  }
0x31: {  	_ =	swait.ge [sflag:s7], $0x3000  }
0x32: {  	[sflag:s7] =	ssyncset.done $0x0  }
0x33: {  	s6 =	sadd.s32 $0xFFFFFFFF, s6;
	[sflag:s7] =	ssyncadd.s32 $0xFFFFD000  }
0x34: {  	_ =	sfence.sel $0x180000  }
0x35: {  	[bflag:$0x0] =	sbarrier.arrive $0xFFFF  }
0x36: {  	p0 =	sne.s32 s0, $0x0;
	_ =	strace $0x9000004A  }
0x37: {  	s0 =	sadd.s32 @!p0 $0x100000, s1;
	[bflag:$0x2] =	sbarrier.arrive $0xFFFF  }
0x38: {  	[sflag:s0] =	ssyncadd.tile.s32 @!p0 $0x1;
	_ =	shalt  }
.Lfunc_end2:
_tile_overlayer_lowered:
.L_overlay_start_2:
0x39: {  	(tag) =	ssettag $0x2  }
0x3a: {  	s0 =	rddreg [dreg:$0x0];
	s2 =	stileid.u32  }
0x3b: {  	s1 =	rddreg [dreg:$0x1];
	p0 =	sne.s32 s2, $0x0  }
0x3c: {  	s3 =	rddreg [dreg:$0x2];
	[bflag:$0x3] =	sbarrier.arrive $0xFFFF;
	s2 =	simm.s32 @!p0 $0x1C02  }
0x3d: {  	[timem:s3], [sflag:s2] =	dma.local @!p0 [hbm:s0], s1  }
0x3e: {  	s0 =	simm.s32 @!p0 $0x2  }
0x3f: {  	_ =	swait.ge @!p0 [sflag:s0], s1  }
0x40: {  	s1 =	ssub.s32 @!p0 $0x0, s1;
	[sflag:s0] =	ssyncset.done @!p0 $0x0  }
0x41: {  	[sflag:s0] =	ssyncadd.s32 @!p0 s1  }
0x42: {  	[bflag:$0x3] =	sbarrier.arrive $0xFFFF  }
0x43: {  	_ =	shalt  }

// kernel: kernel.26.cloned.1.call-start
scs
__scs_entry_jumppad:
0x0: {  	(pc) =	sbr.rel $0x88, $3  }
0x1: {  	(tag) =	ssettag $0x0;
	lr =	simm.s32 $0x1  }
0x2: {  	[smem:$0x3F94] =	sst lr;
	_ =	strace $0xD0000000  }
0x3: {  	_ = 	snop  }
0x4: {  	_ = 	snop  }
0x5: {  	_ = 	snop  }
0x6: {  	_ = 	snop  }
0x7: {  	_ = 	snop  }
__scs_overlays_trampoline_lowered:
0x8: {  	[smem:$0x3FA3] =	sst s0  }
0x9: {  	[smem:$0x3FA4] =	sst s1  }
0xa: {  	[smem:$0x3FA5] =	sst s2  }
0xb: {  	[smem:$0x3FA6] =	sst s3  }
0xc: {  	[smem:$0x3FA7] =	sst s4  }
0xd: {  	[smem:$0x3FA8] =	sst s5  }
0xe: {  	[smem:$0x3FA9] =	sst s6  }
0xf: {  	[smem:$0x3FAA] =	sst s7  }
0x10: {  	[smem:$0x3FAB] =	sst s8  }
0x11: {  	[smem:$0x3FAC] =	sst s9;
	s0 =	simm.s32 @!p0 $0x0  }
0x12: {  	s1 =	sld [smem:$0x3F92];
	s0 =	simm.s32 @p0 $0x1  }
0x13: {  	[smem:$0x3FAD] =	sst s0;
	s0 =	simm.s32 @!p1 $0x0  }
0x14: {  	s2 =	sld [smem:$0x3F91];
	s0 =	simm.s32 @p1 $0x1  }
0x15: {  	[smem:$0x3FAE] =	sst s0;
	s0 =	simm.s32 @!p2 $0x0  }
0x16: {  	s3 =	sld [smem:$0x3FDB];
	s0 =	simm.s32 @p2 $0x1  }
0x17: {  	s4 =	simm.s32 $0x1BF5;
	[smem:$0x3FB0] =	sst s0  }
0x18: {  	s0 =	sld [smem:$0x3F93];
	_ =	swait.ge [sflag:s4], $0x0  }
0x19: {  	s7 =	sld [smem:$0x3F94]  }
0x1a: {  	s8 =	sadd.s32 $0xFFFFE003, lr  }
0x1b: {  	s9 =	sadd.s32 $0xFFFFFEF7, lr;
	s5 =	simm.s32 $0xFFFFFFFF;
	p2 =	slt.u32 s8, $0xFFFFF086  }
0x1c: {  	p1 =	slt.u32 s9, $0xF7A;
	s5 =	simm.s32 @!p2 $0x0  }
0x1d: {  	s5 =	simm.s32 @p1 $0x1;
	p0 =	seq.s32 s7, s2  }
0x1e: {  	s7 =	smul.u32 @!p0 $0xF7A, s2;
	p2 =	seq.s32 @!p0 s5, $0x0  }
0x1f: {  	s9 =	smul.u32 $0xF7A, s1;
	s8 =	simm.s32 @!p0 $0x1BF5;
	p2 =	por !p2, p0  }
0x20: {  	[sflag:s8] =	ssyncset.s32 @!p0 $0xFFFFF086;
	s6 =	sadd.s32 @!p0 s3, s7;
	s7 =	simm.s32 @!p0 $0x108  }
0x21: {  	s3 =	sadd.s32 s3, s9;
	s6 =	sadd.s32 @!p0 $0x88, s6;
	s7 =	simm.s32 @p2 $0x1082  }
0x22: {  	[simem:s7], [sflag:s8] =	dma.local @!p0 [hbm:s6], $0xF7A  }
0x23: {  	s9 =	sor.u32 $0xD0000000, s2;
	s6 =	simm.s32 $0x108;
	_ =	swait.ge @!p0 [sflag:s8], $0x0  }
0x24: {  	s3 =	sadd.s32 $0x88, s3;
	s6 =	simm.s32 @!p1 $0x1082;
	[sflag:s4] =	ssyncset.s32 $0xFFFFF086  }
0x25: {  	[simem:s6], [sflag:s4] =	dma.local [hbm:s3], $0xF7A  }
0x26: {  	[smem:$0x3F94] =	sst s1;
	(tag) =	ssettag s2;
	_ =	strace s9  }
0x27: {  	s1 =	sld [smem:$0x3FA4]  }
0x28: {  	s2 =	sld [smem:$0x3FA5]  }
0x29: {  	s4 =	sld [smem:$0x3FA7]  }
0x2a: {  	p0 =	seq.s32 s5, $0x0;
	s5 =	sld [smem:$0x3FA8]  }
0x2b: {  	s6 =	sld [smem:$0x3FA9]  }
0x2c: {  	s7 =	sld [smem:$0x3FAA]  }
0x2d: {  	s3 =	simm.s32 $0x108;
	s8 =	sld [smem:$0x3FAB]  }
0x2e: {  	s3 =	simm.s32 @!p0 $0x1082;
	s9 =	sld [smem:$0x3FAC]  }
0x2f: {  	lr =	sadd.s32 s0, s3;
	s0 =	sld [smem:$0x3FA3]  }
0x30: {  	s3 =	sld [smem:$0x3FA6]  }
0x31: {  	[smem:$0x3FAF] =	sst s10  }
0x32: {  	s10 =	sld [smem:$0x3FAD];
	_ =	sdelay $0x3  }
0x33: {  	p0 =	seq.s32 s10, $0x1;
	s10 =	sld [smem:$0x3FAF];
	_ =	sdelay $0x3  }
0x34: {  	[smem:$0x3FAF] =	sst s10  }
0x35: {  	s10 =	sld [smem:$0x3FAE];
	_ =	sdelay $0x3  }
0x36: {  	p1 =	seq.s32 s10, $0x1;
	s10 =	sld [smem:$0x3FAF];
	_ =	sdelay $0x3  }
0x37: {  	[smem:$0x3FAF] =	sst s10  }
0x38: {  	s10 =	sld [smem:$0x3FB0]  }
0x39: {  	_ = 	snop;
	(pc) =	sbr.ind lr, $3  }
0x3a: {  	_ = 	snop  }
0x3b: {  	_ = 	snop  }
0x3c: {  	p2 =	seq.s32 s10, $0x1;
	s10 =	sld [smem:$0x3FAF]  }
0x3d: {  	_ =	shalt  }
0x3e: {  	_ =	shalt  }
0x3f: {  	_ =	shalt  }
0x40: {  	_ =	shalt  }
0x41: {  	_ =	shalt  }
0x42: {  	_ =	shalt  }
0x43: {  	_ =	shalt  }
0x44: {  	_ =	shalt  }
0x45: {  	_ =	shalt  }
0x46: {  	_ =	shalt  }
0x47: {  	_ =	shalt  }
0x48: {  	_ =	shalt  }
0x49: {  	_ =	shalt  }
0x4a: {  	_ =	shalt  }
0x4b: {  	_ =	shalt  }
0x4c: {  	_ =	shalt  }
0x4d: {  	_ =	shalt  }
0x4e: {  	_ =	shalt  }
0x4f: {  	_ =	shalt  }
0x50: {  	_ =	shalt  }
0x51: {  	_ =	shalt  }
0x52: {  	_ =	shalt  }
0x53: {  	_ =	shalt  }
0x54: {  	_ =	shalt  }
0x55: {  	_ =	shalt  }
0x56: {  	_ =	shalt  }
0x57: {  	_ =	shalt  }
0x58: {  	_ =	shalt  }
0x59: {  	_ =	shalt  }
0x5a: {  	_ =	shalt  }
0x5b: {  	_ =	shalt  }
0x5c: {  	_ =	shalt  }
0x5d: {  	_ =	shalt  }
0x5e: {  	_ =	shalt  }
0x5f: {  	_ =	shalt  }
0x60: {  	_ =	shalt  }
0x61: {  	_ =	shalt  }
0x62: {  	_ =	shalt  }
0x63: {  	_ =	shalt  }
0x64: {  	_ =	shalt  }
0x65: {  	_ =	shalt  }
0x66: {  	_ =	shalt  }
0x67: {  	_ =	shalt  }
0x68: {  	_ =	shalt  }
0x69: {  	_ =	shalt  }
0x6a: {  	_ =	shalt  }
0x6b: {  	_ =	shalt  }
0x6c: {  	_ =	shalt  }
0x6d: {  	_ =	shalt  }
0x6e: {  	_ =	shalt  }
0x6f: {  	_ =	shalt  }
0x70: {  	_ =	shalt  }
0x71: {  	_ =	shalt  }
0x72: {  	_ =	shalt  }
0x73: {  	_ =	shalt  }
0x74: {  	_ =	shalt  }
0x75: {  	_ =	shalt  }
0x76: {  	_ =	shalt  }
0x77: {  	_ =	shalt  }
0x78: {  	_ =	shalt  }
0x79: {  	_ =	shalt  }
0x7a: {  	_ =	shalt  }
0x7b: {  	_ =	shalt  }
0x7c: {  	_ =	shalt  }
0x7d: {  	_ =	shalt  }
0x7e: {  	_ =	shalt  }
0x7f: {  	_ =	shalt  }
0x80: {  	_ =	shalt  }
0x81: {  	_ =	shalt  }
0x82: {  	_ =	shalt  }
0x83: {  	_ =	shalt  }
0x84: {  	_ =	shalt  }
0x85: {  	_ =	shalt  }
0x86: {  	_ =	shalt  }
0x87: {  	_ =	shalt  }
.Lfunc_end0:
.L_simem_size_0:
called_computation.2_lowered:
.L_overlay_start_0:
0x88: {  	s2 =	sld [smem:$0x3FD9]  }
0x89: {  	s3 =	sld [smem:$0x3FFE];
	_ =	sdelay $0x1  }
0x8a: {  	s1 =	srdreg.scid  }
0x8b: {  	s0 =	sand.u32 $0x1, s1  }
0x8c: {  	s16 =	sshll.u32 s0, $0xA;
	s2 =	sadd.s32 s3, s2  }
0x8d: {  	s2 =	sadd.s32 s2, s16  }
0x8e: {  	[smem:$0x3FBB] =	sst s2  }
0x8f: {  	_ = 	snop  }
0x90: {  	(tm) =	ssettm $0x1  }
0x91: {  	s17 =	sld [smem:$0x3FFB];
	_ =	sdelay $0x3  }
0x92: {  	_ =	strace s17  }
0x93: {  	s2 =	sld [smem:$0x3FFC];
	_ =	sdelay $0x3  }
0x94: {  	_ =	strace s2  }
0x95: {  	s2 =	sld [smem:$0x3FFD];
	_ =	sdelay $0x3  }
0x96: {  	_ =	strace s2  }
0x97: {  	_ =	strace $0x8FFFFFFF  }
0x98: {  	s18 =	sld [smem:$0x3FDB];
	_ =	sdelay $0x1  }
0x99: {  	s19 =	simm.s32 $_scs_section_size  }
0x9a: {  	s4 =	simm.s32 $_size__tile_overlayer_lowered;
	s5 =	simm.s32 $_tile_overlayer_lowered  }
0x9b: {  	s22 =	simm.s32 $0x1BFF;
	s21 =	sshll.u32 s5, $0x1;
	s2 =	sadd.s32 s19, s18  }
0x9c: {  	s6 =	simm.s32 $0x0;
	s20 =	sshll.u32 s4, $0x1;
	s4 =	sadd.s32 s21, s2  }
0x9d: {  	[timem:s6], [sflag:s22] =	dma.local [hbm:s4], s20  }
0x9e: {  	_ =	swait.ge [sflag:s22], s20  }
0x9f: {  	s3 =	ssub.s32 $0x0, s20;
	[sflag:s22] =	ssyncset.done $0x0  }
0xa0: {  	[sflag:s22] =	ssyncadd.s32 s3;
	_ =	sdelay $0x1  }
0xa1: {  	s23 =	simm.s32 $0x1B8B  }
0xa2: {  	_ =	swait.ge [sflag:s23], $0x1  }
0xa3: {  	[sflag:s23] =	ssyncset.done $0x0  }
0xa4: {  	s25 =	simm.s32 $0x1B8E;
	s24 =	sld [smem:$0x3FFE];
	[sflag:s23] =	ssyncadd.s32 $0xFFFFFFFF  }
0xa5: {  	s26 =	simm.s32 $execute0_lowered;
	[smem:$0x3FD2] =	sst s25  }
0xa6: {  	s4 =	sshll.u32 s26, $0x1;
	_ =	strace $0x8000004C;
	[dreg:$0x1] =	wrdreg $0xFFFFFFFF  }
0xa7: {  	s28 =	simm.s32 $_size_execute0_lowered;
	s2 =	sadd.s32 s2, s4;
	[dreg:$0x0] =	wrdreg $0x0  }
0xa8: {  	s4 =	sshll.u32 s28, $0x1;
	[dreg:$0x2] =	wrdreg s2  }
0xa9: {  	[dreg:$0x3] =	wrdreg s4  }
0xaa: {  	[dreg:$0x4] =	wrdreg $0xC0  }
0xab: {  	_ =	task [dreg:s6], $0x5FFFF  }
0xac: {  	[dreg:$0x1] =	wrdreg $0xFFFFFFFF  }
0xad: {  	[dreg:$0x0] =	wrdreg $0x60  }
0xae: {  	[dreg:$0x2] =	wrdreg s24  }
0xaf: {  	[dreg:$0x3] =	wrdreg $0x9  }
0xb0: {  	_ =	task.clear_ibuf [dreg:s6], $0x4FFFF;
	_ =	strace $0x9000004C  }
0xb1: {  	s29 =	simm.s32 $0x9;
	_ =	strace $0x8000004E  }
0xb2: {  	_ =	swait.ge [sflag:s29], $0x1  }
0xb3: {  	[sflag:s29] =	ssyncadd.s32 $0xFFFFFFFF  }
0xb4: {  	_ =	strace $0x9000004E  }
0xb5: {  	_ =	sfence  }
0xb6: {  	s30 =	sld [smem:$0x0];
	_ =	sdelay $0x2  }
0xb7: {  	s31 =	sshll.u32 s1, $0xD;
	s1 =	sshrl.u32 s1, $0x2  }
0xb8: {  	s3 =	sand.u32 $0x4000, s31;
	s1 =	sadd.s32 s1, s30  }
0xb9: {  	s0 =	sor.u32 s3, s0;
	s1 =	sshll.u32 s1, $0x11  }
0xba: {  	s0 =	sor.u32 s1, s0  }
0xbb: {  	s0 =	sadd.s32 $0x8F2B, s0  }
0xbc: {  	[sflag:s0] =	ssyncadd.remote.s32 $0x1  }
0xbd: {  	_ =	sfence.sel $0xFFFF  }
0xbe: {  	[dreg:$0x0] =	wrdreg $0xFFFFFFFF;
	(pc) =	sbr.abs _section_cstart, $3  }
0xbf: {  	[dreg:$0x1] =	wrdreg $0xFFFFFFFF  }
0xc0: {  	_ =	task.clear_ibuf [dreg:s6], $0x2FFFF;
	_ =	strace $0x9FFFFFFF  }
0xc1: {  	(tm) =	ssettm $0x7FFFFFFF  }
tec
execute0_lowered:
.L_overlay_start_1:
0x0: {  	(tag) =	ssettag $0x1  }
0x1: {  	s0 =	rddreg [dreg:$0x0];
	s1 =	simm.s32 $0x0  }
0x2: {  	s2 =	simm.s32 $0xE00;
	[smem:$0x7FF] =	sst s1  }
0x3: {  	s10 =	simm.s32 $0x1600;
	_ =	strace $0x8000004D;
	[dreg:$0x2] =	wrdreg s2  }
0x4: {  	s11 =	simm.s32 $0x1E00;
	[dreg:$0x3] =	wrdreg s10  }
0x5: {  	s12 =	simm.s32 $0x2600;
	[dreg:$0x4] =	wrdreg s11  }
0x6: {  	s13 =	simm.s32 $0x2E00;
	[dreg:$0x5] =	wrdreg s12  }
0x7: {  	s14 =	simm.s32 $0x3600;
	[dreg:$0x6] =	wrdreg s13  }
0x8: {  	s15 =	simm.s32 $0x3E00;
	[dreg:$0x7] =	wrdreg s14  }
0x9: {  	s16 =	simm.s32 $0x4600;
	[dreg:$0x8] =	wrdreg s15  }
0xa: {  	s17 =	simm.s32 $0x4E00;
	[dreg:$0x9] =	wrdreg s16  }
0xb: {  	s18 =	simm.s32 $0x5600;
	[dreg:$0xa] =	wrdreg s17  }
0xc: {  	s4 =	simm.s32 $0x5E00;
	[dreg:$0xb] =	wrdreg s18  }
0xd: {  	s19 =	simm.s32 $0x6600;
	[dreg:$0xc] =	wrdreg s4  }
0xe: {  	s20 =	simm.s32 $0x6E00;
	[dreg:$0xd] =	wrdreg s19  }
0xf: {  	s22 =	simm.s32 $0x7600;
	[dreg:$0xe] =	wrdreg s20  }
0x10: {  	s23 =	simm.s32 $0x7E00;
	[dreg:$0xf] =	wrdreg s22  }
0x11: {  	s5 =	simm.s32 $0x8600;
	[dreg:$0x10] =	wrdreg s23  }
0x12: {  	s24 =	simm.s32 $0x8E00;
	[dreg:$0x11] =	wrdreg s5  }
0x13: {  	s25 =	simm.s32 $0x9600;
	[dreg:$0x12] =	wrdreg s24  }
0x14: {  	s8 =	simm.s32 $0x9E00;
	[dreg:$0x13] =	wrdreg s25  }
0x15: {  	s26 =	simm.s32 $0xA600;
	[dreg:$0x14] =	wrdreg s8  }
0x16: {  	s30 =	simm.s32 $0xAE00;
	[dreg:$0x15] =	wrdreg s26  }
0x17: {  	s31 =	simm.s32 $0xB600;
	[dreg:$0x16] =	wrdreg s30  }
0x18: {  	[dreg:$0x17] =	wrdreg s31;
	s12 =	simm.s32 $0xBE00  }
0x19: {  	s13 =	simm.s32 $0xCE00;
	[dreg:$0x18] =	wrdreg s12  }
0x1a: {  	s3 =	srdreg.scid;
	s15 =	simm.s32 $0xD600;
	[dreg:$0x19] =	wrdreg s13  }
0x1b: {  	s28 =	simm.s32 $0x4;
	s16 =	simm.s32 $0xDE00;
	[dreg:$0x1a] =	wrdreg s15  }
0x1c: {  	s29 =	simm.s32 $0x0;
	s18 =	simm.s32 $0xE600;
	[dreg:$0x1b] =	wrdreg s16  }
0x1d: {  	s2 =	stileid.u32;
	s19 =	simm.s32 $0xEE00;
	[dreg:$0x1c] =	wrdreg s18  }
0x1e: {  	s10 =	sand.u32 $0x1, s3;
	s20 =	simm.s32 $0xF600;
	[dreg:$0x1d] =	wrdreg s19  }
0x1f: {  	s4 =	sadd.s32 $0x19400, s0;
	s23 =	simm.s32 $0x10600;
	[dreg:$0x1e] =	wrdreg s20  }
0x20: {  	s5 =	sadd.s32 $0x82400, s0;
	s24 =	simm.s32 $0x10E00;
	[smem:$0x7F8] =	sst s23  }
0x21: {  	s25 =	simm.s32 $0x11600;
	s26 =	simm.s32 $0x11E00;
	[smem:$0x7F9] =	sst s24  }
0x22: {  	s30 =	simm.s32 $0x12600;
	s31 =	simm.s32 $0x12E00;
	[smem:$0x7FA] =	sst s25  }
0x23: {  	s21 =	sshll.u32 s2, $0x1;
	s9 =	ssub.s32 $0x2, s10;
	[smem:$0x7FB] =	sst s26  }
0x24: {  	s22 =	smul.u32 $0x30000, s2;
	[smem:$0x7FC] =	sst s30;
	s12 =	simm.s32 $0x600  }
0x25: {  	s13 =	simm.s32 $0xC600;
	[smem:$0x7FD] =	sst s31;
	s15 =	simm.s32 $0x13E00  }
0x26: {  	s16 =	simm.s32 $0x14600;
	s18 =	simm.s32 $0x15600;
	s19 =	simm.s32 $0x15E00  }
0x27: {  	s20 =	simm.s32 $0x16600;
	s23 =	simm.s32 $0x17E00;
	s24 =	simm.s32 $0x1  }
0x28: {  	s25 =	simm.s32 $0x2;
	s7 =	sor.u32 s10, s21;
	s10 =	smul.u32 $0x18000, s10  }
0x29: {  	s26 =	simm.s32 $0x3;
	s11 =	sshrl.u32 s9, $0x1;
	s3 =	smul.u32 $0x600, s7  }
0x2a: {  	s21 =	simm.s32 $0xFE00;
	s9 =	ssub.s32 s9, s11;
	s14 =	smul.u32 $0xC0000, s7  }
0x2b: {  	s7 =	sadd.s32 $0x19500, s0;
	[dreg:$0x1f] =	wrdreg s21;
	s11 =	sadd.s32 s22, s5  }
0x2c: {  	s21 =	simm.s32 $0x16E00;
	s22 =	simm.s32 $0x17600;
	s9 =	smax.u32 s9, $0x1  }
0x2d: {  	s10 =	sadd.s32 s10, s11;
	s11 =	simm.s32 $0x5;
	s6 =	sshrl.u32 s3, $0x3  }
0x2e: {  	v2 =	vlaneseq.u32;
	s17 =	sshrl.u32 s14, $0x3;
	s10 =	sadd.s32 $0xFFFFE800, s10;
	s6 =	sadd.s32 s6, s0  }
0x2f: {  	vm0 =	vmmov $0xffff;
	v1 =	vshrl.u32 v2, $0x3;
	s14 =	simm.s32 $0x13600;
	s8 =	sadd.s32 s5, s17;
	s6 =	sadd.s32 $0x11400, s6  }
0x30: {  	v0 =	vand.u32 $0x7, v2;
	v2 =	vor.u32 $0x8, v2;
	v1 =	vmul.u32 $0x8, v1;
	s17 =	simm.s32 $0x14E00;
	s8 =	sadd.s32 $0x16800, s8;
	[smem:$0x7F7] =	sst s6  }
.LBB2_1:
0x31: {  	s0 =	sld [smem:$0x7F7];
	_ =	sdelay $0x2  }
0x32: {  	[tilespmem:s1], [sflag:$0x5] =	stream.linear.gather [hbm4b:s0+s1], $0x600, $0x38;
	[tilespmem:$0x18600] =	vst v63  }
0x33: {  	_ =	swait.ge [sflag:s11], $0x600  }
0x34: {  	s30 =	simm.s32 $0x60;
	[sflag:s11] =	ssyncset.done $0x0  }
0x35: {  	s31 =	smov.u32 s10;
	s0 =	simm.s32 $0x0;
	[sflag:s11] =	ssyncadd.s32 $0xFFFFFA00  }
.LBB2_2:
0x36: {  	p0 =	seq.s32 s0, $0x0  }
0x37: {  	s2 =	simm.s32 @!p0 $0x3  }
0x38: {  	_ =	swait.ge @!p0 [sflag:s2], $0xC000  }
0x39: {  	[sflag:s2] =	ssyncset.done @!p0 $0x0  }
0x3a: {  	[sflag:s2] =	ssyncadd.s32 @!p0 $0xFFFF4000  }
0x3b: {  	v3 =	vld [tilespmem:s30+$0xFFFFFFA0];
	_ =	sdelay $0x4  }
0x3c: {  	v4 =	vshll.u32 v3, $0x2  }
0x3d: {  	v3 =	vand.u32 $0x7, v3;
	v4 =	vand.u32 $0xFFFFFFE0, v4  }
0x3e: {  	v3 =	vor.u32 v3, v4  }
0x3f: {  	v4 =	vperm.xlane v3, v0;
	_ =	sdelay $0x1  }
0x40: {  	v4 =	vadd.s32 v1, v4;
	_ =	sdelay $0x1  }
0x41: {  	v3 =	vperm.xlane v3, v2;
	_ =	sdelay $0x1  }
0x42: {  	v3 =	vadd.s32 v1, v3  }
0x43: {  	[tilespmem:s12], [sflag:$0x1] =	stream.indirect_vreg.gather [hbm4b:s4+s1], $0x80, v4, vm0, $0xb8;
	[tilespmem:$0x18600] =	vst v63  }
0x44: {  	s2 =	rddreg [dreg:$0x2]  }
0x45: {  	[tilespmem:s2], [sflag:$0x1] =	stream.indirect_vreg.gather [hbm4b:s7+s1], $0x80, v4, vm0, $0xb8;
	[tilespmem:$0x18600] =	vst v63  }
0x46: {  	s6 =	rddreg [dreg:$0x3]  }
0x47: {  	[tilespmem:s6], [sflag:$0x1] =	stream.indirect_vreg.gather [hbm4b:s4+s1], $0x80, v3, vm0, $0xb8;
	[tilespmem:$0x18600] =	vst v63  }
0x48: {  	s2 =	rddreg [dreg:$0x4]  }
0x49: {  	[tilespmem:s2], [sflag:$0x1] =	stream.indirect_vreg.gather [hbm4b:s7+s1], $0x80, v3, vm0, $0xb8;
	[tilespmem:$0x18600] =	vst v63  }
0x4a: {  	v3 =	vld [tilespmem:s30+$0xFFFFFFB0];
	_ =	sdelay $0x4  }
0x4b: {  	v53 =	vshll.u32 v3, $0x2  }
0x4c: {  	v3 =	vand.u32 $0x7, v3;
	v4 =	vand.u32 $0xFFFFFFE0, v53  }
0x4d: {  	v3 =	vor.u32 v3, v4  }
0x4e: {  	v4 =	vperm.xlane v3, v0;
	_ =	sdelay $0x1  }
0x4f: {  	v4 =	vadd.s32 v1, v4;
	_ =	sdelay $0x1  }
0x50: {  	v3 =	vperm.xlane v3, v2;
	_ =	sdelay $0x1  }
0x51: {  	s2 =	rddreg [dreg:$0x5];
	v3 =	vadd.s32 v1, v3  }
0x52: {  	[tilespmem:s2], [sflag:$0x1] =	stream.indirect_vreg.gather [hbm4b:s4+s1], $0x80, v4, vm0, $0xb8;
	[tilespmem:$0x18600] =	vst v63  }
0x53: {  	s6 =	rddreg [dreg:$0x6]  }
0x54: {  	[tilespmem:s6], [sflag:$0x1] =	stream.indirect_vreg.gather [hbm4b:s7+s1], $0x80, v4, vm0, $0xb8;
	[tilespmem:$0x18600] =	vst v63  }
0x55: {  	s2 =	rddreg [dreg:$0x7]  }
0x56: {  	[tilespmem:s2], [sflag:$0x1] =	stream.indirect_vreg.gather [hbm4b:s4+s1], $0x80, v3, vm0, $0xb8;
	[tilespmem:$0x18600] =	vst v63  }
0x57: {  	s6 =	rddreg [dreg:$0x8]  }
0x58: {  	[tilespmem:s6], [sflag:$0x1] =	stream.indirect_vreg.gather [hbm4b:s7+s1], $0x80, v3, vm0, $0xb8;
	[tilespmem:$0x18600] =	vst v63  }
0x59: {  	v3 =	vld [tilespmem:s30+$0xFFFFFFC0];
	_ =	sdelay $0x4  }
0x5a: {  	v54 =	vshll.u32 v3, $0x2  }
0x5b: {  	v3 =	vand.u32 $0x7, v3;
	v4 =	vand.u32 $0xFFFFFFE0, v54  }
0x5c: {  	v3 =	vor.u32 v3, v4  }
0x5d: {  	v4 =	vperm.xlane v3, v0;
	_ =	sdelay $0x1  }
0x5e: {  	v4 =	vadd.s32 v1, v4;
	_ =	sdelay $0x1  }
0x5f: {  	v3 =	vperm.xlane v3, v2;
	_ =	sdelay $0x1  }
0x60: {  	s2 =	rddreg [dreg:$0x9];
	v3 =	vadd.s32 v1, v3  }
0x61: {  	[tilespmem:s2], [sflag:$0x1] =	stream.indirect_vreg.gather [hbm4b:s4+s1], $0x80, v4, vm0, $0xb8;
	[tilespmem:$0x18600] =	vst v63  }
0x62: {  	s6 =	rddreg [dreg:$0xa]  }
0x63: {  	[tilespmem:s6], [sflag:$0x1] =	stream.indirect_vreg.gather [hbm4b:s7+s1], $0x80, v4, vm0, $0xb8;
	[tilespmem:$0x18600] =	vst v63  }
0x64: {  	s2 =	rddreg [dreg:$0xb]  }
0x65: {  	[tilespmem:s2], [sflag:$0x1] =	stream.indirect_vreg.gather [hbm4b:s4+s1], $0x80, v3, vm0, $0xb8;
	[tilespmem:$0x18600] =	vst v63  }
0x66: {  	s6 =	rddreg [dreg:$0xc]  }
0x67: {  	[tilespmem:s6], [sflag:$0x1] =	stream.indirect_vreg.gather [hbm4b:s7+s1], $0x80, v3, vm0, $0xb8;
	[tilespmem:$0x18600] =	vst v63  }
0x68: {  	v3 =	vld [tilespmem:s30+$0xFFFFFFD0];
	_ =	sdelay $0x4  }
0x69: {  	v55 =	vshll.u32 v3, $0x2  }
0x6a: {  	v3 =	vand.u32 $0x7, v3;
	v4 =	vand.u32 $0xFFFFFFE0, v55  }
0x6b: {  	v3 =	vor.u32 v3, v4  }
0x6c: {  	v4 =	vperm.xlane v3, v0;
	_ =	sdelay $0x1  }
0x6d: {  	v4 =	vadd.s32 v1, v4;
	_ =	sdelay $0x1  }
0x6e: {  	v3 =	vperm.xlane v3, v2;
	_ =	sdelay $0x1  }
0x6f: {  	s2 =	rddreg [dreg:$0xd];
	v3 =	vadd.s32 v1, v3  }
0x70: {  	[tilespmem:s2], [sflag:$0x1] =	stream.indirect_vreg.gather [hbm4b:s4+s1], $0x80, v4, vm0, $0xb8;
	[tilespmem:$0x18600] =	vst v63  }
0x71: {  	s6 =	rddreg [dreg:$0xe]  }
0x72: {  	[tilespmem:s6], [sflag:$0x1] =	stream.indirect_vreg.gather [hbm4b:s7+s1], $0x80, v4, vm0, $0xb8;
	[tilespmem:$0x18600] =	vst v63  }
0x73: {  	s2 =	rddreg [dreg:$0xf]  }
0x74: {  	[tilespmem:s2], [sflag:$0x1] =	stream.indirect_vreg.gather [hbm4b:s4+s1], $0x80, v3, vm0, $0xb8;
	[tilespmem:$0x18600] =	vst v63  }
0x75: {  	s6 =	rddreg [dreg:$0x10]  }
0x76: {  	[tilespmem:s6], [sflag:$0x1] =	stream.indirect_vreg.gather [hbm4b:s7+s1], $0x80, v3, vm0, $0xb8;
	[tilespmem:$0x18600] =	vst v63  }
0x77: {  	v3 =	vld [tilespmem:s30+$0xFFFFFFE0];
	_ =	sdelay $0x4  }
0x78: {  	v56 =	vshll.u32 v3, $0x2  }
0x79: {  	v3 =	vand.u32 $0x7, v3;
	v4 =	vand.u32 $0xFFFFFFE0, v56  }
0x7a: {  	v3 =	vor.u32 v3, v4  }
0x7b: {  	v4 =	vperm.xlane v3, v0;
	_ =	sdelay $0x1  }
0x7c: {  	v4 =	vadd.s32 v1, v4;
	_ =	sdelay $0x1  }
0x7d: {  	v3 =	vperm.xlane v3, v2;
	_ =	sdelay $0x1  }
0x7e: {  	s2 =	rddreg [dreg:$0x11];
	v3 =	vadd.s32 v1, v3  }
0x7f: {  	[tilespmem:s2], [sflag:$0x1] =	stream.indirect_vreg.gather [hbm4b:s4+s1], $0x80, v4, vm0, $0xb8;
	[tilespmem:$0x18600] =	vst v63  }
0x80: {  	s6 =	rddreg [dreg:$0x12]  }
0x81: {  	[tilespmem:s6], [sflag:$0x1] =	stream.indirect_vreg.gather [hbm4b:s7+s1], $0x80, v4, vm0, $0xb8;
	[tilespmem:$0x18600] =	vst v63  }
0x82: {  	s2 =	rddreg [dreg:$0x13]  }
0x83: {  	[tilespmem:s2], [sflag:$0x1] =	stream.indirect_vreg.gather [hbm4b:s4+s1], $0x80, v3, vm0, $0xb8;
	[tilespmem:$0x18600] =	vst v63  }
0x84: {  	s6 =	rddreg [dreg:$0x14]  }
0x85: {  	[tilespmem:s6], [sflag:$0x1] =	stream.indirect_vreg.gather [hbm4b:s7+s1], $0x80, v3, vm0, $0xb8;
	[tilespmem:$0x18600] =	vst v63  }
0x86: {  	v3 =	vld [tilespmem:s30+$0xFFFFFFF0];
	_ =	sdelay $0x4  }
0x87: {  	v57 =	vshll.u32 v3, $0x2  }
0x88: {  	v3 =	vand.u32 $0x7, v3;
	v4 =	vand.u32 $0xFFFFFFE0, v57  }
0x89: {  	v3 =	vor.u32 v3, v4  }
0x8a: {  	v4 =	vperm.xlane v3, v0;
	_ =	sdelay $0x1  }
0x8b: {  	v4 =	vadd.s32 v1, v4;
	_ =	sdelay $0x1  }
0x8c: {  	v3 =	vperm.xlane v3, v2;
	_ =	sdelay $0x1  }
0x8d: {  	s2 =	rddreg [dreg:$0x15];
	v3 =	vadd.s32 v1, v3  }
0x8e: {  	[tilespmem:s2], [sflag:$0x1] =	stream.indirect_vreg.gather [hbm4b:s4+s1], $0x80, v4, vm0, $0xb8;
	[tilespmem:$0x18600] =	vst v63  }
0x8f: {  	s6 =	rddreg [dreg:$0x16]  }
0x90: {  	[tilespmem:s6], [sflag:$0x1] =	stream.indirect_vreg.gather [hbm4b:s7+s1], $0x80, v4, vm0, $0xb8;
	[tilespmem:$0x18600] =	vst v63  }
0x91: {  	s2 =	rddreg [dreg:$0x17]  }
0x92: {  	[tilespmem:s2], [sflag:$0x1] =	stream.indirect_vreg.gather [hbm4b:s4+s1], $0x80, v3, vm0, $0xb8;
	[tilespmem:$0x18600] =	vst v63  }
0x93: {  	s6 =	rddreg [dreg:$0x18];
	s2 =	simm.s32 @!p0 $0x2  }
0x94: {  	[tilespmem:s6], [sflag:$0x1] =	stream.indirect_vreg.gather [hbm4b:s7+s1], $0x80, v3, vm0, $0xb8;
	[tilespmem:$0x18600] =	vst v63  }
0x95: {  	_ =	swait.ge @!p0 [sflag:s2], $0xC000  }
0x96: {  	[sflag:s2] =	ssyncset.done @!p0 $0x0  }
0x97: {  	s6 =	simm.s32 @!p0 $0xC600;
	[sflag:s2] =	ssyncadd.s32 @!p0 $0xFFFF4000;
	s2 =	simm.s32 @!p0 $0x0  }
0x98: {  	[hbm4b:s31+s2] =	stream.linear.scatter @!p0 [tilespmem:s6], [sflag:$0x4], $0xC000, $0x38;
	[tilespmem:$0x18600] =	vst v63  }
0x99: {  	s2 =	simm.s32 @!p0 $0x4  }
0x9a: {  	_ =	swait.ge @!p0 [sflag:s2], $0xC000  }
0x9b: {  	[sflag:s2] =	ssyncset.done @!p0 $0x0  }
0x9c: {  	[sflag:s2] =	ssyncadd.s32 @!p0 $0xFFFF4000  }
0x9d: {  	v3 =	vld [tilespmem:s30+$0x0];
	_ =	sdelay $0x4  }
0x9e: {  	v58 =	vshll.u32 v3, $0x2  }
0x9f: {  	v3 =	vand.u32 $0x7, v3;
	v4 =	vand.u32 $0xFFFFFFE0, v58  }
0xa0: {  	v3 =	vor.u32 v3, v4  }
0xa1: {  	v4 =	vperm.xlane v3, v0;
	_ =	sdelay $0x1  }
0xa2: {  	v4 =	vadd.s32 v1, v4;
	_ =	sdelay $0x1  }
0xa3: {  	v3 =	vperm.xlane v3, v2;
	_ =	sdelay $0x1  }
0xa4: {  	v3 =	vadd.s32 v1, v3  }
0xa5: {  	[tilespmem:s13], [sflag:$0x2] =	stream.indirect_vreg.gather [hbm4b:s4+s1], $0x80, v4, vm0, $0xb8;
	[tilespmem:$0x18600] =	vst v63  }
0xa6: {  	s2 =	rddreg [dreg:$0x19]  }
0xa7: {  	[tilespmem:s2], [sflag:$0x2] =	stream.indirect_vreg.gather [hbm4b:s7+s1], $0x80, v4, vm0, $0xb8;
	[tilespmem:$0x18600] =	vst v63  }
0xa8: {  	s6 =	rddreg [dreg:$0x1a]  }
0xa9: {  	[tilespmem:s6], [sflag:$0x2] =	stream.indirect_vreg.gather [hbm4b:s4+s1], $0x80, v3, vm0, $0xb8;
	[tilespmem:$0x18600] =	vst v63  }
0xaa: {  	s2 =	rddreg [dreg:$0x1b]  }
0xab: {  	[tilespmem:s2], [sflag:$0x2] =	stream.indirect_vreg.gather [hbm4b:s7+s1], $0x80, v3, vm0, $0xb8;
	[tilespmem:$0x18600] =	vst v63  }
0xac: {  	v3 =	vld [tilespmem:s30+$0x10];
	_ =	sdelay $0x4  }
0xad: {  	v59 =	vshll.u32 v3, $0x2  }
0xae: {  	v3 =	vand.u32 $0x7, v3;
	v4 =	vand.u32 $0xFFFFFFE0, v59  }
0xaf: {  	v3 =	vor.u32 v3, v4  }
0xb0: {  	v4 =	vperm.xlane v3, v0;
	_ =	sdelay $0x1  }
0xb1: {  	v4 =	vadd.s32 v1, v4;
	_ =	sdelay $0x1  }
0xb2: {  	v3 =	vperm.xlane v3, v2;
	_ =	sdelay $0x1  }
0xb3: {  	s2 =	rddreg [dreg:$0x1c];
	v3 =	vadd.s32 v1, v3  }
0xb4: {  	[tilespmem:s2], [sflag:$0x2] =	stream.indirect_vreg.gather [hbm4b:s4+s1], $0x80, v4, vm0, $0xb8;
	[tilespmem:$0x18600] =	vst v63  }
0xb5: {  	s6 =	rddreg [dreg:$0x1d]  }
0xb6: {  	[tilespmem:s6], [sflag:$0x2] =	stream.indirect_vreg.gather [hbm4b:s7+s1], $0x80, v4, vm0, $0xb8;
	[tilespmem:$0x18600] =	vst v63  }
0xb7: {  	s2 =	rddreg [dreg:$0x1e]  }
0xb8: {  	[tilespmem:s2], [sflag:$0x2] =	stream.indirect_vreg.gather [hbm4b:s4+s1], $0x80, v3, vm0, $0xb8;
	[tilespmem:$0x18600] =	vst v63  }
0xb9: {  	s6 =	rddreg [dreg:$0x1f]  }
0xba: {  	[tilespmem:s6], [sflag:$0x2] =	stream.indirect_vreg.gather [hbm4b:s7+s1], $0x80, v3, vm0, $0xb8;
	[tilespmem:$0x18600] =	vst v63  }
0xbb: {  	v3 =	vld [tilespmem:s30+$0x20];
	_ =	sdelay $0x4  }
0xbc: {  	v60 =	vshll.u32 v3, $0x2  }
0xbd: {  	v3 =	vand.u32 $0x7, v3;
	v4 =	vand.u32 $0xFFFFFFE0, v60  }
0xbe: {  	v3 =	vor.u32 v3, v4  }
0xbf: {  	v4 =	vperm.xlane v3, v0;
	_ =	sdelay $0x1  }
0xc0: {  	v4 =	vadd.s32 v1, v4;
	_ =	sdelay $0x1  }
0xc1: {  	s2 =	sld [smem:$0x7F8];
	v3 =	vperm.xlane v3, v2;
	_ =	sdelay $0x1  }
0xc2: {  	s6 =	sld [smem:$0x7F9];
	v3 =	vadd.s32 v1, v3  }
0xc3: {  	[tilespmem:s2], [sflag:$0x2] =	stream.indirect_vreg.gather [hbm4b:s4+s1], $0x80, v4, vm0, $0xb8;
	[tilespmem:$0x18600] =	vst v63  }
0xc4: {  	s2 =	sld [smem:$0x7FA]  }
0xc5: {  	[tilespmem:s6], [sflag:$0x2] =	stream.indirect_vreg.gather [hbm4b:s7+s1], $0x80, v4, vm0, $0xb8;
	[tilespmem:$0x18600] =	vst v63  }
0xc6: {  	s6 =	sld [smem:$0x7FB]  }
0xc7: {  	[tilespmem:s2], [sflag:$0x2] =	stream.indirect_vreg.gather [hbm4b:s4+s1], $0x80, v3, vm0, $0xb8;
	[tilespmem:$0x18600] =	vst v63  }
0xc8: {  	_ = 	snop  }
0xc9: {  	[tilespmem:s6], [sflag:$0x2] =	stream.indirect_vreg.gather [hbm4b:s7+s1], $0x80, v3, vm0, $0xb8;
	[tilespmem:$0x18600] =	vst v63  }
0xca: {  	v3 =	vld [tilespmem:s30+$0x30];
	_ =	sdelay $0x4  }
0xcb: {  	v61 =	vshll.u32 v3, $0x2  }
0xcc: {  	v3 =	vand.u32 $0x7, v3;
	v4 =	vand.u32 $0xFFFFFFE0, v61  }
0xcd: {  	v3 =	vor.u32 v3, v4  }
0xce: {  	v4 =	vperm.xlane v3, v0;
	_ =	sdelay $0x1  }
0xcf: {  	v4 =	vadd.s32 v1, v4;
	_ =	sdelay $0x1  }
0xd0: {  	s2 =	sld [smem:$0x7FC];
	v3 =	vperm.xlane v3, v2;
	_ =	sdelay $0x1  }
0xd1: {  	s6 =	sld [smem:$0x7FD];
	v3 =	vadd.s32 v1, v3  }
0xd2: {  	[tilespmem:s2], [sflag:$0x2] =	stream.indirect_vreg.gather [hbm4b:s4+s1], $0x80, v4, vm0, $0xb8;
	[tilespmem:$0x18600] =	vst v63  }
0xd3: {  	_ = 	snop  }
0xd4: {  	[tilespmem:s6], [sflag:$0x2] =	stream.indirect_vreg.gather [hbm4b:s7+s1], $0x80, v4, vm0, $0xb8;
	[tilespmem:$0x18600] =	vst v63  }
0xd5: {  	_ = 	snop  }
0xd6: {  	[tilespmem:s14], [sflag:$0x2] =	stream.indirect_vreg.gather [hbm4b:s4+s1], $0x80, v3, vm0, $0xb8;
	[tilespmem:$0x18600] =	vst v63  }
0xd7: {  	_ = 	snop  }
0xd8: {  	[tilespmem:s15], [sflag:$0x2] =	stream.indirect_vreg.gather [hbm4b:s7+s1], $0x80, v3, vm0, $0xb8;
	[tilespmem:$0x18600] =	vst v63  }
0xd9: {  	v3 =	vld [tilespmem:s30+$0x40];
	_ =	sdelay $0x4  }
0xda: {  	v62 =	vshll.u32 v3, $0x2  }
0xdb: {  	v3 =	vand.u32 $0x7, v3;
	v4 =	vand.u32 $0xFFFFFFE0, v62  }
0xdc: {  	v3 =	vor.u32 v3, v4  }
0xdd: {  	v4 =	vperm.xlane v3, v0;
	_ =	sdelay $0x1  }
0xde: {  	v4 =	vadd.s32 v1, v4;
	_ =	sdelay $0x1  }
0xdf: {  	v3 =	vperm.xlane v3, v2;
	_ =	sdelay $0x1  }
0xe0: {  	v3 =	vadd.s32 v1, v3  }
0xe1: {  	[tilespmem:s16], [sflag:$0x2] =	stream.indirect_vreg.gather [hbm4b:s4+s1], $0x80, v4, vm0, $0xb8;
	[tilespmem:$0x18600] =	vst v63  }
0xe2: {  	_ = 	snop  }
0xe3: {  	[tilespmem:s17], [sflag:$0x2] =	stream.indirect_vreg.gather [hbm4b:s7+s1], $0x80, v4, vm0, $0xb8;
	[tilespmem:$0x18600] =	vst v63  }
0xe4: {  	_ = 	snop  }
0xe5: {  	[tilespmem:s18], [sflag:$0x2] =	stream.indirect_vreg.gather [hbm4b:s4+s1], $0x80, v3, vm0, $0xb8;
	[tilespmem:$0x18600] =	vst v63  }
0xe6: {  	_ = 	snop  }
0xe7: {  	[tilespmem:s19], [sflag:$0x2] =	stream.indirect_vreg.gather [hbm4b:s7+s1], $0x80, v3, vm0, $0xb8;
	[tilespmem:$0x18600] =	vst v63  }
0xe8: {  	v3 =	vld [tilespmem:s30+$0x50];
	_ =	sdelay $0x4  }
0xe9: {  	v63 =	vshll.u32 v3, $0x2  }
0xea: {  	v3 =	vand.u32 $0x7, v3;
	v4 =	vand.u32 $0xFFFFFFE0, v63  }
0xeb: {  	v3 =	vor.u32 v3, v4  }
0xec: {  	v4 =	vperm.xlane v3, v0;
	_ =	sdelay $0x1  }
0xed: {  	v4 =	vadd.s32 v1, v4;
	_ =	sdelay $0x1  }
0xee: {  	v3 =	vperm.xlane v3, v2;
	_ =	sdelay $0x1  }
0xef: {  	v3 =	vadd.s32 v1, v3  }
0xf0: {  	[tilespmem:s20], [sflag:$0x2] =	stream.indirect_vreg.gather [hbm4b:s4+s1], $0x80, v4, vm0, $0xb8;
	[tilespmem:$0x18600] =	vst v63  }
0xf1: {  	_ = 	snop  }
0xf2: {  	[tilespmem:s21], [sflag:$0x2] =	stream.indirect_vreg.gather [hbm4b:s7+s1], $0x80, v4, vm0, $0xb8;
	[tilespmem:$0x18600] =	vst v63  }
0xf3: {  	s2 =	smov.u32 s0;
	s0 =	sadd.s32 $0xC0, s0  }
0xf4: {  	[tilespmem:s22], [sflag:$0x2] =	stream.indirect_vreg.gather [hbm4b:s4+s1], $0x80, v3, vm0, $0xb8;
	[tilespmem:$0x18600] =	vst v63  }
0xf5: {  	s2 =	simm.s32 @p0 $0x0;
	p0 =	sne.s32 s0, $0x600  }
0xf6: {  	[tilespmem:s23], [sflag:$0x2] =	stream.indirect_vreg.gather [hbm4b:s7+s1], $0x80, v3, vm0, $0xb8;
	[tilespmem:$0x18600] =	vst v63  }
.Ltmp0:
0xf7: {  	_ = 	snop;
	(pc) =	sbr.rel @p0 .LBB2_2-.Ltmp0, $4  }
0xf8: {  	s2 =	sadd.s32 s3, s2;
	_ =	swait.ge [sflag:s24], $0xC000  }
0xf9: {  	s31 =	sadd.s32 $0x3000, s31;
	s2 =	sshll.u32 s2, $0x6;
	[sflag:s24] =	ssyncset.done $0x0  }
0xfa: {  	s2 =	sadd.s32 s5, s2;
	s30 =	sadd.s32 $0xC0, s30;
	[sflag:s24] =	ssyncadd.s32 $0xFFFF4000  }
0xfb: {  	[hbm4b:s2+s1] =	stream.linear.scatter [tilespmem:s12], [sflag:$0x3], $0xC000, $0x38;
	[tilespmem:$0x18600] =	vst v63  }
0xfc: {  	_ =	swait.ge [sflag:s25], $0xC000  }
0xfd: {  	[sflag:s25] =	ssyncset.done $0x0  }
0xfe: {  	s29 =	sadd.s32 $0x1, s29;
	[sflag:s25] =	ssyncadd.s32 $0xFFFF4000  }
0xff: {  	[hbm4b:s8+s1] =	stream.linear.scatter [tilespmem:s13], [sflag:$0x4], $0xC000, $0x38;
	[tilespmem:$0x18600] =	vst v63  }
0x100: {  	p0 =	sne.s32 s29, s9;
	_ =	swait.ge [sflag:s26], $0xC000  }
.Ltmp1:
0x101: {  	[sflag:s26] =	ssyncset.done $0x0;
	(pc) =	sbr.rel @p0 .LBB2_1-.Ltmp1, $4  }
0x102: {  	[sflag:s26] =	ssyncadd.s32 $0xFFFF4000  }
0x103: {  	_ =	swait.ge [sflag:s28], $0xC000  }
0x104: {  	[sflag:s28] =	ssyncset.done $0x0  }
0x105: {  	[sflag:s28] =	ssyncadd.s32 $0xFFFF4000  }
0x106: {  	_ =	sfence.sel $0x180000  }
0x107: {  	[bflag:$0x0] =	sbarrier.arrive $0xFFFF  }
0x108: {  	_ =	strace $0x9000004D  }
0x109: {  	s0 =	stileid.u32;
	[bflag:$0x2] =	sbarrier.arrive $0xFFFF  }
0x10a: {  	p0 =	sne.s32 s0, $0x0;
	s0 =	rddreg [dreg:$0x1]  }
0x10b: {  	s0 =	sadd.s32 @!p0 $0x100000, s0  }
0x10c: {  	[sflag:s0] =	ssyncadd.tile.s32 @!p0 $0x1;
	_ =	shalt  }
.Lfunc_end2:
_tile_overlayer_lowered:
.L_overlay_start_2:
0x10d: {  	(tag) =	ssettag $0x2  }
0x10e: {  	s0 =	rddreg [dreg:$0x0];
	s2 =	stileid.u32  }
0x10f: {  	s1 =	rddreg [dreg:$0x1];
	p0 =	sne.s32 s2, $0x0  }
0x110: {  	s3 =	rddreg [dreg:$0x2];
	[bflag:$0x3] =	sbarrier.arrive $0xFFFF;
	s2 =	simm.s32 @!p0 $0x1C05  }
0x111: {  	[timem:s3], [sflag:s2] =	dma.local @!p0 [hbm:s0], s1  }
0x112: {  	s0 =	simm.s32 @!p0 $0x5  }
0x113: {  	_ =	swait.ge @!p0 [sflag:s0], s1  }
0x114: {  	s1 =	ssub.s32 @!p0 $0x0, s1;
	[sflag:s0] =	ssyncset.done @!p0 $0x0  }
0x115: {  	[sflag:s0] =	ssyncadd.s32 @!p0 s1  }
0x116: {  	[bflag:$0x3] =	sbarrier.arrive $0xFFFF  }
0x117: {  	_ =	shalt  }

// kernel: kernel.29.cloned.1.call-start
scs
__scs_entry_jumppad:
0x0: {  	(pc) =	sbr.rel $0x88, $3  }
0x1: {  	(tag) =	ssettag $0x0;
	lr =	simm.s32 $0x1  }
0x2: {  	[smem:$0x3F94] =	sst lr;
	_ =	strace $0xD0000000  }
0x3: {  	_ = 	snop  }
0x4: {  	_ = 	snop  }
0x5: {  	_ = 	snop  }
0x6: {  	_ = 	snop  }
0x7: {  	_ = 	snop  }
__scs_overlays_trampoline_lowered:
0x8: {  	[smem:$0x3FA3] =	sst s0  }
0x9: {  	[smem:$0x3FA4] =	sst s1  }
0xa: {  	[smem:$0x3FA5] =	sst s2  }
0xb: {  	[smem:$0x3FA6] =	sst s3  }
0xc: {  	[smem:$0x3FA7] =	sst s4  }
0xd: {  	[smem:$0x3FA8] =	sst s5  }
0xe: {  	[smem:$0x3FA9] =	sst s6  }
0xf: {  	[smem:$0x3FAA] =	sst s7  }
0x10: {  	[smem:$0x3FAB] =	sst s8  }
0x11: {  	[smem:$0x3FAC] =	sst s9;
	s0 =	simm.s32 @!p0 $0x0  }
0x12: {  	s1 =	sld [smem:$0x3F92];
	s0 =	simm.s32 @p0 $0x1  }
0x13: {  	[smem:$0x3FAD] =	sst s0;
	s0 =	simm.s32 @!p1 $0x0  }
0x14: {  	s2 =	sld [smem:$0x3F91];
	s0 =	simm.s32 @p1 $0x1  }
0x15: {  	[smem:$0x3FAE] =	sst s0;
	s0 =	simm.s32 @!p2 $0x0  }
0x16: {  	s3 =	sld [smem:$0x3FDB];
	s0 =	simm.s32 @p2 $0x1  }
0x17: {  	s4 =	simm.s32 $0x1BF5;
	[smem:$0x3FB0] =	sst s0  }
0x18: {  	s0 =	sld [smem:$0x3F93];
	_ =	swait.ge [sflag:s4], $0x0  }
0x19: {  	s7 =	sld [smem:$0x3F94]  }
0x1a: {  	s8 =	sadd.s32 $0xFFFFE003, lr  }
0x1b: {  	s9 =	sadd.s32 $0xFFFFFEF7, lr;
	s5 =	simm.s32 $0xFFFFFFFF;
	p2 =	slt.u32 s8, $0xFFFFF086  }
0x1c: {  	p1 =	slt.u32 s9, $0xF7A;
	s5 =	simm.s32 @!p2 $0x0  }
0x1d: {  	s5 =	simm.s32 @p1 $0x1;
	p0 =	seq.s32 s7, s2  }
0x1e: {  	s7 =	smul.u32 @!p0 $0xF7A, s2;
	p2 =	seq.s32 @!p0 s5, $0x0  }
0x1f: {  	s9 =	smul.u32 $0xF7A, s1;
	s8 =	simm.s32 @!p0 $0x1BF5;
	p2 =	por !p2, p0  }
0x20: {  	[sflag:s8] =	ssyncset.s32 @!p0 $0xFFFFF086;
	s6 =	sadd.s32 @!p0 s3, s7;
	s7 =	simm.s32 @!p0 $0x108  }
0x21: {  	s3 =	sadd.s32 s3, s9;
	s6 =	sadd.s32 @!p0 $0x88, s6;
	s7 =	simm.s32 @p2 $0x1082  }
0x22: {  	[simem:s7], [sflag:s8] =	dma.local @!p0 [hbm:s6], $0xF7A  }
0x23: {  	s9 =	sor.u32 $0xD0000000, s2;
	s6 =	simm.s32 $0x108;
	_ =	swait.ge @!p0 [sflag:s8], $0x0  }
0x24: {  	s3 =	sadd.s32 $0x88, s3;
	s6 =	simm.s32 @!p1 $0x1082;
	[sflag:s4] =	ssyncset.s32 $0xFFFFF086  }
0x25: {  	[simem:s6], [sflag:s4] =	dma.local [hbm:s3], $0xF7A  }
0x26: {  	[smem:$0x3F94] =	sst s1;
	(tag) =	ssettag s2;
	_ =	strace s9  }
0x27: {  	s1 =	sld [smem:$0x3FA4]  }
0x28: {  	s2 =	sld [smem:$0x3FA5]  }
0x29: {  	s4 =	sld [smem:$0x3FA7]  }
0x2a: {  	p0 =	seq.s32 s5, $0x0;
	s5 =	sld [smem:$0x3FA8]  }
0x2b: {  	s6 =	sld [smem:$0x3FA9]  }
0x2c: {  	s7 =	sld [smem:$0x3FAA]  }
0x2d: {  	s3 =	simm.s32 $0x108;
	s8 =	sld [smem:$0x3FAB]  }
0x2e: {  	s3 =	simm.s32 @!p0 $0x1082;
	s9 =	sld [smem:$0x3FAC]  }
0x2f: {  	lr =	sadd.s32 s0, s3;
	s0 =	sld [smem:$0x3FA3]  }
0x30: {  	s3 =	sld [smem:$0x3FA6]  }
0x31: {  	[smem:$0x3FAF] =	sst s10  }
0x32: {  	s10 =	sld [smem:$0x3FAD];
	_ =	sdelay $0x3  }
0x33: {  	p0 =	seq.s32 s10, $0x1;
	s10 =	sld [smem:$0x3FAF];
	_ =	sdelay $0x3  }
0x34: {  	[smem:$0x3FAF] =	sst s10  }
0x35: {  	s10 =	sld [smem:$0x3FAE];
	_ =	sdelay $0x3  }
0x36: {  	p1 =	seq.s32 s10, $0x1;
	s10 =	sld [smem:$0x3FAF];
	_ =	sdelay $0x3  }
0x37: {  	[smem:$0x3FAF] =	sst s10  }
0x38: {  	s10 =	sld [smem:$0x3FB0]  }
0x39: {  	_ = 	snop;
	(pc) =	sbr.ind lr, $3  }
0x3a: {  	_ = 	snop  }
0x3b: {  	_ = 	snop  }
0x3c: {  	p2 =	seq.s32 s10, $0x1;
	s10 =	sld [smem:$0x3FAF]  }
0x3d: {  	_ =	shalt  }
0x3e: {  	_ =	shalt  }
0x3f: {  	_ =	shalt  }
0x40: {  	_ =	shalt  }
0x41: {  	_ =	shalt  }
0x42: {  	_ =	shalt  }
0x43: {  	_ =	shalt  }
0x44: {  	_ =	shalt  }
0x45: {  	_ =	shalt  }
0x46: {  	_ =	shalt  }
0x47: {  	_ =	shalt  }
0x48: {  	_ =	shalt  }
0x49: {  	_ =	shalt  }
0x4a: {  	_ =	shalt  }
0x4b: {  	_ =	shalt  }
0x4c: {  	_ =	shalt  }
0x4d: {  	_ =	shalt  }
0x4e: {  	_ =	shalt  }
0x4f: {  	_ =	shalt  }
0x50: {  	_ =	shalt  }
0x51: {  	_ =	shalt  }
0x52: {  	_ =	shalt  }
0x53: {  	_ =	shalt  }
0x54: {  	_ =	shalt  }
0x55: {  	_ =	shalt  }
0x56: {  	_ =	shalt  }
0x57: {  	_ =	shalt  }
0x58: {  	_ =	shalt  }
0x59: {  	_ =	shalt  }
0x5a: {  	_ =	shalt  }
0x5b: {  	_ =	shalt  }
0x5c: {  	_ =	shalt  }
0x5d: {  	_ =	shalt  }
0x5e: {  	_ =	shalt  }
0x5f: {  	_ =	shalt  }
0x60: {  	_ =	shalt  }
0x61: {  	_ =	shalt  }
0x62: {  	_ =	shalt  }
0x63: {  	_ =	shalt  }
0x64: {  	_ =	shalt  }
0x65: {  	_ =	shalt  }
0x66: {  	_ =	shalt  }
0x67: {  	_ =	shalt  }
0x68: {  	_ =	shalt  }
0x69: {  	_ =	shalt  }
0x6a: {  	_ =	shalt  }
0x6b: {  	_ =	shalt  }
0x6c: {  	_ =	shalt  }
0x6d: {  	_ =	shalt  }
0x6e: {  	_ =	shalt  }
0x6f: {  	_ =	shalt  }
0x70: {  	_ =	shalt  }
0x71: {  	_ =	shalt  }
0x72: {  	_ =	shalt  }
0x73: {  	_ =	shalt  }
0x74: {  	_ =	shalt  }
0x75: {  	_ =	shalt  }
0x76: {  	_ =	shalt  }
0x77: {  	_ =	shalt  }
0x78: {  	_ =	shalt  }
0x79: {  	_ =	shalt  }
0x7a: {  	_ =	shalt  }
0x7b: {  	_ =	shalt  }
0x7c: {  	_ =	shalt  }
0x7d: {  	_ =	shalt  }
0x7e: {  	_ =	shalt  }
0x7f: {  	_ =	shalt  }
0x80: {  	_ =	shalt  }
0x81: {  	_ =	shalt  }
0x82: {  	_ =	shalt  }
0x83: {  	_ =	shalt  }
0x84: {  	_ =	shalt  }
0x85: {  	_ =	shalt  }
0x86: {  	_ =	shalt  }
0x87: {  	_ =	shalt  }
.Lfunc_end0:
.L_simem_size_0:
called_computation.3_lowered:
.L_overlay_start_0:
0x88: {  	s2 =	sld [smem:$0x3FD9]  }
0x89: {  	s3 =	sld [smem:$0x3FFE];
	_ =	sdelay $0x1  }
0x8a: {  	s1 =	srdreg.scid  }
0x8b: {  	s0 =	sand.u32 $0x1, s1  }
0x8c: {  	s16 =	sshll.u32 s0, $0xA;
	s2 =	sadd.s32 s3, s2  }
0x8d: {  	s2 =	sadd.s32 s2, s16  }
0x8e: {  	[smem:$0x3FBB] =	sst s2  }
0x8f: {  	_ = 	snop  }
0x90: {  	(tm) =	ssettm $0x1  }
0x91: {  	s17 =	sld [smem:$0x3FFB];
	_ =	sdelay $0x3  }
0x92: {  	_ =	strace s17  }
0x93: {  	s2 =	sld [smem:$0x3FFC];
	_ =	sdelay $0x3  }
0x94: {  	_ =	strace s2  }
0x95: {  	s2 =	sld [smem:$0x3FFD];
	_ =	sdelay $0x3  }
0x96: {  	_ =	strace s2  }
0x97: {  	_ =	strace $0x8FFFFFFF  }
0x98: {  	s18 =	sld [smem:$0x3FDB];
	_ =	sdelay $0x1  }
0x99: {  	s19 =	simm.s32 $_scs_section_size  }
0x9a: {  	s4 =	simm.s32 $_size__tile_overlayer_lowered;
	s5 =	simm.s32 $_tile_overlayer_lowered  }
0x9b: {  	s22 =	simm.s32 $0x1BFF;
	s21 =	sshll.u32 s5, $0x1;
	s2 =	sadd.s32 s19, s18  }
0x9c: {  	s6 =	simm.s32 $0x0;
	s20 =	sshll.u32 s4, $0x1;
	s4 =	sadd.s32 s21, s2  }
0x9d: {  	[timem:s6], [sflag:s22] =	dma.local [hbm:s4], s20  }
0x9e: {  	_ =	swait.ge [sflag:s22], s20  }
0x9f: {  	s3 =	ssub.s32 $0x0, s20;
	[sflag:s22] =	ssyncset.done $0x0  }
0xa0: {  	[sflag:s22] =	ssyncadd.s32 s3;
	_ =	sdelay $0x1  }
0xa1: {  	s23 =	simm.s32 $0x1B8B  }
0xa2: {  	_ =	swait.ge [sflag:s23], $0x1  }
0xa3: {  	[sflag:s23] =	ssyncset.done $0x0  }
0xa4: {  	s25 =	simm.s32 $0x1B8E;
	s24 =	sld [smem:$0x3FFE];
	[sflag:s23] =	ssyncadd.s32 $0xFFFFFFFF  }
0xa5: {  	s26 =	simm.s32 $execute0_lowered;
	[smem:$0x3FD2] =	sst s25  }
0xa6: {  	s4 =	sshll.u32 s26, $0x1;
	_ =	strace $0x8000004F;
	[dreg:$0x1] =	wrdreg $0xFFFFFFFF  }
0xa7: {  	s28 =	simm.s32 $_size_execute0_lowered;
	s2 =	sadd.s32 s2, s4;
	[dreg:$0x0] =	wrdreg $0x0  }
0xa8: {  	s4 =	sshll.u32 s28, $0x1;
	[dreg:$0x2] =	wrdreg s2  }
0xa9: {  	[dreg:$0x3] =	wrdreg s4  }
0xaa: {  	[dreg:$0x4] =	wrdreg $0xC0  }
0xab: {  	_ =	task [dreg:s6], $0x5FFFF  }
0xac: {  	[dreg:$0x1] =	wrdreg $0xFFFFFFFF  }
0xad: {  	[dreg:$0x0] =	wrdreg $0x60  }
0xae: {  	[dreg:$0x2] =	wrdreg s24  }
0xaf: {  	[dreg:$0x3] =	wrdreg $0x9  }
0xb0: {  	_ =	task.clear_ibuf [dreg:s6], $0x4FFFF;
	_ =	strace $0x9000004F  }
0xb1: {  	s29 =	simm.s32 $0x9;
	_ =	strace $0x80000051  }
0xb2: {  	_ =	swait.ge [sflag:s29], $0x1  }
0xb3: {  	[sflag:s29] =	ssyncadd.s32 $0xFFFFFFFF  }
0xb4: {  	_ =	strace $0x90000051  }
0xb5: {  	_ =	sfence  }
0xb6: {  	s30 =	sld [smem:$0x0];
	_ =	sdelay $0x2  }
0xb7: {  	s31 =	sshll.u32 s1, $0xD;
	s1 =	sshrl.u32 s1, $0x2  }
0xb8: {  	s3 =	sand.u32 $0x4000, s31;
	s1 =	sadd.s32 s1, s30  }
0xb9: {  	s0 =	sor.u32 s3, s0;
	s1 =	sshll.u32 s1, $0x11  }
0xba: {  	s0 =	sor.u32 s1, s0  }
0xbb: {  	s0 =	sadd.s32 $0x8F2B, s0  }
0xbc: {  	[sflag:s0] =	ssyncadd.remote.s32 $0x1  }
0xbd: {  	_ =	sfence.sel $0xFFFF  }
0xbe: {  	[dreg:$0x0] =	wrdreg $0xFFFFFFFF;
	(pc) =	sbr.abs _section_cstart, $3  }
0xbf: {  	[dreg:$0x1] =	wrdreg $0xFFFFFFFF  }
0xc0: {  	_ =	task.clear_ibuf [dreg:s6], $0x2FFFF;
	_ =	strace $0x9FFFFFFF  }
0xc1: {  	(tm) =	ssettm $0x7FFFFFFF  }
tec
execute0_lowered:
.L_overlay_start_1:
0x0: {  	(tag) =	ssettag $0x1  }
0x1: {  	s1 =	srdreg.scid  }
0x2: {  	s0 =	stileid.u32;
	s7 =	sand.u32 $0x1, s1  }
0x3: {  	s30 =	sshll.u32 s0, $0x5;
	s2 =	sshll.u32 s7, $0x4  }
0x4: {  	s9 =	rddreg [dreg:$0x0];
	s10 =	sor.u32 s2, s30  }
0x5: {  	s1 =	rddreg [dreg:$0x1];
	s2 =	simm.s32 $0x0;
	s3 =	sshrl.u32 s10, $0x3  }
0x6: {  	[smem:$0x7FF] =	sst s2;
	s3 =	sadd.s32 s3, s9  }
0x7: {  	_ =	strace $0x80000050;
	s4 =	sadd.s32 $0xB000, s3;
	s3 =	simm.s32 $0x2  }
0x8: {  	[tilespmem:s2], [sflag:$0x2] =	stream.linear.gather [hbm4b:s4+s2], $0x10, $0x38;
	[tilespmem:$0x2080] =	vst v63  }
0x9: {  	_ =	swait.ge [sflag:s3], $0x10  }
0xa: {  	[sflag:s3] =	ssyncset.done $0x0  }
0xb: {  	[sflag:s3] =	ssyncadd.s32 $0xFFFFFFF0  }
0xc: {  	v0 =	vld [tilespmem:$0x0];
	_ =	sdelay $0x4  }
0xd: {  	v1 =	vshll.u32 v0, $0x1  }
0xe: {  	v2 =	vlaneseq.u32;
	v3 =	vand.u32 $0x7, v0;
	v1 =	vand.u32 $0xFFFFFFF0, v1  }
0xf: {  	v4 =	vshrl.u32 v2, $0x3;
	v0 =	vand.u32 $0x7, v2;
	v3 =	vor.u32 v3, v1  }
0x10: {  	v1 =	vmul.u32 $0x8, v4;
	v63 =	vperm.xlane v3, v0  }
0x11: {  	v2 =	vor.u32 $0x8, v2  }
0x12: {  	v3 =	vperm.xlane v3, v2;
	v4 =	vadd.s32 v1, v63;
	_ =	sdelay $0x1  }
0x13: {  	s11 =	ssub.s32 $0x2, s7;
	v3 =	vadd.s32 v1, v3  }
0x14: {  	s6 =	simm.s32 $0x80;
	s8 =	simm.s32 $0x1;
	s12 =	sshrl.u32 s11, $0x1  }
0x15: {  	vm0 =	vmmov $0xffff;
	s5 =	sadd.s32 $0x58400, s9;
	s10 =	sshll.u32 s10, $0x5;
	s31 =	ssub.s32 s11, s12  }
0x16: {  	[tilespmem:s6], [sflag:$0x1] =	stream.indirect_vreg.gather [hbm4b:s5+s2], $0x80, v4, vm0, $0xb8;
	[tilespmem:$0x2080] =	vst v63  }
0x17: {  	s7 =	simm.s32 $0x880;
	s9 =	sadd.s32 s10, s9;
	s10 =	smax.u32 s31, $0x1  }
0x18: {  	[tilespmem:s7], [sflag:$0x1] =	stream.indirect_vreg.gather [hbm4b:s5+s2], $0x80, v3, vm0, $0xb8;
	[tilespmem:$0x2080] =	vst v63  }
0x19: {  	p0 =	sne.s32 s10, $0x1;
	_ =	swait.ge [sflag:s8], $0x1000  }
.Ltmp0:
0x1a: {  	[sflag:s8] =	ssyncset.done $0x0;
	(pc) =	sbr.rel @!p0 .LBB2_2-.Ltmp0, $4  }
0x1b: {  	s9 =	sadd.s32 $0x64400, s9;
	[sflag:s8] =	ssyncadd.s32 $0xFFFFF000  }
0x1c: {  	[hbm4b:s9+s2] =	stream.linear.scatter [tilespmem:s6], [sflag:$0x2], $0x1000, $0x38;
	[tilespmem:$0x2080] =	vst v63  }
0x1d: {  	_ =	swait.ge [sflag:s3], $0x1000  }
0x1e: {  	s10 =	sadd.s32 $0xFFFFFFFF, s10;
	[sflag:s3] =	ssyncset.done $0x0  }
.LBB2_1:
0x1f: {  	p0 =	sne.s32 s10, $0x1;
	s10 =	sadd.s32 $0xFFFFFFFF, s10;
	[sflag:s3] =	ssyncadd.s32 $0xFFFFF000  }
0x20: {  	[tilespmem:s2], [sflag:$0x2] =	stream.linear.gather [hbm4b:s4+s2], $0x10, $0x38;
	[tilespmem:$0x2080] =	vst v63  }
0x21: {  	_ =	swait.ge [sflag:s3], $0x10  }
0x22: {  	[sflag:s3] =	ssyncset.done $0x0  }
0x23: {  	[sflag:s3] =	ssyncadd.s32 $0xFFFFFFF0  }
0x24: {  	v3 =	vld [tilespmem:$0x0];
	_ =	sdelay $0x4  }
0x25: {  	v4 =	vshll.u32 v3, $0x1  }
0x26: {  	v3 =	vand.u32 $0x7, v3;
	v4 =	vand.u32 $0xFFFFFFF0, v4  }
0x27: {  	v3 =	vor.u32 v3, v4  }
0x28: {  	v4 =	vperm.xlane v3, v0;
	v3 =	vperm.xlane v3, v2;
	_ =	sdelay $0x1  }
0x29: {  	v4 =	vadd.s32 v1, v4;
	_ =	sdelay $0x1  }
0x2a: {  	v3 =	vadd.s32 v1, v3;
	_ =	sdelay $0x2  }
0x2b: {  	[tilespmem:s6], [sflag:$0x1] =	stream.indirect_vreg.gather [hbm4b:s5+s2], $0x80, v4, vm0, $0xb8;
	[tilespmem:$0x2080] =	vst v63  }
0x2c: {  	_ = 	snop  }
0x2d: {  	[tilespmem:s7], [sflag:$0x1] =	stream.indirect_vreg.gather [hbm4b:s5+s2], $0x80, v3, vm0, $0xb8;
	[tilespmem:$0x2080] =	vst v63  }
0x2e: {  	_ =	swait.ge [sflag:s8], $0x1000  }
.Ltmp1:
0x2f: {  	[sflag:s8] =	ssyncset.done $0x0;
	(pc) =	sbr.rel @p0 .LBB2_1-.Ltmp1, $4  }
0x30: {  	[sflag:s8] =	ssyncadd.s32 $0xFFFFF000  }
0x31: {  	[hbm4b:s9+s2] =	stream.linear.scatter [tilespmem:s6], [sflag:$0x2], $0x1000, $0x38;
	[tilespmem:$0x2080] =	vst v63  }
0x32: {  	_ =	swait.ge [sflag:s3], $0x1000  }
0x33: {  	[sflag:s3] =	ssyncset.done $0x0  }
.LBB2_2:
0x34: {  	[sflag:s3] =	ssyncadd.s32 $0xFFFFF000  }
0x35: {  	_ =	sfence.sel $0x180000  }
0x36: {  	[bflag:$0x0] =	sbarrier.arrive $0xFFFF  }
0x37: {  	p0 =	sne.s32 s0, $0x0;
	_ =	strace $0x90000050  }
0x38: {  	s0 =	sadd.s32 @!p0 $0x100000, s1;
	[bflag:$0x2] =	sbarrier.arrive $0xFFFF  }
0x39: {  	[sflag:s0] =	ssyncadd.tile.s32 @!p0 $0x1;
	_ =	shalt  }
.Lfunc_end2:
_tile_overlayer_lowered:
.L_overlay_start_2:
0x3a: {  	(tag) =	ssettag $0x2  }
0x3b: {  	s0 =	rddreg [dreg:$0x0];
	s2 =	stileid.u32  }
0x3c: {  	s1 =	rddreg [dreg:$0x1];
	p0 =	sne.s32 s2, $0x0  }
0x3d: {  	s3 =	rddreg [dreg:$0x2];
	[bflag:$0x3] =	sbarrier.arrive $0xFFFF;
	s2 =	simm.s32 @!p0 $0x1C02  }
0x3e: {  	[timem:s3], [sflag:s2] =	dma.local @!p0 [hbm:s0], s1  }
0x3f: {  	s0 =	simm.s32 @!p0 $0x2  }
0x40: {  	_ =	swait.ge @!p0 [sflag:s0], s1  }
0x41: {  	s1 =	ssub.s32 @!p0 $0x0, s1;
	[sflag:s0] =	ssyncset.done @!p0 $0x0  }
0x42: {  	[sflag:s0] =	ssyncadd.s32 @!p0 s1  }
0x43: {  	[bflag:$0x3] =	sbarrier.arrive $0xFFFF  }
0x44: {  	_ =	shalt  }

// kernel: kernel.32.cloned.1.call-start
scs
__scs_entry_jumppad:
0x0: {  	(pc) =	sbr.rel $0x88, $3  }
0x1: {  	(tag) =	ssettag $0x0;
	lr =	simm.s32 $0x1  }
0x2: {  	[smem:$0x3F94] =	sst lr;
	_ =	strace $0xD0000000  }
0x3: {  	_ = 	snop  }
0x4: {  	_ = 	snop  }
0x5: {  	_ = 	snop  }
0x6: {  	_ = 	snop  }
0x7: {  	_ = 	snop  }
__scs_overlays_trampoline_lowered:
0x8: {  	[smem:$0x3FA3] =	sst s0  }
0x9: {  	[smem:$0x3FA4] =	sst s1  }
0xa: {  	[smem:$0x3FA5] =	sst s2  }
0xb: {  	[smem:$0x3FA6] =	sst s3  }
0xc: {  	[smem:$0x3FA7] =	sst s4  }
0xd: {  	[smem:$0x3FA8] =	sst s5  }
0xe: {  	[smem:$0x3FA9] =	sst s6  }
0xf: {  	[smem:$0x3FAA] =	sst s7  }
0x10: {  	[smem:$0x3FAB] =	sst s8  }
0x11: {  	[smem:$0x3FAC] =	sst s9;
	s0 =	simm.s32 @!p0 $0x0  }
0x12: {  	s1 =	sld [smem:$0x3F92];
	s0 =	simm.s32 @p0 $0x1  }
0x13: {  	[smem:$0x3FAD] =	sst s0;
	s0 =	simm.s32 @!p1 $0x0  }
0x14: {  	s2 =	sld [smem:$0x3F91];
	s0 =	simm.s32 @p1 $0x1  }
0x15: {  	[smem:$0x3FAE] =	sst s0;
	s0 =	simm.s32 @!p2 $0x0  }
0x16: {  	s3 =	sld [smem:$0x3FDB];
	s0 =	simm.s32 @p2 $0x1  }
0x17: {  	s4 =	simm.s32 $0x1BF5;
	[smem:$0x3FB0] =	sst s0  }
0x18: {  	s0 =	sld [smem:$0x3F93];
	_ =	swait.ge [sflag:s4], $0x0  }
0x19: {  	s7 =	sld [smem:$0x3F94]  }
0x1a: {  	s8 =	sadd.s32 $0xFFFFE003, lr  }
0x1b: {  	s9 =	sadd.s32 $0xFFFFFEF7, lr;
	s5 =	simm.s32 $0xFFFFFFFF;
	p2 =	slt.u32 s8, $0xFFFFF086  }
0x1c: {  	p1 =	slt.u32 s9, $0xF7A;
	s5 =	simm.s32 @!p2 $0x0  }
0x1d: {  	s5 =	simm.s32 @p1 $0x1;
	p0 =	seq.s32 s7, s2  }
0x1e: {  	s7 =	smul.u32 @!p0 $0xF7A, s2;
	p2 =	seq.s32 @!p0 s5, $0x0  }
0x1f: {  	s9 =	smul.u32 $0xF7A, s1;
	s8 =	simm.s32 @!p0 $0x1BF5;
	p2 =	por !p2, p0  }
0x20: {  	[sflag:s8] =	ssyncset.s32 @!p0 $0xFFFFF086;
	s6 =	sadd.s32 @!p0 s3, s7;
	s7 =	simm.s32 @!p0 $0x108  }
0x21: {  	s3 =	sadd.s32 s3, s9;
	s6 =	sadd.s32 @!p0 $0x88, s6;
	s7 =	simm.s32 @p2 $0x1082  }
0x22: {  	[simem:s7], [sflag:s8] =	dma.local @!p0 [hbm:s6], $0xF7A  }
0x23: {  	s9 =	sor.u32 $0xD0000000, s2;
	s6 =	simm.s32 $0x108;
	_ =	swait.ge @!p0 [sflag:s8], $0x0  }
0x24: {  	s3 =	sadd.s32 $0x88, s3;
	s6 =	simm.s32 @!p1 $0x1082;
	[sflag:s4] =	ssyncset.s32 $0xFFFFF086  }
0x25: {  	[simem:s6], [sflag:s4] =	dma.local [hbm:s3], $0xF7A  }
0x26: {  	[smem:$0x3F94] =	sst s1;
	(tag) =	ssettag s2;
	_ =	strace s9  }
0x27: {  	s1 =	sld [smem:$0x3FA4]  }
0x28: {  	s2 =	sld [smem:$0x3FA5]  }
0x29: {  	s4 =	sld [smem:$0x3FA7]  }
0x2a: {  	p0 =	seq.s32 s5, $0x0;
	s5 =	sld [smem:$0x3FA8]  }
0x2b: {  	s6 =	sld [smem:$0x3FA9]  }
0x2c: {  	s7 =	sld [smem:$0x3FAA]  }
0x2d: {  	s3 =	simm.s32 $0x108;
	s8 =	sld [smem:$0x3FAB]  }
0x2e: {  	s3 =	simm.s32 @!p0 $0x1082;
	s9 =	sld [smem:$0x3FAC]  }
0x2f: {  	lr =	sadd.s32 s0, s3;
	s0 =	sld [smem:$0x3FA3]  }
0x30: {  	s3 =	sld [smem:$0x3FA6]  }
0x31: {  	[smem:$0x3FAF] =	sst s10  }
0x32: {  	s10 =	sld [smem:$0x3FAD];
	_ =	sdelay $0x3  }
0x33: {  	p0 =	seq.s32 s10, $0x1;
	s10 =	sld [smem:$0x3FAF];
	_ =	sdelay $0x3  }
0x34: {  	[smem:$0x3FAF] =	sst s10  }
0x35: {  	s10 =	sld [smem:$0x3FAE];
	_ =	sdelay $0x3  }
0x36: {  	p1 =	seq.s32 s10, $0x1;
	s10 =	sld [smem:$0x3FAF];
	_ =	sdelay $0x3  }
0x37: {  	[smem:$0x3FAF] =	sst s10  }
0x38: {  	s10 =	sld [smem:$0x3FB0]  }
0x39: {  	_ = 	snop;
	(pc) =	sbr.ind lr, $3  }
0x3a: {  	_ = 	snop  }
0x3b: {  	_ = 	snop  }
0x3c: {  	p2 =	seq.s32 s10, $0x1;
	s10 =	sld [smem:$0x3FAF]  }
0x3d: {  	_ =	shalt  }
0x3e: {  	_ =	shalt  }
0x3f: {  	_ =	shalt  }
0x40: {  	_ =	shalt  }
0x41: {  	_ =	shalt  }
0x42: {  	_ =	shalt  }
0x43: {  	_ =	shalt  }
0x44: {  	_ =	shalt  }
0x45: {  	_ =	shalt  }
0x46: {  	_ =	shalt  }
0x47: {  	_ =	shalt  }
0x48: {  	_ =	shalt  }
0x49: {  	_ =	shalt  }
0x4a: {  	_ =	shalt  }
0x4b: {  	_ =	shalt  }
0x4c: {  	_ =	shalt  }
0x4d: {  	_ =	shalt  }
0x4e: {  	_ =	shalt  }
0x4f: {  	_ =	shalt  }
0x50: {  	_ =	shalt  }
0x51: {  	_ =	shalt  }
0x52: {  	_ =	shalt  }
0x53: {  	_ =	shalt  }
0x54: {  	_ =	shalt  }
0x55: {  	_ =	shalt  }
0x56: {  	_ =	shalt  }
0x57: {  	_ =	shalt  }
0x58: {  	_ =	shalt  }
0x59: {  	_ =	shalt  }
0x5a: {  	_ =	shalt  }
0x5b: {  	_ =	shalt  }
0x5c: {  	_ =	shalt  }
0x5d: {  	_ =	shalt  }
0x5e: {  	_ =	shalt  }
0x5f: {  	_ =	shalt  }
0x60: {  	_ =	shalt  }
0x61: {  	_ =	shalt  }
0x62: {  	_ =	shalt  }
0x63: {  	_ =	shalt  }
0x64: {  	_ =	shalt  }
0x65: {  	_ =	shalt  }
0x66: {  	_ =	shalt  }
0x67: {  	_ =	shalt  }
0x68: {  	_ =	shalt  }
0x69: {  	_ =	shalt  }
0x6a: {  	_ =	shalt  }
0x6b: {  	_ =	shalt  }
0x6c: {  	_ =	shalt  }
0x6d: {  	_ =	shalt  }
0x6e: {  	_ =	shalt  }
0x6f: {  	_ =	shalt  }
0x70: {  	_ =	shalt  }
0x71: {  	_ =	shalt  }
0x72: {  	_ =	shalt  }
0x73: {  	_ =	shalt  }
0x74: {  	_ =	shalt  }
0x75: {  	_ =	shalt  }
0x76: {  	_ =	shalt  }
0x77: {  	_ =	shalt  }
0x78: {  	_ =	shalt  }
0x79: {  	_ =	shalt  }
0x7a: {  	_ =	shalt  }
0x7b: {  	_ =	shalt  }
0x7c: {  	_ =	shalt  }
0x7d: {  	_ =	shalt  }
0x7e: {  	_ =	shalt  }
0x7f: {  	_ =	shalt  }
0x80: {  	_ =	shalt  }
0x81: {  	_ =	shalt  }
0x82: {  	_ =	shalt  }
0x83: {  	_ =	shalt  }
0x84: {  	_ =	shalt  }
0x85: {  	_ =	shalt  }
0x86: {  	_ =	shalt  }
0x87: {  	_ =	shalt  }
.Lfunc_end0:
.L_simem_size_0:
called_computation.4_lowered:
.L_overlay_start_0:
0x88: {  	s2 =	sld [smem:$0x3FD9]  }
0x89: {  	s3 =	sld [smem:$0x3FFE];
	_ =	sdelay $0x1  }
0x8a: {  	s1 =	srdreg.scid  }
0x8b: {  	s0 =	sand.u32 $0x1, s1  }
0x8c: {  	s17 =	sshll.u32 s0, $0xA;
	s2 =	sadd.s32 s3, s2  }
0x8d: {  	s2 =	sadd.s32 s2, s17  }
0x8e: {  	[smem:$0x3FBB] =	sst s2  }
0x8f: {  	_ = 	snop  }
0x90: {  	(tm) =	ssettm $0x1  }
0x91: {  	s18 =	sld [smem:$0x3FFB];
	_ =	sdelay $0x3  }
0x92: {  	_ =	strace s18  }
0x93: {  	s2 =	sld [smem:$0x3FFC];
	_ =	sdelay $0x3  }
0x94: {  	_ =	strace s2  }
0x95: {  	s2 =	sld [smem:$0x3FFD];
	_ =	sdelay $0x3  }
0x96: {  	_ =	strace s2  }
0x97: {  	_ =	strace $0x8FFFFFFF  }
0x98: {  	s19 =	sld [smem:$0x3FDB];
	_ =	sdelay $0x1  }
0x99: {  	s20 =	simm.s32 $_scs_section_size  }
0x9a: {  	s4 =	simm.s32 $_size__tile_overlayer_lowered;
	s5 =	simm.s32 $_tile_overlayer_lowered  }
0x9b: {  	s6 =	simm.s32 $0x1BFF;
	s21 =	sshll.u32 s5, $0x1;
	s3 =	sadd.s32 s20, s19  }
0x9c: {  	s22 =	simm.s32 $0x0;
	s4 =	sshll.u32 s4, $0x1;
	s5 =	sadd.s32 s21, s3  }
0x9d: {  	[timem:s22], [sflag:s6] =	dma.local [hbm:s5], s4  }
0x9e: {  	_ =	swait.ge [sflag:s6], s4  }
0x9f: {  	s4 =	ssub.s32 $0x0, s4;
	[sflag:s6] =	ssyncset.done $0x0  }
0xa0: {  	[sflag:s6] =	ssyncadd.s32 s4;
	_ =	sdelay $0x1  }
0xa1: {  	s23 =	simm.s32 $0x1B8B  }
0xa2: {  	_ =	swait.ge [sflag:s23], $0x1  }
0xa3: {  	[sflag:s23] =	ssyncset.done $0x0  }
0xa4: {  	[sflag:s23] =	ssyncadd.s32 $0xFFFFFFFF  }
0xa5: {  	s4 =	sld [smem:$0x0]  }
0xa6: {  	s5 =	sand.u32 $0xFFFFFFFE, s1  }
0xa7: {  	p0 =	sne.s32 s1, s5  }
0xa8: {  	s5 =	sshll.u32 @p0 s5, $0xE  }
0xa9: {  	s5 =	sadd.s32 @p0 $0x11B8D, s5;
	s6 =	sshll.u32 @p0 s4, $0x11  }
0xaa: {  	s5 =	sor.u32 @p0 s6, s5  }
0xab: {  	[sflag:s5] =	ssyncadd.remote.s32 @p0 $0x1;
	_ =	sdelay $0x1  }
0xac: {  	s5 =	simm.s32 @p0 $0x1B8D  }
0xad: {  	_ =	swait.eq @p0 [sflag:s5], $0x1  }
0xae: {  	[sflag:s5] =	ssyncadd.s32 @p0 $0xFFFFFFFF  }
0xaf: {  	s6 =	sshll.u32 @!p0 s1, $0xE  }
0xb0: {  	s6 =	sor.u32 @!p0 $0x4000, s6;
	s5 =	simm.s32 @!p0 $0x1B8D  }
0xb1: {  	s4 =	sshll.u32 @!p0 s4, $0x11;
	s6 =	sadd.s32 @!p0 $0x11B8D, s6;
	_ =	swait.eq @!p0 [sflag:s5], $0x1  }
0xb2: {  	s4 =	sor.u32 @!p0 s4, s6;
	[sflag:s5] =	ssyncadd.s32 @!p0 $0xFFFFFFFF  }
0xb3: {  	s25 =	simm.s32 $0x1B8E;
	s24 =	sld [smem:$0x3FFE];
	[sflag:s4] =	ssyncadd.remote.s32 @!p0 $0x1  }
0xb4: {  	s26 =	simm.s32 $execute0_lowered;
	[smem:$0x3FD2] =	sst s25  }
0xb5: {  	s5 =	sshll.u32 s26, $0x1;
	_ =	strace $0x80000055;
	[dreg:$0x1] =	wrdreg $0xFFFFFFFF  }
0xb6: {  	s28 =	simm.s32 $_size_execute0_lowered;
	s3 =	sadd.s32 s3, s5;
	[dreg:$0x0] =	wrdreg $0x0  }
0xb7: {  	s5 =	sshll.u32 s28, $0x1;
	[dreg:$0x2] =	wrdreg s3  }
0xb8: {  	[dreg:$0x3] =	wrdreg s5  }
0xb9: {  	[dreg:$0x4] =	wrdreg $0xC0  }
0xba: {  	_ =	task [dreg:s22], $0x5FFFF  }
0xbb: {  	[dreg:$0x1] =	wrdreg $0xFFFFFFFF  }
0xbc: {  	[dreg:$0x0] =	wrdreg $0x60  }
0xbd: {  	[dreg:$0x2] =	wrdreg s24  }
0xbe: {  	[dreg:$0x3] =	wrdreg $0x9  }
0xbf: {  	_ =	task.clear_ibuf [dreg:s22], $0x4FFFF;
	_ =	strace $0x90000055  }
0xc0: {  	s29 =	simm.s32 $0x9;
	_ =	strace $0x80000057  }
0xc1: {  	_ =	swait.ge [sflag:s29], $0x1  }
0xc2: {  	[sflag:s29] =	ssyncadd.s32 $0xFFFFFFFF  }
0xc3: {  	_ =	strace $0x90000057  }
0xc4: {  	_ =	sfence  }
0xc5: {  	s30 =	sld [smem:$0x0];
	_ =	sdelay $0x2  }
0xc6: {  	s31 =	sshll.u32 s1, $0xD;
	s1 =	sshrl.u32 s1, $0x2  }
0xc7: {  	s4 =	sand.u32 $0x4000, s31;
	s1 =	sadd.s32 s1, s30  }
0xc8: {  	s0 =	sor.u32 s4, s0;
	s1 =	sshll.u32 s1, $0x11  }
0xc9: {  	s0 =	sor.u32 s1, s0  }
0xca: {  	s0 =	sadd.s32 $0x8F2B, s0  }
0xcb: {  	[sflag:s0] =	ssyncadd.remote.s32 $0x1  }
0xcc: {  	_ =	sfence.sel $0xFFFF  }
0xcd: {  	[dreg:$0x0] =	wrdreg $0xFFFFFFFF;
	(pc) =	sbr.abs _section_cstart, $3  }
0xce: {  	[dreg:$0x1] =	wrdreg $0xFFFFFFFF  }
0xcf: {  	_ =	task.clear_ibuf [dreg:s22], $0x2FFFF;
	_ =	strace $0x9FFFFFFF  }
0xd0: {  	(tm) =	ssettm $0x7FFFFFFF  }
0xd1: {  	_ =	shalt  }
tec
execute0_lowered:
.L_overlay_start_1:
0x0: {  	(tag) =	ssettag $0x1  }
0x1: {  	s0 =	rddreg [dreg:$0x0];
	s2 =	srdreg.scid  }
0x2: {  	s1 =	stileid.u32;
	s4 =	sand.u32 $0x1, s2;
	s2 =	simm.s32 $0x0  }
0x3: {  	s9 =	simm.s32 $0xA00;
	s10 =	simm.s32 $0x1200;
	[smem:$0x7FF] =	sst s2  }
0x4: {  	s11 =	simm.s32 $0x1A00;
	_ =	strace $0x80000056;
	[dreg:$0x3] =	wrdreg s9  }
0x5: {  	s12 =	simm.s32 $0x2200;
	s13 =	simm.s32 $0x2A00;
	[dreg:$0x4] =	wrdreg s10  }
0x6: {  	s14 =	simm.s32 $0x3200;
	s15 =	simm.s32 $0x3A00;
	[dreg:$0x5] =	wrdreg s11  }
0x7: {  	s16 =	simm.s32 $0x4200;
	s17 =	simm.s32 $0x4A00;
	[dreg:$0x6] =	wrdreg s12  }
0x8: {  	s18 =	simm.s32 $0x5200;
	s20 =	simm.s32 $0x5A00;
	[dreg:$0x7] =	wrdreg s13  }
0x9: {  	s21 =	simm.s32 $0x6200;
	s22 =	simm.s32 $0x6A00;
	[dreg:$0x8] =	wrdreg s14  }
0xa: {  	s23 =	simm.s32 $0x7200;
	s25 =	simm.s32 $0x7A00;
	[dreg:$0x9] =	wrdreg s15  }
0xb: {  	s26 =	simm.s32 $0x8A00;
	s31 =	simm.s32 $0x9200;
	[dreg:$0xa] =	wrdreg s16  }
0xc: {  	s28 =	simm.s32 $0x3;
	s29 =	simm.s32 $0x4;
	[dreg:$0xb] =	wrdreg s17  }
0xd: {  	s30 =	simm.s32 $0x0;
	s6 =	sadd.s32 $0x24400, s0;
	[dreg:$0xc] =	wrdreg s18  }
0xe: {  	s3 =	sshll.u32 s1, $0x10;
	s7 =	sshll.u32 s1, $0xA;
	[dreg:$0xd] =	wrdreg s20  }
0xf: {  	s3 =	sadd.s32 s3, s6;
	s5 =	sshll.u32 s4, $0xF;
	[dreg:$0xe] =	wrdreg s21  }
0x10: {  	s8 =	sshll.u32 s4, $0x9;
	s4 =	ssub.s32 $0x2, s4;
	[dreg:$0xf] =	wrdreg s22  }
0x11: {  	s3 =	sadd.s32 s5, s3;
	s7 =	sor.u32 s8, s7;
	[dreg:$0x10] =	wrdreg s23  }
0x12: {  	s9 =	sshrl.u32 s4, $0x1;
	s5 =	sadd.s32 $0x11500, s0;
	[dreg:$0x11] =	wrdreg s25  }
0x13: {  	[dreg:$0x12] =	wrdreg s26;
	s10 =	simm.s32 $0x200;
	s11 =	simm.s32 $0x8200  }
0x14: {  	[dreg:$0x13] =	wrdreg s31;
	s12 =	simm.s32 $0x9A00;
	s13 =	simm.s32 $0xA200  }
0x15: {  	s14 =	simm.s32 $0xAA00;
	s15 =	simm.s32 $0xB200;
	s16 =	simm.s32 $0xBA00  }
0x16: {  	s17 =	simm.s32 $0xC200;
	s18 =	simm.s32 $0xCA00;
	s20 =	simm.s32 $0xDA00  }
0x17: {  	s21 =	simm.s32 $0xE200;
	s22 =	simm.s32 $0xEA00;
	s23 =	simm.s32 $0xF200  }
0x18: {  	s25 =	simm.s32 $0x1;
	s26 =	simm.s32 $0x2;
	s3 =	sadd.s32 $0xFFFFF000, s3  }
0x19: {  	s8 =	sshrl.u32 s7, $0x3;
	s9 =	ssub.s32 s4, s9;
	s7 =	sshll.u32 s7, $0x6  }
0x1a: {  	[dreg:$0x2] =	wrdreg s3;
	s8 =	sadd.s32 s8, s0;
	s6 =	sadd.s32 s6, s7  }
0x1b: {  	v2 =	vlaneseq.u32;
	s3 =	sadd.s32 $0x11400, s0;
	s19 =	sadd.s32 $0xB33000, s8;
	s24 =	sadd.s32 $0x7000, s6  }
0x1c: {  	vm0 =	vmmov $0xffff;
	v1 =	vshrl.u32 v2, $0x3;
	s8 =	smax.u32 s9, $0x1;
	s9 =	simm.s32 $0x5;
	[dreg:$0x14] =	wrdreg s19  }
0x1d: {  	v0 =	vand.u32 $0x7, v2;
	v2 =	vor.u32 $0x8, v2;
	v1 =	vmul.u32 $0x8, v1;
	[dreg:$0x15] =	wrdreg s24;
	s19 =	simm.s32 $0xD200;
	s24 =	simm.s32 $0xFA00  }
.LBB2_1:
0x1e: {  	s0 =	rddreg [dreg:$0x14]  }
0x1f: {  	[tilespmem:s2], [sflag:$0x5] =	stream.linear.gather [hbm4b:s0+s2], $0x200, $0x38;
	[tilespmem:$0x10200] =	vst v63  }
0x20: {  	_ =	swait.ge [sflag:s9], $0x200  }
0x21: {  	[sflag:s9] =	ssyncset.done $0x0  }
0x22: {  	s31 =	simm.s32 $0x40;
	s0 =	simm.s32 $0x0;
	[sflag:s9] =	ssyncadd.s32 $0xFFFFFE00  }
.LBB2_2:
0x23: {  	p0 =	seq.s32 s0, $0x0  }
0x24: {  	s1 =	simm.s32 @!p0 $0x3  }
0x25: {  	_ =	swait.ge @!p0 [sflag:s1], $0x8000  }
0x26: {  	[sflag:s1] =	ssyncset.done @!p0 $0x0  }
0x27: {  	[sflag:s1] =	ssyncadd.s32 @!p0 $0xFFFF8000  }
0x28: {  	v3 =	vld [tilespmem:s31+$0xFFFFFFC0];
	_ =	sdelay $0x4  }
0x29: {  	v4 =	vshll.u32 v3, $0x2  }
0x2a: {  	v3 =	vand.u32 $0x7, v3;
	v4 =	vand.u32 $0xFFFFFFE0, v4  }
0x2b: {  	v3 =	vor.u32 v3, v4  }
0x2c: {  	v4 =	vperm.xlane v3, v0;
	_ =	sdelay $0x1  }
0x2d: {  	v4 =	vadd.s32 v1, v4;
	_ =	sdelay $0x1  }
0x2e: {  	v3 =	vperm.xlane v3, v2;
	_ =	sdelay $0x1  }
0x2f: {  	v3 =	vadd.s32 v1, v3  }
0x30: {  	[tilespmem:s10], [sflag:$0x1] =	stream.indirect_vreg.gather [hbm4b:s3+s2], $0x80, v4, vm0, $0xb8;
	[tilespmem:$0x10200] =	vst v63  }
0x31: {  	s7 =	rddreg [dreg:$0x3]  }
0x32: {  	[tilespmem:s7], [sflag:$0x1] =	stream.indirect_vreg.gather [hbm4b:s5+s2], $0x80, v4, vm0, $0xb8;
	[tilespmem:$0x10200] =	vst v63  }
0x33: {  	s4 =	rddreg [dreg:$0x4]  }
0x34: {  	[tilespmem:s4], [sflag:$0x1] =	stream.indirect_vreg.gather [hbm4b:s3+s2], $0x80, v3, vm0, $0xb8;
	[tilespmem:$0x10200] =	vst v63  }
0x35: {  	s7 =	rddreg [dreg:$0x5]  }
0x36: {  	[tilespmem:s7], [sflag:$0x1] =	stream.indirect_vreg.gather [hbm4b:s5+s2], $0x80, v3, vm0, $0xb8;
	[tilespmem:$0x10200] =	vst v63  }
0x37: {  	v3 =	vld [tilespmem:s31+$0xFFFFFFD0];
	_ =	sdelay $0x4  }
0x38: {  	v57 =	vshll.u32 v3, $0x2  }
0x39: {  	v3 =	vand.u32 $0x7, v3;
	v4 =	vand.u32 $0xFFFFFFE0, v57  }
0x3a: {  	v3 =	vor.u32 v3, v4  }
0x3b: {  	v4 =	vperm.xlane v3, v0;
	_ =	sdelay $0x1  }
0x3c: {  	v4 =	vadd.s32 v1, v4;
	_ =	sdelay $0x1  }
0x3d: {  	v3 =	vperm.xlane v3, v2;
	_ =	sdelay $0x1  }
0x3e: {  	s4 =	rddreg [dreg:$0x6];
	v3 =	vadd.s32 v1, v3  }
0x3f: {  	[tilespmem:s4], [sflag:$0x1] =	stream.indirect_vreg.gather [hbm4b:s3+s2], $0x80, v4, vm0, $0xb8;
	[tilespmem:$0x10200] =	vst v63  }
0x40: {  	s7 =	rddreg [dreg:$0x7]  }
0x41: {  	[tilespmem:s7], [sflag:$0x1] =	stream.indirect_vreg.gather [hbm4b:s5+s2], $0x80, v4, vm0, $0xb8;
	[tilespmem:$0x10200] =	vst v63  }
0x42: {  	s1 =	rddreg [dreg:$0x8]  }
0x43: {  	[tilespmem:s1], [sflag:$0x1] =	stream.indirect_vreg.gather [hbm4b:s3+s2], $0x80, v3, vm0, $0xb8;
	[tilespmem:$0x10200] =	vst v63  }
0x44: {  	s7 =	rddreg [dreg:$0x9]  }
0x45: {  	[tilespmem:s7], [sflag:$0x1] =	stream.indirect_vreg.gather [hbm4b:s5+s2], $0x80, v3, vm0, $0xb8;
	[tilespmem:$0x10200] =	vst v63  }
0x46: {  	v3 =	vld [tilespmem:s31+$0xFFFFFFE0];
	_ =	sdelay $0x4  }
0x47: {  	v58 =	vshll.u32 v3, $0x2  }
0x48: {  	v3 =	vand.u32 $0x7, v3;
	v4 =	vand.u32 $0xFFFFFFE0, v58  }
0x49: {  	v3 =	vor.u32 v3, v4  }
0x4a: {  	v4 =	vperm.xlane v3, v0;
	_ =	sdelay $0x1  }
0x4b: {  	v4 =	vadd.s32 v1, v4;
	_ =	sdelay $0x1  }
0x4c: {  	v3 =	vperm.xlane v3, v2;
	_ =	sdelay $0x1  }
0x4d: {  	s4 =	rddreg [dreg:$0xa];
	v3 =	vadd.s32 v1, v3  }
0x4e: {  	[tilespmem:s4], [sflag:$0x1] =	stream.indirect_vreg.gather [hbm4b:s3+s2], $0x80, v4, vm0, $0xb8;
	[tilespmem:$0x10200] =	vst v63  }
0x4f: {  	s7 =	rddreg [dreg:$0xb]  }
0x50: {  	[tilespmem:s7], [sflag:$0x1] =	stream.indirect_vreg.gather [hbm4b:s5+s2], $0x80, v4, vm0, $0xb8;
	[tilespmem:$0x10200] =	vst v63  }
0x51: {  	s1 =	rddreg [dreg:$0xc]  }
0x52: {  	[tilespmem:s1], [sflag:$0x1] =	stream.indirect_vreg.gather [hbm4b:s3+s2], $0x80, v3, vm0, $0xb8;
	[tilespmem:$0x10200] =	vst v63  }
0x53: {  	s7 =	rddreg [dreg:$0xd]  }
0x54: {  	[tilespmem:s7], [sflag:$0x1] =	stream.indirect_vreg.gather [hbm4b:s5+s2], $0x80, v3, vm0, $0xb8;
	[tilespmem:$0x10200] =	vst v63  }
0x55: {  	v3 =	vld [tilespmem:s31+$0xFFFFFFF0];
	_ =	sdelay $0x4  }
0x56: {  	v59 =	vshll.u32 v3, $0x2  }
0x57: {  	v3 =	vand.u32 $0x7, v3;
	v4 =	vand.u32 $0xFFFFFFE0, v59  }
0x58: {  	v3 =	vor.u32 v3, v4  }
0x59: {  	v4 =	vperm.xlane v3, v0;
	_ =	sdelay $0x1  }
0x5a: {  	v4 =	vadd.s32 v1, v4;
	_ =	sdelay $0x1  }
0x5b: {  	v3 =	vperm.xlane v3, v2;
	_ =	sdelay $0x1  }
0x5c: {  	s4 =	rddreg [dreg:$0xe];
	v3 =	vadd.s32 v1, v3  }
0x5d: {  	[tilespmem:s4], [sflag:$0x1] =	stream.indirect_vreg.gather [hbm4b:s3+s2], $0x80, v4, vm0, $0xb8;
	[tilespmem:$0x10200] =	vst v63  }
0x5e: {  	s7 =	rddreg [dreg:$0xf]  }
0x5f: {  	[tilespmem:s7], [sflag:$0x1] =	stream.indirect_vreg.gather [hbm4b:s5+s2], $0x80, v4, vm0, $0xb8;
	[tilespmem:$0x10200] =	vst v63  }
0x60: {  	s1 =	rddreg [dreg:$0x10]  }
0x61: {  	[tilespmem:s1], [sflag:$0x1] =	stream.indirect_vreg.gather [hbm4b:s3+s2], $0x80, v3, vm0, $0xb8;
	[tilespmem:$0x10200] =	vst v63  }
0x62: {  	s7 =	rddreg [dreg:$0x11];
	s1 =	simm.s32 @!p0 $0x2  }
0x63: {  	[tilespmem:s7], [sflag:$0x1] =	stream.indirect_vreg.gather [hbm4b:s5+s2], $0x80, v3, vm0, $0xb8;
	[tilespmem:$0x10200] =	vst v63  }
0x64: {  	_ =	swait.ge @!p0 [sflag:s1], $0x8000  }
0x65: {  	s7 =	simm.s32 @!p0 $0x8200;
	s4 =	rddreg [dreg:$0x2];
	[sflag:s1] =	ssyncset.done @!p0 $0x0  }
0x66: {  	[sflag:s1] =	ssyncadd.s32 @!p0 $0xFFFF8000;
	s1 =	sadd.s32 @!p0 s0, s4;
	s4 =	simm.s32 @!p0 $0x0  }
0x67: {  	[hbm4b:s1+s4] =	stream.linear.scatter @!p0 [tilespmem:s7], [sflag:$0x4], $0x8000, $0x38;
	[tilespmem:$0x10200] =	vst v63  }
0x68: {  	s1 =	simm.s32 @!p0 $0x4  }
0x69: {  	_ =	swait.ge @!p0 [sflag:s1], $0x8000  }
0x6a: {  	[sflag:s1] =	ssyncset.done @!p0 $0x0  }
0x6b: {  	[sflag:s1] =	ssyncadd.s32 @!p0 $0xFFFF8000  }
0x6c: {  	v3 =	vld [tilespmem:s31+$0x0];
	_ =	sdelay $0x4  }
0x6d: {  	v60 =	vshll.u32 v3, $0x2  }
0x6e: {  	v3 =	vand.u32 $0x7, v3;
	v4 =	vand.u32 $0xFFFFFFE0, v60  }
0x6f: {  	v3 =	vor.u32 v3, v4  }
0x70: {  	v4 =	vperm.xlane v3, v0;
	_ =	sdelay $0x1  }
0x71: {  	v4 =	vadd.s32 v1, v4;
	_ =	sdelay $0x1  }
0x72: {  	v3 =	vperm.xlane v3, v2;
	_ =	sdelay $0x1  }
0x73: {  	v3 =	vadd.s32 v1, v3  }
0x74: {  	[tilespmem:s11], [sflag:$0x2] =	stream.indirect_vreg.gather [hbm4b:s3+s2], $0x80, v4, vm0, $0xb8;
	[tilespmem:$0x10200] =	vst v63  }
0x75: {  	s4 =	rddreg [dreg:$0x12]  }
0x76: {  	[tilespmem:s4], [sflag:$0x2] =	stream.indirect_vreg.gather [hbm4b:s5+s2], $0x80, v4, vm0, $0xb8;
	[tilespmem:$0x10200] =	vst v63  }
0x77: {  	s7 =	rddreg [dreg:$0x13]  }
0x78: {  	[tilespmem:s7], [sflag:$0x2] =	stream.indirect_vreg.gather [hbm4b:s3+s2], $0x80, v3, vm0, $0xb8;
	[tilespmem:$0x10200] =	vst v63  }
0x79: {  	_ = 	snop  }
0x7a: {  	[tilespmem:s12], [sflag:$0x2] =	stream.indirect_vreg.gather [hbm4b:s5+s2], $0x80, v3, vm0, $0xb8;
	[tilespmem:$0x10200] =	vst v63  }
0x7b: {  	v3 =	vld [tilespmem:s31+$0x10];
	_ =	sdelay $0x4  }
0x7c: {  	v61 =	vshll.u32 v3, $0x2  }
0x7d: {  	v3 =	vand.u32 $0x7, v3;
	v4 =	vand.u32 $0xFFFFFFE0, v61  }
0x7e: {  	v3 =	vor.u32 v3, v4  }
0x7f: {  	v4 =	vperm.xlane v3, v0;
	_ =	sdelay $0x1  }
0x80: {  	v4 =	vadd.s32 v1, v4;
	_ =	sdelay $0x1  }
0x81: {  	v3 =	vperm.xlane v3, v2;
	_ =	sdelay $0x1  }
0x82: {  	v3 =	vadd.s32 v1, v3  }
0x83: {  	[tilespmem:s13], [sflag:$0x2] =	stream.indirect_vreg.gather [hbm4b:s3+s2], $0x80, v4, vm0, $0xb8;
	[tilespmem:$0x10200] =	vst v63  }
0x84: {  	_ = 	snop  }
0x85: {  	[tilespmem:s14], [sflag:$0x2] =	stream.indirect_vreg.gather [hbm4b:s5+s2], $0x80, v4, vm0, $0xb8;
	[tilespmem:$0x10200] =	vst v63  }
0x86: {  	_ = 	snop  }
0x87: {  	[tilespmem:s15], [sflag:$0x2] =	stream.indirect_vreg.gather [hbm4b:s3+s2], $0x80, v3, vm0, $0xb8;
	[tilespmem:$0x10200] =	vst v63  }
0x88: {  	_ = 	snop  }
0x89: {  	[tilespmem:s16], [sflag:$0x2] =	stream.indirect_vreg.gather [hbm4b:s5+s2], $0x80, v3, vm0, $0xb8;
	[tilespmem:$0x10200] =	vst v63  }
0x8a: {  	v3 =	vld [tilespmem:s31+$0x20];
	_ =	sdelay $0x4  }
0x8b: {  	v62 =	vshll.u32 v3, $0x2  }
0x8c: {  	v3 =	vand.u32 $0x7, v3;
	v4 =	vand.u32 $0xFFFFFFE0, v62  }
0x8d: {  	v3 =	vor.u32 v3, v4  }
0x8e: {  	v4 =	vperm.xlane v3, v0;
	_ =	sdelay $0x1  }
0x8f: {  	v4 =	vadd.s32 v1, v4;
	_ =	sdelay $0x1  }
0x90: {  	v3 =	vperm.xlane v3, v2;
	_ =	sdelay $0x1  }
0x91: {  	v3 =	vadd.s32 v1, v3  }
0x92: {  	[tilespmem:s17], [sflag:$0x2] =	stream.indirect_vreg.gather [hbm4b:s3+s2], $0x80, v4, vm0, $0xb8;
	[tilespmem:$0x10200] =	vst v63  }
0x93: {  	_ = 	snop  }
0x94: {  	[tilespmem:s18], [sflag:$0x2] =	stream.indirect_vreg.gather [hbm4b:s5+s2], $0x80, v4, vm0, $0xb8;
	[tilespmem:$0x10200] =	vst v63  }
0x95: {  	_ = 	snop  }
0x96: {  	[tilespmem:s19], [sflag:$0x2] =	stream.indirect_vreg.gather [hbm4b:s3+s2], $0x80, v3, vm0, $0xb8;
	[tilespmem:$0x10200] =	vst v63  }
0x97: {  	_ = 	snop  }
0x98: {  	[tilespmem:s20], [sflag:$0x2] =	stream.indirect_vreg.gather [hbm4b:s5+s2], $0x80, v3, vm0, $0xb8;
	[tilespmem:$0x10200] =	vst v63  }
0x99: {  	v3 =	vld [tilespmem:s31+$0x30];
	_ =	sdelay $0x4  }
0x9a: {  	v63 =	vshll.u32 v3, $0x2  }
0x9b: {  	v3 =	vand.u32 $0x7, v3;
	v4 =	vand.u32 $0xFFFFFFE0, v63  }
0x9c: {  	v3 =	vor.u32 v3, v4  }
0x9d: {  	v4 =	vperm.xlane v3, v0;
	_ =	sdelay $0x1  }
0x9e: {  	v4 =	vadd.s32 v1, v4;
	_ =	sdelay $0x1  }
0x9f: {  	v3 =	vperm.xlane v3, v2;
	_ =	sdelay $0x1  }
0xa0: {  	v3 =	vadd.s32 v1, v3  }
0xa1: {  	[tilespmem:s21], [sflag:$0x2] =	stream.indirect_vreg.gather [hbm4b:s3+s2], $0x80, v4, vm0, $0xb8;
	[tilespmem:$0x10200] =	vst v63  }
0xa2: {  	_ = 	snop  }
0xa3: {  	[tilespmem:s22], [sflag:$0x2] =	stream.indirect_vreg.gather [hbm4b:s5+s2], $0x80, v4, vm0, $0xb8;
	[tilespmem:$0x10200] =	vst v63  }
0xa4: {  	s1 =	smov.u32 s0;
	s0 =	sadd.s32 $0x2000, s0  }
0xa5: {  	[tilespmem:s23], [sflag:$0x2] =	stream.indirect_vreg.gather [hbm4b:s3+s2], $0x80, v3, vm0, $0xb8;
	[tilespmem:$0x10200] =	vst v63  }
0xa6: {  	s1 =	simm.s32 @p0 $0x0;
	p0 =	sne.s32 s0, $0x8000  }
0xa7: {  	[tilespmem:s24], [sflag:$0x2] =	stream.indirect_vreg.gather [hbm4b:s5+s2], $0x80, v3, vm0, $0xb8;
	[tilespmem:$0x10200] =	vst v63  }
.Ltmp0:
0xa8: {  	_ = 	snop;
	(pc) =	sbr.rel @p0 .LBB2_2-.Ltmp0, $4  }
0xa9: {  	_ =	swait.ge [sflag:s25], $0x8000  }
0xaa: {  	[sflag:s25] =	ssyncset.done $0x0  }
0xab: {  	s1 =	sadd.s32 s1, s6;
	s31 =	sadd.s32 $0x80, s31;
	[sflag:s25] =	ssyncadd.s32 $0xFFFF8000  }
0xac: {  	[hbm4b:s1+s2] =	stream.linear.scatter [tilespmem:s10], [sflag:$0x3], $0x8000, $0x38;
	[tilespmem:$0x10200] =	vst v63  }
0xad: {  	_ =	swait.ge [sflag:s26], $0x8000  }
0xae: {  	[sflag:s26] =	ssyncset.done $0x0  }
0xaf: {  	s30 =	sadd.s32 $0x1, s30;
	s0 =	rddreg [dreg:$0x15];
	[sflag:s26] =	ssyncadd.s32 $0xFFFF8000  }
0xb0: {  	[hbm4b:s0+s2] =	stream.linear.scatter [tilespmem:s11], [sflag:$0x4], $0x8000, $0x38;
	[tilespmem:$0x10200] =	vst v63  }
0xb1: {  	p0 =	sne.s32 s30, s8;
	_ =	swait.ge [sflag:s28], $0x8000  }
.Ltmp1:
0xb2: {  	[sflag:s28] =	ssyncset.done $0x0;
	(pc) =	sbr.rel @p0 .LBB2_1-.Ltmp1, $4  }
0xb3: {  	[sflag:s28] =	ssyncadd.s32 $0xFFFF8000  }
0xb4: {  	_ =	swait.ge [sflag:s29], $0x8000  }
0xb5: {  	[sflag:s29] =	ssyncset.done $0x0  }
0xb6: {  	[sflag:s29] =	ssyncadd.s32 $0xFFFF8000  }
0xb7: {  	_ =	sfence.sel $0x180000  }
0xb8: {  	[bflag:$0x0] =	sbarrier.arrive $0xFFFF  }
0xb9: {  	_ =	strace $0x90000056  }
0xba: {  	s0 =	stileid.u32;
	[bflag:$0x2] =	sbarrier.arrive $0xFFFF  }
0xbb: {  	p0 =	sne.s32 s0, $0x0;
	s0 =	rddreg [dreg:$0x1]  }
0xbc: {  	s0 =	sadd.s32 @!p0 $0x100000, s0  }
0xbd: {  	[sflag:s0] =	ssyncadd.tile.s32 @!p0 $0x1;
	_ =	shalt  }
.Lfunc_end2:
_tile_overlayer_lowered:
.L_overlay_start_2:
0xbe: {  	(tag) =	ssettag $0x2  }
0xbf: {  	s0 =	rddreg [dreg:$0x0];
	s2 =	stileid.u32  }
0xc0: {  	s1 =	rddreg [dreg:$0x1];
	p0 =	sne.s32 s2, $0x0  }
0xc1: {  	s3 =	rddreg [dreg:$0x2];
	[bflag:$0x3] =	sbarrier.arrive $0xFFFF;
	s2 =	simm.s32 @!p0 $0x1C05  }
0xc2: {  	[timem:s3], [sflag:s2] =	dma.local @!p0 [hbm:s0], s1  }
0xc3: {  	s0 =	simm.s32 @!p0 $0x5  }
0xc4: {  	_ =	swait.ge @!p0 [sflag:s0], s1  }
0xc5: {  	s1 =	ssub.s32 @!p0 $0x0, s1;
	[sflag:s0] =	ssyncset.done @!p0 $0x0  }
0xc6: {  	[sflag:s0] =	ssyncadd.s32 @!p0 s1  }
0xc7: {  	[bflag:$0x3] =	sbarrier.arrive $0xFFFF  }
0xc8: {  	_ =	shalt  }

// kernel: kernel.35.cloned.1.call-start
scs
__scs_entry_jumppad:
0x0: {  	(pc) =	sbr.rel $0x88, $3  }
0x1: {  	(tag) =	ssettag $0x0;
	lr =	simm.s32 $0x1  }
0x2: {  	[smem:$0x3F94] =	sst lr;
	_ =	strace $0xD0000000  }
0x3: {  	_ = 	snop  }
0x4: {  	_ = 	snop  }
0x5: {  	_ = 	snop  }
0x6: {  	_ = 	snop  }
0x7: {  	_ = 	snop  }
__scs_overlays_trampoline_lowered:
0x8: {  	[smem:$0x3FA3] =	sst s0  }
0x9: {  	[smem:$0x3FA4] =	sst s1  }
0xa: {  	[smem:$0x3FA5] =	sst s2  }
0xb: {  	[smem:$0x3FA6] =	sst s3  }
0xc: {  	[smem:$0x3FA7] =	sst s4  }
0xd: {  	[smem:$0x3FA8] =	sst s5  }
0xe: {  	[smem:$0x3FA9] =	sst s6  }
0xf: {  	[smem:$0x3FAA] =	sst s7  }
0x10: {  	[smem:$0x3FAB] =	sst s8  }
0x11: {  	[smem:$0x3FAC] =	sst s9;
	s0 =	simm.s32 @!p0 $0x0  }
0x12: {  	s1 =	sld [smem:$0x3F92];
	s0 =	simm.s32 @p0 $0x1  }
0x13: {  	[smem:$0x3FAD] =	sst s0;
	s0 =	simm.s32 @!p1 $0x0  }
0x14: {  	s2 =	sld [smem:$0x3F91];
	s0 =	simm.s32 @p1 $0x1  }
0x15: {  	[smem:$0x3FAE] =	sst s0;
	s0 =	simm.s32 @!p2 $0x0  }
0x16: {  	s3 =	sld [smem:$0x3FDB];
	s0 =	simm.s32 @p2 $0x1  }
0x17: {  	s4 =	simm.s32 $0x1BF5;
	[smem:$0x3FB0] =	sst s0  }
0x18: {  	s0 =	sld [smem:$0x3F93];
	_ =	swait.ge [sflag:s4], $0x0  }
0x19: {  	s7 =	sld [smem:$0x3F94]  }
0x1a: {  	s8 =	sadd.s32 $0xFFFFE003, lr  }
0x1b: {  	s9 =	sadd.s32 $0xFFFFFEF7, lr;
	s5 =	simm.s32 $0xFFFFFFFF;
	p2 =	slt.u32 s8, $0xFFFFF086  }
0x1c: {  	p1 =	slt.u32 s9, $0xF7A;
	s5 =	simm.s32 @!p2 $0x0  }
0x1d: {  	s5 =	simm.s32 @p1 $0x1;
	p0 =	seq.s32 s7, s2  }
0x1e: {  	s7 =	smul.u32 @!p0 $0xF7A, s2;
	p2 =	seq.s32 @!p0 s5, $0x0  }
0x1f: {  	s9 =	smul.u32 $0xF7A, s1;
	s8 =	simm.s32 @!p0 $0x1BF5;
	p2 =	por !p2, p0  }
0x20: {  	[sflag:s8] =	ssyncset.s32 @!p0 $0xFFFFF086;
	s6 =	sadd.s32 @!p0 s3, s7;
	s7 =	simm.s32 @!p0 $0x108  }
0x21: {  	s3 =	sadd.s32 s3, s9;
	s6 =	sadd.s32 @!p0 $0x88, s6;
	s7 =	simm.s32 @p2 $0x1082  }
0x22: {  	[simem:s7], [sflag:s8] =	dma.local @!p0 [hbm:s6], $0xF7A  }
0x23: {  	s9 =	sor.u32 $0xD0000000, s2;
	s6 =	simm.s32 $0x108;
	_ =	swait.ge @!p0 [sflag:s8], $0x0  }
0x24: {  	s3 =	sadd.s32 $0x88, s3;
	s6 =	simm.s32 @!p1 $0x1082;
	[sflag:s4] =	ssyncset.s32 $0xFFFFF086  }
0x25: {  	[simem:s6], [sflag:s4] =	dma.local [hbm:s3], $0xF7A  }
0x26: {  	[smem:$0x3F94] =	sst s1;
	(tag) =	ssettag s2;
	_ =	strace s9  }
0x27: {  	s1 =	sld [smem:$0x3FA4]  }
0x28: {  	s2 =	sld [smem:$0x3FA5]  }
0x29: {  	s4 =	sld [smem:$0x3FA7]  }
0x2a: {  	p0 =	seq.s32 s5, $0x0;
	s5 =	sld [smem:$0x3FA8]  }
0x2b: {  	s6 =	sld [smem:$0x3FA9]  }
0x2c: {  	s7 =	sld [smem:$0x3FAA]  }
0x2d: {  	s3 =	simm.s32 $0x108;
	s8 =	sld [smem:$0x3FAB]  }
0x2e: {  	s3 =	simm.s32 @!p0 $0x1082;
	s9 =	sld [smem:$0x3FAC]  }
0x2f: {  	lr =	sadd.s32 s0, s3;
	s0 =	sld [smem:$0x3FA3]  }
0x30: {  	s3 =	sld [smem:$0x3FA6]  }
0x31: {  	[smem:$0x3FAF] =	sst s10  }
0x32: {  	s10 =	sld [smem:$0x3FAD];
	_ =	sdelay $0x3  }
0x33: {  	p0 =	seq.s32 s10, $0x1;
	s10 =	sld [smem:$0x3FAF];
	_ =	sdelay $0x3  }
0x34: {  	[smem:$0x3FAF] =	sst s10  }
0x35: {  	s10 =	sld [smem:$0x3FAE];
	_ =	sdelay $0x3  }
0x36: {  	p1 =	seq.s32 s10, $0x1;
	s10 =	sld [smem:$0x3FAF];
	_ =	sdelay $0x3  }
0x37: {  	[smem:$0x3FAF] =	sst s10  }
0x38: {  	s10 =	sld [smem:$0x3FB0]  }
0x39: {  	_ = 	snop;
	(pc) =	sbr.ind lr, $3  }
0x3a: {  	_ = 	snop  }
0x3b: {  	_ = 	snop  }
0x3c: {  	p2 =	seq.s32 s10, $0x1;
	s10 =	sld [smem:$0x3FAF]  }
0x3d: {  	_ =	shalt  }
0x3e: {  	_ =	shalt  }
0x3f: {  	_ =	shalt  }
0x40: {  	_ =	shalt  }
0x41: {  	_ =	shalt  }
0x42: {  	_ =	shalt  }
0x43: {  	_ =	shalt  }
0x44: {  	_ =	shalt  }
0x45: {  	_ =	shalt  }
0x46: {  	_ =	shalt  }
0x47: {  	_ =	shalt  }
0x48: {  	_ =	shalt  }
0x49: {  	_ =	shalt  }
0x4a: {  	_ =	shalt  }
0x4b: {  	_ =	shalt  }
0x4c: {  	_ =	shalt  }
0x4d: {  	_ =	shalt  }
0x4e: {  	_ =	shalt  }
0x4f: {  	_ =	shalt  }
0x50: {  	_ =	shalt  }
0x51: {  	_ =	shalt  }
0x52: {  	_ =	shalt  }
0x53: {  	_ =	shalt  }
0x54: {  	_ =	shalt  }
0x55: {  	_ =	shalt  }
0x56: {  	_ =	shalt  }
0x57: {  	_ =	shalt  }
0x58: {  	_ =	shalt  }
0x59: {  	_ =	shalt  }
0x5a: {  	_ =	shalt  }
0x5b: {  	_ =	shalt  }
0x5c: {  	_ =	shalt  }
0x5d: {  	_ =	shalt  }
0x5e: {  	_ =	shalt  }
0x5f: {  	_ =	shalt  }
0x60: {  	_ =	shalt  }
0x61: {  	_ =	shalt  }
0x62: {  	_ =	shalt  }
0x63: {  	_ =	shalt  }
0x64: {  	_ =	shalt  }
0x65: {  	_ =	shalt  }
0x66: {  	_ =	shalt  }
0x67: {  	_ =	shalt  }
0x68: {  	_ =	shalt  }
0x69: {  	_ =	shalt  }
0x6a: {  	_ =	shalt  }
0x6b: {  	_ =	shalt  }
0x6c: {  	_ =	shalt  }
0x6d: {  	_ =	shalt  }
0x6e: {  	_ =	shalt  }
0x6f: {  	_ =	shalt  }
0x70: {  	_ =	shalt  }
0x71: {  	_ =	shalt  }
0x72: {  	_ =	shalt  }
0x73: {  	_ =	shalt  }
0x74: {  	_ =	shalt  }
0x75: {  	_ =	shalt  }
0x76: {  	_ =	shalt  }
0x77: {  	_ =	shalt  }
0x78: {  	_ =	shalt  }
0x79: {  	_ =	shalt  }
0x7a: {  	_ =	shalt  }
0x7b: {  	_ =	shalt  }
0x7c: {  	_ =	shalt  }
0x7d: {  	_ =	shalt  }
0x7e: {  	_ =	shalt  }
0x7f: {  	_ =	shalt  }
0x80: {  	_ =	shalt  }
0x81: {  	_ =	shalt  }
0x82: {  	_ =	shalt  }
0x83: {  	_ =	shalt  }
0x84: {  	_ =	shalt  }
0x85: {  	_ =	shalt  }
0x86: {  	_ =	shalt  }
0x87: {  	_ =	shalt  }
.Lfunc_end0:
.L_simem_size_0:
called_computation.5_lowered:
.L_overlay_start_0:
0x88: {  	s2 =	sld [smem:$0x3FD9]  }
0x89: {  	s3 =	sld [smem:$0x3FFE];
	_ =	sdelay $0x1  }
0x8a: {  	s1 =	srdreg.scid  }
0x8b: {  	s0 =	sand.u32 $0x1, s1  }
0x8c: {  	s17 =	sshll.u32 s0, $0xA;
	s2 =	sadd.s32 s3, s2  }
0x8d: {  	s2 =	sadd.s32 s2, s17  }
0x8e: {  	[smem:$0x3FBB] =	sst s2  }
0x8f: {  	_ = 	snop  }
0x90: {  	(tm) =	ssettm $0x1  }
0x91: {  	s18 =	sld [smem:$0x3FFB];
	_ =	sdelay $0x3  }
0x92: {  	_ =	strace s18  }
0x93: {  	s2 =	sld [smem:$0x3FFC];
	_ =	sdelay $0x3  }
0x94: {  	_ =	strace s2  }
0x95: {  	s2 =	sld [smem:$0x3FFD];
	_ =	sdelay $0x3  }
0x96: {  	_ =	strace s2  }
0x97: {  	_ =	strace $0x8FFFFFFF  }
0x98: {  	s19 =	sld [smem:$0x3FDB];
	_ =	sdelay $0x1  }
0x99: {  	s20 =	simm.s32 $_scs_section_size  }
0x9a: {  	s4 =	simm.s32 $_size__tile_overlayer_lowered;
	s5 =	simm.s32 $_tile_overlayer_lowered  }
0x9b: {  	s6 =	simm.s32 $0x1BFF;
	s21 =	sshll.u32 s5, $0x1;
	s3 =	sadd.s32 s20, s19  }
0x9c: {  	s22 =	simm.s32 $0x0;
	s4 =	sshll.u32 s4, $0x1;
	s5 =	sadd.s32 s21, s3  }
0x9d: {  	[timem:s22], [sflag:s6] =	dma.local [hbm:s5], s4  }
0x9e: {  	_ =	swait.ge [sflag:s6], s4  }
0x9f: {  	s4 =	ssub.s32 $0x0, s4;
	[sflag:s6] =	ssyncset.done $0x0  }
0xa0: {  	[sflag:s6] =	ssyncadd.s32 s4;
	_ =	sdelay $0x1  }
0xa1: {  	s23 =	simm.s32 $0x1B8B  }
0xa2: {  	_ =	swait.ge [sflag:s23], $0x1  }
0xa3: {  	[sflag:s23] =	ssyncset.done $0x0  }
0xa4: {  	[sflag:s23] =	ssyncadd.s32 $0xFFFFFFFF  }
0xa5: {  	s4 =	sld [smem:$0x0]  }
0xa6: {  	s5 =	sand.u32 $0xFFFFFFFE, s1  }
0xa7: {  	p0 =	sne.s32 s1, s5  }
0xa8: {  	s5 =	sshll.u32 @p0 s5, $0xE  }
0xa9: {  	s5 =	sadd.s32 @p0 $0x11B8D, s5;
	s6 =	sshll.u32 @p0 s4, $0x11  }
0xaa: {  	s5 =	sor.u32 @p0 s6, s5  }
0xab: {  	[sflag:s5] =	ssyncadd.remote.s32 @p0 $0x1;
	_ =	sdelay $0x1  }
0xac: {  	s5 =	simm.s32 @p0 $0x1B8D  }
0xad: {  	_ =	swait.eq @p0 [sflag:s5], $0x1  }
0xae: {  	[sflag:s5] =	ssyncadd.s32 @p0 $0xFFFFFFFF  }
0xaf: {  	s6 =	sshll.u32 @!p0 s1, $0xE  }
0xb0: {  	s6 =	sor.u32 @!p0 $0x4000, s6;
	s5 =	simm.s32 @!p0 $0x1B8D  }
0xb1: {  	s4 =	sshll.u32 @!p0 s4, $0x11;
	s6 =	sadd.s32 @!p0 $0x11B8D, s6;
	_ =	swait.eq @!p0 [sflag:s5], $0x1  }
0xb2: {  	s4 =	sor.u32 @!p0 s4, s6;
	[sflag:s5] =	ssyncadd.s32 @!p0 $0xFFFFFFFF  }
0xb3: {  	s25 =	simm.s32 $0x1B8E;
	s24 =	sld [smem:$0x3FFE];
	[sflag:s4] =	ssyncadd.remote.s32 @!p0 $0x1  }
0xb4: {  	s26 =	simm.s32 $execute0_lowered;
	[smem:$0x3FD2] =	sst s25  }
0xb5: {  	s5 =	sshll.u32 s26, $0x1;
	_ =	strace $0x80000052;
	[dreg:$0x1] =	wrdreg $0xFFFFFFFF  }
0xb6: {  	s28 =	simm.s32 $_size_execute0_lowered;
	s3 =	sadd.s32 s3, s5;
	[dreg:$0x0] =	wrdreg $0x0  }
0xb7: {  	s5 =	sshll.u32 s28, $0x1;
	[dreg:$0x2] =	wrdreg s3  }
0xb8: {  	[dreg:$0x3] =	wrdreg s5  }
0xb9: {  	[dreg:$0x4] =	wrdreg $0xC0  }
0xba: {  	_ =	task [dreg:s22], $0x5FFFF  }
0xbb: {  	[dreg:$0x1] =	wrdreg $0xFFFFFFFF  }
0xbc: {  	[dreg:$0x0] =	wrdreg $0x60  }
0xbd: {  	[dreg:$0x2] =	wrdreg s24  }
0xbe: {  	[dreg:$0x3] =	wrdreg $0x84000  }
0xbf: {  	[dreg:$0x4] =	wrdreg $0xA  }
0xc0: {  	_ =	task.clear_ibuf [dreg:s22], $0x5FFFF;
	_ =	strace $0x90000052  }
0xc1: {  	s29 =	simm.s32 $0xA;
	_ =	strace $0x80000054  }
0xc2: {  	_ =	swait.ge [sflag:s29], $0x1  }
0xc3: {  	[sflag:s29] =	ssyncadd.s32 $0xFFFFFFFF  }
0xc4: {  	_ =	strace $0x90000054  }
0xc5: {  	_ =	sfence  }
0xc6: {  	s30 =	sld [smem:$0x0];
	_ =	sdelay $0x2  }
0xc7: {  	s31 =	sshll.u32 s1, $0xD;
	s1 =	sshrl.u32 s1, $0x2  }
0xc8: {  	s4 =	sand.u32 $0x4000, s31;
	s1 =	sadd.s32 s1, s30  }
0xc9: {  	s0 =	sor.u32 s4, s0;
	s1 =	sshll.u32 s1, $0x11  }
0xca: {  	s0 =	sor.u32 s1, s0  }
0xcb: {  	s0 =	sadd.s32 $0x8F2B, s0  }
0xcc: {  	[sflag:s0] =	ssyncadd.remote.s32 $0x1  }
0xcd: {  	_ =	sfence.sel $0xFFFF  }
0xce: {  	[dreg:$0x0] =	wrdreg $0xFFFFFFFF;
	(pc) =	sbr.abs _section_cstart, $3  }
0xcf: {  	[dreg:$0x1] =	wrdreg $0xFFFFFFFF  }
0xd0: {  	_ =	task.clear_ibuf [dreg:s22], $0x2FFFF;
	_ =	strace $0x9FFFFFFF  }
0xd1: {  	(tm) =	ssettm $0x7FFFFFFF  }
tec
execute0_lowered:
.L_overlay_start_1:
0x0: {  	(tag) =	ssettag $0x1  }
0x1: {  	s6 =	rddreg [dreg:$0x0]  }
0x2: {  	s2 =	rddreg [dreg:$0x1]  }
0x3: {  	s0 =	rddreg [dreg:$0x2];
	s3 =	simm.s32 $0x0  }
0x4: {  	s1 =	stileid.u32;
	s7 =	srdreg.scid;
	s13 =	simm.s32 $0x2C00  }
0x5: {  	s14 =	simm.s32 $0x80;
	s15 =	simm.s32 $0x1;
	[smem:$0x7FF] =	sst s3  }
0x6: {  	s5 =	smul.u32 $0x580, s1;
	s4 =	sadd.s32 $0xB37800, s6;
	s12 =	sand.u32 $0x1, s7  }
0x7: {  	_ =	strace $0x80000053;
	s7 =	ssub.s32 $0x2, s12;
	s9 =	sor.u32 s1, s12  }
.Ltmp0:
0x8: {  	p1 =	sne.s32 s12, $0x0;
	s12 =	simm.s32 $0x2;
	(pc) =	sbr.rel .LBB2_1-.Ltmp0, $4  }
0x9: {  	s8 =	sadd.s32 s5, s6;
	s5 =	sadd.s32 $0xB37C00, s6;
	s10 =	sshrl.u32 s7, $0x1  }
0xa: {  	s6 =	sadd.s32 $0xB31E00, s6;
	p0 =	sne.s32 s9, $0x0;
	s31 =	ssub.s32 s7, s10  }
0xb: {  	s7 =	sadd.s32 $0x19400, s8;
	s10 =	sshll.u32 @!p0 s1, $0x6;
	s8 =	sadd.s32 $0x1EC00, s8  }
0xc: {  	s11 =	sshrl.u32 @!p0 s2, $0x3;
	s9 =	smax.u32 s31, $0x1;
	s10 =	sor.u32 @!p0 $0x1C02, s10  }
.LBB2_4:
0xd: {  	s18 =	sadd.s32 $0x5800, s17;
	[sflag:s12] =	ssyncadd.s32 $0xFFFFFF80  }
0xe: {  	[tilespmem:s18], [sflag:$0x1] =	stream.indirect.gather [hbm4b:s4+s14], $0x1, s17, s14, $0xb8;
	[tilespmem:$0x8550] =	vst v63  }
0xf: {  	_ =	swait.ge [sflag:s15], $0x80  }
0x10: {  	[sflag:s15] =	ssyncset.done $0x0  }
0x11: {  	s31 =	sadd.s32 $0x2C00, s17;
	[sflag:s15] =	ssyncadd.s32 $0xFFFFFF80  }
0x12: {  	[spmem:s2] =	stream.indirect.scatter.add.f32 [tilespmem:s31], [sflag:$0x2], $0x1, s18, s14, $0xb8;
	[tilespmem:$0x8550] =	vst v63  }
0x13: {  	_ =	swait.ge [sflag:s12], $0x80  }
0x14: {  	[sflag:s12] =	ssyncset.done $0x0  }
0x15: {  	[sflag:s12] =	ssyncadd.s32 $0xFFFFFF80  }
.LBB2_5:
0x16: {  	s3 =	sadd.s32 $0x1, s3  }
0x17: {  	p2 =	sne.s32 s3, s9  }
.Ltmp1:
0x18: {  	[bflag:$0x0] =	sbarrier.arrive $0xFFFF;
	(pc) =	sbr.rel @!p2 .LBB2_6-.Ltmp1, $4  }
0x19: {  	[hbm:s6], [sflag:s10] =	dma.local @!p0 [spmem:s11], $0x2A0  }
0x1a: {  	_ =	swait.ge @!p0 [sflag:s16], $0x2A0  }
0x1b: {  	[sflag:s16] =	ssyncset.done @!p0 $0x0  }
0x1c: {  	[sflag:s16] =	ssyncadd.s32 @!p0 $0xFFFFFD60  }
.LBB2_1:
0x1d: {  	[spmem:s11], [sflag:s10] =	dma.local @!p0 [hbm:s5], $0x2A0  }
0x1e: {  	s16 =	simm.s32 @!p0 $0x2  }
.Ltmp2:
0x1f: {  	_ =	swait.ge @!p0 [sflag:s16], $0x2A0;
	(pc) =	sbr.rel @p1 .LBB2_5-.Ltmp2, $3  }
0x20: {  	[sflag:s16] =	ssyncset.done @!p0 $0x0  }
0x21: {  	[sflag:s16] =	ssyncadd.s32 @!p0 $0xFFFFFD60  }
0x22: {  	[bflag:$0x0] =	sbarrier.arrive $0xFFFF;
	_ =	sdelay $0x1  }
0x23: {  	s17 =	simm.s32 $0x0  }
0x24: {  	[tilespmem:s17], [sflag:$0x2] =	stream.linear.gather [hbm4b:s7+s17], $0x2C00, $0x38;
	[tilespmem:$0x8550] =	vst v63  }
0x25: {  	_ =	swait.ge [sflag:s12], $0x2C00  }
0x26: {  	[sflag:s12] =	ssyncset.done $0x0  }
0x27: {  	[sflag:s12] =	ssyncadd.s32 $0xFFFFD400  }
0x28: {  	[tilespmem:s13], [sflag:$0x2] =	stream.linear.gather [hbm4b:s8+s17], $0x2C00, $0x38;
	[tilespmem:$0x8550] =	vst v63  }
0x29: {  	_ =	swait.ge [sflag:s12], $0x2C00  }
0x2a: {  	[sflag:s12] =	ssyncset.done $0x0  }
0x2b: {  	s30 =	simm.s32 $0x0;
	s18 =	simm.s32 $0x5800;
	[sflag:s12] =	ssyncadd.s32 $0xFFFFD400  }
0x2c: {  	[tilespmem:s18], [sflag:$0x1] =	stream.indirect.gather [hbm4b:s4+s14], $0x1, s30, s14, $0xb8;
	[tilespmem:$0x8550] =	vst v63  }
0x2d: {  	_ =	swait.ge [sflag:s15], $0x80  }
0x2e: {  	[sflag:s15] =	ssyncset.done $0x0  }
0x2f: {  	s31 =	simm.s32 $0x2C00;
	[sflag:s15] =	ssyncadd.s32 $0xFFFFFF80  }
0x30: {  	[spmem:s2] =	stream.indirect.scatter.add.f32 [tilespmem:s31], [sflag:$0x2], $0x1, s18, s14, $0xb8;
	[tilespmem:$0x8550] =	vst v63  }
0x31: {  	_ =	swait.ge [sflag:s12], $0x80  }
0x32: {  	s17 =	simm.s32 $0x80;
	s18 =	simm.s32 $0x400;
	[sflag:s12] =	ssyncset.done $0x0  }
.LBB2_3:
0x33: {  	s19 =	sadd.s32 $0x5800, s17  }
0x34: {  	[sflag:s12] =	ssyncadd.s32 $0xFFFFFF80;
	s20 =	smov.u32 s18;
	s21 =	sadd.s32 $0x200, s18  }
0x35: {  	[tilespmem:s19], [sflag:$0x1] =	stream.indirect.gather [hbm4b:s4+s14], $0x1, s17, s14, $0xb8;
	[tilespmem:$0x8550] =	vst v63  }
0x36: {  	p2 =	sne.s32 s18, $0xAE00;
	_ =	swait.ge [sflag:s15], $0x80  }
.Ltmp3:
0x37: {  	[sflag:s15] =	ssyncset.done $0x0;
	(pc) =	sbr.rel @p2 .LBB2_3-.Ltmp3, $4  }
0x38: {  	s17 =	sadd.s32 $0x2C00, s17;
	[sflag:s15] =	ssyncadd.s32 $0xFFFFFF80  }
0x39: {  	[spmem:s2] =	stream.indirect.scatter.add.f32 [tilespmem:s17], [sflag:$0x2], $0x1, s19, s14, $0xb8;
	[tilespmem:$0x8550] =	vst v63  }
0x3a: {  	_ =	swait.ge [sflag:s12], $0x80  }
0x3b: {  	s18 =	smov.u32 s21;
	s17 =	sshra.s32 s20, $0x2;
	[sflag:s12] =	ssyncset.done $0x0  }
.Ltmp4:
0x3c: {  	_ = 	snop;
	(pc) =	sbr.rel .LBB2_4-.Ltmp4, $1  }
0x3d: {  	_ =	sdelay $0x3  }
.LBB2_6:
0x3e: {  	_ =	sfence.sel $0x180000  }
0x3f: {  	[bflag:$0x0] =	sbarrier.arrive $0xFFFF  }
0x40: {  	p0 =	sne.s32 s1, $0x0;
	_ =	strace $0x90000053  }
0x41: {  	s0 =	sadd.s32 @!p0 $0x100000, s0;
	[bflag:$0x2] =	sbarrier.arrive $0xFFFF  }
0x42: {  	[sflag:s0] =	ssyncadd.tile.s32 @!p0 $0x1;
	_ =	shalt  }
.Lfunc_end2:
_tile_overlayer_lowered:
.L_overlay_start_2:
0x43: {  	(tag) =	ssettag $0x2  }
0x44: {  	s0 =	rddreg [dreg:$0x0];
	s2 =	stileid.u32  }
0x45: {  	s1 =	rddreg [dreg:$0x1];
	p0 =	sne.s32 s2, $0x0  }
0x46: {  	s3 =	rddreg [dreg:$0x2];
	[bflag:$0x3] =	sbarrier.arrive $0xFFFF;
	s2 =	simm.s32 @!p0 $0x1C02  }
0x47: {  	[timem:s3], [sflag:s2] =	dma.local @!p0 [hbm:s0], s1  }
0x48: {  	s0 =	simm.s32 @!p0 $0x2  }
0x49: {  	_ =	swait.ge @!p0 [sflag:s0], s1  }
0x4a: {  	s1 =	ssub.s32 @!p0 $0x0, s1;
	[sflag:s0] =	ssyncset.done @!p0 $0x0  }
0x4b: {  	[sflag:s0] =	ssyncadd.s32 @!p0 s1  }
0x4c: {  	[bflag:$0x3] =	sbarrier.arrive $0xFFFF  }
0x4d: {  	_ =	shalt  }

// kernel: kernel.38.cloned.1.call-start
scs
__scs_entry_jumppad:
0x0: {  	(pc) =	sbr.rel $0x88, $3  }
0x1: {  	(tag) =	ssettag $0x0;
	lr =	simm.s32 $0x1  }
0x2: {  	[smem:$0x3F94] =	sst lr;
	_ =	strace $0xD0000000  }
0x3: {  	_ = 	snop  }
0x4: {  	_ = 	snop  }
0x5: {  	_ = 	snop  }
0x6: {  	_ = 	snop  }
0x7: {  	_ = 	snop  }
__scs_overlays_trampoline_lowered:
0x8: {  	[smem:$0x3FA3] =	sst s0  }
0x9: {  	[smem:$0x3FA4] =	sst s1  }
0xa: {  	[smem:$0x3FA5] =	sst s2  }
0xb: {  	[smem:$0x3FA6] =	sst s3  }
0xc: {  	[smem:$0x3FA7] =	sst s4  }
0xd: {  	[smem:$0x3FA8] =	sst s5  }
0xe: {  	[smem:$0x3FA9] =	sst s6  }
0xf: {  	[smem:$0x3FAA] =	sst s7  }
0x10: {  	[smem:$0x3FAB] =	sst s8  }
0x11: {  	[smem:$0x3FAC] =	sst s9;
	s0 =	simm.s32 @!p0 $0x0  }
0x12: {  	s1 =	sld [smem:$0x3F92];
	s0 =	simm.s32 @p0 $0x1  }
0x13: {  	[smem:$0x3FAD] =	sst s0;
	s0 =	simm.s32 @!p1 $0x0  }
0x14: {  	s2 =	sld [smem:$0x3F91];
	s0 =	simm.s32 @p1 $0x1  }
0x15: {  	[smem:$0x3FAE] =	sst s0;
	s0 =	simm.s32 @!p2 $0x0  }
0x16: {  	s3 =	sld [smem:$0x3FDB];
	s0 =	simm.s32 @p2 $0x1  }
0x17: {  	s4 =	simm.s32 $0x1BF5;
	[smem:$0x3FB0] =	sst s0  }
0x18: {  	s0 =	sld [smem:$0x3F93];
	_ =	swait.ge [sflag:s4], $0x0  }
0x19: {  	s7 =	sld [smem:$0x3F94]  }
0x1a: {  	s8 =	sadd.s32 $0xFFFFE003, lr  }
0x1b: {  	s9 =	sadd.s32 $0xFFFFFEF7, lr;
	s5 =	simm.s32 $0xFFFFFFFF;
	p2 =	slt.u32 s8, $0xFFFFF086  }
0x1c: {  	p1 =	slt.u32 s9, $0xF7A;
	s5 =	simm.s32 @!p2 $0x0  }
0x1d: {  	s5 =	simm.s32 @p1 $0x1;
	p0 =	seq.s32 s7, s2  }
0x1e: {  	s7 =	smul.u32 @!p0 $0xF7A, s2;
	p2 =	seq.s32 @!p0 s5, $0x0  }
0x1f: {  	s9 =	smul.u32 $0xF7A, s1;
	s8 =	simm.s32 @!p0 $0x1BF5;
	p2 =	por !p2, p0  }
0x20: {  	[sflag:s8] =	ssyncset.s32 @!p0 $0xFFFFF086;
	s6 =	sadd.s32 @!p0 s3, s7;
	s7 =	simm.s32 @!p0 $0x108  }
0x21: {  	s3 =	sadd.s32 s3, s9;
	s6 =	sadd.s32 @!p0 $0x88, s6;
	s7 =	simm.s32 @p2 $0x1082  }
0x22: {  	[simem:s7], [sflag:s8] =	dma.local @!p0 [hbm:s6], $0xF7A  }
0x23: {  	s9 =	sor.u32 $0xD0000000, s2;
	s6 =	simm.s32 $0x108;
	_ =	swait.ge @!p0 [sflag:s8], $0x0  }
0x24: {  	s3 =	sadd.s32 $0x88, s3;
	s6 =	simm.s32 @!p1 $0x1082;
	[sflag:s4] =	ssyncset.s32 $0xFFFFF086  }
0x25: {  	[simem:s6], [sflag:s4] =	dma.local [hbm:s3], $0xF7A  }
0x26: {  	[smem:$0x3F94] =	sst s1;
	(tag) =	ssettag s2;
	_ =	strace s9  }
0x27: {  	s1 =	sld [smem:$0x3FA4]  }
0x28: {  	s2 =	sld [smem:$0x3FA5]  }
0x29: {  	s4 =	sld [smem:$0x3FA7]  }
0x2a: {  	p0 =	seq.s32 s5, $0x0;
	s5 =	sld [smem:$0x3FA8]  }
0x2b: {  	s6 =	sld [smem:$0x3FA9]  }
0x2c: {  	s7 =	sld [smem:$0x3FAA]  }
0x2d: {  	s3 =	simm.s32 $0x108;
	s8 =	sld [smem:$0x3FAB]  }
0x2e: {  	s3 =	simm.s32 @!p0 $0x1082;
	s9 =	sld [smem:$0x3FAC]  }
0x2f: {  	lr =	sadd.s32 s0, s3;
	s0 =	sld [smem:$0x3FA3]  }
0x30: {  	s3 =	sld [smem:$0x3FA6]  }
0x31: {  	[smem:$0x3FAF] =	sst s10  }
0x32: {  	s10 =	sld [smem:$0x3FAD];
	_ =	sdelay $0x3  }
0x33: {  	p0 =	seq.s32 s10, $0x1;
	s10 =	sld [smem:$0x3FAF];
	_ =	sdelay $0x3  }
0x34: {  	[smem:$0x3FAF] =	sst s10  }
0x35: {  	s10 =	sld [smem:$0x3FAE];
	_ =	sdelay $0x3  }
0x36: {  	p1 =	seq.s32 s10, $0x1;
	s10 =	sld [smem:$0x3FAF];
	_ =	sdelay $0x3  }
0x37: {  	[smem:$0x3FAF] =	sst s10  }
0x38: {  	s10 =	sld [smem:$0x3FB0]  }
0x39: {  	_ = 	snop;
	(pc) =	sbr.ind lr, $3  }
0x3a: {  	_ = 	snop  }
0x3b: {  	_ = 	snop  }
0x3c: {  	p2 =	seq.s32 s10, $0x1;
	s10 =	sld [smem:$0x3FAF]  }
0x3d: {  	_ =	shalt  }
0x3e: {  	_ =	shalt  }
0x3f: {  	_ =	shalt  }
0x40: {  	_ =	shalt  }
0x41: {  	_ =	shalt  }
0x42: {  	_ =	shalt  }
0x43: {  	_ =	shalt  }
0x44: {  	_ =	shalt  }
0x45: {  	_ =	shalt  }
0x46: {  	_ =	shalt  }
0x47: {  	_ =	shalt  }
0x48: {  	_ =	shalt  }
0x49: {  	_ =	shalt  }
0x4a: {  	_ =	shalt  }
0x4b: {  	_ =	shalt  }
0x4c: {  	_ =	shalt  }
0x4d: {  	_ =	shalt  }
0x4e: {  	_ =	shalt  }
0x4f: {  	_ =	shalt  }
0x50: {  	_ =	shalt  }
0x51: {  	_ =	shalt  }
0x52: {  	_ =	shalt  }
0x53: {  	_ =	shalt  }
0x54: {  	_ =	shalt  }
0x55: {  	_ =	shalt  }
0x56: {  	_ =	shalt  }
0x57: {  	_ =	shalt  }
0x58: {  	_ =	shalt  }
0x59: {  	_ =	shalt  }
0x5a: {  	_ =	shalt  }
0x5b: {  	_ =	shalt  }
0x5c: {  	_ =	shalt  }
0x5d: {  	_ =	shalt  }
0x5e: {  	_ =	shalt  }
0x5f: {  	_ =	shalt  }
0x60: {  	_ =	shalt  }
0x61: {  	_ =	shalt  }
0x62: {  	_ =	shalt  }
0x63: {  	_ =	shalt  }
0x64: {  	_ =	shalt  }
0x65: {  	_ =	shalt  }
0x66: {  	_ =	shalt  }
0x67: {  	_ =	shalt  }
0x68: {  	_ =	shalt  }
0x69: {  	_ =	shalt  }
0x6a: {  	_ =	shalt  }
0x6b: {  	_ =	shalt  }
0x6c: {  	_ =	shalt  }
0x6d: {  	_ =	shalt  }
0x6e: {  	_ =	shalt  }
0x6f: {  	_ =	shalt  }
0x70: {  	_ =	shalt  }
0x71: {  	_ =	shalt  }
0x72: {  	_ =	shalt  }
0x73: {  	_ =	shalt  }
0x74: {  	_ =	shalt  }
0x75: {  	_ =	shalt  }
0x76: {  	_ =	shalt  }
0x77: {  	_ =	shalt  }
0x78: {  	_ =	shalt  }
0x79: {  	_ =	shalt  }
0x7a: {  	_ =	shalt  }
0x7b: {  	_ =	shalt  }
0x7c: {  	_ =	shalt  }
0x7d: {  	_ =	shalt  }
0x7e: {  	_ =	shalt  }
0x7f: {  	_ =	shalt  }
0x80: {  	_ =	shalt  }
0x81: {  	_ =	shalt  }
0x82: {  	_ =	shalt  }
0x83: {  	_ =	shalt  }
0x84: {  	_ =	shalt  }
0x85: {  	_ =	shalt  }
0x86: {  	_ =	shalt  }
0x87: {  	_ =	shalt  }
.Lfunc_end0:
.L_simem_size_0:
called_computation.6_lowered:
.L_overlay_start_0:
0x88: {  	s2 =	sld [smem:$0x3FD9]  }
0x89: {  	s3 =	sld [smem:$0x3FFE];
	_ =	sdelay $0x1  }
0x8a: {  	s1 =	srdreg.scid  }
0x8b: {  	s0 =	sand.u32 $0x1, s1  }
0x8c: {  	s15 =	sshll.u32 s0, $0xA;
	s2 =	sadd.s32 s3, s2  }
0x8d: {  	s2 =	sadd.s32 s2, s15  }
0x8e: {  	[smem:$0x3FBB] =	sst s2  }
0x8f: {  	_ = 	snop  }
0x90: {  	s2 =	sld [smem:$0x3FD0];
	_ =	sdelay $0x2  }
0x91: {  	s4 =	simm.s32 $0xB;
	s16 =	simm.s32 $0x10  }
0x92: {  	[smem:s16], [sflag:s4] =	dma.local [hbm:s2], $0x1  }
0x93: {  	_ =	swait.eq [sflag:s4], $0x1  }
0x94: {  	[sflag:s4] =	ssyncset.done $0x0  }
0x95: {  	s17 =	sld [smem:$0x10];
	[sflag:s4] =	ssyncadd.s32 $0xFFFFFFFF  }
0x96: {  	s18 =	sld [smem:$0x11];
	(tm) =	ssettm $0x1  }
0x97: {  	s19 =	sld [smem:$0x3FFB];
	_ =	sdelay $0x3  }
0x98: {  	_ =	strace s19  }
0x99: {  	s2 =	sld [smem:$0x3FFC];
	_ =	sdelay $0x3  }
0x9a: {  	_ =	strace s2  }
0x9b: {  	s2 =	sld [smem:$0x3FFD];
	_ =	sdelay $0x3  }
0x9c: {  	_ =	strace s2  }
0x9d: {  	_ =	strace $0x8FFFFFFF  }
0x9e: {  	s20 =	sld [smem:$0x3FDB];
	_ =	sdelay $0x1  }
0x9f: {  	s5 =	simm.s32 $_scs_section_size  }
0xa0: {  	s6 =	simm.s32 $_size__tile_overlayer_lowered;
	s7 =	simm.s32 $_tile_overlayer_lowered  }
0xa1: {  	s8 =	simm.s32 $0x1BFF;
	s21 =	sshll.u32 s7, $0x1;
	s5 =	sadd.s32 s5, s20  }
0xa2: {  	s22 =	simm.s32 $0x0;
	s6 =	sshll.u32 s6, $0x1;
	s7 =	sadd.s32 s21, s5  }
0xa3: {  	[timem:s22], [sflag:s8] =	dma.local [hbm:s7], s6  }
0xa4: {  	_ =	swait.ge [sflag:s8], s6  }
0xa5: {  	s6 =	ssub.s32 $0x0, s6;
	[sflag:s8] =	ssyncset.done $0x0  }
0xa6: {  	[sflag:s8] =	ssyncadd.s32 s6;
	_ =	sdelay $0x1  }
0xa7: {  	s23 =	simm.s32 $0x1B8B  }
0xa8: {  	_ =	swait.ge [sflag:s23], $0x1  }
0xa9: {  	[sflag:s23] =	ssyncset.done $0x0  }
0xaa: {  	[sflag:s23] =	ssyncadd.s32 $0xFFFFFFFF  }
0xab: {  	s6 =	sld [smem:$0x0]  }
0xac: {  	s7 =	sand.u32 $0xFFFFFFFE, s1  }
0xad: {  	p0 =	sne.s32 s1, s7  }
0xae: {  	s7 =	sshll.u32 @p0 s7, $0xE  }
0xaf: {  	s7 =	sadd.s32 @p0 $0x11B8D, s7;
	s8 =	sshll.u32 @p0 s6, $0x11  }
0xb0: {  	s7 =	sor.u32 @p0 s8, s7  }
0xb1: {  	[sflag:s7] =	ssyncadd.remote.s32 @p0 $0x1;
	_ =	sdelay $0x1  }
0xb2: {  	s7 =	simm.s32 @p0 $0x1B8D  }
0xb3: {  	_ =	swait.eq @p0 [sflag:s7], $0x1  }
0xb4: {  	[sflag:s7] =	ssyncadd.s32 @p0 $0xFFFFFFFF  }
0xb5: {  	s8 =	sshll.u32 @!p0 s1, $0xE  }
0xb6: {  	s8 =	sor.u32 @!p0 $0x4000, s8;
	s7 =	simm.s32 @!p0 $0x1B8D  }
0xb7: {  	s6 =	sshll.u32 @!p0 s6, $0x11;
	s8 =	sadd.s32 @!p0 $0x11B8D, s8;
	_ =	swait.eq @!p0 [sflag:s7], $0x1  }
0xb8: {  	s6 =	sor.u32 @!p0 s6, s8;
	[sflag:s7] =	ssyncadd.s32 @!p0 $0xFFFFFFFF  }
0xb9: {  	s25 =	simm.s32 $0x1B8E;
	s24 =	sld [smem:$0x3FFE];
	[sflag:s6] =	ssyncadd.remote.s32 @!p0 $0x1  }
0xba: {  	s26 =	simm.s32 $execute0_lowered;
	[smem:$0x3FD2] =	sst s25  }
0xbb: {  	s7 =	sshll.u32 s26, $0x1;
	_ =	strace $0x80000058;
	[dreg:$0x1] =	wrdreg $0xFFFFFFFF  }
0xbc: {  	s28 =	simm.s32 $_size_execute0_lowered;
	s5 =	sadd.s32 s5, s7;
	[dreg:$0x0] =	wrdreg $0x0  }
0xbd: {  	s7 =	sshll.u32 s28, $0x1;
	[dreg:$0x2] =	wrdreg s5  }
0xbe: {  	[dreg:$0x3] =	wrdreg s7  }
0xbf: {  	[dreg:$0x4] =	wrdreg $0xC0  }
0xc0: {  	_ =	task [dreg:s22], $0x5FFFF  }
0xc1: {  	[dreg:$0x1] =	wrdreg $0xFFFFFFFF  }
0xc2: {  	[dreg:$0x0] =	wrdreg $0x60  }
0xc3: {  	[dreg:$0x2] =	wrdreg s18  }
0xc4: {  	[dreg:$0x3] =	wrdreg s17  }
0xc5: {  	[dreg:$0x4] =	wrdreg s24  }
0xc6: {  	[dreg:$0x5] =	wrdreg $0x24000  }
0xc7: {  	[dreg:$0x6] =	wrdreg $0xA  }
0xc8: {  	_ =	task.clear_ibuf [dreg:s22], $0x7FFFF;
	_ =	strace $0x90000058  }
0xc9: {  	s29 =	simm.s32 $0xA;
	_ =	strace $0x8000005A  }
0xca: {  	_ =	swait.ge [sflag:s29], $0x1  }
0xcb: {  	[sflag:s29] =	ssyncadd.s32 $0xFFFFFFFF  }
0xcc: {  	_ =	strace $0x9000005A  }
0xcd: {  	_ =	sfence  }
0xce: {  	s30 =	sld [smem:$0x0];
	_ =	sdelay $0x2  }
0xcf: {  	s31 =	sshll.u32 s1, $0xD;
	s1 =	sshrl.u32 s1, $0x2  }
0xd0: {  	s4 =	sand.u32 $0x4000, s31;
	s1 =	sadd.s32 s1, s30  }
0xd1: {  	s0 =	sor.u32 s4, s0;
	s1 =	sshll.u32 s1, $0x11  }
0xd2: {  	s0 =	sor.u32 s1, s0  }
0xd3: {  	s0 =	sadd.s32 $0x8F2B, s0  }
0xd4: {  	[sflag:s0] =	ssyncadd.remote.s32 $0x1  }
0xd5: {  	_ =	sfence.sel $0xFFFF  }
0xd6: {  	[dreg:$0x0] =	wrdreg $0xFFFFFFFF;
	(pc) =	sbr.abs _section_cstart, $3  }
0xd7: {  	[dreg:$0x1] =	wrdreg $0xFFFFFFFF  }
0xd8: {  	_ =	task.clear_ibuf [dreg:s22], $0x2FFFF;
	_ =	strace $0x9FFFFFFF  }
0xd9: {  	(tm) =	ssettm $0x7FFFFFFF  }
tec
execute0_lowered:
.L_overlay_start_1:
0x0: {  	(tag) =	ssettag $0x1  }
0x1: {  	s2 =	rddreg [dreg:$0x0]  }
0x2: {  	s7 =	rddreg [dreg:$0x1]  }
0x3: {  	s6 =	rddreg [dreg:$0x2]  }
0x4: {  	s3 =	rddreg [dreg:$0x3];
	s1 =	stileid.u32  }
0x5: {  	s0 =	rddreg [dreg:$0x4];
	s4 =	simm.s32 $0x0;
	s5 =	srdreg.scid  }
0x6: {  	s14 =	simm.s32 $0x80;
	s15 =	simm.s32 $0x1;
	s8 =	smul.u32 $0x180, s1  }
0x7: {  	[smem:$0x7FF] =	sst s4;
	s12 =	sand.u32 $0x1, s5;
	s5 =	sadd.s32 $0xB31E00, s6  }
0x8: {  	_ =	strace $0x80000059;
	s10 =	ssub.s32 $0x2, s12;
	s11 =	sor.u32 s1, s12  }
.Ltmp0:
0x9: {  	p1 =	sne.s32 s12, $0x0;
	s12 =	simm.s32 $0x2;
	(pc) =	sbr.rel .LBB2_1-.Ltmp0, $4  }
0xa: {  	s9 =	sadd.s32 s8, s6;
	s6 =	sadd.s32 $0xB32200, s6;
	s13 =	sshrl.u32 s10, $0x1  }
0xb: {  	p0 =	sne.s32 s11, $0x0;
	s7 =	sadd.s32 s7, s8;
	s10 =	ssub.s32 s10, s13  }
0xc: {  	s11 =	sshll.u32 @!p0 s1, $0x6;
	s8 =	sadd.s32 $0xB33800, s9;
	s13 =	simm.s32 $0xC00  }
0xd: {  	s9 =	smax.u32 s10, $0x1;
	s10 =	sor.u32 @!p0 $0x1C02, s11;
	s11 =	sshrl.u32 @!p0 s3, $0x3  }
.LBB2_4:
0xe: {  	s18 =	sadd.s32 $0x1800, s17;
	[sflag:s12] =	ssyncadd.s32 $0xFFFFFF80  }
0xf: {  	[tilespmem:s18], [sflag:$0x1] =	stream.indirect.gather [hbm4b:s2+s14], $0x1, s17, s14, $0xb8;
	[tilespmem:$0x2550] =	vst v63  }
0x10: {  	_ =	swait.ge [sflag:s15], $0x80  }
0x11: {  	[sflag:s15] =	ssyncset.done $0x0  }
0x12: {  	s31 =	sadd.s32 $0xC00, s17;
	[sflag:s15] =	ssyncadd.s32 $0xFFFFFF80  }
0x13: {  	[spmem:s3] =	stream.indirect.scatter.add.f32 [tilespmem:s31], [sflag:$0x2], $0x1, s18, s14, $0xb8;
	[tilespmem:$0x2550] =	vst v63  }
0x14: {  	_ =	swait.ge [sflag:s12], $0x80  }
0x15: {  	[sflag:s12] =	ssyncset.done $0x0  }
0x16: {  	[sflag:s12] =	ssyncadd.s32 $0xFFFFFF80  }
.LBB2_5:
0x17: {  	s4 =	sadd.s32 $0x1, s4  }
0x18: {  	p2 =	sne.s32 s4, s9  }
.Ltmp1:
0x19: {  	[bflag:$0x0] =	sbarrier.arrive $0xFFFF;
	(pc) =	sbr.rel @!p2 .LBB2_6-.Ltmp1, $4  }
0x1a: {  	[hbm:s6], [sflag:s10] =	dma.local @!p0 [spmem:s11], $0x2A0  }
0x1b: {  	_ =	swait.ge @!p0 [sflag:s16], $0x2A0  }
0x1c: {  	[sflag:s16] =	ssyncset.done @!p0 $0x0  }
0x1d: {  	[sflag:s16] =	ssyncadd.s32 @!p0 $0xFFFFFD60  }
.LBB2_1:
0x1e: {  	[spmem:s11], [sflag:s10] =	dma.local @!p0 [hbm:s5], $0x2A0  }
0x1f: {  	s16 =	simm.s32 @!p0 $0x2  }
.Ltmp2:
0x20: {  	_ =	swait.ge @!p0 [sflag:s16], $0x2A0;
	(pc) =	sbr.rel @p1 .LBB2_5-.Ltmp2, $3  }
0x21: {  	[sflag:s16] =	ssyncset.done @!p0 $0x0  }
0x22: {  	[sflag:s16] =	ssyncadd.s32 @!p0 $0xFFFFFD60  }
0x23: {  	[bflag:$0x0] =	sbarrier.arrive $0xFFFF;
	_ =	sdelay $0x1  }
0x24: {  	s17 =	simm.s32 $0x0  }
0x25: {  	[tilespmem:s17], [sflag:$0x2] =	stream.linear.gather [hbm4b:s7+s17], $0xC00, $0x38;
	[tilespmem:$0x2550] =	vst v63  }
0x26: {  	_ =	swait.ge [sflag:s12], $0xC00  }
0x27: {  	[sflag:s12] =	ssyncset.done $0x0  }
0x28: {  	[sflag:s12] =	ssyncadd.s32 $0xFFFFF400  }
0x29: {  	[tilespmem:s13], [sflag:$0x2] =	stream.linear.gather [hbm4b:s8+s17], $0xC00, $0x38;
	[tilespmem:$0x2550] =	vst v63  }
0x2a: {  	_ =	swait.ge [sflag:s12], $0xC00  }
0x2b: {  	[sflag:s12] =	ssyncset.done $0x0  }
0x2c: {  	s30 =	simm.s32 $0x0;
	s18 =	simm.s32 $0x1800;
	[sflag:s12] =	ssyncadd.s32 $0xFFFFF400  }
0x2d: {  	[tilespmem:s18], [sflag:$0x1] =	stream.indirect.gather [hbm4b:s2+s14], $0x1, s30, s14, $0xb8;
	[tilespmem:$0x2550] =	vst v63  }
0x2e: {  	_ =	swait.ge [sflag:s15], $0x80  }
0x2f: {  	[sflag:s15] =	ssyncset.done $0x0  }
0x30: {  	s31 =	simm.s32 $0xC00;
	[sflag:s15] =	ssyncadd.s32 $0xFFFFFF80  }
0x31: {  	[spmem:s3] =	stream.indirect.scatter.add.f32 [tilespmem:s31], [sflag:$0x2], $0x1, s18, s14, $0xb8;
	[tilespmem:$0x2550] =	vst v63  }
0x32: {  	_ =	swait.ge [sflag:s12], $0x80  }
0x33: {  	s17 =	simm.s32 $0x80;
	s18 =	simm.s32 $0x400;
	[sflag:s12] =	ssyncset.done $0x0  }
.LBB2_3:
0x34: {  	s19 =	sadd.s32 $0x1800, s17  }
0x35: {  	[sflag:s12] =	ssyncadd.s32 $0xFFFFFF80;
	s20 =	smov.u32 s18;
	s21 =	sadd.s32 $0x200, s18  }
0x36: {  	[tilespmem:s19], [sflag:$0x1] =	stream.indirect.gather [hbm4b:s2+s14], $0x1, s17, s14, $0xb8;
	[tilespmem:$0x2550] =	vst v63  }
0x37: {  	p2 =	sne.s32 s18, $0x2E00;
	_ =	swait.ge [sflag:s15], $0x80  }
.Ltmp3:
0x38: {  	[sflag:s15] =	ssyncset.done $0x0;
	(pc) =	sbr.rel @p2 .LBB2_3-.Ltmp3, $4  }
0x39: {  	s17 =	sadd.s32 $0xC00, s17;
	[sflag:s15] =	ssyncadd.s32 $0xFFFFFF80  }
0x3a: {  	[spmem:s3] =	stream.indirect.scatter.add.f32 [tilespmem:s17], [sflag:$0x2], $0x1, s19, s14, $0xb8;
	[tilespmem:$0x2550] =	vst v63  }
0x3b: {  	_ =	swait.ge [sflag:s12], $0x80  }
0x3c: {  	s18 =	smov.u32 s21;
	s17 =	sshra.s32 s20, $0x2;
	[sflag:s12] =	ssyncset.done $0x0  }
.Ltmp4:
0x3d: {  	_ = 	snop;
	(pc) =	sbr.rel .LBB2_4-.Ltmp4, $1  }
0x3e: {  	_ =	sdelay $0x3  }
.LBB2_6:
0x3f: {  	_ =	sfence.sel $0x180000  }
0x40: {  	[bflag:$0x0] =	sbarrier.arrive $0xFFFF  }
0x41: {  	p0 =	sne.s32 s1, $0x0;
	_ =	strace $0x90000059  }
0x42: {  	s0 =	sadd.s32 @!p0 $0x100000, s0;
	[bflag:$0x2] =	sbarrier.arrive $0xFFFF  }
0x43: {  	[sflag:s0] =	ssyncadd.tile.s32 @!p0 $0x1;
	_ =	shalt  }
.Lfunc_end2:
_tile_overlayer_lowered:
.L_overlay_start_2:
0x44: {  	(tag) =	ssettag $0x2  }
0x45: {  	s0 =	rddreg [dreg:$0x0];
	s2 =	stileid.u32  }
0x46: {  	s1 =	rddreg [dreg:$0x1];
	p0 =	sne.s32 s2, $0x0  }
0x47: {  	s3 =	rddreg [dreg:$0x2];
	[bflag:$0x3] =	sbarrier.arrive $0xFFFF;
	s2 =	simm.s32 @!p0 $0x1C02  }
0x48: {  	[timem:s3], [sflag:s2] =	dma.local @!p0 [hbm:s0], s1  }
0x49: {  	s0 =	simm.s32 @!p0 $0x2  }
0x4a: {  	_ =	swait.ge @!p0 [sflag:s0], s1  }
0x4b: {  	s1 =	ssub.s32 @!p0 $0x0, s1;
	[sflag:s0] =	ssyncset.done @!p0 $0x0  }
0x4c: {  	[sflag:s0] =	ssyncadd.s32 @!p0 s1  }
0x4d: {  	[bflag:$0x3] =	sbarrier.arrive $0xFFFF  }
0x4e: {  	_ =	shalt  }

// kernel: kernel.41.cloned.1.call-start
scs
__scs_entry_jumppad:
0x0: {  	(pc) =	sbr.rel $0x88, $3  }
0x1: {  	(tag) =	ssettag $0x0;
	lr =	simm.s32 $0x1  }
0x2: {  	[smem:$0x3F94] =	sst lr;
	_ =	strace $0xD0000000  }
0x3: {  	_ = 	snop  }
0x4: {  	_ = 	snop  }
0x5: {  	_ = 	snop  }
0x6: {  	_ = 	snop  }
0x7: {  	_ = 	snop  }
__scs_overlays_trampoline_lowered:
0x8: {  	[smem:$0x3FA3] =	sst s0  }
0x9: {  	[smem:$0x3FA4] =	sst s1  }
0xa: {  	[smem:$0x3FA5] =	sst s2  }
0xb: {  	[smem:$0x3FA6] =	sst s3  }
0xc: {  	[smem:$0x3FA7] =	sst s4  }
0xd: {  	[smem:$0x3FA8] =	sst s5  }
0xe: {  	[smem:$0x3FA9] =	sst s6  }
0xf: {  	[smem:$0x3FAA] =	sst s7  }
0x10: {  	[smem:$0x3FAB] =	sst s8  }
0x11: {  	[smem:$0x3FAC] =	sst s9;
	s0 =	simm.s32 @!p0 $0x0  }
0x12: {  	s1 =	sld [smem:$0x3F92];
	s0 =	simm.s32 @p0 $0x1  }
0x13: {  	[smem:$0x3FAD] =	sst s0;
	s0 =	simm.s32 @!p1 $0x0  }
0x14: {  	s2 =	sld [smem:$0x3F91];
	s0 =	simm.s32 @p1 $0x1  }
0x15: {  	[smem:$0x3FAE] =	sst s0;
	s0 =	simm.s32 @!p2 $0x0  }
0x16: {  	s3 =	sld [smem:$0x3FDB];
	s0 =	simm.s32 @p2 $0x1  }
0x17: {  	s4 =	simm.s32 $0x1BF5;
	[smem:$0x3FB0] =	sst s0  }
0x18: {  	s0 =	sld [smem:$0x3F93];
	_ =	swait.ge [sflag:s4], $0x0  }
0x19: {  	s7 =	sld [smem:$0x3F94]  }
0x1a: {  	s8 =	sadd.s32 $0xFFFFE003, lr  }
0x1b: {  	s9 =	sadd.s32 $0xFFFFFEF7, lr;
	s5 =	simm.s32 $0xFFFFFFFF;
	p2 =	slt.u32 s8, $0xFFFFF086  }
0x1c: {  	p1 =	slt.u32 s9, $0xF7A;
	s5 =	simm.s32 @!p2 $0x0  }
0x1d: {  	s5 =	simm.s32 @p1 $0x1;
	p0 =	seq.s32 s7, s2  }
0x1e: {  	s7 =	smul.u32 @!p0 $0xF7A, s2;
	p2 =	seq.s32 @!p0 s5, $0x0  }
0x1f: {  	s9 =	smul.u32 $0xF7A, s1;
	s8 =	simm.s32 @!p0 $0x1BF5;
	p2 =	por !p2, p0  }
0x20: {  	[sflag:s8] =	ssyncset.s32 @!p0 $0xFFFFF086;
	s6 =	sadd.s32 @!p0 s3, s7;
	s7 =	simm.s32 @!p0 $0x108  }
0x21: {  	s3 =	sadd.s32 s3, s9;
	s6 =	sadd.s32 @!p0 $0x88, s6;
	s7 =	simm.s32 @p2 $0x1082  }
0x22: {  	[simem:s7], [sflag:s8] =	dma.local @!p0 [hbm:s6], $0xF7A  }
0x23: {  	s9 =	sor.u32 $0xD0000000, s2;
	s6 =	simm.s32 $0x108;
	_ =	swait.ge @!p0 [sflag:s8], $0x0  }
0x24: {  	s3 =	sadd.s32 $0x88, s3;
	s6 =	simm.s32 @!p1 $0x1082;
	[sflag:s4] =	ssyncset.s32 $0xFFFFF086  }
0x25: {  	[simem:s6], [sflag:s4] =	dma.local [hbm:s3], $0xF7A  }
0x26: {  	[smem:$0x3F94] =	sst s1;
	(tag) =	ssettag s2;
	_ =	strace s9  }
0x27: {  	s1 =	sld [smem:$0x3FA4]  }
0x28: {  	s2 =	sld [smem:$0x3FA5]  }
0x29: {  	s4 =	sld [smem:$0x3FA7]  }
0x2a: {  	p0 =	seq.s32 s5, $0x0;
	s5 =	sld [smem:$0x3FA8]  }
0x2b: {  	s6 =	sld [smem:$0x3FA9]  }
0x2c: {  	s7 =	sld [smem:$0x3FAA]  }
0x2d: {  	s3 =	simm.s32 $0x108;
	s8 =	sld [smem:$0x3FAB]  }
0x2e: {  	s3 =	simm.s32 @!p0 $0x1082;
	s9 =	sld [smem:$0x3FAC]  }
0x2f: {  	lr =	sadd.s32 s0, s3;
	s0 =	sld [smem:$0x3FA3]  }
0x30: {  	s3 =	sld [smem:$0x3FA6]  }
0x31: {  	[smem:$0x3FAF] =	sst s10  }
0x32: {  	s10 =	sld [smem:$0x3FAD];
	_ =	sdelay $0x3  }
0x33: {  	p0 =	seq.s32 s10, $0x1;
	s10 =	sld [smem:$0x3FAF];
	_ =	sdelay $0x3  }
0x34: {  	[smem:$0x3FAF] =	sst s10  }
0x35: {  	s10 =	sld [smem:$0x3FAE];
	_ =	sdelay $0x3  }
0x36: {  	p1 =	seq.s32 s10, $0x1;
	s10 =	sld [smem:$0x3FAF];
	_ =	sdelay $0x3  }
0x37: {  	[smem:$0x3FAF] =	sst s10  }
0x38: {  	s10 =	sld [smem:$0x3FB0]  }
0x39: {  	_ = 	snop;
	(pc) =	sbr.ind lr, $3  }
0x3a: {  	_ = 	snop  }
0x3b: {  	_ = 	snop  }
0x3c: {  	p2 =	seq.s32 s10, $0x1;
	s10 =	sld [smem:$0x3FAF]  }
0x3d: {  	_ =	shalt  }
0x3e: {  	_ =	shalt  }
0x3f: {  	_ =	shalt  }
0x40: {  	_ =	shalt  }
0x41: {  	_ =	shalt  }
0x42: {  	_ =	shalt  }
0x43: {  	_ =	shalt  }
0x44: {  	_ =	shalt  }
0x45: {  	_ =	shalt  }
0x46: {  	_ =	shalt  }
0x47: {  	_ =	shalt  }
0x48: {  	_ =	shalt  }
0x49: {  	_ =	shalt  }
0x4a: {  	_ =	shalt  }
0x4b: {  	_ =	shalt  }
0x4c: {  	_ =	shalt  }
0x4d: {  	_ =	shalt  }
0x4e: {  	_ =	shalt  }
0x4f: {  	_ =	shalt  }
0x50: {  	_ =	shalt  }
0x51: {  	_ =	shalt  }
0x52: {  	_ =	shalt  }
0x53: {  	_ =	shalt  }
0x54: {  	_ =	shalt  }
0x55: {  	_ =	shalt  }
0x56: {  	_ =	shalt  }
0x57: {  	_ =	shalt  }
0x58: {  	_ =	shalt  }
0x59: {  	_ =	shalt  }
0x5a: {  	_ =	shalt  }
0x5b: {  	_ =	shalt  }
0x5c: {  	_ =	shalt  }
0x5d: {  	_ =	shalt  }
0x5e: {  	_ =	shalt  }
0x5f: {  	_ =	shalt  }
0x60: {  	_ =	shalt  }
0x61: {  	_ =	shalt  }
0x62: {  	_ =	shalt  }
0x63: {  	_ =	shalt  }
0x64: {  	_ =	shalt  }
0x65: {  	_ =	shalt  }
0x66: {  	_ =	shalt  }
0x67: {  	_ =	shalt  }
0x68: {  	_ =	shalt  }
0x69: {  	_ =	shalt  }
0x6a: {  	_ =	shalt  }
0x6b: {  	_ =	shalt  }
0x6c: {  	_ =	shalt  }
0x6d: {  	_ =	shalt  }
0x6e: {  	_ =	shalt  }
0x6f: {  	_ =	shalt  }
0x70: {  	_ =	shalt  }
0x71: {  	_ =	shalt  }
0x72: {  	_ =	shalt  }
0x73: {  	_ =	shalt  }
0x74: {  	_ =	shalt  }
0x75: {  	_ =	shalt  }
0x76: {  	_ =	shalt  }
0x77: {  	_ =	shalt  }
0x78: {  	_ =	shalt  }
0x79: {  	_ =	shalt  }
0x7a: {  	_ =	shalt  }
0x7b: {  	_ =	shalt  }
0x7c: {  	_ =	shalt  }
0x7d: {  	_ =	shalt  }
0x7e: {  	_ =	shalt  }
0x7f: {  	_ =	shalt  }
0x80: {  	_ =	shalt  }
0x81: {  	_ =	shalt  }
0x82: {  	_ =	shalt  }
0x83: {  	_ =	shalt  }
0x84: {  	_ =	shalt  }
0x85: {  	_ =	shalt  }
0x86: {  	_ =	shalt  }
0x87: {  	_ =	shalt  }
.Lfunc_end0:
.L_simem_size_0:
called_computation.7_lowered:
.L_overlay_start_0:
0x88: {  	s2 =	sld [smem:$0x3FD9]  }
0x89: {  	s3 =	sld [smem:$0x3FFE];
	_ =	sdelay $0x1  }
0x8a: {  	s1 =	srdreg.scid  }
0x8b: {  	s0 =	sand.u32 $0x1, s1  }
0x8c: {  	s16 =	sshll.u32 s0, $0xA;
	s2 =	sadd.s32 s3, s2  }
0x8d: {  	s2 =	sadd.s32 s2, s16  }
0x8e: {  	[smem:$0x3FBB] =	sst s2  }
0x8f: {  	_ = 	snop  }
0x90: {  	(tm) =	ssettm $0x1  }
0x91: {  	s17 =	sld [smem:$0x3FFB];
	_ =	sdelay $0x3  }
0x92: {  	_ =	strace s17  }
0x93: {  	s2 =	sld [smem:$0x3FFC];
	_ =	sdelay $0x3  }
0x94: {  	_ =	strace s2  }
0x95: {  	s2 =	sld [smem:$0x3FFD];
	_ =	sdelay $0x3  }
0x96: {  	_ =	strace s2  }
0x97: {  	_ =	strace $0x8FFFFFFF  }
0x98: {  	s18 =	sld [smem:$0x3FDB];
	_ =	sdelay $0x1  }
0x99: {  	s19 =	simm.s32 $_scs_section_size  }
0x9a: {  	s4 =	simm.s32 $_size__tile_overlayer_lowered;
	s5 =	simm.s32 $_tile_overlayer_lowered  }
0x9b: {  	s22 =	simm.s32 $0x1BFF;
	s21 =	sshll.u32 s5, $0x1;
	s2 =	sadd.s32 s19, s18  }
0x9c: {  	s6 =	simm.s32 $0x0;
	s20 =	sshll.u32 s4, $0x1;
	s4 =	sadd.s32 s21, s2  }
0x9d: {  	[timem:s6], [sflag:s22] =	dma.local [hbm:s4], s20  }
0x9e: {  	_ =	swait.ge [sflag:s22], s20  }
0x9f: {  	s3 =	ssub.s32 $0x0, s20;
	[sflag:s22] =	ssyncset.done $0x0  }
0xa0: {  	[sflag:s22] =	ssyncadd.s32 s3;
	_ =	sdelay $0x1  }
0xa1: {  	s23 =	simm.s32 $0x1B8B  }
0xa2: {  	_ =	swait.ge [sflag:s23], $0x1  }
0xa3: {  	[sflag:s23] =	ssyncset.done $0x0  }
0xa4: {  	s25 =	simm.s32 $0x1B8E;
	s24 =	sld [smem:$0x3FFE];
	[sflag:s23] =	ssyncadd.s32 $0xFFFFFFFF  }
0xa5: {  	s26 =	simm.s32 $execute0_lowered;
	[smem:$0x3FD2] =	sst s25  }
0xa6: {  	s4 =	sshll.u32 s26, $0x1;
	_ =	strace $0x8000005B;
	[dreg:$0x1] =	wrdreg $0xFFFFFFFF  }
0xa7: {  	s28 =	simm.s32 $_size_execute0_lowered;
	s2 =	sadd.s32 s2, s4;
	[dreg:$0x0] =	wrdreg $0x0  }
0xa8: {  	s4 =	sshll.u32 s28, $0x1;
	[dreg:$0x2] =	wrdreg s2  }
0xa9: {  	[dreg:$0x3] =	wrdreg s4  }
0xaa: {  	[dreg:$0x4] =	wrdreg $0xC0  }
0xab: {  	_ =	task [dreg:s6], $0x5FFFF  }
0xac: {  	[dreg:$0x1] =	wrdreg $0xFFFFFFFF  }
0xad: {  	[dreg:$0x0] =	wrdreg $0x60  }
0xae: {  	[dreg:$0x2] =	wrdreg s24  }
0xaf: {  	[dreg:$0x3] =	wrdreg $0xC000  }
0xb0: {  	[dreg:$0x4] =	wrdreg $0x9  }
0xb1: {  	_ =	task.clear_ibuf [dreg:s6], $0x5FFFF;
	_ =	strace $0x9000005B  }
0xb2: {  	s29 =	simm.s32 $0x9;
	_ =	strace $0x8000005D  }
0xb3: {  	_ =	swait.ge [sflag:s29], $0x1  }
0xb4: {  	[sflag:s29] =	ssyncadd.s32 $0xFFFFFFFF  }
0xb5: {  	_ =	strace $0x9000005D  }
0xb6: {  	_ =	sfence  }
0xb7: {  	s30 =	sld [smem:$0x0];
	_ =	sdelay $0x2  }
0xb8: {  	s31 =	sshll.u32 s1, $0xD;
	s1 =	sshrl.u32 s1, $0x2  }
0xb9: {  	s3 =	sand.u32 $0x4000, s31;
	s1 =	sadd.s32 s1, s30  }
0xba: {  	s0 =	sor.u32 s3, s0;
	s1 =	sshll.u32 s1, $0x11  }
0xbb: {  	s0 =	sor.u32 s1, s0  }
0xbc: {  	s0 =	sadd.s32 $0x8F2B, s0  }
0xbd: {  	[sflag:s0] =	ssyncadd.remote.s32 $0x1  }
0xbe: {  	_ =	sfence.sel $0xFFFF  }
0xbf: {  	[dreg:$0x0] =	wrdreg $0xFFFFFFFF;
	(pc) =	sbr.abs _section_cstart, $3  }
0xc0: {  	[dreg:$0x1] =	wrdreg $0xFFFFFFFF  }
0xc1: {  	_ =	task.clear_ibuf [dreg:s6], $0x2FFFF;
	_ =	strace $0x9FFFFFFF  }
0xc2: {  	(tm) =	ssettm $0x7FFFFFFF  }
0xc3: {  	_ =	shalt  }
tec
execute0_lowered:
.L_overlay_start_1:
0x0: {  	(tag) =	ssettag $0x1  }
0x1: {  	s0 =	rddreg [dreg:$0x0]  }
0x2: {  	s2 =	rddreg [dreg:$0x1];
	s3 =	simm.s32 $0x0  }
0x3: {  	s9 =	stileid.u32;
	s5 =	srdreg.scid;
	s13 =	simm.s32 $0x400  }
0x4: {  	s14 =	simm.s32 $0x80;
	s15 =	simm.s32 $0x800;
	s16 =	simm.s32 $0x1  }
0x5: {  	s17 =	simm.s32 $0x880;
	s20 =	simm.s32 $0x900;
	s23 =	simm.s32 $0x980  }
0x6: {  	s28 =	simm.s32 $0x600;
	s29 =	simm.s32 $0x280;
	s30 =	simm.s32 $0xA80  }
0x7: {  	s31 =	simm.s32 $0x680;
	s18 =	simm.s32 $0x700;
	s19 =	simm.s32 $0x380  }
0x8: {  	s21 =	simm.s32 $0xB80;
	s22 =	simm.s32 $0x780;
	[smem:$0x7FF] =	sst s3  }
0x9: {  	s4 =	sadd.s32 $0xB32600, s0;
	s12 =	sand.u32 $0x1, s5;
	s5 =	sadd.s32 $0xB32200, s0  }
0xa: {  	s1 =	sshll.u32 s9, $0x7;
	s6 =	sadd.s32 $0xAC00, s0;
	_ =	strace $0x8000005C  }
0xb: {  	s1 =	sadd.s32 s1, s0;
	s7 =	ssub.s32 $0x2, s12;
	s8 =	sor.u32 s9, s12  }
.Ltmp0:
0xc: {  	p1 =	sne.s32 s12, $0x0;
	s12 =	simm.s32 $0x2;
	(pc) =	sbr.rel .LBB2_1-.Ltmp0, $4  }
0xd: {  	s26 =	sshrl.u32 s7, $0x1;
	p0 =	sne.s32 s8, $0x0;
	s8 =	sadd.s32 $0xB33000, s1  }
0xe: {  	s0 =	ssub.s32 s7, s26;
	s7 =	sadd.s32 $0xB32800, s1;
	s10 =	sshll.u32 @!p0 s9, $0x6  }
0xf: {  	s11 =	sshrl.u32 @!p0 s2, $0x3;
	s26 =	simm.s32 $0xA00;
	s1 =	simm.s32 $0xB00  }
0x10: {  	s9 =	smax.u32 s0, $0x1;
	s10 =	sor.u32 @!p0 $0x1C02, s10;
	s0 =	simm.s32 $0x300  }
.LBB2_3:
0x11: {  	s9 =	sadd.s32 $0xFFFFFFFF, s9  }
0x12: {  	p2 =	sne.s32 s9, $0x0  }
.Ltmp1:
0x13: {  	[bflag:$0x0] =	sbarrier.arrive $0xFFFF;
	(pc) =	sbr.rel @!p2 .LBB2_4-.Ltmp1, $4  }
0x14: {  	[hbm:s6], [sflag:s10] =	dma.local @!p0 [spmem:s11], $0x2A0  }
0x15: {  	_ =	swait.ge @!p0 [sflag:s24], $0x2A0  }
0x16: {  	[sflag:s24] =	ssyncset.done @!p0 $0x0  }
0x17: {  	[sflag:s24] =	ssyncadd.s32 @!p0 $0xFFFFFD60  }
.LBB2_1:
0x18: {  	[spmem:s11], [sflag:s10] =	dma.local @!p0 [hbm:s5], $0x2A0  }
0x19: {  	s24 =	simm.s32 @!p0 $0x2  }
.Ltmp2:
0x1a: {  	_ =	swait.ge @!p0 [sflag:s24], $0x2A0;
	(pc) =	sbr.rel @p1 .LBB2_3-.Ltmp2, $3  }
0x1b: {  	[sflag:s24] =	ssyncset.done @!p0 $0x0  }
0x1c: {  	[sflag:s24] =	ssyncadd.s32 @!p0 $0xFFFFFD60  }
0x1d: {  	[bflag:$0x0] =	sbarrier.arrive $0xFFFF;
	_ =	sdelay $0x1  }
0x1e: {  	[tilespmem:s3], [sflag:$0x2] =	stream.linear.gather [hbm4b:s7+s3], $0x400, $0x38;
	[tilespmem:$0xD50] =	vst v63  }
0x1f: {  	_ =	swait.ge [sflag:s12], $0x400  }
0x20: {  	[sflag:s12] =	ssyncset.done $0x0  }
0x21: {  	[sflag:s12] =	ssyncadd.s32 $0xFFFFFC00  }
0x22: {  	[tilespmem:s13], [sflag:$0x2] =	stream.linear.gather [hbm4b:s8+s3], $0x400, $0x38;
	[tilespmem:$0xD50] =	vst v63  }
0x23: {  	_ =	swait.ge [sflag:s12], $0x400  }
0x24: {  	[sflag:s12] =	ssyncset.done $0x0  }
0x25: {  	[sflag:s12] =	ssyncadd.s32 $0xFFFFFC00  }
0x26: {  	[tilespmem:s15], [sflag:$0x1] =	stream.indirect.gather [hbm4b:s4+s14], $0x1, s3, s14, $0xb8;
	[tilespmem:$0xD50] =	vst v63  }
0x27: {  	_ =	swait.ge [sflag:s16], $0x80  }
0x28: {  	[sflag:s16] =	ssyncset.done $0x0  }
0x29: {  	[sflag:s16] =	ssyncadd.s32 $0xFFFFFF80  }
0x2a: {  	[spmem:s2] =	stream.indirect.scatter.add.f32 [tilespmem:s13], [sflag:$0x2], $0x1, s15, s14, $0xb8;
	[tilespmem:$0xD50] =	vst v63  }
0x2b: {  	_ =	swait.ge [sflag:s12], $0x80  }
0x2c: {  	[sflag:s12] =	ssyncset.done $0x0  }
0x2d: {  	[sflag:s12] =	ssyncadd.s32 $0xFFFFFF80  }
0x2e: {  	[tilespmem:s17], [sflag:$0x1] =	stream.indirect.gather [hbm4b:s4+s14], $0x1, s14, s14, $0xb8;
	[tilespmem:$0xD50] =	vst v63  }
0x2f: {  	_ =	swait.ge [sflag:s16], $0x80  }
0x30: {  	[sflag:s16] =	ssyncset.done $0x0  }
0x31: {  	s25 =	simm.s32 $0x480;
	[sflag:s16] =	ssyncadd.s32 $0xFFFFFF80  }
0x32: {  	[spmem:s2] =	stream.indirect.scatter.add.f32 [tilespmem:s25], [sflag:$0x2], $0x1, s17, s14, $0xb8;
	[tilespmem:$0xD50] =	vst v63  }
0x33: {  	_ =	swait.ge [sflag:s12], $0x80  }
0x34: {  	[sflag:s12] =	ssyncset.done $0x0  }
0x35: {  	s25 =	simm.s32 $0x100;
	[sflag:s12] =	ssyncadd.s32 $0xFFFFFF80  }
0x36: {  	[tilespmem:s20], [sflag:$0x1] =	stream.indirect.gather [hbm4b:s4+s14], $0x1, s25, s14, $0xb8;
	[tilespmem:$0xD50] =	vst v63  }
0x37: {  	_ =	swait.ge [sflag:s16], $0x80  }
0x38: {  	[sflag:s16] =	ssyncset.done $0x0  }
0x39: {  	s25 =	simm.s32 $0x500;
	[sflag:s16] =	ssyncadd.s32 $0xFFFFFF80  }
0x3a: {  	[spmem:s2] =	stream.indirect.scatter.add.f32 [tilespmem:s25], [sflag:$0x2], $0x1, s20, s14, $0xb8;
	[tilespmem:$0xD50] =	vst v63  }
0x3b: {  	_ =	swait.ge [sflag:s12], $0x80  }
0x3c: {  	[sflag:s12] =	ssyncset.done $0x0  }
0x3d: {  	s25 =	simm.s32 $0x180;
	[sflag:s12] =	ssyncadd.s32 $0xFFFFFF80  }
0x3e: {  	[tilespmem:s23], [sflag:$0x1] =	stream.indirect.gather [hbm4b:s4+s14], $0x1, s25, s14, $0xb8;
	[tilespmem:$0xD50] =	vst v63  }
0x3f: {  	_ =	swait.ge [sflag:s16], $0x80  }
0x40: {  	[sflag:s16] =	ssyncset.done $0x0  }
0x41: {  	s25 =	simm.s32 $0x580;
	[sflag:s16] =	ssyncadd.s32 $0xFFFFFF80  }
0x42: {  	[spmem:s2] =	stream.indirect.scatter.add.f32 [tilespmem:s25], [sflag:$0x2], $0x1, s23, s14, $0xb8;
	[tilespmem:$0xD50] =	vst v63  }
0x43: {  	_ =	swait.ge [sflag:s12], $0x80  }
0x44: {  	[sflag:s12] =	ssyncset.done $0x0  }
0x45: {  	s25 =	simm.s32 $0x200;
	[sflag:s12] =	ssyncadd.s32 $0xFFFFFF80  }
0x46: {  	[tilespmem:s26], [sflag:$0x1] =	stream.indirect.gather [hbm4b:s4+s14], $0x1, s25, s14, $0xb8;
	[tilespmem:$0xD50] =	vst v63  }
0x47: {  	_ =	swait.ge [sflag:s16], $0x80  }
0x48: {  	[sflag:s16] =	ssyncset.done $0x0  }
0x49: {  	[sflag:s16] =	ssyncadd.s32 $0xFFFFFF80  }
0x4a: {  	[spmem:s2] =	stream.indirect.scatter.add.f32 [tilespmem:s28], [sflag:$0x2], $0x1, s26, s14, $0xb8;
	[tilespmem:$0xD50] =	vst v63  }
0x4b: {  	_ =	swait.ge [sflag:s12], $0x80  }
0x4c: {  	[sflag:s12] =	ssyncset.done $0x0  }
0x4d: {  	[sflag:s12] =	ssyncadd.s32 $0xFFFFFF80  }
0x4e: {  	[tilespmem:s30], [sflag:$0x1] =	stream.indirect.gather [hbm4b:s4+s14], $0x1, s29, s14, $0xb8;
	[tilespmem:$0xD50] =	vst v63  }
0x4f: {  	_ =	swait.ge [sflag:s16], $0x80  }
0x50: {  	[sflag:s16] =	ssyncset.done $0x0  }
0x51: {  	[sflag:s16] =	ssyncadd.s32 $0xFFFFFF80  }
0x52: {  	[spmem:s2] =	stream.indirect.scatter.add.f32 [tilespmem:s31], [sflag:$0x2], $0x1, s30, s14, $0xb8;
	[tilespmem:$0xD50] =	vst v63  }
0x53: {  	_ =	swait.ge [sflag:s12], $0x80  }
0x54: {  	[sflag:s12] =	ssyncset.done $0x0  }
0x55: {  	[sflag:s12] =	ssyncadd.s32 $0xFFFFFF80  }
0x56: {  	[tilespmem:s1], [sflag:$0x1] =	stream.indirect.gather [hbm4b:s4+s14], $0x1, s0, s14, $0xb8;
	[tilespmem:$0xD50] =	vst v63  }
0x57: {  	_ =	swait.ge [sflag:s16], $0x80  }
0x58: {  	[sflag:s16] =	ssyncset.done $0x0  }
0x59: {  	[sflag:s16] =	ssyncadd.s32 $0xFFFFFF80  }
0x5a: {  	[spmem:s2] =	stream.indirect.scatter.add.f32 [tilespmem:s18], [sflag:$0x2], $0x1, s1, s14, $0xb8;
	[tilespmem:$0xD50] =	vst v63  }
0x5b: {  	_ =	swait.ge [sflag:s12], $0x80  }
0x5c: {  	[sflag:s12] =	ssyncset.done $0x0  }
0x5d: {  	[sflag:s12] =	ssyncadd.s32 $0xFFFFFF80  }
0x5e: {  	[tilespmem:s21], [sflag:$0x1] =	stream.indirect.gather [hbm4b:s4+s14], $0x1, s19, s14, $0xb8;
	[tilespmem:$0xD50] =	vst v63  }
0x5f: {  	_ =	swait.ge [sflag:s16], $0x80  }
0x60: {  	[sflag:s16] =	ssyncset.done $0x0  }
.Ltmp3:
0x61: {  	[sflag:s16] =	ssyncadd.s32 $0xFFFFFF80;
	(pc) =	sbr.rel .LBB2_3-.Ltmp3, $4  }
0x62: {  	[spmem:s2] =	stream.indirect.scatter.add.f32 [tilespmem:s22], [sflag:$0x2], $0x1, s21, s14, $0xb8;
	[tilespmem:$0xD50] =	vst v63  }
0x63: {  	_ =	swait.ge [sflag:s12], $0x80  }
0x64: {  	[sflag:s12] =	ssyncset.done $0x0  }
0x65: {  	[sflag:s12] =	ssyncadd.s32 $0xFFFFFF80  }
.LBB2_4:
0x66: {  	_ =	sfence.sel $0x180000  }
0x67: {  	[bflag:$0x0] =	sbarrier.arrive $0xFFFF  }
0x68: {  	_ =	strace $0x9000005C  }
0x69: {  	s0 =	stileid.u32;
	[bflag:$0x2] =	sbarrier.arrive $0xFFFF  }
0x6a: {  	p0 =	sne.s32 s0, $0x0;
	s0 =	rddreg [dreg:$0x2]  }
0x6b: {  	s0 =	sadd.s32 @!p0 $0x100000, s0  }
0x6c: {  	[sflag:s0] =	ssyncadd.tile.s32 @!p0 $0x1;
	_ =	shalt  }
.Lfunc_end2:
_tile_overlayer_lowered:
.L_overlay_start_2:
0x6d: {  	(tag) =	ssettag $0x2  }
0x6e: {  	s0 =	rddreg [dreg:$0x0];
	s2 =	stileid.u32  }
0x6f: {  	s1 =	rddreg [dreg:$0x1];
	p0 =	sne.s32 s2, $0x0  }
0x70: {  	s3 =	rddreg [dreg:$0x2];
	[bflag:$0x3] =	sbarrier.arrive $0xFFFF;
	s2 =	simm.s32 @!p0 $0x1C02  }
0x71: {  	[timem:s3], [sflag:s2] =	dma.local @!p0 [hbm:s0], s1  }
0x72: {  	s0 =	simm.s32 @!p0 $0x2  }
0x73: {  	_ =	swait.ge @!p0 [sflag:s0], s1  }
0x74: {  	s1 =	ssub.s32 @!p0 $0x0, s1;
	[sflag:s0] =	ssyncset.done @!p0 $0x0  }
0x75: {  	[sflag:s0] =	ssyncadd.s32 @!p0 s1  }
0x76: {  	[bflag:$0x3] =	sbarrier.arrive $0xFFFF  }
0x77: {  	_ =	shalt  }

</sc_bundles>
